<compile_context>
chip_gen: v7x
topology: tpu7x:2x2x1
jax: 0.10.2.dev20260603
libtpu: 0.0.44.dev20260713+nightly
codegen_flags: <defaults>
</compile_context>

<pallas_src>
import functools

import jax
import jax.numpy as jnp
from jax import lax
from jax.experimental import pallas as pl
from jax.experimental.pallas import tpu as pltpu
from jax.experimental.pallas import tpu_sc as plsc

N = 10000
D = 128
H = 128
G = 64

NPAD = 10240
E = 256000 + 64000 + N
NW = 32
CH = 10320
EP = CH * NW
NB16 = CH // 16
R16 = NPAD // 16
SL16 = R16 // 16

ROWS = 1000
NBLK = N // ROWS

_MESH = plsc.VectorSubcoreMesh(core_axis_name="c", subcore_axis_name="s")



def _lin1_body(x_ref, w1t_ref, b1_ref, z_ref):
    z_ref[...] = jnp.dot(x_ref[...], w1t_ref[...]) + b1_ref[...]


def _lin1(x, W1t, b1):
    return pl.pallas_call(
        _lin1_body,
        grid=(NBLK,),
        in_specs=[pl.BlockSpec((ROWS, D), lambda i: (i, 0)),
                  pl.BlockSpec((D, H), lambda i: (0, 0)),
                  pl.BlockSpec((H,), lambda i: (0,))],
        out_specs=pl.BlockSpec((ROWS, H), lambda i: (i, 0)),
        out_shape=jax.ShapeDtypeStruct((N, H), jnp.float32),
    )(x, W1t, b1)


def _dense_body(h_ref, wt_ref, a2_ref, xp_ref, esd_ref):
    xp = jnp.dot(h_ref[...], wt_ref[...])
    xp_ref[...] = xp
    esd_ref[...] = jnp.dot(xp, a2_ref[...])


def _dense(h, Wt, A2):
    return pl.pallas_call(
        _dense_body,
        grid=(NBLK,),
        in_specs=[pl.BlockSpec((ROWS, H), lambda i: (i, 0)),
                  pl.BlockSpec((H, H), lambda i: (0, 0)),
                  pl.BlockSpec((H, 2), lambda i: (0, 0))],
        out_specs=[pl.BlockSpec((ROWS, H), lambda i: (i, 0)),
                   pl.BlockSpec((ROWS, 2), lambda i: (i, 0))],
        out_shape=[jax.ShapeDtypeStruct((N, H), jnp.float32),
                   jax.ShapeDtypeStruct((N, 2), jnp.float32)],
    )(h, Wt, A2)


def _combine_body(p0_ref, p1_ref, b_ref, wt_ref, a2_ref, xp_ref, esd_ref):
    h = p0_ref[...] + p1_ref[...] + b_ref[...]
    h = jnp.maximum(h, 0.0)
    xp = jnp.dot(h, wt_ref[...])
    xp_ref[...] = xp
    esd_ref[...] = jnp.dot(xp, a2_ref[...])


def _combine_dense(p0, p1, b, Wt, A2):
    return pl.pallas_call(
        _combine_body,
        grid=(NBLK,),
        in_specs=[pl.BlockSpec((ROWS, H), lambda i: (i, 0)),
                  pl.BlockSpec((ROWS, H), lambda i: (i, 0)),
                  pl.BlockSpec((H,), lambda i: (0,)),
                  pl.BlockSpec((H, H), lambda i: (0, 0)),
                  pl.BlockSpec((H, 2), lambda i: (0, 0))],
        out_specs=[pl.BlockSpec((ROWS, H), lambda i: (i, 0)),
                   pl.BlockSpec((ROWS, 2), lambda i: (i, 0))],
        out_shape=[jax.ShapeDtypeStruct((N, H), jnp.float32),
                   jax.ShapeDtypeStruct((N, 2), jnp.float32)],
    )(p0, p1, b, Wt, A2)


def _final_body(p0_ref, p1_ref, b_ref, h_ref):
    h_ref[...] = p0_ref[...] + p1_ref[...] + b_ref[...]


def _final_combine(p0, p1, b):
    return pl.pallas_call(
        _final_body,
        grid=(NBLK,),
        in_specs=[pl.BlockSpec((ROWS, H), lambda i: (i, 0)),
                  pl.BlockSpec((ROWS, H), lambda i: (i, 0)),
                  pl.BlockSpec((H,), lambda i: (0,))],
        out_specs=pl.BlockSpec((ROWS, H), lambda i: (i, 0)),
        out_shape=jax.ShapeDtypeStruct((N, H), jnp.float32),
    )(p0, p1, b)




def _wid():
    return lax.axis_index("c") * 16 + lax.axis_index("s")


@functools.partial(
    pl.kernel, mesh=_MESH,
    compiler_params=pltpu.CompilerParams(needs_layout_passes=False),
    out_type=[jax.ShapeDtypeStruct((EP,), jnp.float32),
              jax.ShapeDtypeStruct((NW, NPAD), jnp.float32)],
    scratch_types=[pltpu.VMEM((NPAD,), jnp.float32),
                   pltpu.VMEM((NPAD,), jnp.float32),
                   pltpu.VMEM((CH,), jnp.int32),
                   pltpu.VMEM((CH,), jnp.int32),
                   pltpu.VMEM((CH,), jnp.float32),
                   pltpu.VMEM((NPAD,), jnp.float32),
                   pltpu.VMEM((48,), jnp.int32),
                   pltpu.VMEM((48,), jnp.float32)],
)
def _sc_a(src_hbm, dst_hbm, es_hbm, ed_hbm, ex_hbm, dp_hbm,
          es_v, ed_v, src_v, dst_v, ex_v, den_v, tk_v, tv_v):
    w = _wid()
    base = w * CH
    pltpu.sync_copy(es_hbm, es_v)
    pltpu.sync_copy(ed_hbm, ed_v)
    pltpu.sync_copy(src_hbm.at[pl.ds(base, CH)], src_v)
    pltpu.sync_copy(dst_hbm.at[pl.ds(base, CH)], dst_v)

    zero16 = jnp.zeros((16,), jnp.float32)
    tk_v[pl.ds(0, 16)] = jnp.full((16,), -2, jnp.int32)
    tk_v[pl.ds(32, 16)] = jnp.full((16,), -3, jnp.int32)
    tv_v[pl.ds(0, 16)] = zero16

    def dinit(k, _):
        den_v[pl.ds(k * 16, 16)] = zero16
        return 0

    lax.fori_loop(0, R16, dinit, 0)

    def estep(k, _):
        s16 = src_v[pl.ds(k * 16, 16)]
        d16 = dst_v[pl.ds(k * 16, 16)]
        ev = (plsc.load_gather(es_v, [s16])
              + plsc.load_gather(ed_v, [d16]))
        ev = jnp.where(ev >= 0, ev, 0.2 * ev)
        ex16 = jnp.exp(ev)
        ex_v[pl.ds(k * 16, 16)] = ex16
        ds16, vals = plsc.sort_key_val(d16, ex16)
        tk_v[pl.ds(16, 16)] = ds16
        for sh in (1, 2, 4, 8):
            tv_v[pl.ds(16, 16)] = vals
            pk = tk_v[pl.ds(16 - sh, 16)]
            pv = tv_v[pl.ds(16 - sh, 16)]
            vals = jnp.where(pk == ds16, vals + pv, vals)
        nk = tk_v[pl.ds(17, 16)]
        last = nk != ds16
        cur = plsc.load_gather(den_v, [ds16])
        plsc.store_scatter(den_v, [ds16], cur + vals, mask=last)
        return 0

    lax.fori_loop(0, NB16, estep, 0)

    pltpu.sync_copy(ex_v, ex_hbm.at[pl.ds(base, CH)])
    pltpu.sync_copy(den_v, dp_hbm.at[w])


SLICE = NPAD // 16


@functools.partial(
    pl.kernel, mesh=_MESH,
    compiler_params=pltpu.CompilerParams(needs_layout_passes=False),
    out_type=jax.ShapeDtypeStruct((2, NPAD, H), jnp.float32),
    scratch_types=[pltpu.VMEM((CH,), jnp.int32),
                   pltpu.VMEM((CH,), jnp.int32),
                   pltpu.VMEM((CH,), jnp.float32),
                   pltpu.VMEM((NPAD,), jnp.float32),
                   pltpu.VMEM((NW, SLICE), jnp.float32),
                   pltpu.VMEM((SLICE,), jnp.float32),
                   pltpu.VMEM((16, H), jnp.float32),
                   pltpu.VMEM((16,), jnp.float32),
                   pltpu.VMEM((64, H), jnp.float32),
                   pltpu.VMEM_SHARED((NPAD,), jnp.float32),
                   pltpu.VMEM_SHARED((NPAD // 2, H), jnp.float32),
                   pltpu.SemaphoreType.DMA],
)
def _sc_b(src_hbm, dst_hbm, ex_hbm, dp_hbm, xp_hbm, out_hbm,
          src_v, dst_v, ex_v, den_v, part_v, slice_v, rows_v, al_v,
          stage_v, den_sh, acc_sh, sem):
    w = _wid()
    sid = lax.axis_index("s")
    cid = lax.axis_index("c")
    base = w * CH
    pltpu.sync_copy(src_hbm.at[pl.ds(base, CH)], src_v)
    pltpu.sync_copy(dst_hbm.at[pl.ds(base, CH)], dst_v)
    pltpu.sync_copy(ex_hbm.at[pl.ds(base, CH)], ex_v)

    cb = sid * SLICE
    for j in range(NW):
        pltpu.sync_copy(dp_hbm.at[j, pl.ds(cb, SLICE)], part_v.at[j])

    def dred(c, _):
        acc = part_v[0, pl.ds(c * 16, 16)]
        for j in range(1, NW):
            acc = acc + part_v[j, pl.ds(c * 16, 16)]
        slice_v[pl.ds(c * 16, 16)] = acc
        return 0

    lax.fori_loop(0, SLICE // 16, dred, 0)
    pltpu.sync_copy(slice_v, den_sh.at[pl.ds(cb, SLICE)])

    zrow = jnp.zeros((16,), jnp.float32)
    for r in range(16):
        for c in range(H // 16):
            rows_v[r, pl.ds(c * 16, 16)] = zrow
    hrows = NPAD // 2
    srows = hrows // 16
    rb = sid * srows

    def zstep(j, _):
        pltpu.sync_copy(rows_v, acc_sh.at[pl.ds(rb + j * 16, 16)])
        return 0

    lax.fori_loop(0, srows // 16, zstep, 0)
    plsc.subcore_barrier()
    pltpu.sync_copy(den_sh, den_v)

    for p in range(2):
        pbase = p * hrows

        def bstep(k, _):
            s16 = src_v[pl.ds(k * 16, 16)]
            d16 = dst_v[pl.ds(k * 16, 16)]
            pltpu.async_copy(xp_hbm.at[s16], rows_v, sem).wait()
            dg = plsc.load_gather(den_v, [d16])
            off = d16 - pbase
            inr = jnp.logical_and(off >= 0, off < hrows)
            idx = jnp.minimum(jnp.maximum(off, 0), hrows - 1)
            alpha = jnp.where(
                inr, ex_v[pl.ds(k * 16, 16)] / (dg + 1e-16), 0.0)
            al_v[...] = alpha
            for r in range(16):
                al = plsc.load_gather(al_v,
                                      [jnp.full((16,), r, jnp.int32)])
                for c in range(H // 16):
                    rows_v[r, pl.ds(c * 16, 16)] = (
                        rows_v[r, pl.ds(c * 16, 16)] * al)
            pltpu.sync_copy(rows_v, acc_sh.at[idx], add=True)
            return 0

        lax.fori_loop(0, NB16, bstep, 0)
        plsc.subcore_barrier()

        def wstep(j, _):
            rowb = rb + j * 64
            pltpu.sync_copy(acc_sh.at[pl.ds(rowb, 64)], stage_v)
            pltpu.sync_copy(stage_v,
                            out_hbm.at[cid, pl.ds(pbase + rowb, 64)])
            return 0

        lax.fori_loop(0, srows // 64, wstep, 0)

        if p == 0:
            for r in range(16):
                for c in range(H // 16):
                    rows_v[r, pl.ds(c * 16, 16)] = zrow

            def z2step(j, _):
                pltpu.sync_copy(rows_v, acc_sh.at[pl.ds(rb + j * 16, 16)])
                return 0

            lax.fori_loop(0, srows // 16, z2step, 0)
            plsc.subcore_barrier()



def _gat_layer(xp, esd, srcp, dstp):
    es = jnp.concatenate([esd[:, 0], jnp.zeros((NPAD - N,), jnp.float32)])
    ed = jnp.concatenate([esd[:, 1], jnp.zeros((NPAD - N,), jnp.float32)])
    ex, dp = _sc_a(srcp, dstp, es, ed)
    den = dp.sum(axis=0)
    alpha = ex / (den[dstp] + 1e-16)
    out = jax.ops.segment_sum(xp[srcp] * alpha[:, None], dstp,
                              num_segments=NPAD)
    return out[:N], jnp.zeros((N, H), jnp.float32)


def kernel(x, edge_index_intra, edge_index_inter, batch, W_lin1, b_lin1,
           g1_W, g1_as, g1_ad, g1_b, g2_W, g2_as, g2_ad, g2_b,
           g3_W, g3_as, g3_ad, g3_b, fc1_W, fc1_b, bn1_g, bn1_b,
           fc2_W, fc2_b, bn2_g, bn2_b, fc3_W, fc3_b):
    ei = jnp.concatenate([edge_index_intra, edge_index_inter], axis=1)
    loops = jnp.arange(N, dtype=ei.dtype)
    src = jnp.concatenate([ei[0], loops])
    dst = jnp.concatenate([ei[1], loops])
    pad = EP - E
    srcp = jnp.concatenate([src, jnp.zeros((pad,), jnp.int32)])
    dstp = jnp.concatenate([dst, jnp.full((pad,), N, jnp.int32)])

    z1 = _lin1(x, W_lin1.T, b_lin1)
    h = jax.nn.silu(z1)

    xp, esd = _dense(h, g1_W.T, jnp.stack([g1_as, g1_ad], axis=1))
    p0, p1 = _gat_layer(xp, esd, srcp, dstp)

    xp, esd = _combine_dense(p0, p1, g1_b, g2_W.T,
                             jnp.stack([g2_as, g2_ad], axis=1))
    p0, p1 = _gat_layer(xp, esd, srcp, dstp)

    xp, esd = _combine_dense(p0, p1, g2_b, g3_W.T,
                             jnp.stack([g3_as, g3_ad], axis=1))
    p0, p1 = _gat_layer(xp, esd, srcp, dstp)

    h3 = _final_combine(p0, p1, g3_b)
    hg = jax.ops.segment_sum(h3, batch, num_segments=G)

    z = jax.nn.leaky_relu(hg @ fc1_W.T + fc1_b, 0.01)
    mu = z.mean(axis=0)
    var = z.var(axis=0)
    z = bn1_g * (z - mu) / jnp.sqrt(var + 1e-5) + bn1_b
    z = jax.nn.leaky_relu(z @ fc2_W.T + fc2_b, 0.01)
    mu = z.mean(axis=0)
    var = z.var(axis=0)
    z = bn2_g * (z - mu) / jnp.sqrt(var + 1e-5) + bn2_b
    z = z @ fc3_W.T + fc3_b
    return z.reshape(-1)

# --- scband reference (transcript-rebuilt; emitter-appended) ---
"""Pipeline reference for scband-gat-87222195848276 (READ-ONLY COPY).

The authoritative reference and input builder live on the scoring server;
editing this copy changes nothing except your own understanding.
"""

import jax, jax.numpy as jnp
import numpy as np

N = 10000
D = 128
H = 128
E1 = 256000
E2 = 64000
G = 64


def _gat_conv(x, src, dst, W, a_src, a_dst, b):
    xp = x @ W.T
    es = xp @ a_src
    ed = xp @ a_dst
    e = jax.nn.leaky_relu(es[src] + ed[dst], 0.2)
    m = jax.ops.segment_max(e, dst, num_segments=N)
    m = jnp.where(jnp.isfinite(m), m, 0.0)
    ex = jnp.exp(e - m[dst])
    den = jax.ops.segment_sum(ex, dst, num_segments=N)
    alpha = ex / (den[dst] + 1e-16)
    out = jax.ops.segment_sum(xp[src] * alpha[:, None], dst, num_segments=N)
    return out + b


def _bn(x, g, beta):
    mu = x.mean(axis=0)
    var = x.var(axis=0)
    return g * (x - mu) / jnp.sqrt(var + 1e-5) + beta


def setup_inputs(seed: int = 0) -> dict:
    key = jax.random.key(seed)
    ks = jax.random.split(key, 40)
    inp = {}
    inp['x'] = jax.random.normal(ks[0], (N, D), dtype=jnp.float32)
    inp['edge_index_intra'] = jax.random.randint(ks[1], (2, E1), 0, N, dtype=jnp.int32)
    inp['edge_index_inter'] = jax.random.randint(ks[2], (2, E2), 0, N, dtype=jnp.int32)
    inp['batch'] = jnp.sort(jax.random.randint(ks[3], (N,), 0, G, dtype=jnp.int32))
    s = 1.0 / np.sqrt(H)
    inp['W_lin1'] = jax.random.normal(ks[4], (H, D), dtype=jnp.float32) * (1.0 / np.sqrt(D))
    inp['b_lin1'] = jnp.zeros((H,), dtype=jnp.float32)
    for i, base in enumerate(['g1', 'g2', 'g3']):
        inp[base + '_W'] = jax.random.normal(ks[5 + 4 * i], (H, H), dtype=jnp.float32) * s
        inp[base + '_as'] = jax.random.normal(ks[6 + 4 * i], (H,), dtype=jnp.float32) * s
        inp[base + '_ad'] = jax.random.normal(ks[7 + 4 * i], (H,), dtype=jnp.float32) * s
        inp[base + '_b'] = jnp.zeros((H,), dtype=jnp.float32)
    inp['fc1_W'] = jax.random.normal(ks[20], (H, H), dtype=jnp.float32) * s
    inp['fc1_b'] = jnp.zeros((H,), dtype=jnp.float32)
    inp['bn1_g'] = jnp.ones((H,), dtype=jnp.float32)
    inp['bn1_b'] = jnp.zeros((H,), dtype=jnp.float32)
    inp['fc2_W'] = jax.random.normal(ks[21], (H, H), dtype=jnp.float32) * s
    inp['fc2_b'] = jnp.zeros((H,), dtype=jnp.float32)
    inp['bn2_g'] = jnp.ones((H,), dtype=jnp.float32)
    inp['bn2_b'] = jnp.zeros((H,), dtype=jnp.float32)
    inp['fc3_W'] = jax.random.normal(ks[22], (1, H), dtype=jnp.float32) * s
    inp['fc3_b'] = jnp.zeros((1,), dtype=jnp.float32)
    return inp


def reference(x, edge_index_intra, edge_index_inter, batch, W_lin1, b_lin1,
              g1_W, g1_as, g1_ad, g1_b, g2_W, g2_as, g2_ad, g2_b,
              g3_W, g3_as, g3_ad, g3_b, fc1_W, fc1_b, bn1_g, bn1_b,
              fc2_W, fc2_b, bn2_g, bn2_b, fc3_W, fc3_b):
    ei = jnp.concatenate([edge_index_intra, edge_index_inter], axis=1)
    loops = jnp.arange(N, dtype=ei.dtype)
    src = jnp.concatenate([ei[0], loops])
    dst = jnp.concatenate([ei[1], loops])
    h = jax.nn.silu(x @ W_lin1.T + b_lin1)
    h = jax.nn.relu(_gat_conv(h, src, dst, g1_W, g1_as, g1_ad, g1_b))
    h = jax.nn.relu(_gat_conv(h, src, dst, g2_W, g2_as, g2_ad, g2_b))
    h = _gat_conv(h, src, dst, g3_W, g3_as, g3_ad, g3_b)
    hg = jax.ops.segment_sum(h, batch, num_segments=G)
    z = jax.nn.leaky_relu(hg @ fc1_W.T + fc1_b, 0.01)
    z = _bn(z, bn1_g, bn1_b)
    z = jax.nn.leaky_relu(z @ fc2_W.T + fc2_b, 0.01)
    z = _bn(z, bn2_g, bn2_b)
    z = z @ fc3_W.T + fc3_b
    return z.reshape(-1)

if __name__ == "__main__":
    import jax
    _d = setup_inputs()
    print(jax.jit(kernel)(*tuple(_d.values())))

</pallas_src>

<mosaic_0001>
#map = affine_map<(d0, d1) -> (0)>
#map1 = affine_map<(d0, d1) -> (0, 0)>
module attributes {stable_mosaic.version = 14 : i64} {
  func.func @_sc_a(%arg0: i32, %arg1: i32, %arg2: memref<330240xi32, #tpu.memory_space<hbm>>, %arg3: memref<330240xi32, #tpu.memory_space<hbm>>, %arg4: memref<10240xf32, #tpu.memory_space<hbm>>, %arg5: memref<10240xf32, #tpu.memory_space<hbm>>, %arg6: memref<330240xf32, #tpu.memory_space<hbm>>, %arg7: memref<32x10240xf32, #tpu.memory_space<hbm>>, %arg8: memref<10240xf32, #tpu.memory_space<vmem>>, %arg9: memref<10240xf32, #tpu.memory_space<vmem>>, %arg10: memref<10320xi32, #tpu.memory_space<vmem>>, %arg11: memref<10320xi32, #tpu.memory_space<vmem>>, %arg12: memref<10320xf32, #tpu.memory_space<vmem>>, %arg13: memref<10240xf32, #tpu.memory_space<vmem>>, %arg14: memref<48xi32, #tpu.memory_space<vmem>>, %arg15: memref<48xf32, #tpu.memory_space<vmem>>) attributes {dimension_semantics = [#tpu.dimension_semantics<core_parallel>, #tpu.dimension_semantics<subcore_parallel>], iteration_bounds = array<i64: 2, 16>, scalar_prefetch = 0 : i64, scratch_operands = 8 : i64, tpu.core_type = #tpu.core_type<sc_vector_subcore>, window_params = [{transform_indices = #map}, {transform_indices = #map}, {transform_indices = #map}, {transform_indices = #map}, {transform_indices = #map}, {transform_indices = #map1}]} {
    %mul3A = arith.constant 16 : i32
    %mul3A_0 = arith.muli %arg0, %mul3A : i32
    %add3A = arith.addi %mul3A_0, %arg1 : i32
    %mul3A_1 = arith.constant 10320 : i32
    %mul3A_2 = arith.muli %add3A, %mul3A_1 : i32
    "tpu.region"() ({
      %run_scoped3A = tpu.sem_alloc : memref<!tpu.dma_semaphore, #tpu.memory_space<semaphore_mem>>
      tpu.enqueue_dma source(%arg4 : memref<10240xf32, #tpu.memory_space<hbm>>) target(%arg8 : memref<10240xf32, #tpu.memory_space<vmem>>) target_semaphore(%run_scoped3A : memref<!tpu.dma_semaphore, #tpu.memory_space<semaphore_mem>>)
      tpu.wait_dma2 semaphore(%run_scoped3A : memref<!tpu.dma_semaphore, #tpu.memory_space<semaphore_mem>>) src(%arg4 : memref<10240xf32, #tpu.memory_space<hbm>>) dst(%arg8 : memref<10240xf32, #tpu.memory_space<vmem>>)
      tpu.yield
    }) : () -> ()
    "tpu.region"() ({
      %run_scoped3A = tpu.sem_alloc : memref<!tpu.dma_semaphore, #tpu.memory_space<semaphore_mem>>
      tpu.enqueue_dma source(%arg5 : memref<10240xf32, #tpu.memory_space<hbm>>) target(%arg9 : memref<10240xf32, #tpu.memory_space<vmem>>) target_semaphore(%run_scoped3A : memref<!tpu.dma_semaphore, #tpu.memory_space<semaphore_mem>>)
      tpu.wait_dma2 semaphore(%run_scoped3A : memref<!tpu.dma_semaphore, #tpu.memory_space<semaphore_mem>>) src(%arg5 : memref<10240xf32, #tpu.memory_space<hbm>>) dst(%arg9 : memref<10240xf32, #tpu.memory_space<vmem>>)
      tpu.yield
    }) : () -> ()
    "tpu.region"() ({
      %run_scoped3A = tpu.sem_alloc : memref<!tpu.dma_semaphore, #tpu.memory_space<semaphore_mem>>
      %dma_start3A = tpu.memref_slice %arg2[%mul3A_2] : memref<330240xi32, #tpu.memory_space<hbm>> -> memref<10320xi32, #tpu.memory_space<hbm>>
      %dma_start3A_26 = tpu.memref_slice %arg2[%mul3A_2] : memref<330240xi32, #tpu.memory_space<hbm>> -> memref<10320xi32, #tpu.memory_space<hbm>>
      tpu.enqueue_dma source(%dma_start3A_26 : memref<10320xi32, #tpu.memory_space<hbm>>) target(%arg10 : memref<10320xi32, #tpu.memory_space<vmem>>) target_semaphore(%run_scoped3A : memref<!tpu.dma_semaphore, #tpu.memory_space<semaphore_mem>>)
      %dma_wait3A = tpu.memref_slice %arg2[%mul3A_2] : memref<330240xi32, #tpu.memory_space<hbm>> -> memref<10320xi32, #tpu.memory_space<hbm>>
      %dma_wait3A_27 = tpu.memref_slice %arg2[%mul3A_2] : memref<330240xi32, #tpu.memory_space<hbm>> -> memref<10320xi32, #tpu.memory_space<hbm>>
      tpu.wait_dma2 semaphore(%run_scoped3A : memref<!tpu.dma_semaphore, #tpu.memory_space<semaphore_mem>>) src(%dma_wait3A_27 : memref<10320xi32, #tpu.memory_space<hbm>>) dst(%arg10 : memref<10320xi32, #tpu.memory_space<vmem>>)
      tpu.yield
    }) : () -> ()
    "tpu.region"() ({
      %run_scoped3A = tpu.sem_alloc : memref<!tpu.dma_semaphore, #tpu.memory_space<semaphore_mem>>
      %dma_start3A = tpu.memref_slice %arg3[%mul3A_2] : memref<330240xi32, #tpu.memory_space<hbm>> -> memref<10320xi32, #tpu.memory_space<hbm>>
      %dma_start3A_26 = tpu.memref_slice %arg3[%mul3A_2] : memref<330240xi32, #tpu.memory_space<hbm>> -> memref<10320xi32, #tpu.memory_space<hbm>>
      tpu.enqueue_dma source(%dma_start3A_26 : memref<10320xi32, #tpu.memory_space<hbm>>) target(%arg11 : memref<10320xi32, #tpu.memory_space<vmem>>) target_semaphore(%run_scoped3A : memref<!tpu.dma_semaphore, #tpu.memory_space<semaphore_mem>>)
      %dma_wait3A = tpu.memref_slice %arg3[%mul3A_2] : memref<330240xi32, #tpu.memory_space<hbm>> -> memref<10320xi32, #tpu.memory_space<hbm>>
      %dma_wait3A_27 = tpu.memref_slice %arg3[%mul3A_2] : memref<330240xi32, #tpu.memory_space<hbm>> -> memref<10320xi32, #tpu.memory_space<hbm>>
      tpu.wait_dma2 semaphore(%run_scoped3A : memref<!tpu.dma_semaphore, #tpu.memory_space<semaphore_mem>>) src(%dma_wait3A_27 : memref<10320xi32, #tpu.memory_space<hbm>>) dst(%arg11 : memref<10320xi32, #tpu.memory_space<vmem>>)
      tpu.yield
    }) : () -> ()
    %broadcast_in_dim3A = arith.constant 0.000000e+00 : f32
    %broadcast_in_dim3A_3 = vector.broadcast %broadcast_in_dim3A : f32 to vector<16xf32>
    %broadcast_in_dim3A_4 = arith.constant -2 : i32
    %broadcast_in_dim3A_5 = vector.broadcast %broadcast_in_dim3A_4 : i32 to vector<16xi32>
    %swap3A = arith.constant 0 : index
    %swap3A_6 = tpu.vector_load %arg14[%swap3A] {strides = array<i32>} : memref<48xi32, #tpu.memory_space<vmem>>, vector<16xi32>,
    tpu.vector_store %arg14[%swap3A], %broadcast_in_dim3A_5 {strides = array<i32>} : memref<48xi32, #tpu.memory_space<vmem>>, vector<16xi32>,
    %broadcast_in_dim3A_7 = arith.constant -3 : i32
    %broadcast_in_dim3A_8 = vector.broadcast %broadcast_in_dim3A_7 : i32 to vector<16xi32>
    %swap3A_9 = arith.constant 32 : index
    %swap3A_10 = tpu.vector_load %arg14[%swap3A_9] {strides = array<i32>} : memref<48xi32, #tpu.memory_space<vmem>>, vector<16xi32>,
    tpu.vector_store %arg14[%swap3A_9], %broadcast_in_dim3A_8 {strides = array<i32>} : memref<48xi32, #tpu.memory_space<vmem>>, vector<16xi32>,
    %swap3A_11 = arith.constant 0 : index
    %swap3A_12 = tpu.vector_load %arg15[%swap3A_11] {strides = array<i32>} : memref<48xf32, #tpu.memory_space<vmem>>, vector<16xf32>,
    tpu.vector_store %arg15[%swap3A_11], %broadcast_in_dim3A_3 {strides = array<i32>} : memref<48xf32, #tpu.memory_space<vmem>>, vector<16xf32>,
    %scan3A = arith.constant 0 : i32
    %scan3A_13 = arith.constant 0 : i32
    %scan3A_14 = arith.constant 640 : i32
    %scan3A_15 = arith.addi %scan3A_13, %scan3A_14 : i32
    %scan3A_16 = arith.constant 1 : i32
    %scan3A_17 = scf.for %scan3A_26 = %scan3A_13 to %scan3A_15 step %scan3A_16 iter_args(%scan3A_27 = %scan3A) -> (i32)  : i32 {
      %mul3A_28 = arith.constant 16 : i32
      %mul3A_29 = arith.muli %scan3A_26, %mul3A_28 : i32
      %swap3A_30 = arith.index_cast %mul3A_29 : i32 to index
      %swap3A_31 = tpu.vector_load %arg13[%swap3A_30] {strides = array<i32>} : memref<10240xf32, #tpu.memory_space<vmem>>, vector<16xf32>,
      tpu.vector_store %arg13[%swap3A_30], %broadcast_in_dim3A_3 {strides = array<i32>} : memref<10240xf32, #tpu.memory_space<vmem>>, vector<16xf32>,
      %scan3A_32 = arith.constant 0 : i32
      scf.yield %scan3A_32 : i32
    }
    %scan3A_18 = arith.constant 640 : i32
    %scan3A_19 = arith.constant 0 : i32
    %scan3A_20 = arith.constant 0 : i32
    %scan3A_21 = arith.constant 645 : i32
    %scan3A_22 = arith.addi %scan3A_20, %scan3A_21 : i32
    %scan3A_23 = arith.constant 1 : i32
    %scan3A_24 = scf.for %scan3A_26 = %scan3A_20 to %scan3A_22 step %scan3A_23 iter_args(%scan3A_27 = %scan3A_19) -> (i32)  : i32 {
      %mul3A_28 = arith.constant 16 : i32
      %mul3A_29 = arith.muli %scan3A_26, %mul3A_28 : i32
      %get3A = arith.index_cast %mul3A_29 : i32 to index
      %get3A_30 = tpu.vector_load %arg10[%get3A] {strides = array<i32>} : memref<10320xi32, #tpu.memory_space<vmem>>, vector<16xi32>,
      %mul3A_31 = arith.constant 16 : i32
      %mul3A_32 = arith.muli %scan3A_26, %mul3A_31 : i32
      %get3A_33 = arith.index_cast %mul3A_32 : i32 to index
      %get3A_34 = tpu.vector_load %arg11[%get3A_33] {strides = array<i32>} : memref<10320xi32, #tpu.memory_space<vmem>>, vector<16xi32>,
      %gather3A = tpu.vector_load_idx %arg8[%get3A_30] : memref<10240xf32, #tpu.memory_space<vmem>>[vector<16xi32>], vector<16xf32>,
      %gather3A_35 = tpu.vector_load_idx %arg9[%get3A_34] : memref<10240xf32, #tpu.memory_space<vmem>>[vector<16xi32>], vector<16xf32>,
      %add3A_36 = arith.addf %gather3A, %gather3A_35 : vector<16xf32>
      %ge3A = arith.constant 0.000000e+00 : f32
      %ge3A_37 = vector.broadcast %ge3A : f32 to vector<16xf32>
      %ge3A_38 = arith.cmpf oge, %add3A_36, %ge3A_37 : vector<16xf32>
      %mul3A_39 = arith.constant 2.000000e-01 : f32
      %mul3A_40 = vector.broadcast %mul3A_39 : f32 to vector<16xf32>
      %mul3A_41 = arith.mulf %mul3A_40, %add3A_36 : vector<16xf32>
      %select_n3A = arith.select %ge3A_38, %add3A_36, %mul3A_41 : vector<16xi1>, vector<16xf32>
      %exp3A = math.exp %select_n3A : vector<16xf32>
      %mul3A_42 = arith.constant 16 : i32
      %mul3A_43 = arith.muli %scan3A_26, %mul3A_42 : i32
      %swap3A_44 = arith.index_cast %mul3A_43 : i32 to index
      %swap3A_45 = tpu.vector_load %arg12[%swap3A_44] {strides = array<i32>} : memref<10320xf32, #tpu.memory_space<vmem>>, vector<16xf32>,
      tpu.vector_store %arg12[%swap3A_44], %exp3A {strides = array<i32>} : memref<10320xf32, #tpu.memory_space<vmem>>, vector<16xf32>,
      %masked_sort3A = arith.constant dense<true> : vector<16xi1>
      %masked_sort3A_46 = arith.constant -2147483648 : i32
      %masked_sort3A_47 = vector.broadcast %masked_sort3A_46 : i32 to vector<16xi32>
      %masked_sort3A_48 = arith.xori %get3A_34, %masked_sort3A_47 : vector<16xi32>
      %masked_sort3A_49, %masked_sort3A_50, %masked_sort3A_51 = tpu.sort %masked_sort3A_48, %exp3A masked %masked_sort3A : (vector<16xi32>, vector<16xf32>, vector<16xi1>) -> (vector<16xi1>, vector<16xi32>, vector<16xf32>)
      %masked_sort3A_52 = arith.xori %masked_sort3A_50, %masked_sort3A_47 : vector<16xi32>
      %swap3A_53 = arith.constant 16 : index
      %swap3A_54 = tpu.vector_load %arg14[%swap3A_53] {strides = array<i32>} : memref<48xi32, #tpu.memory_space<vmem>>, vector<16xi32>,
      tpu.vector_store %arg14[%swap3A_53], %masked_sort3A_52 {strides = array<i32>} : memref<48xi32, #tpu.memory_space<vmem>>, vector<16xi32>,
      %swap3A_55 = arith.constant 16 : index
      %swap3A_56 = tpu.vector_load %arg15[%swap3A_55] {strides = array<i32>} : memref<48xf32, #tpu.memory_space<vmem>>, vector<16xf32>,
      tpu.vector_store %arg15[%swap3A_55], %masked_sort3A_51 {strides = array<i32>} : memref<48xf32, #tpu.memory_space<vmem>>, vector<16xf32>,
      %get3A_57 = arith.constant 15 : index
      %get3A_58 = tpu.vector_load %arg14[%get3A_57] {strides = array<i32>} : memref<48xi32, #tpu.memory_space<vmem>>, vector<16xi32>,
      %get3A_59 = arith.constant 15 : index
      %get3A_60 = tpu.vector_load %arg15[%get3A_59] {strides = array<i32>} : memref<48xf32, #tpu.memory_space<vmem>>, vector<16xf32>,
      %eq3A = arith.cmpi eq, %get3A_58, %masked_sort3A_52 : vector<16xi32>
      %add3A_61 = arith.addf %masked_sort3A_51, %get3A_60 : vector<16xf32>
      %select_n3A_62 = arith.select %eq3A, %add3A_61, %masked_sort3A_51 : vector<16xi1>, vector<16xf32>
      %swap3A_63 = arith.constant 16 : index
      %swap3A_64 = tpu.vector_load %arg15[%swap3A_63] {strides = array<i32>} : memref<48xf32, #tpu.memory_space<vmem>>, vector<16xf32>,
      tpu.vector_store %arg15[%swap3A_63], %select_n3A_62 {strides = array<i32>} : memref<48xf32, #tpu.memory_space<vmem>>, vector<16xf32>,
      %get3A_65 = arith.constant 14 : index
      %get3A_66 = tpu.vector_load %arg14[%get3A_65] {strides = array<i32>} : memref<48xi32, #tpu.memory_space<vmem>>, vector<16xi32>,
      %get3A_67 = arith.constant 14 : index
      %get3A_68 = tpu.vector_load %arg15[%get3A_67] {strides = array<i32>} : memref<48xf32, #tpu.memory_space<vmem>>, vector<16xf32>,
      %eq3A_69 = arith.cmpi eq, %get3A_66, %masked_sort3A_52 : vector<16xi32>
      %add3A_70 = arith.addf %select_n3A_62, %get3A_68 : vector<16xf32>
      %select_n3A_71 = arith.select %eq3A_69, %add3A_70, %select_n3A_62 : vector<16xi1>, vector<16xf32>
      %swap3A_72 = arith.constant 16 : index
      %swap3A_73 = tpu.vector_load %arg15[%swap3A_72] {strides = array<i32>} : memref<48xf32, #tpu.memory_space<vmem>>, vector<16xf32>,
      tpu.vector_store %arg15[%swap3A_72], %select_n3A_71 {strides = array<i32>} : memref<48xf32, #tpu.memory_space<vmem>>, vector<16xf32>,
      %get3A_74 = arith.constant 12 : index
      %get3A_75 = tpu.vector_load %arg14[%get3A_74] {strides = array<i32>} : memref<48xi32, #tpu.memory_space<vmem>>, vector<16xi32>,
      %get3A_76 = arith.constant 12 : index
      %get3A_77 = tpu.vector_load %arg15[%get3A_76] {strides = array<i32>} : memref<48xf32, #tpu.memory_space<vmem>>, vector<16xf32>,
      %eq3A_78 = arith.cmpi eq, %get3A_75, %masked_sort3A_52 : vector<16xi32>
      %add3A_79 = arith.addf %select_n3A_71, %get3A_77 : vector<16xf32>
      %select_n3A_80 = arith.select %eq3A_78, %add3A_79, %select_n3A_71 : vector<16xi1>, vector<16xf32>
      %swap3A_81 = arith.constant 16 : index
      %swap3A_82 = tpu.vector_load %arg15[%swap3A_81] {strides = array<i32>} : memref<48xf32, #tpu.memory_space<vmem>>, vector<16xf32>,
      tpu.vector_store %arg15[%swap3A_81], %select_n3A_80 {strides = array<i32>} : memref<48xf32, #tpu.memory_space<vmem>>, vector<16xf32>,
      %get3A_83 = arith.constant 8 : index
      %get3A_84 = tpu.vector_load %arg14[%get3A_83] {strides = array<i32>} : memref<48xi32, #tpu.memory_space<vmem>>, vector<16xi32>,
      %get3A_85 = arith.constant 8 : index
      %get3A_86 = tpu.vector_load %arg15[%get3A_85] {strides = array<i32>} : memref<48xf32, #tpu.memory_space<vmem>>, vector<16xf32>,
      %eq3A_87 = arith.cmpi eq, %get3A_84, %masked_sort3A_52 : vector<16xi32>
      %add3A_88 = arith.addf %select_n3A_80, %get3A_86 : vector<16xf32>
      %select_n3A_89 = arith.select %eq3A_87, %add3A_88, %select_n3A_80 : vector<16xi1>, vector<16xf32>
      %get3A_90 = arith.constant 17 : index
      %get3A_91 = tpu.vector_load %arg14[%get3A_90] {strides = array<i32>} : memref<48xi32, #tpu.memory_space<vmem>>, vector<16xi32>,
      %ne3A = arith.cmpi ne, %get3A_91, %masked_sort3A_52 : vector<16xi32>
      %gather3A_92 = tpu.vector_load_idx %arg13[%masked_sort3A_52] : memref<10240xf32, #tpu.memory_space<vmem>>[vector<16xi32>], vector<16xf32>,
      %add3A_93 = arith.addf %gather3A_92, %select_n3A_89 : vector<16xf32>
      tpu.vector_store_idx %arg13[%masked_sort3A_52], %add3A_93 masked %ne3A : memref<10240xf32, #tpu.memory_space<vmem>>[vector<16xi32>], vector<16xf32>, vector<16xi1>
      %scan3A_94 = arith.constant 0 : i32
      scf.yield %scan3A_94 : i32
    }
    %scan3A_25 = arith.constant 645 : i32
    "tpu.region"() ({
      %run_scoped3A = tpu.sem_alloc : memref<!tpu.dma_semaphore, #tpu.memory_space<semaphore_mem>>
      %dma_start3A = tpu.memref_slice %arg6[%mul3A_2] : memref<330240xf32, #tpu.memory_space<hbm>> -> memref<10320xf32, #tpu.memory_space<hbm>>
      %dma_start3A_26 = tpu.memref_slice %arg6[%mul3A_2] : memref<330240xf32, #tpu.memory_space<hbm>> -> memref<10320xf32, #tpu.memory_space<hbm>>
      tpu.enqueue_dma source(%arg12 : memref<10320xf32, #tpu.memory_space<vmem>>) target(%dma_start3A_26 : memref<10320xf32, #tpu.memory_space<hbm>>) target_semaphore(%run_scoped3A : memref<!tpu.dma_semaphore, #tpu.memory_space<semaphore_mem>>)
      %dma_wait3A = tpu.memref_slice %arg6[%mul3A_2] : memref<330240xf32, #tpu.memory_space<hbm>> -> memref<10320xf32, #tpu.memory_space<hbm>>
      %dma_wait3A_27 = tpu.memref_slice %arg6[%mul3A_2] : memref<330240xf32, #tpu.memory_space<hbm>> -> memref<10320xf32, #tpu.memory_space<hbm>>
      tpu.wait_dma2 semaphore(%run_scoped3A : memref<!tpu.dma_semaphore, #tpu.memory_space<semaphore_mem>>) src(%arg12 : memref<10320xf32, #tpu.memory_space<vmem>>) dst(%dma_wait3A_27 : memref<10320xf32, #tpu.memory_space<hbm>>)
      tpu.yield
    }) : () -> ()
    "tpu.region"() ({
      %run_scoped3A = tpu.sem_alloc : memref<!tpu.dma_semaphore, #tpu.memory_space<semaphore_mem>>
      %dma_start3A = arith.constant 0 : i32
      %dma_start3A_26 = tpu.memref_slice %arg7[%add3A, %dma_start3A] : memref<32x10240xf32, #tpu.memory_space<hbm>> -> memref<1x10240xf32, #tpu.memory_space<hbm>>
      %dma_start3A_27 = tpu.memref_squeeze %dma_start3A_26 : memref<1x10240xf32, #tpu.memory_space<hbm>> -> memref<10240xf32, #tpu.memory_space<hbm>>
      %dma_start3A_28 = arith.constant 0 : i32
      %dma_start3A_29 = tpu.memref_slice %arg7[%add3A, %dma_start3A_28] : memref<32x10240xf32, #tpu.memory_space<hbm>> -> memref<1x10240xf32, #tpu.memory_space<hbm>>
      %dma_start3A_30 = tpu.memref_squeeze %dma_start3A_29 : memref<1x10240xf32, #tpu.memory_space<hbm>> -> memref<10240xf32, #tpu.memory_space<hbm>>
      tpu.enqueue_dma source(%arg13 : memref<10240xf32, #tpu.memory_space<vmem>>) target(%dma_start3A_30 : memref<10240xf32, #tpu.memory_space<hbm>>) target_semaphore(%run_scoped3A : memref<!tpu.dma_semaphore, #tpu.memory_space<semaphore_mem>>)
      %dma_wait3A = arith.constant 0 : i32
      %dma_wait3A_31 = tpu.memref_slice %arg7[%add3A, %dma_wait3A] : memref<32x10240xf32, #tpu.memory_space<hbm>> -> memref<1x10240xf32, #tpu.memory_space<hbm>>
      %dma_wait3A_32 = tpu.memref_squeeze %dma_wait3A_31 : memref<1x10240xf32, #tpu.memory_space<hbm>> -> memref<10240xf32, #tpu.memory_space<hbm>>
      %dma_wait3A_33 = arith.constant 0 : i32
      %dma_wait3A_34 = tpu.memref_slice %arg7[%add3A, %dma_wait3A_33] : memref<32x10240xf32, #tpu.memory_space<hbm>> -> memref<1x10240xf32, #tpu.memory_space<hbm>>
      %dma_wait3A_35 = tpu.memref_squeeze %dma_wait3A_34 : memref<1x10240xf32, #tpu.memory_space<hbm>> -> memref<10240xf32, #tpu.memory_space<hbm>>
      tpu.wait_dma2 semaphore(%run_scoped3A : memref<!tpu.dma_semaphore, #tpu.memory_space<semaphore_mem>>) src(%arg13 : memref<10240xf32, #tpu.memory_space<vmem>>) dst(%dma_wait3A_35 : memref<10240xf32, #tpu.memory_space<hbm>>)
      tpu.yield
    }) : () -> ()
    return
  }
}

#map = affine_map<(d0, d1) -> (0)>
#map1 = affine_map<(d0, d1) -> (0, 0)>
module attributes {stable_mosaic.version = 14 : i64} {
  func.func @_sc_a(%arg0: i32, %arg1: i32, %arg2: memref<330240xi32, #tpu.memory_space<hbm>>, %arg3: memref<330240xi32, #tpu.memory_space<hbm>>, %arg4: memref<10240xf32, #tpu.memory_space<hbm>>, %arg5: memref<10240xf32, #tpu.memory_space<hbm>>, %arg6: memref<330240xf32, #tpu.memory_space<hbm>>, %arg7: memref<32x10240xf32, #tpu.memory_space<hbm>>, %arg8: memref<10240xf32, #tpu.memory_space<vmem>>, %arg9: memref<10240xf32, #tpu.memory_space<vmem>>, %arg10: memref<10320xi32, #tpu.memory_space<vmem>>, %arg11: memref<10320xi32, #tpu.memory_space<vmem>>, %arg12: memref<10320xf32, #tpu.memory_space<vmem>>, %arg13: memref<10240xf32, #tpu.memory_space<vmem>>, %arg14: memref<48xi32, #tpu.memory_space<vmem>>, %arg15: memref<48xf32, #tpu.memory_space<vmem>>) attributes {dimension_semantics = [#tpu.dimension_semantics<core_parallel>, #tpu.dimension_semantics<subcore_parallel>], iteration_bounds = array<i64: 2, 16>, scalar_prefetch = 0 : i64, scratch_operands = 8 : i64, tpu.core_type = #tpu.core_type<sc_vector_subcore>, window_params = [{transform_indices = #map}, {transform_indices = #map}, {transform_indices = #map}, {transform_indices = #map}, {transform_indices = #map}, {transform_indices = #map1}]} {
    %mul3A = arith.constant 16 : i32
    %mul3A_0 = arith.muli %arg0, %mul3A : i32
    %add3A = arith.addi %mul3A_0, %arg1 : i32
    %mul3A_1 = arith.constant 10320 : i32
    %mul3A_2 = arith.muli %add3A, %mul3A_1 : i32
    "tpu.region"() ({
      %run_scoped3A = tpu.sem_alloc : memref<!tpu.dma_semaphore, #tpu.memory_space<semaphore_mem>>
      tpu.enqueue_dma source(%arg4 : memref<10240xf32, #tpu.memory_space<hbm>>) target(%arg8 : memref<10240xf32, #tpu.memory_space<vmem>>) target_semaphore(%run_scoped3A : memref<!tpu.dma_semaphore, #tpu.memory_space<semaphore_mem>>)
      tpu.wait_dma2 semaphore(%run_scoped3A : memref<!tpu.dma_semaphore, #tpu.memory_space<semaphore_mem>>) src(%arg4 : memref<10240xf32, #tpu.memory_space<hbm>>) dst(%arg8 : memref<10240xf32, #tpu.memory_space<vmem>>)
      tpu.yield
    }) : () -> ()
    "tpu.region"() ({
      %run_scoped3A = tpu.sem_alloc : memref<!tpu.dma_semaphore, #tpu.memory_space<semaphore_mem>>
      tpu.enqueue_dma source(%arg5 : memref<10240xf32, #tpu.memory_space<hbm>>) target(%arg9 : memref<10240xf32, #tpu.memory_space<vmem>>) target_semaphore(%run_scoped3A : memref<!tpu.dma_semaphore, #tpu.memory_space<semaphore_mem>>)
      tpu.wait_dma2 semaphore(%run_scoped3A : memref<!tpu.dma_semaphore, #tpu.memory_space<semaphore_mem>>) src(%arg5 : memref<10240xf32, #tpu.memory_space<hbm>>) dst(%arg9 : memref<10240xf32, #tpu.memory_space<vmem>>)
      tpu.yield
    }) : () -> ()
    "tpu.region"() ({
      %run_scoped3A = tpu.sem_alloc : memref<!tpu.dma_semaphore, #tpu.memory_space<semaphore_mem>>
      %dma_start3A = tpu.memref_slice %arg2[%mul3A_2] : memref<330240xi32, #tpu.memory_space<hbm>> -> memref<10320xi32, #tpu.memory_space<hbm>>
      %dma_start3A_26 = tpu.memref_slice %arg2[%mul3A_2] : memref<330240xi32, #tpu.memory_space<hbm>> -> memref<10320xi32, #tpu.memory_space<hbm>>
      tpu.enqueue_dma source(%dma_start3A_26 : memref<10320xi32, #tpu.memory_space<hbm>>) target(%arg10 : memref<10320xi32, #tpu.memory_space<vmem>>) target_semaphore(%run_scoped3A : memref<!tpu.dma_semaphore, #tpu.memory_space<semaphore_mem>>)
      %dma_wait3A = tpu.memref_slice %arg2[%mul3A_2] : memref<330240xi32, #tpu.memory_space<hbm>> -> memref<10320xi32, #tpu.memory_space<hbm>>
      %dma_wait3A_27 = tpu.memref_slice %arg2[%mul3A_2] : memref<330240xi32, #tpu.memory_space<hbm>> -> memref<10320xi32, #tpu.memory_space<hbm>>
      tpu.wait_dma2 semaphore(%run_scoped3A : memref<!tpu.dma_semaphore, #tpu.memory_space<semaphore_mem>>) src(%dma_wait3A_27 : memref<10320xi32, #tpu.memory_space<hbm>>) dst(%arg10 : memref<10320xi32, #tpu.memory_space<vmem>>)
      tpu.yield
    }) : () -> ()
    "tpu.region"() ({
      %run_scoped3A = tpu.sem_alloc : memref<!tpu.dma_semaphore, #tpu.memory_space<semaphore_mem>>
      %dma_start3A = tpu.memref_slice %arg3[%mul3A_2] : memref<330240xi32, #tpu.memory_space<hbm>> -> memref<10320xi32, #tpu.memory_space<hbm>>
      %dma_start3A_26 = tpu.memref_slice %arg3[%mul3A_2] : memref<330240xi32, #tpu.memory_space<hbm>> -> memref<10320xi32, #tpu.memory_space<hbm>>
      tpu.enqueue_dma source(%dma_start3A_26 : memref<10320xi32, #tpu.memory_space<hbm>>) target(%arg11 : memref<10320xi32, #tpu.memory_space<vmem>>) target_semaphore(%run_scoped3A : memref<!tpu.dma_semaphore, #tpu.memory_space<semaphore_mem>>)
      %dma_wait3A = tpu.memref_slice %arg3[%mul3A_2] : memref<330240xi32, #tpu.memory_space<hbm>> -> memref<10320xi32, #tpu.memory_space<hbm>>
      %dma_wait3A_27 = tpu.memref_slice %arg3[%mul3A_2] : memref<330240xi32, #tpu.memory_space<hbm>> -> memref<10320xi32, #tpu.memory_space<hbm>>
      tpu.wait_dma2 semaphore(%run_scoped3A : memref<!tpu.dma_semaphore, #tpu.memory_space<semaphore_mem>>) src(%dma_wait3A_27 : memref<10320xi32, #tpu.memory_space<hbm>>) dst(%arg11 : memref<10320xi32, #tpu.memory_space<vmem>>)
      tpu.yield
    }) : () -> ()
    %broadcast_in_dim3A = arith.constant 0.000000e+00 : f32
    %broadcast_in_dim3A_3 = vector.broadcast %broadcast_in_dim3A : f32 to vector<16xf32>
    %broadcast_in_dim3A_4 = arith.constant -2 : i32
    %broadcast_in_dim3A_5 = vector.broadcast %broadcast_in_dim3A_4 : i32 to vector<16xi32>
    %swap3A = arith.constant 0 : index
    %swap3A_6 = tpu.vector_load %arg14[%swap3A] {strides = array<i32>} : memref<48xi32, #tpu.memory_space<vmem>>, vector<16xi32>,
    tpu.vector_store %arg14[%swap3A], %broadcast_in_dim3A_5 {strides = array<i32>} : memref<48xi32, #tpu.memory_space<vmem>>, vector<16xi32>,
    %broadcast_in_dim3A_7 = arith.constant -3 : i32
    %broadcast_in_dim3A_8 = vector.broadcast %broadcast_in_dim3A_7 : i32 to vector<16xi32>
    %swap3A_9 = arith.constant 32 : index
    %swap3A_10 = tpu.vector_load %arg14[%swap3A_9] {strides = array<i32>} : memref<48xi32, #tpu.memory_space<vmem>>, vector<16xi32>,
    tpu.vector_store %arg14[%swap3A_9], %broadcast_in_dim3A_8 {strides = array<i32>} : memref<48xi32, #tpu.memory_space<vmem>>, vector<16xi32>,
    %swap3A_11 = arith.constant 0 : index
    %swap3A_12 = tpu.vector_load %arg15[%swap3A_11] {strides = array<i32>} : memref<48xf32, #tpu.memory_space<vmem>>, vector<16xf32>,
    tpu.vector_store %arg15[%swap3A_11], %broadcast_in_dim3A_3 {strides = array<i32>} : memref<48xf32, #tpu.memory_space<vmem>>, vector<16xf32>,
    %scan3A = arith.constant 0 : i32
    %scan3A_13 = arith.constant 0 : i32
    %scan3A_14 = arith.constant 640 : i32
    %scan3A_15 = arith.addi %scan3A_13, %scan3A_14 : i32
    %scan3A_16 = arith.constant 1 : i32
    %scan3A_17 = scf.for %scan3A_26 = %scan3A_13 to %scan3A_15 step %scan3A_16 iter_args(%scan3A_27 = %scan3A) -> (i32)  : i32 {
      %mul3A_28 = arith.constant 16 : i32
      %mul3A_29 = arith.muli %scan3A_26, %mul3A_28 : i32
      %swap3A_30 = arith.index_cast %mul3A_29 : i32 to index
      %swap3A_31 = tpu.vector_load %arg13[%swap3A_30] {strides = array<i32>} : memref<10240xf32, #tpu.memory_space<vmem>>, vector<16xf32>,
      tpu.vector_store %arg13[%swap3A_30], %broadcast_in_dim3A_3 {strides = array<i32>} : memref<10240xf32, #tpu.memory_space<vmem>>, vector<16xf32>,
      %scan3A_32 = arith.constant 0 : i32
      scf.yield %scan3A_32 : i32
    }
    %scan3A_18 = arith.constant 640 : i32
    %scan3A_19 = arith.constant 0 : i32
    %scan3A_20 = arith.constant 0 : i32
    %scan3A_21 = arith.constant 645 : i32
    %scan3A_22 = arith.addi %scan3A_20, %scan3A_21 : i32
    %scan3A_23 = arith.constant 1 : i32
    %scan3A_24 = scf.for %scan3A_26 = %scan3A_20 to %scan3A_22 step %scan3A_23 iter_args(%scan3A_27 = %scan3A_19) -> (i32)  : i32 {
      %mul3A_28 = arith.constant 16 : i32
      %mul3A_29 = arith.muli %scan3A_26, %mul3A_28 : i32
      %get3A = arith.index_cast %mul3A_29 : i32 to index
      %get3A_30 = tpu.vector_load %arg10[%get3A] {strides = array<i32>} : memref<10320xi32, #tpu.memory_space<vmem>>, vector<16xi32>,
      %mul3A_31 = arith.constant 16 : i32
      %mul3A_32 = arith.muli %scan3A_26, %mul3A_31 : i32
      %get3A_33 = arith.index_cast %mul3A_32 : i32 to index
      %get3A_34 = tpu.vector_load %arg11[%get3A_33] {strides = array<i32>} : memref<10320xi32, #tpu.memory_space<vmem>>, vector<16xi32>,
      %gather3A = tpu.vector_load_idx %arg8[%get3A_30] : memref<10240xf32, #tpu.memory_space<vmem>>[vector<16xi32>], vector<16xf32>,
      %gather3A_35 = tpu.vector_load_idx %arg9[%get3A_34] : memref<10240xf32, #tpu.memory_space<vmem>>[vector<16xi32>], vector<16xf32>,
      %add3A_36 = arith.addf %gather3A, %gather3A_35 : vector<16xf32>
      %ge3A = arith.constant 0.000000e+00 : f32
      %ge3A_37 = vector.broadcast %ge3A : f32 to vector<16xf32>
      %ge3A_38 = arith.cmpf oge, %add3A_36, %ge3A_37 : vector<16xf32>
      %mul3A_39 = arith.constant 2.000000e-01 : f32
      %mul3A_40 = vector.broadcast %mul3A_39 : f32 to vector<16xf32>
      %mul3A_41 = arith.mulf %mul3A_40, %add3A_36 : vector<16xf32>
      %select_n3A = arith.select %ge3A_38, %add3A_36, %mul3A_41 : vector<16xi1>, vector<16xf32>
      %exp3A = math.exp %select_n3A : vector<16xf32>
      %mul3A_42 = arith.constant 16 : i32
      %mul3A_43 = arith.muli %scan3A_26, %mul3A_42 : i32
      %swap3A_44 = arith.index_cast %mul3A_43 : i32 to index
      %swap3A_45 = tpu.vector_load %arg12[%swap3A_44] {strides = array<i32>} : memref<10320xf32, #tpu.memory_space<vmem>>, vector<16xf32>,
      tpu.vector_store %arg12[%swap3A_44], %exp3A {strides = array<i32>} : memref<10320xf32, #tpu.memory_space<vmem>>, vector<16xf32>,
      %masked_sort3A = arith.constant dense<true> : vector<16xi1>
      %masked_sort3A_46 = arith.constant -2147483648 : i32
      %masked_sort3A_47 = vector.broadcast %masked_sort3A_46 : i32 to vector<16xi32>
      %masked_sort3A_48 = arith.xori %get3A_34, %masked_sort3A_47 : vector<16xi32>
      %masked_sort3A_49, %masked_sort3A_50, %masked_sort3A_51 = tpu.sort %masked_sort3A_48, %exp3A masked %masked_sort3A : (vector<16xi32>, vector<16xf32>, vector<16xi1>) -> (vector<16xi1>, vector<16xi32>, vector<16xf32>)
      %masked_sort3A_52 = arith.xori %masked_sort3A_50, %masked_sort3A_47 : vector<16xi32>
      %swap3A_53 = arith.constant 16 : index
      %swap3A_54 = tpu.vector_load %arg14[%swap3A_53] {strides = array<i32>} : memref<48xi32, #tpu.memory_space<vmem>>, vector<16xi32>,
      tpu.vector_store %arg14[%swap3A_53], %masked_sort3A_52 {strides = array<i32>} : memref<48xi32, #tpu.memory_space<vmem>>, vector<16xi32>,
      %swap3A_55 = arith.constant 16 : index
      %swap3A_56 = tpu.vector_load %arg15[%swap3A_55] {strides = array<i32>} : memref<48xf32, #tpu.memory_space<vmem>>, vector<16xf32>,
      tpu.vector_store %arg15[%swap3A_55], %masked_sort3A_51 {strides = array<i32>} : memref<48xf32, #tpu.memory_space<vmem>>, vector<16xf32>,
      %get3A_57 = arith.constant 15 : index
      %get3A_58 = tpu.vector_load %arg14[%get3A_57] {strides = array<i32>} : memref<48xi32, #tpu.memory_space<vmem>>, vector<16xi32>,
      %get3A_59 = arith.constant 15 : index
      %get3A_60 = tpu.vector_load %arg15[%get3A_59] {strides = array<i32>} : memref<48xf32, #tpu.memory_space<vmem>>, vector<16xf32>,
      %eq3A = arith.cmpi eq, %get3A_58, %masked_sort3A_52 : vector<16xi32>
      %add3A_61 = arith.addf %masked_sort3A_51, %get3A_60 : vector<16xf32>
      %select_n3A_62 = arith.select %eq3A, %add3A_61, %masked_sort3A_51 : vector<16xi1>, vector<16xf32>
      %swap3A_63 = arith.constant 16 : index
      %swap3A_64 = tpu.vector_load %arg15[%swap3A_63] {strides = array<i32>} : memref<48xf32, #tpu.memory_space<vmem>>, vector<16xf32>,
      tpu.vector_store %arg15[%swap3A_63], %select_n3A_62 {strides = array<i32>} : memref<48xf32, #tpu.memory_space<vmem>>, vector<16xf32>,
      %get3A_65 = arith.constant 14 : index
      %get3A_66 = tpu.vector_load %arg14[%get3A_65] {strides = array<i32>} : memref<48xi32, #tpu.memory_space<vmem>>, vector<16xi32>,
      %get3A_67 = arith.constant 14 : index
      %get3A_68 = tpu.vector_load %arg15[%get3A_67] {strides = array<i32>} : memref<48xf32, #tpu.memory_space<vmem>>, vector<16xf32>,
      %eq3A_69 = arith.cmpi eq, %get3A_66, %masked_sort3A_52 : vector<16xi32>
      %add3A_70 = arith.addf %select_n3A_62, %get3A_68 : vector<16xf32>
      %select_n3A_71 = arith.select %eq3A_69, %add3A_70, %select_n3A_62 : vector<16xi1>, vector<16xf32>
      %swap3A_72 = arith.constant 16 : index
      %swap3A_73 = tpu.vector_load %arg15[%swap3A_72] {strides = array<i32>} : memref<48xf32, #tpu.memory_space<vmem>>, vector<16xf32>,
      tpu.vector_store %arg15[%swap3A_72], %select_n3A_71 {strides = array<i32>} : memref<48xf32, #tpu.memory_space<vmem>>, vector<16xf32>,
      %get3A_74 = arith.constant 12 : index
      %get3A_75 = tpu.vector_load %arg14[%get3A_74] {strides = array<i32>} : memref<48xi32, #tpu.memory_space<vmem>>, vector<16xi32>,
      %get3A_76 = arith.constant 12 : index
      %get3A_77 = tpu.vector_load %arg15[%get3A_76] {strides = array<i32>} : memref<48xf32, #tpu.memory_space<vmem>>, vector<16xf32>,
      %eq3A_78 = arith.cmpi eq, %get3A_75, %masked_sort3A_52 : vector<16xi32>
      %add3A_79 = arith.addf %select_n3A_71, %get3A_77 : vector<16xf32>
      %select_n3A_80 = arith.select %eq3A_78, %add3A_79, %select_n3A_71 : vector<16xi1>, vector<16xf32>
      %swap3A_81 = arith.constant 16 : index
      %swap3A_82 = tpu.vector_load %arg15[%swap3A_81] {strides = array<i32>} : memref<48xf32, #tpu.memory_space<vmem>>, vector<16xf32>,
      tpu.vector_store %arg15[%swap3A_81], %select_n3A_80 {strides = array<i32>} : memref<48xf32, #tpu.memory_space<vmem>>, vector<16xf32>,
      %get3A_83 = arith.constant 8 : index
      %get3A_84 = tpu.vector_load %arg14[%get3A_83] {strides = array<i32>} : memref<48xi32, #tpu.memory_space<vmem>>, vector<16xi32>,
      %get3A_85 = arith.constant 8 : index
      %get3A_86 = tpu.vector_load %arg15[%get3A_85] {strides = array<i32>} : memref<48xf32, #tpu.memory_space<vmem>>, vector<16xf32>,
      %eq3A_87 = arith.cmpi eq, %get3A_84, %masked_sort3A_52 : vector<16xi32>
      %add3A_88 = arith.addf %select_n3A_80, %get3A_86 : vector<16xf32>
      %select_n3A_89 = arith.select %eq3A_87, %add3A_88, %select_n3A_80 : vector<16xi1>, vector<16xf32>
      %get3A_90 = arith.constant 17 : index
      %get3A_91 = tpu.vector_load %arg14[%get3A_90] {strides = array<i32>} : memref<48xi32, #tpu.memory_space<vmem>>, vector<16xi32>,
      %ne3A = arith.cmpi ne, %get3A_91, %masked_sort3A_52 : vector<16xi32>
      %gather3A_92 = tpu.vector_load_idx %arg13[%masked_sort3A_52] : memref<10240xf32, #tpu.memory_space<vmem>>[vector<16xi32>], vector<16xf32>,
      %add3A_93 = arith.addf %gather3A_92, %select_n3A_89 : vector<16xf32>
      tpu.vector_store_idx %arg13[%masked_sort3A_52], %add3A_93 masked %ne3A : memref<10240xf32, #tpu.memory_space<vmem>>[vector<16xi32>], vector<16xf32>, vector<16xi1>
      %scan3A_94 = arith.constant 0 : i32
      scf.yield %scan3A_94 : i32
    }
    %scan3A_25 = arith.constant 645 : i32
    "tpu.region"() ({
      %run_scoped3A = tpu.sem_alloc : memref<!tpu.dma_semaphore, #tpu.memory_space<semaphore_mem>>
      %dma_start3A = tpu.memref_slice %arg6[%mul3A_2] : memref<330240xf32, #tpu.memory_space<hbm>> -> memref<10320xf32, #tpu.memory_space<hbm>>
      %dma_start3A_26 = tpu.memref_slice %arg6[%mul3A_2] : memref<330240xf32, #tpu.memory_space<hbm>> -> memref<10320xf32, #tpu.memory_space<hbm>>
      tpu.enqueue_dma source(%arg12 : memref<10320xf32, #tpu.memory_space<vmem>>) target(%dma_start3A_26 : memref<10320xf32, #tpu.memory_space<hbm>>) target_semaphore(%run_scoped3A : memref<!tpu.dma_semaphore, #tpu.memory_space<semaphore_mem>>)
      %dma_wait3A = tpu.memref_slice %arg6[%mul3A_2] : memref<330240xf32, #tpu.memory_space<hbm>> -> memref<10320xf32, #tpu.memory_space<hbm>>
      %dma_wait3A_27 = tpu.memref_slice %arg6[%mul3A_2] : memref<330240xf32, #tpu.memory_space<hbm>> -> memref<10320xf32, #tpu.memory_space<hbm>>
      tpu.wait_dma2 semaphore(%run_scoped3A : memref<!tpu.dma_semaphore, #tpu.memory_space<semaphore_mem>>) src(%arg12 : memref<10320xf32, #tpu.memory_space<vmem>>) dst(%dma_wait3A_27 : memref<10320xf32, #tpu.memory_space<hbm>>)
      tpu.yield
    }) : () -> ()
    "tpu.region"() ({
      %run_scoped3A = tpu.sem_alloc : memref<!tpu.dma_semaphore, #tpu.memory_space<semaphore_mem>>
      %dma_start3A = arith.constant 0 : i32
      %dma_start3A_26 = tpu.memref_slice %arg7[%add3A, %dma_start3A] : memref<32x10240xf32, #tpu.memory_space<hbm>> -> memref<1x10240xf32, #tpu.memory_space<hbm>>
      %dma_start3A_27 = tpu.memref_squeeze %dma_start3A_26 : memref<1x10240xf32, #tpu.memory_space<hbm>> -> memref<10240xf32, #tpu.memory_space<hbm>>
      %dma_start3A_28 = arith.constant 0 : i32
      %dma_start3A_29 = tpu.memref_slice %arg7[%add3A, %dma_start3A_28] : memref<32x10240xf32, #tpu.memory_space<hbm>> -> memref<1x10240xf32, #tpu.memory_space<hbm>>
      %dma_start3A_30 = tpu.memref_squeeze %dma_start3A_29 : memref<1x10240xf32, #tpu.memory_space<hbm>> -> memref<10240xf32, #tpu.memory_space<hbm>>
      tpu.enqueue_dma source(%arg13 : memref<10240xf32, #tpu.memory_space<vmem>>) target(%dma_start3A_30 : memref<10240xf32, #tpu.memory_space<hbm>>) target_semaphore(%run_scoped3A : memref<!tpu.dma_semaphore, #tpu.memory_space<semaphore_mem>>)
      %dma_wait3A = arith.constant 0 : i32
      %dma_wait3A_31 = tpu.memref_slice %arg7[%add3A, %dma_wait3A] : memref<32x10240xf32, #tpu.memory_space<hbm>> -> memref<1x10240xf32, #tpu.memory_space<hbm>>
      %dma_wait3A_32 = tpu.memref_squeeze %dma_wait3A_31 : memref<1x10240xf32, #tpu.memory_space<hbm>> -> memref<10240xf32, #tpu.memory_space<hbm>>
      %dma_wait3A_33 = arith.constant 0 : i32
      %dma_wait3A_34 = tpu.memref_slice %arg7[%add3A, %dma_wait3A_33] : memref<32x10240xf32, #tpu.memory_space<hbm>> -> memref<1x10240xf32, #tpu.memory_space<hbm>>
      %dma_wait3A_35 = tpu.memref_squeeze %dma_wait3A_34 : memref<1x10240xf32, #tpu.memory_space<hbm>> -> memref<10240xf32, #tpu.memory_space<hbm>>
      tpu.wait_dma2 semaphore(%run_scoped3A : memref<!tpu.dma_semaphore, #tpu.memory_space<semaphore_mem>>) src(%arg13 : memref<10240xf32, #tpu.memory_space<vmem>>) dst(%dma_wait3A_35 : memref<10240xf32, #tpu.memory_space<hbm>>)
      tpu.yield
    }) : () -> ()
    return
  }
}

#map = affine_map<(d0, d1) -> (0)>
#map1 = affine_map<(d0, d1) -> (0, 0)>
module attributes {stable_mosaic.version = 14 : i64} {
  func.func @_sc_a(%arg0: i32, %arg1: i32, %arg2: memref<330240xi32, #tpu.memory_space<hbm>>, %arg3: memref<330240xi32, #tpu.memory_space<hbm>>, %arg4: memref<10240xf32, #tpu.memory_space<hbm>>, %arg5: memref<10240xf32, #tpu.memory_space<hbm>>, %arg6: memref<330240xf32, #tpu.memory_space<hbm>>, %arg7: memref<32x10240xf32, #tpu.memory_space<hbm>>, %arg8: memref<10240xf32, #tpu.memory_space<vmem>>, %arg9: memref<10240xf32, #tpu.memory_space<vmem>>, %arg10: memref<10320xi32, #tpu.memory_space<vmem>>, %arg11: memref<10320xi32, #tpu.memory_space<vmem>>, %arg12: memref<10320xf32, #tpu.memory_space<vmem>>, %arg13: memref<10240xf32, #tpu.memory_space<vmem>>, %arg14: memref<48xi32, #tpu.memory_space<vmem>>, %arg15: memref<48xf32, #tpu.memory_space<vmem>>) attributes {dimension_semantics = [#tpu.dimension_semantics<core_parallel>, #tpu.dimension_semantics<subcore_parallel>], iteration_bounds = array<i64: 2, 16>, scalar_prefetch = 0 : i64, scratch_operands = 8 : i64, tpu.core_type = #tpu.core_type<sc_vector_subcore>, window_params = [{transform_indices = #map}, {transform_indices = #map}, {transform_indices = #map}, {transform_indices = #map}, {transform_indices = #map}, {transform_indices = #map1}]} {
    %mul3A = arith.constant 16 : i32
    %mul3A_0 = arith.muli %arg0, %mul3A : i32
    %add3A = arith.addi %mul3A_0, %arg1 : i32
    %mul3A_1 = arith.constant 10320 : i32
    %mul3A_2 = arith.muli %add3A, %mul3A_1 : i32
    "tpu.region"() ({
      %run_scoped3A = tpu.sem_alloc : memref<!tpu.dma_semaphore, #tpu.memory_space<semaphore_mem>>
      tpu.enqueue_dma source(%arg4 : memref<10240xf32, #tpu.memory_space<hbm>>) target(%arg8 : memref<10240xf32, #tpu.memory_space<vmem>>) target_semaphore(%run_scoped3A : memref<!tpu.dma_semaphore, #tpu.memory_space<semaphore_mem>>)
      tpu.wait_dma2 semaphore(%run_scoped3A : memref<!tpu.dma_semaphore, #tpu.memory_space<semaphore_mem>>) src(%arg4 : memref<10240xf32, #tpu.memory_space<hbm>>) dst(%arg8 : memref<10240xf32, #tpu.memory_space<vmem>>)
      tpu.yield
    }) : () -> ()
    "tpu.region"() ({
      %run_scoped3A = tpu.sem_alloc : memref<!tpu.dma_semaphore, #tpu.memory_space<semaphore_mem>>
      tpu.enqueue_dma source(%arg5 : memref<10240xf32, #tpu.memory_space<hbm>>) target(%arg9 : memref<10240xf32, #tpu.memory_space<vmem>>) target_semaphore(%run_scoped3A : memref<!tpu.dma_semaphore, #tpu.memory_space<semaphore_mem>>)
      tpu.wait_dma2 semaphore(%run_scoped3A : memref<!tpu.dma_semaphore, #tpu.memory_space<semaphore_mem>>) src(%arg5 : memref<10240xf32, #tpu.memory_space<hbm>>) dst(%arg9 : memref<10240xf32, #tpu.memory_space<vmem>>)
      tpu.yield
    }) : () -> ()
    "tpu.region"() ({
      %run_scoped3A = tpu.sem_alloc : memref<!tpu.dma_semaphore, #tpu.memory_space<semaphore_mem>>
      %dma_start3A = tpu.memref_slice %arg2[%mul3A_2] : memref<330240xi32, #tpu.memory_space<hbm>> -> memref<10320xi32, #tpu.memory_space<hbm>>
      %dma_start3A_26 = tpu.memref_slice %arg2[%mul3A_2] : memref<330240xi32, #tpu.memory_space<hbm>> -> memref<10320xi32, #tpu.memory_space<hbm>>
      tpu.enqueue_dma source(%dma_start3A_26 : memref<10320xi32, #tpu.memory_space<hbm>>) target(%arg10 : memref<10320xi32, #tpu.memory_space<vmem>>) target_semaphore(%run_scoped3A : memref<!tpu.dma_semaphore, #tpu.memory_space<semaphore_mem>>)
      %dma_wait3A = tpu.memref_slice %arg2[%mul3A_2] : memref<330240xi32, #tpu.memory_space<hbm>> -> memref<10320xi32, #tpu.memory_space<hbm>>
      %dma_wait3A_27 = tpu.memref_slice %arg2[%mul3A_2] : memref<330240xi32, #tpu.memory_space<hbm>> -> memref<10320xi32, #tpu.memory_space<hbm>>
      tpu.wait_dma2 semaphore(%run_scoped3A : memref<!tpu.dma_semaphore, #tpu.memory_space<semaphore_mem>>) src(%dma_wait3A_27 : memref<10320xi32, #tpu.memory_space<hbm>>) dst(%arg10 : memref<10320xi32, #tpu.memory_space<vmem>>)
      tpu.yield
    }) : () -> ()
    "tpu.region"() ({
      %run_scoped3A = tpu.sem_alloc : memref<!tpu.dma_semaphore, #tpu.memory_space<semaphore_mem>>
      %dma_start3A = tpu.memref_slice %arg3[%mul3A_2] : memref<330240xi32, #tpu.memory_space<hbm>> -> memref<10320xi32, #tpu.memory_space<hbm>>
      %dma_start3A_26 = tpu.memref_slice %arg3[%mul3A_2] : memref<330240xi32, #tpu.memory_space<hbm>> -> memref<10320xi32, #tpu.memory_space<hbm>>
      tpu.enqueue_dma source(%dma_start3A_26 : memref<10320xi32, #tpu.memory_space<hbm>>) target(%arg11 : memref<10320xi32, #tpu.memory_space<vmem>>) target_semaphore(%run_scoped3A : memref<!tpu.dma_semaphore, #tpu.memory_space<semaphore_mem>>)
      %dma_wait3A = tpu.memref_slice %arg3[%mul3A_2] : memref<330240xi32, #tpu.memory_space<hbm>> -> memref<10320xi32, #tpu.memory_space<hbm>>
      %dma_wait3A_27 = tpu.memref_slice %arg3[%mul3A_2] : memref<330240xi32, #tpu.memory_space<hbm>> -> memref<10320xi32, #tpu.memory_space<hbm>>
      tpu.wait_dma2 semaphore(%run_scoped3A : memref<!tpu.dma_semaphore, #tpu.memory_space<semaphore_mem>>) src(%dma_wait3A_27 : memref<10320xi32, #tpu.memory_space<hbm>>) dst(%arg11 : memref<10320xi32, #tpu.memory_space<vmem>>)
      tpu.yield
    }) : () -> ()
    %broadcast_in_dim3A = arith.constant 0.000000e+00 : f32
    %broadcast_in_dim3A_3 = vector.broadcast %broadcast_in_dim3A : f32 to vector<16xf32>
    %broadcast_in_dim3A_4 = arith.constant -2 : i32
    %broadcast_in_dim3A_5 = vector.broadcast %broadcast_in_dim3A_4 : i32 to vector<16xi32>
    %swap3A = arith.constant 0 : index
    %swap3A_6 = tpu.vector_load %arg14[%swap3A] {strides = array<i32>} : memref<48xi32, #tpu.memory_space<vmem>>, vector<16xi32>,
    tpu.vector_store %arg14[%swap3A], %broadcast_in_dim3A_5 {strides = array<i32>} : memref<48xi32, #tpu.memory_space<vmem>>, vector<16xi32>,
    %broadcast_in_dim3A_7 = arith.constant -3 : i32
    %broadcast_in_dim3A_8 = vector.broadcast %broadcast_in_dim3A_7 : i32 to vector<16xi32>
    %swap3A_9 = arith.constant 32 : index
    %swap3A_10 = tpu.vector_load %arg14[%swap3A_9] {strides = array<i32>} : memref<48xi32, #tpu.memory_space<vmem>>, vector<16xi32>,
    tpu.vector_store %arg14[%swap3A_9], %broadcast_in_dim3A_8 {strides = array<i32>} : memref<48xi32, #tpu.memory_space<vmem>>, vector<16xi32>,
    %swap3A_11 = arith.constant 0 : index
    %swap3A_12 = tpu.vector_load %arg15[%swap3A_11] {strides = array<i32>} : memref<48xf32, #tpu.memory_space<vmem>>, vector<16xf32>,
    tpu.vector_store %arg15[%swap3A_11], %broadcast_in_dim3A_3 {strides = array<i32>} : memref<48xf32, #tpu.memory_space<vmem>>, vector<16xf32>,
    %scan3A = arith.constant 0 : i32
    %scan3A_13 = arith.constant 0 : i32
    %scan3A_14 = arith.constant 640 : i32
    %scan3A_15 = arith.addi %scan3A_13, %scan3A_14 : i32
    %scan3A_16 = arith.constant 1 : i32
    %scan3A_17 = scf.for %scan3A_26 = %scan3A_13 to %scan3A_15 step %scan3A_16 iter_args(%scan3A_27 = %scan3A) -> (i32)  : i32 {
      %mul3A_28 = arith.constant 16 : i32
      %mul3A_29 = arith.muli %scan3A_26, %mul3A_28 : i32
      %swap3A_30 = arith.index_cast %mul3A_29 : i32 to index
      %swap3A_31 = tpu.vector_load %arg13[%swap3A_30] {strides = array<i32>} : memref<10240xf32, #tpu.memory_space<vmem>>, vector<16xf32>,
      tpu.vector_store %arg13[%swap3A_30], %broadcast_in_dim3A_3 {strides = array<i32>} : memref<10240xf32, #tpu.memory_space<vmem>>, vector<16xf32>,
      %scan3A_32 = arith.constant 0 : i32
      scf.yield %scan3A_32 : i32
    }
    %scan3A_18 = arith.constant 640 : i32
    %scan3A_19 = arith.constant 0 : i32
    %scan3A_20 = arith.constant 0 : i32
    %scan3A_21 = arith.constant 645 : i32
    %scan3A_22 = arith.addi %scan3A_20, %scan3A_21 : i32
    %scan3A_23 = arith.constant 1 : i32
    %scan3A_24 = scf.for %scan3A_26 = %scan3A_20 to %scan3A_22 step %scan3A_23 iter_args(%scan3A_27 = %scan3A_19) -> (i32)  : i32 {
      %mul3A_28 = arith.constant 16 : i32
      %mul3A_29 = arith.muli %scan3A_26, %mul3A_28 : i32
      %get3A = arith.index_cast %mul3A_29 : i32 to index
      %get3A_30 = tpu.vector_load %arg10[%get3A] {strides = array<i32>} : memref<10320xi32, #tpu.memory_space<vmem>>, vector<16xi32>,
      %mul3A_31 = arith.constant 16 : i32
      %mul3A_32 = arith.muli %scan3A_26, %mul3A_31 : i32
      %get3A_33 = arith.index_cast %mul3A_32 : i32 to index
      %get3A_34 = tpu.vector_load %arg11[%get3A_33] {strides = array<i32>} : memref<10320xi32, #tpu.memory_space<vmem>>, vector<16xi32>,
      %gather3A = tpu.vector_load_idx %arg8[%get3A_30] : memref<10240xf32, #tpu.memory_space<vmem>>[vector<16xi32>], vector<16xf32>,
      %gather3A_35 = tpu.vector_load_idx %arg9[%get3A_34] : memref<10240xf32, #tpu.memory_space<vmem>>[vector<16xi32>], vector<16xf32>,
      %add3A_36 = arith.addf %gather3A, %gather3A_35 : vector<16xf32>
      %ge3A = arith.constant 0.000000e+00 : f32
      %ge3A_37 = vector.broadcast %ge3A : f32 to vector<16xf32>
      %ge3A_38 = arith.cmpf oge, %add3A_36, %ge3A_37 : vector<16xf32>
      %mul3A_39 = arith.constant 2.000000e-01 : f32
      %mul3A_40 = vector.broadcast %mul3A_39 : f32 to vector<16xf32>
      %mul3A_41 = arith.mulf %mul3A_40, %add3A_36 : vector<16xf32>
      %select_n3A = arith.select %ge3A_38, %add3A_36, %mul3A_41 : vector<16xi1>, vector<16xf32>
      %exp3A = math.exp %select_n3A : vector<16xf32>
      %mul3A_42 = arith.constant 16 : i32
      %mul3A_43 = arith.muli %scan3A_26, %mul3A_42 : i32
      %swap3A_44 = arith.index_cast %mul3A_43 : i32 to index
      %swap3A_45 = tpu.vector_load %arg12[%swap3A_44] {strides = array<i32>} : memref<10320xf32, #tpu.memory_space<vmem>>, vector<16xf32>,
      tpu.vector_store %arg12[%swap3A_44], %exp3A {strides = array<i32>} : memref<10320xf32, #tpu.memory_space<vmem>>, vector<16xf32>,
      %masked_sort3A = arith.constant dense<true> : vector<16xi1>
      %masked_sort3A_46 = arith.constant -2147483648 : i32
      %masked_sort3A_47 = vector.broadcast %masked_sort3A_46 : i32 to vector<16xi32>
      %masked_sort3A_48 = arith.xori %get3A_34, %masked_sort3A_47 : vector<16xi32>
      %masked_sort3A_49, %masked_sort3A_50, %masked_sort3A_51 = tpu.sort %masked_sort3A_48, %exp3A masked %masked_sort3A : (vector<16xi32>, vector<16xf32>, vector<16xi1>) -> (vector<16xi1>, vector<16xi32>, vector<16xf32>)
      %masked_sort3A_52 = arith.xori %masked_sort3A_50, %masked_sort3A_47 : vector<16xi32>
      %swap3A_53 = arith.constant 16 : index
      %swap3A_54 = tpu.vector_load %arg14[%swap3A_53] {strides = array<i32>} : memref<48xi32, #tpu.memory_space<vmem>>, vector<16xi32>,
      tpu.vector_store %arg14[%swap3A_53], %masked_sort3A_52 {strides = array<i32>} : memref<48xi32, #tpu.memory_space<vmem>>, vector<16xi32>,
      %swap3A_55 = arith.constant 16 : index
      %swap3A_56 = tpu.vector_load %arg15[%swap3A_55] {strides = array<i32>} : memref<48xf32, #tpu.memory_space<vmem>>, vector<16xf32>,
      tpu.vector_store %arg15[%swap3A_55], %masked_sort3A_51 {strides = array<i32>} : memref<48xf32, #tpu.memory_space<vmem>>, vector<16xf32>,
      %get3A_57 = arith.constant 15 : index
      %get3A_58 = tpu.vector_load %arg14[%get3A_57] {strides = array<i32>} : memref<48xi32, #tpu.memory_space<vmem>>, vector<16xi32>,
      %get3A_59 = arith.constant 15 : index
      %get3A_60 = tpu.vector_load %arg15[%get3A_59] {strides = array<i32>} : memref<48xf32, #tpu.memory_space<vmem>>, vector<16xf32>,
      %eq3A = arith.cmpi eq, %get3A_58, %masked_sort3A_52 : vector<16xi32>
      %add3A_61 = arith.addf %masked_sort3A_51, %get3A_60 : vector<16xf32>
      %select_n3A_62 = arith.select %eq3A, %add3A_61, %masked_sort3A_51 : vector<16xi1>, vector<16xf32>
      %swap3A_63 = arith.constant 16 : index
      %swap3A_64 = tpu.vector_load %arg15[%swap3A_63] {strides = array<i32>} : memref<48xf32, #tpu.memory_space<vmem>>, vector<16xf32>,
      tpu.vector_store %arg15[%swap3A_63], %select_n3A_62 {strides = array<i32>} : memref<48xf32, #tpu.memory_space<vmem>>, vector<16xf32>,
      %get3A_65 = arith.constant 14 : index
      %get3A_66 = tpu.vector_load %arg14[%get3A_65] {strides = array<i32>} : memref<48xi32, #tpu.memory_space<vmem>>, vector<16xi32>,
      %get3A_67 = arith.constant 14 : index
      %get3A_68 = tpu.vector_load %arg15[%get3A_67] {strides = array<i32>} : memref<48xf32, #tpu.memory_space<vmem>>, vector<16xf32>,
      %eq3A_69 = arith.cmpi eq, %get3A_66, %masked_sort3A_52 : vector<16xi32>
      %add3A_70 = arith.addf %select_n3A_62, %get3A_68 : vector<16xf32>
      %select_n3A_71 = arith.select %eq3A_69, %add3A_70, %select_n3A_62 : vector<16xi1>, vector<16xf32>
      %swap3A_72 = arith.constant 16 : index
      %swap3A_73 = tpu.vector_load %arg15[%swap3A_72] {strides = array<i32>} : memref<48xf32, #tpu.memory_space<vmem>>, vector<16xf32>,
      tpu.vector_store %arg15[%swap3A_72], %select_n3A_71 {strides = array<i32>} : memref<48xf32, #tpu.memory_space<vmem>>, vector<16xf32>,
      %get3A_74 = arith.constant 12 : index
      %get3A_75 = tpu.vector_load %arg14[%get3A_74] {strides = array<i32>} : memref<48xi32, #tpu.memory_space<vmem>>, vector<16xi32>,
      %get3A_76 = arith.constant 12 : index
      %get3A_77 = tpu.vector_load %arg15[%get3A_76] {strides = array<i32>} : memref<48xf32, #tpu.memory_space<vmem>>, vector<16xf32>,
      %eq3A_78 = arith.cmpi eq, %get3A_75, %masked_sort3A_52 : vector<16xi32>
      %add3A_79 = arith.addf %select_n3A_71, %get3A_77 : vector<16xf32>
      %select_n3A_80 = arith.select %eq3A_78, %add3A_79, %select_n3A_71 : vector<16xi1>, vector<16xf32>
      %swap3A_81 = arith.constant 16 : index
      %swap3A_82 = tpu.vector_load %arg15[%swap3A_81] {strides = array<i32>} : memref<48xf32, #tpu.memory_space<vmem>>, vector<16xf32>,
      tpu.vector_store %arg15[%swap3A_81], %select_n3A_80 {strides = array<i32>} : memref<48xf32, #tpu.memory_space<vmem>>, vector<16xf32>,
      %get3A_83 = arith.constant 8 : index
      %get3A_84 = tpu.vector_load %arg14[%get3A_83] {strides = array<i32>} : memref<48xi32, #tpu.memory_space<vmem>>, vector<16xi32>,
      %get3A_85 = arith.constant 8 : index
      %get3A_86 = tpu.vector_load %arg15[%get3A_85] {strides = array<i32>} : memref<48xf32, #tpu.memory_space<vmem>>, vector<16xf32>,
      %eq3A_87 = arith.cmpi eq, %get3A_84, %masked_sort3A_52 : vector<16xi32>
      %add3A_88 = arith.addf %select_n3A_80, %get3A_86 : vector<16xf32>
      %select_n3A_89 = arith.select %eq3A_87, %add3A_88, %select_n3A_80 : vector<16xi1>, vector<16xf32>
      %get3A_90 = arith.constant 17 : index
      %get3A_91 = tpu.vector_load %arg14[%get3A_90] {strides = array<i32>} : memref<48xi32, #tpu.memory_space<vmem>>, vector<16xi32>,
      %ne3A = arith.cmpi ne, %get3A_91, %masked_sort3A_52 : vector<16xi32>
      %gather3A_92 = tpu.vector_load_idx %arg13[%masked_sort3A_52] : memref<10240xf32, #tpu.memory_space<vmem>>[vector<16xi32>], vector<16xf32>,
      %add3A_93 = arith.addf %gather3A_92, %select_n3A_89 : vector<16xf32>
      tpu.vector_store_idx %arg13[%masked_sort3A_52], %add3A_93 masked %ne3A : memref<10240xf32, #tpu.memory_space<vmem>>[vector<16xi32>], vector<16xf32>, vector<16xi1>
      %scan3A_94 = arith.constant 0 : i32
      scf.yield %scan3A_94 : i32
    }
    %scan3A_25 = arith.constant 645 : i32
    "tpu.region"() ({
      %run_scoped3A = tpu.sem_alloc : memref<!tpu.dma_semaphore, #tpu.memory_space<semaphore_mem>>
      %dma_start3A = tpu.memref_slice %arg6[%mul3A_2] : memref<330240xf32, #tpu.memory_space<hbm>> -> memref<10320xf32, #tpu.memory_space<hbm>>
      %dma_start3A_26 = tpu.memref_slice %arg6[%mul3A_2] : memref<330240xf32, #tpu.memory_space<hbm>> -> memref<10320xf32, #tpu.memory_space<hbm>>
      tpu.enqueue_dma source(%arg12 : memref<10320xf32, #tpu.memory_space<vmem>>) target(%dma_start3A_26 : memref<10320xf32, #tpu.memory_space<hbm>>) target_semaphore(%run_scoped3A : memref<!tpu.dma_semaphore, #tpu.memory_space<semaphore_mem>>)
      %dma_wait3A = tpu.memref_slice %arg6[%mul3A_2] : memref<330240xf32, #tpu.memory_space<hbm>> -> memref<10320xf32, #tpu.memory_space<hbm>>
      %dma_wait3A_27 = tpu.memref_slice %arg6[%mul3A_2] : memref<330240xf32, #tpu.memory_space<hbm>> -> memref<10320xf32, #tpu.memory_space<hbm>>
      tpu.wait_dma2 semaphore(%run_scoped3A : memref<!tpu.dma_semaphore, #tpu.memory_space<semaphore_mem>>) src(%arg12 : memref<10320xf32, #tpu.memory_space<vmem>>) dst(%dma_wait3A_27 : memref<10320xf32, #tpu.memory_space<hbm>>)
      tpu.yield
    }) : () -> ()
    "tpu.region"() ({
      %run_scoped3A = tpu.sem_alloc : memref<!tpu.dma_semaphore, #tpu.memory_space<semaphore_mem>>
      %dma_start3A = arith.constant 0 : i32
      %dma_start3A_26 = tpu.memref_slice %arg7[%add3A, %dma_start3A] : memref<32x10240xf32, #tpu.memory_space<hbm>> -> memref<1x10240xf32, #tpu.memory_space<hbm>>
      %dma_start3A_27 = tpu.memref_squeeze %dma_start3A_26 : memref<1x10240xf32, #tpu.memory_space<hbm>> -> memref<10240xf32, #tpu.memory_space<hbm>>
      %dma_start3A_28 = arith.constant 0 : i32
      %dma_start3A_29 = tpu.memref_slice %arg7[%add3A, %dma_start3A_28] : memref<32x10240xf32, #tpu.memory_space<hbm>> -> memref<1x10240xf32, #tpu.memory_space<hbm>>
      %dma_start3A_30 = tpu.memref_squeeze %dma_start3A_29 : memref<1x10240xf32, #tpu.memory_space<hbm>> -> memref<10240xf32, #tpu.memory_space<hbm>>
      tpu.enqueue_dma source(%arg13 : memref<10240xf32, #tpu.memory_space<vmem>>) target(%dma_start3A_30 : memref<10240xf32, #tpu.memory_space<hbm>>) target_semaphore(%run_scoped3A : memref<!tpu.dma_semaphore, #tpu.memory_space<semaphore_mem>>)
      %dma_wait3A = arith.constant 0 : i32
      %dma_wait3A_31 = tpu.memref_slice %arg7[%add3A, %dma_wait3A] : memref<32x10240xf32, #tpu.memory_space<hbm>> -> memref<1x10240xf32, #tpu.memory_space<hbm>>
      %dma_wait3A_32 = tpu.memref_squeeze %dma_wait3A_31 : memref<1x10240xf32, #tpu.memory_space<hbm>> -> memref<10240xf32, #tpu.memory_space<hbm>>
      %dma_wait3A_33 = arith.constant 0 : i32
      %dma_wait3A_34 = tpu.memref_slice %arg7[%add3A, %dma_wait3A_33] : memref<32x10240xf32, #tpu.memory_space<hbm>> -> memref<1x10240xf32, #tpu.memory_space<hbm>>
      %dma_wait3A_35 = tpu.memref_squeeze %dma_wait3A_34 : memref<1x10240xf32, #tpu.memory_space<hbm>> -> memref<10240xf32, #tpu.memory_space<hbm>>
      tpu.wait_dma2 semaphore(%run_scoped3A : memref<!tpu.dma_semaphore, #tpu.memory_space<semaphore_mem>>) src(%arg13 : memref<10240xf32, #tpu.memory_space<vmem>>) dst(%dma_wait3A_35 : memref<10240xf32, #tpu.memory_space<hbm>>)
      tpu.yield
    }) : () -> ()
    return
  }
}

module attributes {stable_mosaic.version = 14 : i64} {
  func.func @_lin1_body(%arg0: i32, %arg1: memref<1000x128xf32, #tpu.memory_space<vmem>>, %arg2: memref<128x128xf32, #tpu.memory_space<vmem>>, %arg3: memref<128xf32, #tpu.memory_space<vmem>>, %arg4: memref<1000x128xf32, #tpu.memory_space<vmem>>) attributes {dimension_semantics = [#tpu.dimension_semantics<arbitrary>], iteration_bounds = array<i64: 10>, scalar_prefetch = 0 : i64, scratch_operands = 0 : i64, tpu.core_type = #tpu.core_type<tc>, window_params = [{transform_indices = @transform_0, window_bounds = array<i64: 1000, 128>}, {pipeline_mode = #tpu.pipeline_mode<synchronous>, transform_indices = @transform_1, window_bounds = array<i64: 128, 128>}, {pipeline_mode = #tpu.pipeline_mode<synchronous>, transform_indices = @transform_2, window_bounds = array<i64: 128>}, {transform_indices = @transform_3, window_bounds = array<i64: 1000, 128>}]} {
    %get3A = arith.constant 0 : index
    %get3A_0 = arith.constant 0 : index
    %get3A_1 = vector.load %arg1[%get3A, %get3A_0] : memref<1000x128xf32, #tpu.memory_space<vmem>>, vector<1000x128xf32>
    %get3A_2 = arith.constant 0 : index
    %get3A_3 = arith.constant 0 : index
    %get3A_4 = vector.load %arg2[%get3A_2, %get3A_3] : memref<128x128xf32, #tpu.memory_space<vmem>>, vector<128x128xf32>
    %dot_general3A = arith.constant dense<0.000000e+00> : vector<1000x128xf32>
    %dot_general3A_5 = tpu.matmul %get3A_1, %get3A_4, %dot_general3A {dimension_numbers = #tpu.dot_dimension_numbers<[1], [0], [0], [1], [0, 0, 1, 1], [], []>, transpose_lhs_hint = false} : vector<1000x128xf32>, vector<128x128xf32>, vector<1000x128xf32> -> vector<1000x128xf32>
    %get3A_6 = arith.constant 0 : index
    %get3A_7 = vector.load %arg3[%get3A_6] : memref<128xf32, #tpu.memory_space<vmem>>, vector<128xf32>
    %broadcast_in_dim3A = vector.shape_cast %get3A_7 : vector<128xf32> to vector<1x128xf32>
    %add3A = vector.broadcast %broadcast_in_dim3A : vector<1x128xf32> to vector<1000x128xf32>
    %add3A_8 = arith.addf %dot_general3A_5, %add3A : vector<1000x128xf32>
    %swap3A = arith.constant 0 : index
    %swap3A_9 = arith.constant 0 : index
    %swap3A_10 = vector.load %arg4[%swap3A, %swap3A_9] : memref<1000x128xf32, #tpu.memory_space<vmem>>, vector<1000x128xf32>
    tpu.vector_store %arg4[%swap3A, %swap3A_9], %add3A_8 {strides = array<i32>} : memref<1000x128xf32, #tpu.memory_space<vmem>>, vector<1000x128xf32>,
    return
  }
  func.func @transform_0(%arg0: i32) -> (i32, i32) {
    %c0_i32 = arith.constant 0 : i32
    %c0_i32_0 = arith.constant 0 : i32
    return %arg0, %c0_i32 : i32, i32
  }
  func.func @transform_1(%arg0: i32) -> (i32, i32) {
    %c0_i32 = arith.constant 0 : i32
    %c0_i32_0 = arith.constant 0 : i32
    %c0_i32_1 = arith.constant 0 : i32
    return %c0_i32, %c0_i32_0 : i32, i32
  }
  func.func @transform_2(%arg0: i32) -> i32 {
    %c0_i32 = arith.constant 0 : i32
    %c0_i32_0 = arith.constant 0 : i32
    return %c0_i32 : i32
  }
  func.func @transform_3(%arg0: i32) -> (i32, i32) {
    %c0_i32 = arith.constant 0 : i32
    %c0_i32_0 = arith.constant 0 : i32
    return %arg0, %c0_i32 : i32, i32
  }
}

module attributes {stable_mosaic.version = 14 : i64} {
  func.func @_dense_body(%arg0: i32, %arg1: memref<1000x128xf32, #tpu.memory_space<vmem>>, %arg2: memref<128x128xf32, #tpu.memory_space<vmem>>, %arg3: memref<128x2xf32, #tpu.memory_space<vmem>>, %arg4: memref<1000x128xf32, #tpu.memory_space<vmem>>, %arg5: memref<1000x2xf32, #tpu.memory_space<vmem>>) attributes {dimension_semantics = [#tpu.dimension_semantics<arbitrary>], iteration_bounds = array<i64: 10>, scalar_prefetch = 0 : i64, scratch_operands = 0 : i64, tpu.core_type = #tpu.core_type<tc>, window_params = [{transform_indices = @transform_0, window_bounds = array<i64: 1000, 128>}, {pipeline_mode = #tpu.pipeline_mode<synchronous>, transform_indices = @transform_1, window_bounds = array<i64: 128, 128>}, {pipeline_mode = #tpu.pipeline_mode<synchronous>, transform_indices = @transform_2, window_bounds = array<i64: 128, 2>}, {transform_indices = @transform_3, window_bounds = array<i64: 1000, 128>}, {transform_indices = @transform_4, window_bounds = array<i64: 1000, 2>}]} {
    %get3A = arith.constant 0 : index
    %get3A_0 = arith.constant 0 : index
    %get3A_1 = vector.load %arg1[%get3A, %get3A_0] : memref<1000x128xf32, #tpu.memory_space<vmem>>, vector<1000x128xf32>
    %get3A_2 = arith.constant 0 : index
    %get3A_3 = arith.constant 0 : index
    %get3A_4 = vector.load %arg2[%get3A_2, %get3A_3] : memref<128x128xf32, #tpu.memory_space<vmem>>, vector<128x128xf32>
    %dot_general3A = arith.constant dense<0.000000e+00> : vector<1000x128xf32>
    %dot_general3A_5 = tpu.matmul %get3A_1, %get3A_4, %dot_general3A {dimension_numbers = #tpu.dot_dimension_numbers<[1], [0], [0], [1], [0, 0, 1, 1], [], []>, transpose_lhs_hint = false} : vector<1000x128xf32>, vector<128x128xf32>, vector<1000x128xf32> -> vector<1000x128xf32>
    %swap3A = arith.constant 0 : index
    %swap3A_6 = arith.constant 0 : index
    %swap3A_7 = vector.load %arg4[%swap3A, %swap3A_6] : memref<1000x128xf32, #tpu.memory_space<vmem>>, vector<1000x128xf32>
    tpu.vector_store %arg4[%swap3A, %swap3A_6], %dot_general3A_5 {strides = array<i32>} : memref<1000x128xf32, #tpu.memory_space<vmem>>, vector<1000x128xf32>,
    %get3A_8 = arith.constant 0 : index
    %get3A_9 = arith.constant 0 : index
    %get3A_10 = vector.load %arg3[%get3A_8, %get3A_9] : memref<128x2xf32, #tpu.memory_space<vmem>>, vector<128x2xf32>
    %dot_general3A_11 = arith.constant dense<0.000000e+00> : vector<1000x2xf32>
    %dot_general3A_12 = tpu.matmul %dot_general3A_5, %get3A_10, %dot_general3A_11 {dimension_numbers = #tpu.dot_dimension_numbers<[1], [0], [0], [1], [0, 0, 1, 1], [], []>, transpose_lhs_hint = false} : vector<1000x128xf32>, vector<128x2xf32>, vector<1000x2xf32> -> vector<1000x2xf32>
    %swap3A_13 = arith.constant 0 : index
    %swap3A_14 = arith.constant 0 : index
    %swap3A_15 = vector.load %arg5[%swap3A_13, %swap3A_14] : memref<1000x2xf32, #tpu.memory_space<vmem>>, vector<1000x2xf32>
    tpu.vector_store %arg5[%swap3A_13, %swap3A_14], %dot_general3A_12 {strides = array<i32>} : memref<1000x2xf32, #tpu.memory_space<vmem>>, vector<1000x2xf32>,
    return
  }
  func.func @transform_0(%arg0: i32) -> (i32, i32) {
    %c0_i32 = arith.constant 0 : i32
    %c0_i32_0 = arith.constant 0 : i32
    return %arg0, %c0_i32 : i32, i32
  }
  func.func @transform_1(%arg0: i32) -> (i32, i32) {
    %c0_i32 = arith.constant 0 : i32
    %c0_i32_0 = arith.constant 0 : i32
    %c0_i32_1 = arith.constant 0 : i32
    return %c0_i32, %c0_i32_0 : i32, i32
  }
  func.func @transform_2(%arg0: i32) -> (i32, i32) {
    %c0_i32 = arith.constant 0 : i32
    %c0_i32_0 = arith.constant 0 : i32
    %c0_i32_1 = arith.constant 0 : i32
    return %c0_i32, %c0_i32_0 : i32, i32
  }
  func.func @transform_3(%arg0: i32) -> (i32, i32) {
    %c0_i32 = arith.constant 0 : i32
    %c0_i32_0 = arith.constant 0 : i32
    return %arg0, %c0_i32 : i32, i32
  }
  func.func @transform_4(%arg0: i32) -> (i32, i32) {
    %c0_i32 = arith.constant 0 : i32
    %c0_i32_0 = arith.constant 0 : i32
    return %arg0, %c0_i32 : i32, i32
  }
}

module attributes {stable_mosaic.version = 14 : i64} {
  func.func @_combine_body(%arg0: i32, %arg1: memref<1000x128xf32, #tpu.memory_space<vmem>>, %arg2: memref<1000x128xf32, #tpu.memory_space<vmem>>, %arg3: memref<128xf32, #tpu.memory_space<vmem>>, %arg4: memref<128x128xf32, #tpu.memory_space<vmem>>, %arg5: memref<128x2xf32, #tpu.memory_space<vmem>>, %arg6: memref<1000x128xf32, #tpu.memory_space<vmem>>, %arg7: memref<1000x2xf32, #tpu.memory_space<vmem>>) attributes {dimension_semantics = [#tpu.dimension_semantics<arbitrary>], iteration_bounds = array<i64: 10>, scalar_prefetch = 0 : i64, scratch_operands = 0 : i64, tpu.core_type = #tpu.core_type<tc>, window_params = [{transform_indices = @transform_0, window_bounds = array<i64: 1000, 128>}, {transform_indices = @transform_1, window_bounds = array<i64: 1000, 128>}, {pipeline_mode = #tpu.pipeline_mode<synchronous>, transform_indices = @transform_2, window_bounds = array<i64: 128>}, {pipeline_mode = #tpu.pipeline_mode<synchronous>, transform_indices = @transform_3, window_bounds = array<i64: 128, 128>}, {pipeline_mode = #tpu.pipeline_mode<synchronous>, transform_indices = @transform_4, window_bounds = array<i64: 128, 2>}, {transform_indices = @transform_5, window_bounds = array<i64: 1000, 128>}, {transform_indices = @transform_6, window_bounds = array<i64: 1000, 2>}]} {
    %get3A = arith.constant 0 : index
    %get3A_0 = arith.constant 0 : index
    %get3A_1 = vector.load %arg1[%get3A, %get3A_0] : memref<1000x128xf32, #tpu.memory_space<vmem>>, vector<1000x128xf32>
    %get3A_2 = arith.constant 0 : index
    %get3A_3 = arith.constant 0 : index
    %get3A_4 = vector.load %arg2[%get3A_2, %get3A_3] : memref<1000x128xf32, #tpu.memory_space<vmem>>, vector<1000x128xf32>
    %add3A = arith.addf %get3A_1, %get3A_4 : vector<1000x128xf32>
    %get3A_5 = arith.constant 0 : index
    %get3A_6 = vector.load %arg3[%get3A_5] : memref<128xf32, #tpu.memory_space<vmem>>, vector<128xf32>
    %broadcast_in_dim3A = vector.shape_cast %get3A_6 : vector<128xf32> to vector<1x128xf32>
    %add3A_7 = vector.broadcast %broadcast_in_dim3A : vector<1x128xf32> to vector<1000x128xf32>
    %add3A_8 = arith.addf %add3A, %add3A_7 : vector<1000x128xf32>
    %max3A = arith.constant 0.000000e+00 : f32
    %max3A_9 = vector.broadcast %max3A : f32 to vector<1000x128xf32>
    %max3A_10 = arith.maximumf %add3A_8, %max3A_9 : vector<1000x128xf32>
    %get3A_11 = arith.constant 0 : index
    %get3A_12 = arith.constant 0 : index
    %get3A_13 = vector.load %arg4[%get3A_11, %get3A_12] : memref<128x128xf32, #tpu.memory_space<vmem>>, vector<128x128xf32>
    %dot_general3A = arith.constant dense<0.000000e+00> : vector<1000x128xf32>
    %dot_general3A_14 = tpu.matmul %max3A_10, %get3A_13, %dot_general3A {dimension_numbers = #tpu.dot_dimension_numbers<[1], [0], [0], [1], [0, 0, 1, 1], [], []>, transpose_lhs_hint = false} : vector<1000x128xf32>, vector<128x128xf32>, vector<1000x128xf32> -> vector<1000x128xf32>
    %swap3A = arith.constant 0 : index
    %swap3A_15 = arith.constant 0 : index
    %swap3A_16 = vector.load %arg6[%swap3A, %swap3A_15] : memref<1000x128xf32, #tpu.memory_space<vmem>>, vector<1000x128xf32>
    tpu.vector_store %arg6[%swap3A, %swap3A_15], %dot_general3A_14 {strides = array<i32>} : memref<1000x128xf32, #tpu.memory_space<vmem>>, vector<1000x128xf32>,
    %get3A_17 = arith.constant 0 : index
    %get3A_18 = arith.constant 0 : index
    %get3A_19 = vector.load %arg5[%get3A_17, %get3A_18] : memref<128x2xf32, #tpu.memory_space<vmem>>, vector<128x2xf32>
    %dot_general3A_20 = arith.constant dense<0.000000e+00> : vector<1000x2xf32>
    %dot_general3A_21 = tpu.matmul %dot_general3A_14, %get3A_19, %dot_general3A_20 {dimension_numbers = #tpu.dot_dimension_numbers<[1], [0], [0], [1], [0, 0, 1, 1], [], []>, transpose_lhs_hint = false} : vector<1000x128xf32>, vector<128x2xf32>, vector<1000x2xf32> -> vector<1000x2xf32>
    %swap3A_22 = arith.constant 0 : index
    %swap3A_23 = arith.constant 0 : index
    %swap3A_24 = vector.load %arg7[%swap3A_22, %swap3A_23] : memref<1000x2xf32, #tpu.memory_space<vmem>>, vector<1000x2xf32>
    tpu.vector_store %arg7[%swap3A_22, %swap3A_23], %dot_general3A_21 {strides = array<i32>} : memref<1000x2xf32, #tpu.memory_space<vmem>>, vector<1000x2xf32>,
    return
  }
  func.func @transform_0(%arg0: i32) -> (i32, i32) {
    %c0_i32 = arith.constant 0 : i32
    %c0_i32_0 = arith.constant 0 : i32
    return %arg0, %c0_i32 : i32, i32
  }
  func.func @transform_1(%arg0: i32) -> (i32, i32) {
    %c0_i32 = arith.constant 0 : i32
    %c0_i32_0 = arith.constant 0 : i32
    return %arg0, %c0_i32 : i32, i32
  }
  func.func @transform_2(%arg0: i32) -> i32 {
    %c0_i32 = arith.constant 0 : i32
    %c0_i32_0 = arith.constant 0 : i32
    return %c0_i32 : i32
  }
  func.func @transform_3(%arg0: i32) -> (i32, i32) {
    %c0_i32 = arith.constant 0 : i32
    %c0_i32_0 = arith.constant 0 : i32
    %c0_i32_1 = arith.constant 0 : i32
    return %c0_i32, %c0_i32_0 : i32, i32
  }
  func.func @transform_4(%arg0: i32) -> (i32, i32) {
    %c0_i32 = arith.constant 0 : i32
    %c0_i32_0 = arith.constant 0 : i32
    %c0_i32_1 = arith.constant 0 : i32
    return %c0_i32, %c0_i32_0 : i32, i32
  }
  func.func @transform_5(%arg0: i32) -> (i32, i32) {
    %c0_i32 = arith.constant 0 : i32
    %c0_i32_0 = arith.constant 0 : i32
    return %arg0, %c0_i32 : i32, i32
  }
  func.func @transform_6(%arg0: i32) -> (i32, i32) {
    %c0_i32 = arith.constant 0 : i32
    %c0_i32_0 = arith.constant 0 : i32
    return %arg0, %c0_i32 : i32, i32
  }
}

module attributes {stable_mosaic.version = 14 : i64} {
  func.func @_final_body(%arg0: i32, %arg1: memref<1000x128xf32, #tpu.memory_space<vmem>>, %arg2: memref<1000x128xf32, #tpu.memory_space<vmem>>, %arg3: memref<128xf32, #tpu.memory_space<vmem>>, %arg4: memref<1000x128xf32, #tpu.memory_space<vmem>>) attributes {dimension_semantics = [#tpu.dimension_semantics<arbitrary>], iteration_bounds = array<i64: 10>, scalar_prefetch = 0 : i64, scratch_operands = 0 : i64, tpu.core_type = #tpu.core_type<tc>, window_params = [{transform_indices = @transform_0, window_bounds = array<i64: 1000, 128>}, {transform_indices = @transform_1, window_bounds = array<i64: 1000, 128>}, {pipeline_mode = #tpu.pipeline_mode<synchronous>, transform_indices = @transform_2, window_bounds = array<i64: 128>}, {transform_indices = @transform_3, window_bounds = array<i64: 1000, 128>}]} {
    %get3A = arith.constant 0 : index
    %get3A_0 = arith.constant 0 : index
    %get3A_1 = vector.load %arg1[%get3A, %get3A_0] : memref<1000x128xf32, #tpu.memory_space<vmem>>, vector<1000x128xf32>
    %get3A_2 = arith.constant 0 : index
    %get3A_3 = arith.constant 0 : index
    %get3A_4 = vector.load %arg2[%get3A_2, %get3A_3] : memref<1000x128xf32, #tpu.memory_space<vmem>>, vector<1000x128xf32>
    %add3A = arith.addf %get3A_1, %get3A_4 : vector<1000x128xf32>
    %get3A_5 = arith.constant 0 : index
    %get3A_6 = vector.load %arg3[%get3A_5] : memref<128xf32, #tpu.memory_space<vmem>>, vector<128xf32>
    %broadcast_in_dim3A = vector.shape_cast %get3A_6 : vector<128xf32> to vector<1x128xf32>
    %add3A_7 = vector.broadcast %broadcast_in_dim3A : vector<1x128xf32> to vector<1000x128xf32>
    %add3A_8 = arith.addf %add3A, %add3A_7 : vector<1000x128xf32>
    %swap3A = arith.constant 0 : index
    %swap3A_9 = arith.constant 0 : index
    %swap3A_10 = vector.load %arg4[%swap3A, %swap3A_9] : memref<1000x128xf32, #tpu.memory_space<vmem>>, vector<1000x128xf32>
    tpu.vector_store %arg4[%swap3A, %swap3A_9], %add3A_8 {strides = array<i32>} : memref<1000x128xf32, #tpu.memory_space<vmem>>, vector<1000x128xf32>,
    return
  }
  func.func @transform_0(%arg0: i32) -> (i32, i32) {
    %c0_i32 = arith.constant 0 : i32
    %c0_i32_0 = arith.constant 0 : i32
    return %arg0, %c0_i32 : i32, i32
  }
  func.func @transform_1(%arg0: i32) -> (i32, i32) {
    %c0_i32 = arith.constant 0 : i32
    %c0_i32_0 = arith.constant 0 : i32
    return %arg0, %c0_i32 : i32, i32
  }
  func.func @transform_2(%arg0: i32) -> i32 {
    %c0_i32 = arith.constant 0 : i32
    %c0_i32_0 = arith.constant 0 : i32
    return %c0_i32 : i32
  }
  func.func @transform_3(%arg0: i32) -> (i32, i32) {
    %c0_i32 = arith.constant 0 : i32
    %c0_i32_0 = arith.constant 0 : i32
    return %arg0, %c0_i32 : i32, i32
  }
}

</mosaic_0001>

<sc_bundles>
// kernel: kernel.10.cloned.1.call-start
scs
__scs_entry_jumppad:
0x0: {  	(pc) =	sbr.rel $0x88, $3  }
0x1: {  	(tag) =	ssettag $0x0;
	lr =	simm.s32 $0x1  }
0x2: {  	[smem:$0x3F85] =	sst lr;
	_ =	strace $0xD0000000  }
0x3: {  	_ = 	snop  }
0x4: {  	_ = 	snop  }
0x5: {  	_ = 	snop  }
0x6: {  	_ = 	snop  }
0x7: {  	_ = 	snop  }
__scs_overlays_trampoline_lowered:
0x8: {  	[smem:$0x3F94] =	sst s0  }
0x9: {  	[smem:$0x3F95] =	sst s1  }
0xa: {  	[smem:$0x3F96] =	sst s2  }
0xb: {  	[smem:$0x3F97] =	sst s3  }
0xc: {  	[smem:$0x3F98] =	sst s4  }
0xd: {  	[smem:$0x3F99] =	sst s5  }
0xe: {  	[smem:$0x3F9A] =	sst s6  }
0xf: {  	[smem:$0x3F9B] =	sst s7  }
0x10: {  	[smem:$0x3F9C] =	sst s8  }
0x11: {  	[smem:$0x3F9D] =	sst s9;
	s0 =	simm.s32 @!p0 $0x0  }
0x12: {  	s1 =	sld [smem:$0x3F83];
	s0 =	simm.s32 @p0 $0x1  }
0x13: {  	[smem:$0x3F9E] =	sst s0;
	s0 =	simm.s32 @!p1 $0x0  }
0x14: {  	s2 =	sld [smem:$0x3F82];
	s0 =	simm.s32 @p1 $0x1  }
0x15: {  	[smem:$0x3F9F] =	sst s0;
	s0 =	simm.s32 @!p2 $0x0  }
0x16: {  	s3 =	sld [smem:$0x3FDB];
	s0 =	simm.s32 @p2 $0x1  }
0x17: {  	s4 =	simm.s32 $0x1BF5;
	[smem:$0x3FA1] =	sst s0  }
0x18: {  	s0 =	sld [smem:$0x3F84];
	_ =	swait.ge [sflag:s4], $0x0  }
0x19: {  	s7 =	sld [smem:$0x3F85]  }
0x1a: {  	s8 =	sadd.s32 $0xFFFFE003, lr  }
0x1b: {  	s9 =	sadd.s32 $0xFFFFFEF7, lr;
	s5 =	simm.s32 $0xFFFFFFFF;
	p2 =	slt.u32 s8, $0xFFFFF086  }
0x1c: {  	p1 =	slt.u32 s9, $0xF7A;
	s5 =	simm.s32 @!p2 $0x0  }
0x1d: {  	s5 =	simm.s32 @p1 $0x1;
	p0 =	seq.s32 s7, s2  }
0x1e: {  	s7 =	smul.u32 @!p0 $0xF7A, s2;
	p2 =	seq.s32 @!p0 s5, $0x0  }
0x1f: {  	s9 =	smul.u32 $0xF7A, s1;
	s8 =	simm.s32 @!p0 $0x1BF5;
	p2 =	por !p2, p0  }
0x20: {  	[sflag:s8] =	ssyncset.s32 @!p0 $0xFFFFF086;
	s6 =	sadd.s32 @!p0 s3, s7;
	s7 =	simm.s32 @!p0 $0x108  }
0x21: {  	s3 =	sadd.s32 s3, s9;
	s6 =	sadd.s32 @!p0 $0x88, s6;
	s7 =	simm.s32 @p2 $0x1082  }
0x22: {  	[simem:s7], [sflag:s8] =	dma.local @!p0 [hbm:s6], $0xF7A  }
0x23: {  	s9 =	sor.u32 $0xD0000000, s2;
	s6 =	simm.s32 $0x108;
	_ =	swait.ge @!p0 [sflag:s8], $0x0  }
0x24: {  	s3 =	sadd.s32 $0x88, s3;
	s6 =	simm.s32 @!p1 $0x1082;
	[sflag:s4] =	ssyncset.s32 $0xFFFFF086  }
0x25: {  	[simem:s6], [sflag:s4] =	dma.local [hbm:s3], $0xF7A  }
0x26: {  	[smem:$0x3F85] =	sst s1;
	(tag) =	ssettag s2;
	_ =	strace s9  }
0x27: {  	s1 =	sld [smem:$0x3F95]  }
0x28: {  	s2 =	sld [smem:$0x3F96]  }
0x29: {  	s4 =	sld [smem:$0x3F98]  }
0x2a: {  	p0 =	seq.s32 s5, $0x0;
	s5 =	sld [smem:$0x3F99]  }
0x2b: {  	s6 =	sld [smem:$0x3F9A]  }
0x2c: {  	s7 =	sld [smem:$0x3F9B]  }
0x2d: {  	s3 =	simm.s32 $0x108;
	s8 =	sld [smem:$0x3F9C]  }
0x2e: {  	s3 =	simm.s32 @!p0 $0x1082;
	s9 =	sld [smem:$0x3F9D]  }
0x2f: {  	lr =	sadd.s32 s0, s3;
	s0 =	sld [smem:$0x3F94]  }
0x30: {  	s3 =	sld [smem:$0x3F97]  }
0x31: {  	[smem:$0x3FA0] =	sst s10  }
0x32: {  	s10 =	sld [smem:$0x3F9E];
	_ =	sdelay $0x3  }
0x33: {  	p0 =	seq.s32 s10, $0x1;
	s10 =	sld [smem:$0x3FA0];
	_ =	sdelay $0x3  }
0x34: {  	[smem:$0x3FA0] =	sst s10  }
0x35: {  	s10 =	sld [smem:$0x3F9F];
	_ =	sdelay $0x3  }
0x36: {  	p1 =	seq.s32 s10, $0x1;
	s10 =	sld [smem:$0x3FA0];
	_ =	sdelay $0x3  }
0x37: {  	[smem:$0x3FA0] =	sst s10  }
0x38: {  	s10 =	sld [smem:$0x3FA1]  }
0x39: {  	_ = 	snop;
	(pc) =	sbr.ind lr, $3  }
0x3a: {  	_ = 	snop  }
0x3b: {  	_ = 	snop  }
0x3c: {  	p2 =	seq.s32 s10, $0x1;
	s10 =	sld [smem:$0x3FA0]  }
0x3d: {  	_ =	shalt  }
0x3e: {  	_ =	shalt  }
0x3f: {  	_ =	shalt  }
0x40: {  	_ =	shalt  }
0x41: {  	_ =	shalt  }
0x42: {  	_ =	shalt  }
0x43: {  	_ =	shalt  }
0x44: {  	_ =	shalt  }
0x45: {  	_ =	shalt  }
0x46: {  	_ =	shalt  }
0x47: {  	_ =	shalt  }
0x48: {  	_ =	shalt  }
0x49: {  	_ =	shalt  }
0x4a: {  	_ =	shalt  }
0x4b: {  	_ =	shalt  }
0x4c: {  	_ =	shalt  }
0x4d: {  	_ =	shalt  }
0x4e: {  	_ =	shalt  }
0x4f: {  	_ =	shalt  }
0x50: {  	_ =	shalt  }
0x51: {  	_ =	shalt  }
0x52: {  	_ =	shalt  }
0x53: {  	_ =	shalt  }
0x54: {  	_ =	shalt  }
0x55: {  	_ =	shalt  }
0x56: {  	_ =	shalt  }
0x57: {  	_ =	shalt  }
0x58: {  	_ =	shalt  }
0x59: {  	_ =	shalt  }
0x5a: {  	_ =	shalt  }
0x5b: {  	_ =	shalt  }
0x5c: {  	_ =	shalt  }
0x5d: {  	_ =	shalt  }
0x5e: {  	_ =	shalt  }
0x5f: {  	_ =	shalt  }
0x60: {  	_ =	shalt  }
0x61: {  	_ =	shalt  }
0x62: {  	_ =	shalt  }
0x63: {  	_ =	shalt  }
0x64: {  	_ =	shalt  }
0x65: {  	_ =	shalt  }
0x66: {  	_ =	shalt  }
0x67: {  	_ =	shalt  }
0x68: {  	_ =	shalt  }
0x69: {  	_ =	shalt  }
0x6a: {  	_ =	shalt  }
0x6b: {  	_ =	shalt  }
0x6c: {  	_ =	shalt  }
0x6d: {  	_ =	shalt  }
0x6e: {  	_ =	shalt  }
0x6f: {  	_ =	shalt  }
0x70: {  	_ =	shalt  }
0x71: {  	_ =	shalt  }
0x72: {  	_ =	shalt  }
0x73: {  	_ =	shalt  }
0x74: {  	_ =	shalt  }
0x75: {  	_ =	shalt  }
0x76: {  	_ =	shalt  }
0x77: {  	_ =	shalt  }
0x78: {  	_ =	shalt  }
0x79: {  	_ =	shalt  }
0x7a: {  	_ =	shalt  }
0x7b: {  	_ =	shalt  }
0x7c: {  	_ =	shalt  }
0x7d: {  	_ =	shalt  }
0x7e: {  	_ =	shalt  }
0x7f: {  	_ =	shalt  }
0x80: {  	_ =	shalt  }
0x81: {  	_ =	shalt  }
0x82: {  	_ =	shalt  }
0x83: {  	_ =	shalt  }
0x84: {  	_ =	shalt  }
0x85: {  	_ =	shalt  }
0x86: {  	_ =	shalt  }
0x87: {  	_ =	shalt  }
.Lfunc_end0:
.L_simem_size_0:
called_computation.4_lowered:
.L_overlay_start_0:
0x88: {  	s2 =	sld [smem:$0x3FD9]  }
0x89: {  	s3 =	sld [smem:$0x3FFE];
	_ =	sdelay $0x1  }
0x8a: {  	s1 =	srdreg.scid  }
0x8b: {  	s0 =	sand.u32 $0x1, s1  }
0x8c: {  	s16 =	sshll.u32 s0, $0xA;
	s2 =	sadd.s32 s3, s2  }
0x8d: {  	s2 =	sadd.s32 s2, s16  }
0x8e: {  	[smem:$0x3FAC] =	sst s2  }
0x8f: {  	_ = 	snop  }
0x90: {  	(tm) =	ssettm $0x1  }
0x91: {  	s17 =	sld [smem:$0x3FFB];
	_ =	sdelay $0x3  }
0x92: {  	_ =	strace s17  }
0x93: {  	s2 =	sld [smem:$0x3FFC];
	_ =	sdelay $0x3  }
0x94: {  	_ =	strace s2  }
0x95: {  	s2 =	sld [smem:$0x3FFD];
	_ =	sdelay $0x3  }
0x96: {  	_ =	strace s2  }
0x97: {  	_ =	strace $0x8FFFFFFF  }
0x98: {  	s18 =	sld [smem:$0x3FDB];
	_ =	sdelay $0x1  }
0x99: {  	s19 =	simm.s32 $_scs_section_size  }
0x9a: {  	s4 =	simm.s32 $_size__tile_overlayer_lowered;
	s5 =	simm.s32 $_tile_overlayer_lowered  }
0x9b: {  	s22 =	simm.s32 $0x1BFF;
	s21 =	sshll.u32 s5, $0x1;
	s2 =	sadd.s32 s19, s18  }
0x9c: {  	s6 =	simm.s32 $0x0;
	s20 =	sshll.u32 s4, $0x1;
	s4 =	sadd.s32 s21, s2  }
0x9d: {  	[timem:s6], [sflag:s22] =	dma.local [hbm:s4], s20  }
0x9e: {  	_ =	swait.ge [sflag:s22], s20  }
0x9f: {  	s3 =	ssub.s32 $0x0, s20;
	[sflag:s22] =	ssyncset.done $0x0  }
0xa0: {  	[sflag:s22] =	ssyncadd.s32 s3;
	_ =	sdelay $0x1  }
0xa1: {  	s23 =	simm.s32 $0x1B8B  }
0xa2: {  	_ =	swait.ge [sflag:s23], $0x1  }
0xa3: {  	[sflag:s23] =	ssyncset.done $0x0  }
0xa4: {  	s25 =	simm.s32 $0x1B8E;
	s24 =	sld [smem:$0x3FFE];
	[sflag:s23] =	ssyncadd.s32 $0xFFFFFFFF  }
0xa5: {  	s26 =	simm.s32 $execute0_lowered;
	[smem:$0x3FD2] =	sst s25  }
0xa6: {  	s4 =	sshll.u32 s26, $0x1;
	_ =	strace $0x80000046;
	[dreg:$0x1] =	wrdreg $0xFFFFFFFF  }
0xa7: {  	s28 =	simm.s32 $_size_execute0_lowered;
	s2 =	sadd.s32 s2, s4;
	[dreg:$0x0] =	wrdreg $0x0  }
0xa8: {  	s4 =	sshll.u32 s28, $0x1;
	[dreg:$0x2] =	wrdreg s2  }
0xa9: {  	[dreg:$0x3] =	wrdreg s4  }
0xaa: {  	[dreg:$0x4] =	wrdreg $0xC0  }
0xab: {  	_ =	task [dreg:s6], $0x5FFFF  }
0xac: {  	[dreg:$0x1] =	wrdreg $0xFFFFFFFF  }
0xad: {  	[dreg:$0x0] =	wrdreg $0x60  }
0xae: {  	[dreg:$0x2] =	wrdreg s24  }
0xaf: {  	[dreg:$0x3] =	wrdreg $0x9  }
0xb0: {  	_ =	task.clear_ibuf [dreg:s6], $0x4FFFF;
	_ =	strace $0x90000046  }
0xb1: {  	s29 =	simm.s32 $0x9;
	_ =	strace $0x80000048  }
0xb2: {  	_ =	swait.ge [sflag:s29], $0x1  }
0xb3: {  	[sflag:s29] =	ssyncadd.s32 $0xFFFFFFFF  }
0xb4: {  	_ =	strace $0x90000048  }
0xb5: {  	_ =	sfence  }
0xb6: {  	s30 =	sld [smem:$0x0];
	_ =	sdelay $0x2  }
0xb7: {  	s31 =	sshll.u32 s1, $0xD;
	s1 =	sshrl.u32 s1, $0x2  }
0xb8: {  	s3 =	sand.u32 $0x4000, s31;
	s1 =	sadd.s32 s1, s30  }
0xb9: {  	s0 =	sor.u32 s3, s0;
	s1 =	sshll.u32 s1, $0x11  }
0xba: {  	s0 =	sor.u32 s1, s0  }
0xbb: {  	s0 =	sadd.s32 $0x8F2B, s0  }
0xbc: {  	[sflag:s0] =	ssyncadd.remote.s32 $0x1  }
0xbd: {  	_ =	sfence.sel $0xFFFF  }
0xbe: {  	[dreg:$0x0] =	wrdreg $0xFFFFFFFF;
	(pc) =	sbr.abs _section_cstart, $3  }
0xbf: {  	[dreg:$0x1] =	wrdreg $0xFFFFFFFF  }
0xc0: {  	_ =	task.clear_ibuf [dreg:s6], $0x2FFFF;
	_ =	strace $0x9FFFFFFF  }
0xc1: {  	(tm) =	ssettm $0x7FFFFFFF  }
tec
execute0_lowered:
.L_overlay_start_1:
0x0: {  	(tag) =	ssettag $0x1  }
0x1: {  	s0 =	srdreg.scid;
	s6 =	rddreg [dreg:$0x0]  }
0x2: {  	s2 =	simm.s32 $0x0;
	s11 =	simm.s32 $0x2800;
	s12 =	simm.s32 $0x5000  }
0x3: {  	s13 =	simm.s32 $0x7880;
	s14 =	simm.s32 $0xC980;
	s15 =	simm.s32 $0xA100  }
0x4: {  	s16 =	simm.s32 $0x80;
	s17 =	simm.s32 $0x400;
	s5 =	sand.u32 $0x1, s0  }
0x5: {  	s18 =	simm.s32 $0x0;
	s0 =	stileid.u32;
	s1 =	sshll.u32 s5, $0x4  }
0x6: {  	[smem:$0x7FF] =	sst s2;
	s28 =	sshll.u32 s0, $0x7;
	s4 =	sor.u32 s0, s1  }
0x7: {  	s5 =	ssub.s32 $0x2, s5;
	s1 =	rddreg [dreg:$0x1];
	s3 =	sshrl.u32 s4, $0x3  }
0x8: {  	_ =	strace $0x80000047;
	s8 =	sand.u32 $0x380, s28;
	s7 =	smul.u32 $0x14000, s3  }
0x9: {  	s31 =	sshrl.u32 s5, $0x1;
	s9 =	smul.u32 $0x50A, s4;
	s4 =	sadd.s32 $0xA00, s6  }
0xa: {  	s10 =	ssub.s32 s5, s31;
	s3 =	sadd.s32 $0x400, s6;
	s7 =	sor.u32 s8, s7  }
0xb: {  	s29 =	sadd.s32 s9, s6;
	s9 =	smax.u32 s10, $0x1;
	s7 =	sshrl.u32 s7, $0x3  }
0xc: {  	s10 =	simm.s32 $0x1;
	s5 =	sadd.s32 $0xB200, s29;
	s30 =	sadd.s32 s7, s6  }
0xd: {  	v0 =	vimm.s32 $0xFFFFFFFE;
	v1 =	vimm.s32 $0xFFFFFFFD;
	v2 =	vimm.f32 $0.0e+00;
	s6 =	sadd.s32 $0x1000, s29;
	s7 =	sadd.s32 $0x1F400, s29;
	s8 =	sadd.s32 $0x15400, s30  }
.LBB2_1:
0xe: {  	[tilespmem:s2], [sflag:$0x1] =	stream.linear.gather [hbm4b:s3+s2], $0x2800, $0x38;
	[tilespmem:$0xF280] =	vst v63  }
0xf: {  	_ =	swait.ge [sflag:s10], $0x2800  }
0x10: {  	[sflag:s10] =	ssyncset.done $0x0  }
0x11: {  	[sflag:s10] =	ssyncadd.s32 $0xFFFFD800  }
0x12: {  	[tilespmem:s11], [sflag:$0x1] =	stream.linear.gather [hbm4b:s4+s2], $0x2800, $0x38;
	[tilespmem:$0xF280] =	vst v63  }
0x13: {  	_ =	swait.ge [sflag:s10], $0x2800  }
0x14: {  	[sflag:s10] =	ssyncset.done $0x0  }
0x15: {  	[sflag:s10] =	ssyncadd.s32 $0xFFFFD800  }
0x16: {  	[tilespmem:s12], [sflag:$0x1] =	stream.linear.gather [hbm4b:s5+s2], $0x2850, $0x38;
	[tilespmem:$0xF280] =	vst v63  }
0x17: {  	_ =	swait.ge [sflag:s10], $0x2850  }
0x18: {  	[sflag:s10] =	ssyncset.done $0x0  }
0x19: {  	[sflag:s10] =	ssyncadd.s32 $0xFFFFD7B0  }
0x1a: {  	[tilespmem:s13], [sflag:$0x1] =	stream.linear.gather [hbm4b:s6+s2], $0x2850, $0x38;
	[tilespmem:$0xF280] =	vst v63  }
0x1b: {  	_ =	swait.ge [sflag:s10], $0x2850  }
0x1c: {  	[sflag:s10] =	ssyncset.done $0x0  }
0x1d: {  	[sflag:s10] =	ssyncadd.s32 $0xFFFFD7B0  }
0x1e: {  	[tilespmem:$0xF180] =	vst v0  }
0x1f: {  	[tilespmem:$0xF1A0] =	vst v1  }
0x20: {  	s19 =	simm.s32 $0x0;
	[tilespmem:$0xF200] =	vst v2  }
.LBB2_2:
0x21: {  	p0 =	sne.s32 s19, $0x9FC0  }
.Ltmp0:
0x22: {  	_ = 	snop;
	(pc) =	sbr.rel @p0 .LBB2_2-.Ltmp0, $3  }
0x23: {  	_ =	sdelay $0x1  }
0x24: {  	s20 =	sshra.s32 s19, $0x2  }
0x25: {  	s19 =	sadd.s32 $0x40, s19;
	[tilespmem:s20+$0xC980] =	vst v2  }
0x26: {  	s19 =	simm.s32 $0x0  }
0x27: {  	v3 =	vld [tilespmem:s19+$0x5000]  }
0x28: {  	v4 =	vld [tilespmem:s19+$0x7880];
	_ =	sdelay $0x6  }
0x29: {  	v3 =	vld.idx.msk [tilespmem:v3+s2+$0x0], $0xffff  }
0x2a: {  	v5 =	vld.idx.msk [tilespmem:v4+s11+$0x0], $0xffff;
	_ =	sdelay $0x4  }
0x2b: {  	v3 =	vadd.f32 v5, v3;
	_ =	sdelay $0x1  }
0x2c: {  	v5 =	vmul.f32 $2.000000030e-01, v3  }
0x2d: {  	vm0 =	vge.f32 v3, $0.0e+00  }
0x2e: {  	v3 =	vsel vm0, v3, v5  }
0x2f: {  	v3 =	vmul.f32 $1.442695020e+00, v3;
	_ =	sdelay $0x1  }
0x30: {  	(erf) = vpow2.f32 v3;
	_ =	sdelay $0x8  }
0x31: {  	v3 =	vxor.u32 $0x80000000, v4;
	v4 =	vpop (erf)  }
0x32: {  	(xrf1) =	vsort.ascd.msk.u32 $0xffff, v3, v4;
	_ =	sdelay $0xd  }
0x33: {  	[tilespmem:s19+$0xA100] =	vst v4;
	v3, v4, _ =	vpop (xrf1)  }
0x34: {  	v3 =	vxor.u32 $0x80000000, v3;
	[tilespmem:$0xF210] =	vst v4  }
0x35: {  	[tilespmem:$0xF190] =	vst v3;
	v5 =	vld [tilespmem:$0xF20F]  }
0x36: {  	v6 =	vld [tilespmem:$0xF18F];
	_ =	sdelay $0x3  }
0x37: {  	v5 =	vadd.f32 v4, v5  }
0x38: {  	vm0 =	veq.s32 v6, v3  }
0x39: {  	v4 =	vsel vm0, v5, v4  }
0x3a: {  	[tilespmem:$0xF210] =	vst v4  }
0x3b: {  	v5 =	vld [tilespmem:$0xF20E]  }
0x3c: {  	v6 =	vld [tilespmem:$0xF18E];
	_ =	sdelay $0x3  }
0x3d: {  	v5 =	vadd.f32 v4, v5  }
0x3e: {  	vm0 =	veq.s32 v6, v3  }
0x3f: {  	v4 =	vsel vm0, v5, v4  }
0x40: {  	[tilespmem:$0xF210] =	vst v4  }
0x41: {  	v5 =	vld [tilespmem:$0xF20C]  }
0x42: {  	v6 =	vld [tilespmem:$0xF18C];
	_ =	sdelay $0x3  }
0x43: {  	v5 =	vadd.f32 v4, v5  }
0x44: {  	vm0 =	veq.s32 v6, v3  }
0x45: {  	v4 =	vsel vm0, v5, v4  }
0x46: {  	[tilespmem:$0xF210] =	vst v4  }
0x47: {  	v5 =	vld [tilespmem:$0xF208]  }
0x48: {  	v6 =	vld [tilespmem:$0xF188]  }
0x49: {  	v7 =	vld [tilespmem:$0xF191];
	_ =	sdelay $0x2  }
0x4a: {  	v5 =	vadd.f32 v5, v4  }
0x4b: {  	vm0 =	veq.s32 v6, v3;
	v8 =	vld.idx.msk [tilespmem:v3+s14+$0x0], $0xffff  }
0x4c: {  	v4 =	vsel vm0, v5, v4;
	vm0 =	vne.s32 v7, v3;
	_ =	sdelay $0x3  }
0x4d: {  	s19 =	simm.s32 $0x40;
	v4 =	vadd.f32 v4, v8  }
.LBB2_4:
0x4e: {  	p0 =	sne.s32 s19, $0xA100;
	s20 =	smov.u32 s19;
	s19 =	sadd.s32 $0x40, s19  }
0x4f: {  	s20 =	sshra.s32 s20, $0x2;
	[tilespmem:v3+s14+$0x0] =	vst.idx.msk vm0, v4  }
0x50: {  	v3 =	vld [tilespmem:s20+$0x5000]  }
0x51: {  	v4 =	vld [tilespmem:s20+$0x7880];
	_ =	sdelay $0x6  }
0x52: {  	v3 =	vld.idx.msk [tilespmem:v3+s2+$0x0], $0xffff  }
0x53: {  	v5 =	vld.idx.msk [tilespmem:v4+s11+$0x0], $0xffff;
	_ =	sdelay $0x5  }
0x54: {  	v3 =	vadd.f32 v5, v3;
	_ =	sdelay $0x1  }
0x55: {  	vm0 =	vge.f32 v3, $0.0e+00;
	v5 =	vmul.f32 $2.000000030e-01, v3;
	_ =	sdelay $0x1  }
0x56: {  	v3 =	vsel vm0, v3, v5  }
0x57: {  	v3 =	vmul.f32 $1.442695020e+00, v3;
	_ =	sdelay $0x1  }
0x58: {  	(erf) = vpow2.f32 v3;
	_ =	sdelay $0x7  }
0x59: {  	v3 =	vxor.u32 $0x80000000, v4  }
0x5a: {  	v4 =	vpop (erf)  }
0x5b: {  	(xrf1) =	vsort.ascd.msk.u32 $0xffff, v3, v4;
	_ =	sdelay $0xc  }
0x5c: {  	[tilespmem:s20+$0xA100] =	vst v4  }
0x5d: {  	v3, v4, _ =	vpop (xrf1)  }
0x5e: {  	v3 =	vxor.u32 $0x80000000, v3;
	[tilespmem:$0xF210] =	vst v4  }
0x5f: {  	[tilespmem:$0xF190] =	vst v3;
	v5 =	vld [tilespmem:$0xF20F]  }
0x60: {  	v6 =	vld [tilespmem:$0xF18F]  }
0x61: {  	v7 =	vld [tilespmem:$0xF18C]  }
0x62: {  	v8 =	vld [tilespmem:$0xF191]  }
0x63: {  	v9 =	vld [tilespmem:$0xF188]  }
0x64: {  	v5 =	vadd.f32 v4, v5  }
0x65: {  	vm0 =	veq.s32 v6, v3  }
0x66: {  	v4 =	vsel vm0, v5, v4;
	vm2 =	veq.s32 v7, v3  }
0x67: {  	[tilespmem:$0xF210] =	vst v4;
	v5 =	vld [tilespmem:$0xF18E];
	vm0 =	vne.s32 v8, v3  }
0x68: {  	v6 =	vld [tilespmem:$0xF20E];
	vm1 =	veq.s32 v9, v3;
	_ =	sdelay $0x3  }
0x69: {  	vm3 =	veq.s32 v5, v3  }
0x6a: {  	v5 =	vadd.f32 v4, v6;
	_ =	sdelay $0x1  }
0x6b: {  	v4 =	vsel vm3, v5, v4  }
0x6c: {  	[tilespmem:$0xF210] =	vst v4  }
0x6d: {  	v5 =	vld [tilespmem:$0xF20C];
	_ =	sdelay $0x4  }
0x6e: {  	v5 =	vadd.f32 v4, v5;
	_ =	sdelay $0x1  }
0x6f: {  	v4 =	vsel vm2, v5, v4  }
0x70: {  	[tilespmem:$0xF210] =	vst v4  }
0x71: {  	v5 =	vld [tilespmem:$0xF208]  }
0x72: {  	v6 =	vld.idx.msk [tilespmem:v3+s14+$0x0], $0xffff;
	_ =	sdelay $0x2  }
.Ltmp1:
0x73: {  	(pc) =	sbr.rel @p0 .LBB2_4-.Ltmp1, $3  }
0x74: {  	v5 =	vadd.f32 v5, v4;
	_ =	sdelay $0x1  }
0x75: {  	v4 =	vsel vm1, v5, v4  }
0x76: {  	v4 =	vadd.f32 v4, v6  }
0x77: {  	_ =	sdelay $0x4  }
0x78: {  	[tilespmem:v3+s14+$0x0] =	vst.idx.msk vm0, v4  }
0x79: {  	[hbm4b:s7+s2] =	stream.linear.scatter [tilespmem:s15], [sflag:$0x1], $0x2850, $0x38;
	[tilespmem:$0xF280] =	vst v63  }
0x7a: {  	s18 =	sadd.s32 $0x1, s18;
	_ =	swait.ge [sflag:s10], $0x2850  }
0x7b: {  	p0 =	sne.s32 s18, s9;
	[sflag:s10] =	ssyncset.done $0x0  }
.Ltmp2:
0x7c: {  	[sflag:s10] =	ssyncadd.s32 $0xFFFFD7B0;
	(pc) =	sbr.rel @p0 .LBB2_1-.Ltmp2, $4  }
0x7d: {  	[hbm4b:s8+s16] =	stream.strided.scatter [tilespmem:s14], [sflag:$0x1], $0x2800, s17, s16, $0x38;
	[tilespmem:$0xF280] =	vst v63  }
0x7e: {  	_ =	swait.ge [sflag:s10], $0x2800  }
0x7f: {  	[sflag:s10] =	ssyncset.done $0x0  }
0x80: {  	[sflag:s10] =	ssyncadd.s32 $0xFFFFD800  }
0x81: {  	_ =	sfence.sel $0x180000  }
0x82: {  	[bflag:$0x0] =	sbarrier.arrive $0xFFFF  }
0x83: {  	p0 =	sne.s32 s0, $0x0;
	_ =	strace $0x90000047  }
0x84: {  	s0 =	sadd.s32 @!p0 $0x100000, s1;
	[bflag:$0x2] =	sbarrier.arrive $0xFFFF  }
0x85: {  	[sflag:s0] =	ssyncadd.tile.s32 @!p0 $0x1;
	_ =	shalt  }
.Lfunc_end2:
_tile_overlayer_lowered:
.L_overlay_start_2:
0x86: {  	(tag) =	ssettag $0x2  }
0x87: {  	s0 =	rddreg [dreg:$0x0];
	s2 =	stileid.u32  }
0x88: {  	s1 =	rddreg [dreg:$0x1];
	p0 =	sne.s32 s2, $0x0  }
0x89: {  	s3 =	rddreg [dreg:$0x2];
	[bflag:$0x3] =	sbarrier.arrive $0xFFFF;
	s2 =	simm.s32 @!p0 $0x1C01  }
0x8a: {  	[timem:s3], [sflag:s2] =	dma.local @!p0 [hbm:s0], s1  }
0x8b: {  	s0 =	simm.s32 @!p0 $0x1  }
0x8c: {  	_ =	swait.ge @!p0 [sflag:s0], s1  }
0x8d: {  	s1 =	ssub.s32 @!p0 $0x0, s1;
	[sflag:s0] =	ssyncset.done @!p0 $0x0  }
0x8e: {  	[sflag:s0] =	ssyncadd.s32 @!p0 s1  }
0x8f: {  	[bflag:$0x3] =	sbarrier.arrive $0xFFFF  }
0x90: {  	_ =	shalt  }

// kernel: kernel.13.cloned.1.call-start
scs
__scs_entry_jumppad:
0x0: {  	(pc) =	sbr.rel $0x88, $3  }
0x1: {  	(tag) =	ssettag $0x0;
	lr =	simm.s32 $0x1  }
0x2: {  	[smem:$0x3F85] =	sst lr;
	_ =	strace $0xD0000000  }
0x3: {  	_ = 	snop  }
0x4: {  	_ = 	snop  }
0x5: {  	_ = 	snop  }
0x6: {  	_ = 	snop  }
0x7: {  	_ = 	snop  }
__scs_overlays_trampoline_lowered:
0x8: {  	[smem:$0x3F94] =	sst s0  }
0x9: {  	[smem:$0x3F95] =	sst s1  }
0xa: {  	[smem:$0x3F96] =	sst s2  }
0xb: {  	[smem:$0x3F97] =	sst s3  }
0xc: {  	[smem:$0x3F98] =	sst s4  }
0xd: {  	[smem:$0x3F99] =	sst s5  }
0xe: {  	[smem:$0x3F9A] =	sst s6  }
0xf: {  	[smem:$0x3F9B] =	sst s7  }
0x10: {  	[smem:$0x3F9C] =	sst s8  }
0x11: {  	[smem:$0x3F9D] =	sst s9;
	s0 =	simm.s32 @!p0 $0x0  }
0x12: {  	s1 =	sld [smem:$0x3F83];
	s0 =	simm.s32 @p0 $0x1  }
0x13: {  	[smem:$0x3F9E] =	sst s0;
	s0 =	simm.s32 @!p1 $0x0  }
0x14: {  	s2 =	sld [smem:$0x3F82];
	s0 =	simm.s32 @p1 $0x1  }
0x15: {  	[smem:$0x3F9F] =	sst s0;
	s0 =	simm.s32 @!p2 $0x0  }
0x16: {  	s3 =	sld [smem:$0x3FDB];
	s0 =	simm.s32 @p2 $0x1  }
0x17: {  	s4 =	simm.s32 $0x1BF5;
	[smem:$0x3FA1] =	sst s0  }
0x18: {  	s0 =	sld [smem:$0x3F84];
	_ =	swait.ge [sflag:s4], $0x0  }
0x19: {  	s7 =	sld [smem:$0x3F85]  }
0x1a: {  	s8 =	sadd.s32 $0xFFFFE003, lr  }
0x1b: {  	s9 =	sadd.s32 $0xFFFFFEF7, lr;
	s5 =	simm.s32 $0xFFFFFFFF;
	p2 =	slt.u32 s8, $0xFFFFF086  }
0x1c: {  	p1 =	slt.u32 s9, $0xF7A;
	s5 =	simm.s32 @!p2 $0x0  }
0x1d: {  	s5 =	simm.s32 @p1 $0x1;
	p0 =	seq.s32 s7, s2  }
0x1e: {  	s7 =	smul.u32 @!p0 $0xF7A, s2;
	p2 =	seq.s32 @!p0 s5, $0x0  }
0x1f: {  	s9 =	smul.u32 $0xF7A, s1;
	s8 =	simm.s32 @!p0 $0x1BF5;
	p2 =	por !p2, p0  }
0x20: {  	[sflag:s8] =	ssyncset.s32 @!p0 $0xFFFFF086;
	s6 =	sadd.s32 @!p0 s3, s7;
	s7 =	simm.s32 @!p0 $0x108  }
0x21: {  	s3 =	sadd.s32 s3, s9;
	s6 =	sadd.s32 @!p0 $0x88, s6;
	s7 =	simm.s32 @p2 $0x1082  }
0x22: {  	[simem:s7], [sflag:s8] =	dma.local @!p0 [hbm:s6], $0xF7A  }
0x23: {  	s9 =	sor.u32 $0xD0000000, s2;
	s6 =	simm.s32 $0x108;
	_ =	swait.ge @!p0 [sflag:s8], $0x0  }
0x24: {  	s3 =	sadd.s32 $0x88, s3;
	s6 =	simm.s32 @!p1 $0x1082;
	[sflag:s4] =	ssyncset.s32 $0xFFFFF086  }
0x25: {  	[simem:s6], [sflag:s4] =	dma.local [hbm:s3], $0xF7A  }
0x26: {  	[smem:$0x3F85] =	sst s1;
	(tag) =	ssettag s2;
	_ =	strace s9  }
0x27: {  	s1 =	sld [smem:$0x3F95]  }
0x28: {  	s2 =	sld [smem:$0x3F96]  }
0x29: {  	s4 =	sld [smem:$0x3F98]  }
0x2a: {  	p0 =	seq.s32 s5, $0x0;
	s5 =	sld [smem:$0x3F99]  }
0x2b: {  	s6 =	sld [smem:$0x3F9A]  }
0x2c: {  	s7 =	sld [smem:$0x3F9B]  }
0x2d: {  	s3 =	simm.s32 $0x108;
	s8 =	sld [smem:$0x3F9C]  }
0x2e: {  	s3 =	simm.s32 @!p0 $0x1082;
	s9 =	sld [smem:$0x3F9D]  }
0x2f: {  	lr =	sadd.s32 s0, s3;
	s0 =	sld [smem:$0x3F94]  }
0x30: {  	s3 =	sld [smem:$0x3F97]  }
0x31: {  	[smem:$0x3FA0] =	sst s10  }
0x32: {  	s10 =	sld [smem:$0x3F9E];
	_ =	sdelay $0x3  }
0x33: {  	p0 =	seq.s32 s10, $0x1;
	s10 =	sld [smem:$0x3FA0];
	_ =	sdelay $0x3  }
0x34: {  	[smem:$0x3FA0] =	sst s10  }
0x35: {  	s10 =	sld [smem:$0x3F9F];
	_ =	sdelay $0x3  }
0x36: {  	p1 =	seq.s32 s10, $0x1;
	s10 =	sld [smem:$0x3FA0];
	_ =	sdelay $0x3  }
0x37: {  	[smem:$0x3FA0] =	sst s10  }
0x38: {  	s10 =	sld [smem:$0x3FA1]  }
0x39: {  	_ = 	snop;
	(pc) =	sbr.ind lr, $3  }
0x3a: {  	_ = 	snop  }
0x3b: {  	_ = 	snop  }
0x3c: {  	p2 =	seq.s32 s10, $0x1;
	s10 =	sld [smem:$0x3FA0]  }
0x3d: {  	_ =	shalt  }
0x3e: {  	_ =	shalt  }
0x3f: {  	_ =	shalt  }
0x40: {  	_ =	shalt  }
0x41: {  	_ =	shalt  }
0x42: {  	_ =	shalt  }
0x43: {  	_ =	shalt  }
0x44: {  	_ =	shalt  }
0x45: {  	_ =	shalt  }
0x46: {  	_ =	shalt  }
0x47: {  	_ =	shalt  }
0x48: {  	_ =	shalt  }
0x49: {  	_ =	shalt  }
0x4a: {  	_ =	shalt  }
0x4b: {  	_ =	shalt  }
0x4c: {  	_ =	shalt  }
0x4d: {  	_ =	shalt  }
0x4e: {  	_ =	shalt  }
0x4f: {  	_ =	shalt  }
0x50: {  	_ =	shalt  }
0x51: {  	_ =	shalt  }
0x52: {  	_ =	shalt  }
0x53: {  	_ =	shalt  }
0x54: {  	_ =	shalt  }
0x55: {  	_ =	shalt  }
0x56: {  	_ =	shalt  }
0x57: {  	_ =	shalt  }
0x58: {  	_ =	shalt  }
0x59: {  	_ =	shalt  }
0x5a: {  	_ =	shalt  }
0x5b: {  	_ =	shalt  }
0x5c: {  	_ =	shalt  }
0x5d: {  	_ =	shalt  }
0x5e: {  	_ =	shalt  }
0x5f: {  	_ =	shalt  }
0x60: {  	_ =	shalt  }
0x61: {  	_ =	shalt  }
0x62: {  	_ =	shalt  }
0x63: {  	_ =	shalt  }
0x64: {  	_ =	shalt  }
0x65: {  	_ =	shalt  }
0x66: {  	_ =	shalt  }
0x67: {  	_ =	shalt  }
0x68: {  	_ =	shalt  }
0x69: {  	_ =	shalt  }
0x6a: {  	_ =	shalt  }
0x6b: {  	_ =	shalt  }
0x6c: {  	_ =	shalt  }
0x6d: {  	_ =	shalt  }
0x6e: {  	_ =	shalt  }
0x6f: {  	_ =	shalt  }
0x70: {  	_ =	shalt  }
0x71: {  	_ =	shalt  }
0x72: {  	_ =	shalt  }
0x73: {  	_ =	shalt  }
0x74: {  	_ =	shalt  }
0x75: {  	_ =	shalt  }
0x76: {  	_ =	shalt  }
0x77: {  	_ =	shalt  }
0x78: {  	_ =	shalt  }
0x79: {  	_ =	shalt  }
0x7a: {  	_ =	shalt  }
0x7b: {  	_ =	shalt  }
0x7c: {  	_ =	shalt  }
0x7d: {  	_ =	shalt  }
0x7e: {  	_ =	shalt  }
0x7f: {  	_ =	shalt  }
0x80: {  	_ =	shalt  }
0x81: {  	_ =	shalt  }
0x82: {  	_ =	shalt  }
0x83: {  	_ =	shalt  }
0x84: {  	_ =	shalt  }
0x85: {  	_ =	shalt  }
0x86: {  	_ =	shalt  }
0x87: {  	_ =	shalt  }
.Lfunc_end0:
.L_simem_size_0:
called_computation.5_lowered:
.L_overlay_start_0:
0x88: {  	s2 =	sld [smem:$0x3FD9]  }
0x89: {  	s3 =	sld [smem:$0x3FFE];
	_ =	sdelay $0x1  }
0x8a: {  	s1 =	srdreg.scid  }
0x8b: {  	s0 =	sand.u32 $0x1, s1  }
0x8c: {  	s16 =	sshll.u32 s0, $0xA;
	s2 =	sadd.s32 s3, s2  }
0x8d: {  	s2 =	sadd.s32 s2, s16  }
0x8e: {  	[smem:$0x3FAC] =	sst s2  }
0x8f: {  	_ = 	snop  }
0x90: {  	(tm) =	ssettm $0x1  }
0x91: {  	s17 =	sld [smem:$0x3FFB];
	_ =	sdelay $0x3  }
0x92: {  	_ =	strace s17  }
0x93: {  	s2 =	sld [smem:$0x3FFC];
	_ =	sdelay $0x3  }
0x94: {  	_ =	strace s2  }
0x95: {  	s2 =	sld [smem:$0x3FFD];
	_ =	sdelay $0x3  }
0x96: {  	_ =	strace s2  }
0x97: {  	_ =	strace $0x8FFFFFFF  }
0x98: {  	s18 =	sld [smem:$0x3FDB];
	_ =	sdelay $0x1  }
0x99: {  	s19 =	simm.s32 $_scs_section_size  }
0x9a: {  	s4 =	simm.s32 $_size__tile_overlayer_lowered;
	s5 =	simm.s32 $_tile_overlayer_lowered  }
0x9b: {  	s22 =	simm.s32 $0x1BFF;
	s21 =	sshll.u32 s5, $0x1;
	s2 =	sadd.s32 s19, s18  }
0x9c: {  	s6 =	simm.s32 $0x0;
	s20 =	sshll.u32 s4, $0x1;
	s4 =	sadd.s32 s21, s2  }
0x9d: {  	[timem:s6], [sflag:s22] =	dma.local [hbm:s4], s20  }
0x9e: {  	_ =	swait.ge [sflag:s22], s20  }
0x9f: {  	s3 =	ssub.s32 $0x0, s20;
	[sflag:s22] =	ssyncset.done $0x0  }
0xa0: {  	[sflag:s22] =	ssyncadd.s32 s3;
	_ =	sdelay $0x1  }
0xa1: {  	s23 =	simm.s32 $0x1B8B  }
0xa2: {  	_ =	swait.ge [sflag:s23], $0x1  }
0xa3: {  	[sflag:s23] =	ssyncset.done $0x0  }
0xa4: {  	s25 =	simm.s32 $0x1B8E;
	s24 =	sld [smem:$0x3FFE];
	[sflag:s23] =	ssyncadd.s32 $0xFFFFFFFF  }
0xa5: {  	s26 =	simm.s32 $execute0_lowered;
	[smem:$0x3FD2] =	sst s25  }
0xa6: {  	s4 =	sshll.u32 s26, $0x1;
	_ =	strace $0x8000004F;
	[dreg:$0x1] =	wrdreg $0xFFFFFFFF  }
0xa7: {  	s28 =	simm.s32 $_size_execute0_lowered;
	s2 =	sadd.s32 s2, s4;
	[dreg:$0x0] =	wrdreg $0x0  }
0xa8: {  	s4 =	sshll.u32 s28, $0x1;
	[dreg:$0x2] =	wrdreg s2  }
0xa9: {  	[dreg:$0x3] =	wrdreg s4  }
0xaa: {  	[dreg:$0x4] =	wrdreg $0xC0  }
0xab: {  	_ =	task [dreg:s6], $0x5FFFF  }
0xac: {  	[dreg:$0x1] =	wrdreg $0xFFFFFFFF  }
0xad: {  	[dreg:$0x0] =	wrdreg $0x60  }
0xae: {  	[dreg:$0x2] =	wrdreg s24  }
0xaf: {  	[dreg:$0x3] =	wrdreg $0x9  }
0xb0: {  	_ =	task.clear_ibuf [dreg:s6], $0x4FFFF;
	_ =	strace $0x9000004F  }
0xb1: {  	s29 =	simm.s32 $0x9;
	_ =	strace $0x80000051  }
0xb2: {  	_ =	swait.ge [sflag:s29], $0x1  }
0xb3: {  	[sflag:s29] =	ssyncadd.s32 $0xFFFFFFFF  }
0xb4: {  	_ =	strace $0x90000051  }
0xb5: {  	_ =	sfence  }
0xb6: {  	s30 =	sld [smem:$0x0];
	_ =	sdelay $0x2  }
0xb7: {  	s31 =	sshll.u32 s1, $0xD;
	s1 =	sshrl.u32 s1, $0x2  }
0xb8: {  	s3 =	sand.u32 $0x4000, s31;
	s1 =	sadd.s32 s1, s30  }
0xb9: {  	s0 =	sor.u32 s3, s0;
	s1 =	sshll.u32 s1, $0x11  }
0xba: {  	s0 =	sor.u32 s1, s0  }
0xbb: {  	s0 =	sadd.s32 $0x8F2B, s0  }
0xbc: {  	[sflag:s0] =	ssyncadd.remote.s32 $0x1  }
0xbd: {  	_ =	sfence.sel $0xFFFF  }
0xbe: {  	[dreg:$0x0] =	wrdreg $0xFFFFFFFF;
	(pc) =	sbr.abs _section_cstart, $3  }
0xbf: {  	[dreg:$0x1] =	wrdreg $0xFFFFFFFF  }
0xc0: {  	_ =	task.clear_ibuf [dreg:s6], $0x2FFFF;
	_ =	strace $0x9FFFFFFF  }
0xc1: {  	(tm) =	ssettm $0x7FFFFFFF  }
tec
execute0_lowered:
.L_overlay_start_1:
0x0: {  	(tag) =	ssettag $0x1  }
0x1: {  	s0 =	srdreg.scid;
	s6 =	rddreg [dreg:$0x0]  }
0x2: {  	s2 =	simm.s32 $0x0;
	s11 =	simm.s32 $0x2800;
	s12 =	simm.s32 $0x5000  }
0x3: {  	s13 =	simm.s32 $0x7880;
	s14 =	simm.s32 $0xC980;
	s15 =	simm.s32 $0xA100  }
0x4: {  	s16 =	simm.s32 $0x80;
	s17 =	simm.s32 $0x400;
	s5 =	sand.u32 $0x1, s0  }
0x5: {  	s18 =	simm.s32 $0x0;
	s0 =	stileid.u32;
	s1 =	sshll.u32 s5, $0x4  }
0x6: {  	[smem:$0x7FF] =	sst s2;
	s28 =	sshll.u32 s0, $0x7;
	s4 =	sor.u32 s0, s1  }
0x7: {  	s5 =	ssub.s32 $0x2, s5;
	s1 =	rddreg [dreg:$0x1];
	s3 =	sshrl.u32 s4, $0x3  }
0x8: {  	_ =	strace $0x80000050;
	s8 =	sand.u32 $0x380, s28;
	s7 =	smul.u32 $0x14000, s3  }
0x9: {  	s31 =	sshrl.u32 s5, $0x1;
	s9 =	smul.u32 $0x50A, s4;
	s4 =	sadd.s32 $0xA00, s6  }
0xa: {  	s10 =	ssub.s32 s5, s31;
	s3 =	sadd.s32 $0x400, s6;
	s7 =	sor.u32 s8, s7  }
0xb: {  	s29 =	sadd.s32 s9, s6;
	s9 =	smax.u32 s10, $0x1;
	s7 =	sshrl.u32 s7, $0x3  }
0xc: {  	s10 =	simm.s32 $0x1;
	s5 =	sadd.s32 $0xB200, s29;
	s30 =	sadd.s32 s7, s6  }
0xd: {  	v0 =	vimm.s32 $0xFFFFFFFE;
	v1 =	vimm.s32 $0xFFFFFFFD;
	v2 =	vimm.f32 $0.0e+00;
	s6 =	sadd.s32 $0x1000, s29;
	s7 =	sadd.s32 $0x15400, s29;
	s8 =	sadd.s32 $0x3DA00, s30  }
.LBB2_1:
0xe: {  	[tilespmem:s2], [sflag:$0x1] =	stream.linear.gather [hbm4b:s3+s2], $0x2800, $0x38;
	[tilespmem:$0xF280] =	vst v63  }
0xf: {  	_ =	swait.ge [sflag:s10], $0x2800  }
0x10: {  	[sflag:s10] =	ssyncset.done $0x0  }
0x11: {  	[sflag:s10] =	ssyncadd.s32 $0xFFFFD800  }
0x12: {  	[tilespmem:s11], [sflag:$0x1] =	stream.linear.gather [hbm4b:s4+s2], $0x2800, $0x38;
	[tilespmem:$0xF280] =	vst v63  }
0x13: {  	_ =	swait.ge [sflag:s10], $0x2800  }
0x14: {  	[sflag:s10] =	ssyncset.done $0x0  }
0x15: {  	[sflag:s10] =	ssyncadd.s32 $0xFFFFD800  }
0x16: {  	[tilespmem:s12], [sflag:$0x1] =	stream.linear.gather [hbm4b:s5+s2], $0x2850, $0x38;
	[tilespmem:$0xF280] =	vst v63  }
0x17: {  	_ =	swait.ge [sflag:s10], $0x2850  }
0x18: {  	[sflag:s10] =	ssyncset.done $0x0  }
0x19: {  	[sflag:s10] =	ssyncadd.s32 $0xFFFFD7B0  }
0x1a: {  	[tilespmem:s13], [sflag:$0x1] =	stream.linear.gather [hbm4b:s6+s2], $0x2850, $0x38;
	[tilespmem:$0xF280] =	vst v63  }
0x1b: {  	_ =	swait.ge [sflag:s10], $0x2850  }
0x1c: {  	[sflag:s10] =	ssyncset.done $0x0  }
0x1d: {  	[sflag:s10] =	ssyncadd.s32 $0xFFFFD7B0  }
0x1e: {  	[tilespmem:$0xF180] =	vst v0  }
0x1f: {  	[tilespmem:$0xF1A0] =	vst v1  }
0x20: {  	s19 =	simm.s32 $0x0;
	[tilespmem:$0xF200] =	vst v2  }
.LBB2_2:
0x21: {  	p0 =	sne.s32 s19, $0x9FC0  }
.Ltmp0:
0x22: {  	_ = 	snop;
	(pc) =	sbr.rel @p0 .LBB2_2-.Ltmp0, $3  }
0x23: {  	_ =	sdelay $0x1  }
0x24: {  	s20 =	sshra.s32 s19, $0x2  }
0x25: {  	s19 =	sadd.s32 $0x40, s19;
	[tilespmem:s20+$0xC980] =	vst v2  }
0x26: {  	s19 =	simm.s32 $0x0  }
0x27: {  	v3 =	vld [tilespmem:s19+$0x5000]  }
0x28: {  	v4 =	vld [tilespmem:s19+$0x7880];
	_ =	sdelay $0x6  }
0x29: {  	v3 =	vld.idx.msk [tilespmem:v3+s2+$0x0], $0xffff  }
0x2a: {  	v5 =	vld.idx.msk [tilespmem:v4+s11+$0x0], $0xffff;
	_ =	sdelay $0x4  }
0x2b: {  	v3 =	vadd.f32 v5, v3;
	_ =	sdelay $0x1  }
0x2c: {  	v5 =	vmul.f32 $2.000000030e-01, v3  }
0x2d: {  	vm0 =	vge.f32 v3, $0.0e+00  }
0x2e: {  	v3 =	vsel vm0, v3, v5  }
0x2f: {  	v3 =	vmul.f32 $1.442695020e+00, v3;
	_ =	sdelay $0x1  }
0x30: {  	(erf) = vpow2.f32 v3;
	_ =	sdelay $0x8  }
0x31: {  	v3 =	vxor.u32 $0x80000000, v4;
	v4 =	vpop (erf)  }
0x32: {  	(xrf1) =	vsort.ascd.msk.u32 $0xffff, v3, v4;
	_ =	sdelay $0xd  }
0x33: {  	[tilespmem:s19+$0xA100] =	vst v4;
	v3, v4, _ =	vpop (xrf1)  }
0x34: {  	v3 =	vxor.u32 $0x80000000, v3;
	[tilespmem:$0xF210] =	vst v4  }
0x35: {  	[tilespmem:$0xF190] =	vst v3;
	v5 =	vld [tilespmem:$0xF20F]  }
0x36: {  	v6 =	vld [tilespmem:$0xF18F];
	_ =	sdelay $0x3  }
0x37: {  	v5 =	vadd.f32 v4, v5  }
0x38: {  	vm0 =	veq.s32 v6, v3  }
0x39: {  	v4 =	vsel vm0, v5, v4  }
0x3a: {  	[tilespmem:$0xF210] =	vst v4  }
0x3b: {  	v5 =	vld [tilespmem:$0xF20E]  }
0x3c: {  	v6 =	vld [tilespmem:$0xF18E];
	_ =	sdelay $0x3  }
0x3d: {  	v5 =	vadd.f32 v4, v5  }
0x3e: {  	vm0 =	veq.s32 v6, v3  }
0x3f: {  	v4 =	vsel vm0, v5, v4  }
0x40: {  	[tilespmem:$0xF210] =	vst v4  }
0x41: {  	v5 =	vld [tilespmem:$0xF20C]  }
0x42: {  	v6 =	vld [tilespmem:$0xF18C];
	_ =	sdelay $0x3  }
0x43: {  	v5 =	vadd.f32 v4, v5  }
0x44: {  	vm0 =	veq.s32 v6, v3  }
0x45: {  	v4 =	vsel vm0, v5, v4  }
0x46: {  	[tilespmem:$0xF210] =	vst v4  }
0x47: {  	v5 =	vld [tilespmem:$0xF208]  }
0x48: {  	v6 =	vld [tilespmem:$0xF188]  }
0x49: {  	v7 =	vld [tilespmem:$0xF191];
	_ =	sdelay $0x2  }
0x4a: {  	v5 =	vadd.f32 v5, v4  }
0x4b: {  	vm0 =	veq.s32 v6, v3;
	v8 =	vld.idx.msk [tilespmem:v3+s14+$0x0], $0xffff  }
0x4c: {  	v4 =	vsel vm0, v5, v4;
	vm0 =	vne.s32 v7, v3;
	_ =	sdelay $0x3  }
0x4d: {  	s19 =	simm.s32 $0x40;
	v4 =	vadd.f32 v4, v8  }
.LBB2_4:
0x4e: {  	p0 =	sne.s32 s19, $0xA100;
	s20 =	smov.u32 s19;
	s19 =	sadd.s32 $0x40, s19  }
0x4f: {  	s20 =	sshra.s32 s20, $0x2;
	[tilespmem:v3+s14+$0x0] =	vst.idx.msk vm0, v4  }
0x50: {  	v3 =	vld [tilespmem:s20+$0x5000]  }
0x51: {  	v4 =	vld [tilespmem:s20+$0x7880];
	_ =	sdelay $0x6  }
0x52: {  	v3 =	vld.idx.msk [tilespmem:v3+s2+$0x0], $0xffff  }
0x53: {  	v5 =	vld.idx.msk [tilespmem:v4+s11+$0x0], $0xffff;
	_ =	sdelay $0x5  }
0x54: {  	v3 =	vadd.f32 v5, v3;
	_ =	sdelay $0x1  }
0x55: {  	vm0 =	vge.f32 v3, $0.0e+00;
	v5 =	vmul.f32 $2.000000030e-01, v3;
	_ =	sdelay $0x1  }
0x56: {  	v3 =	vsel vm0, v3, v5  }
0x57: {  	v3 =	vmul.f32 $1.442695020e+00, v3;
	_ =	sdelay $0x1  }
0x58: {  	(erf) = vpow2.f32 v3;
	_ =	sdelay $0x7  }
0x59: {  	v3 =	vxor.u32 $0x80000000, v4  }
0x5a: {  	v4 =	vpop (erf)  }
0x5b: {  	(xrf1) =	vsort.ascd.msk.u32 $0xffff, v3, v4;
	_ =	sdelay $0xc  }
0x5c: {  	[tilespmem:s20+$0xA100] =	vst v4  }
0x5d: {  	v3, v4, _ =	vpop (xrf1)  }
0x5e: {  	v3 =	vxor.u32 $0x80000000, v3;
	[tilespmem:$0xF210] =	vst v4  }
0x5f: {  	[tilespmem:$0xF190] =	vst v3;
	v5 =	vld [tilespmem:$0xF20F]  }
0x60: {  	v6 =	vld [tilespmem:$0xF18F]  }
0x61: {  	v7 =	vld [tilespmem:$0xF18C]  }
0x62: {  	v8 =	vld [tilespmem:$0xF191]  }
0x63: {  	v9 =	vld [tilespmem:$0xF188]  }
0x64: {  	v5 =	vadd.f32 v4, v5  }
0x65: {  	vm0 =	veq.s32 v6, v3  }
0x66: {  	v4 =	vsel vm0, v5, v4;
	vm2 =	veq.s32 v7, v3  }
0x67: {  	[tilespmem:$0xF210] =	vst v4;
	v5 =	vld [tilespmem:$0xF18E];
	vm0 =	vne.s32 v8, v3  }
0x68: {  	v6 =	vld [tilespmem:$0xF20E];
	vm1 =	veq.s32 v9, v3;
	_ =	sdelay $0x3  }
0x69: {  	vm3 =	veq.s32 v5, v3  }
0x6a: {  	v5 =	vadd.f32 v4, v6;
	_ =	sdelay $0x1  }
0x6b: {  	v4 =	vsel vm3, v5, v4  }
0x6c: {  	[tilespmem:$0xF210] =	vst v4  }
0x6d: {  	v5 =	vld [tilespmem:$0xF20C];
	_ =	sdelay $0x4  }
0x6e: {  	v5 =	vadd.f32 v4, v5;
	_ =	sdelay $0x1  }
0x6f: {  	v4 =	vsel vm2, v5, v4  }
0x70: {  	[tilespmem:$0xF210] =	vst v4  }
0x71: {  	v5 =	vld [tilespmem:$0xF208]  }
0x72: {  	v6 =	vld.idx.msk [tilespmem:v3+s14+$0x0], $0xffff;
	_ =	sdelay $0x2  }
.Ltmp1:
0x73: {  	(pc) =	sbr.rel @p0 .LBB2_4-.Ltmp1, $3  }
0x74: {  	v5 =	vadd.f32 v5, v4;
	_ =	sdelay $0x1  }
0x75: {  	v4 =	vsel vm1, v5, v4  }
0x76: {  	v4 =	vadd.f32 v4, v6  }
0x77: {  	_ =	sdelay $0x4  }
0x78: {  	[tilespmem:v3+s14+$0x0] =	vst.idx.msk vm0, v4  }
0x79: {  	[hbm4b:s7+s2] =	stream.linear.scatter [tilespmem:s15], [sflag:$0x1], $0x2850, $0x38;
	[tilespmem:$0xF280] =	vst v63  }
0x7a: {  	s18 =	sadd.s32 $0x1, s18;
	_ =	swait.ge [sflag:s10], $0x2850  }
0x7b: {  	p0 =	sne.s32 s18, s9;
	[sflag:s10] =	ssyncset.done $0x0  }
.Ltmp2:
0x7c: {  	[sflag:s10] =	ssyncadd.s32 $0xFFFFD7B0;
	(pc) =	sbr.rel @p0 .LBB2_1-.Ltmp2, $4  }
0x7d: {  	[hbm4b:s8+s16] =	stream.strided.scatter [tilespmem:s14], [sflag:$0x1], $0x2800, s17, s16, $0x38;
	[tilespmem:$0xF280] =	vst v63  }
0x7e: {  	_ =	swait.ge [sflag:s10], $0x2800  }
0x7f: {  	[sflag:s10] =	ssyncset.done $0x0  }
0x80: {  	[sflag:s10] =	ssyncadd.s32 $0xFFFFD800  }
0x81: {  	_ =	sfence.sel $0x180000  }
0x82: {  	[bflag:$0x0] =	sbarrier.arrive $0xFFFF  }
0x83: {  	p0 =	sne.s32 s0, $0x0;
	_ =	strace $0x90000050  }
0x84: {  	s0 =	sadd.s32 @!p0 $0x100000, s1;
	[bflag:$0x2] =	sbarrier.arrive $0xFFFF  }
0x85: {  	[sflag:s0] =	ssyncadd.tile.s32 @!p0 $0x1;
	_ =	shalt  }
.Lfunc_end2:
_tile_overlayer_lowered:
.L_overlay_start_2:
0x86: {  	(tag) =	ssettag $0x2  }
0x87: {  	s0 =	rddreg [dreg:$0x0];
	s2 =	stileid.u32  }
0x88: {  	s1 =	rddreg [dreg:$0x1];
	p0 =	sne.s32 s2, $0x0  }
0x89: {  	s3 =	rddreg [dreg:$0x2];
	[bflag:$0x3] =	sbarrier.arrive $0xFFFF;
	s2 =	simm.s32 @!p0 $0x1C01  }
0x8a: {  	[timem:s3], [sflag:s2] =	dma.local @!p0 [hbm:s0], s1  }
0x8b: {  	s0 =	simm.s32 @!p0 $0x1  }
0x8c: {  	_ =	swait.ge @!p0 [sflag:s0], s1  }
0x8d: {  	s1 =	ssub.s32 @!p0 $0x0, s1;
	[sflag:s0] =	ssyncset.done @!p0 $0x0  }
0x8e: {  	[sflag:s0] =	ssyncadd.s32 @!p0 s1  }
0x8f: {  	[bflag:$0x3] =	sbarrier.arrive $0xFFFF  }
0x90: {  	_ =	shalt  }

// kernel: kernel.16.cloned.1.call-start
scs
__scs_entry_jumppad:
0x0: {  	(pc) =	sbr.rel $0x88, $3  }
0x1: {  	(tag) =	ssettag $0x0;
	lr =	simm.s32 $0x1  }
0x2: {  	[smem:$0x3F85] =	sst lr;
	_ =	strace $0xD0000000  }
0x3: {  	_ = 	snop  }
0x4: {  	_ = 	snop  }
0x5: {  	_ = 	snop  }
0x6: {  	_ = 	snop  }
0x7: {  	_ = 	snop  }
__scs_overlays_trampoline_lowered:
0x8: {  	[smem:$0x3F94] =	sst s0  }
0x9: {  	[smem:$0x3F95] =	sst s1  }
0xa: {  	[smem:$0x3F96] =	sst s2  }
0xb: {  	[smem:$0x3F97] =	sst s3  }
0xc: {  	[smem:$0x3F98] =	sst s4  }
0xd: {  	[smem:$0x3F99] =	sst s5  }
0xe: {  	[smem:$0x3F9A] =	sst s6  }
0xf: {  	[smem:$0x3F9B] =	sst s7  }
0x10: {  	[smem:$0x3F9C] =	sst s8  }
0x11: {  	[smem:$0x3F9D] =	sst s9;
	s0 =	simm.s32 @!p0 $0x0  }
0x12: {  	s1 =	sld [smem:$0x3F83];
	s0 =	simm.s32 @p0 $0x1  }
0x13: {  	[smem:$0x3F9E] =	sst s0;
	s0 =	simm.s32 @!p1 $0x0  }
0x14: {  	s2 =	sld [smem:$0x3F82];
	s0 =	simm.s32 @p1 $0x1  }
0x15: {  	[smem:$0x3F9F] =	sst s0;
	s0 =	simm.s32 @!p2 $0x0  }
0x16: {  	s3 =	sld [smem:$0x3FDB];
	s0 =	simm.s32 @p2 $0x1  }
0x17: {  	s4 =	simm.s32 $0x1BF5;
	[smem:$0x3FA1] =	sst s0  }
0x18: {  	s0 =	sld [smem:$0x3F84];
	_ =	swait.ge [sflag:s4], $0x0  }
0x19: {  	s7 =	sld [smem:$0x3F85]  }
0x1a: {  	s8 =	sadd.s32 $0xFFFFE003, lr  }
0x1b: {  	s9 =	sadd.s32 $0xFFFFFEF7, lr;
	s5 =	simm.s32 $0xFFFFFFFF;
	p2 =	slt.u32 s8, $0xFFFFF086  }
0x1c: {  	p1 =	slt.u32 s9, $0xF7A;
	s5 =	simm.s32 @!p2 $0x0  }
0x1d: {  	s5 =	simm.s32 @p1 $0x1;
	p0 =	seq.s32 s7, s2  }
0x1e: {  	s7 =	smul.u32 @!p0 $0xF7A, s2;
	p2 =	seq.s32 @!p0 s5, $0x0  }
0x1f: {  	s9 =	smul.u32 $0xF7A, s1;
	s8 =	simm.s32 @!p0 $0x1BF5;
	p2 =	por !p2, p0  }
0x20: {  	[sflag:s8] =	ssyncset.s32 @!p0 $0xFFFFF086;
	s6 =	sadd.s32 @!p0 s3, s7;
	s7 =	simm.s32 @!p0 $0x108  }
0x21: {  	s3 =	sadd.s32 s3, s9;
	s6 =	sadd.s32 @!p0 $0x88, s6;
	s7 =	simm.s32 @p2 $0x1082  }
0x22: {  	[simem:s7], [sflag:s8] =	dma.local @!p0 [hbm:s6], $0xF7A  }
0x23: {  	s9 =	sor.u32 $0xD0000000, s2;
	s6 =	simm.s32 $0x108;
	_ =	swait.ge @!p0 [sflag:s8], $0x0  }
0x24: {  	s3 =	sadd.s32 $0x88, s3;
	s6 =	simm.s32 @!p1 $0x1082;
	[sflag:s4] =	ssyncset.s32 $0xFFFFF086  }
0x25: {  	[simem:s6], [sflag:s4] =	dma.local [hbm:s3], $0xF7A  }
0x26: {  	[smem:$0x3F85] =	sst s1;
	(tag) =	ssettag s2;
	_ =	strace s9  }
0x27: {  	s1 =	sld [smem:$0x3F95]  }
0x28: {  	s2 =	sld [smem:$0x3F96]  }
0x29: {  	s4 =	sld [smem:$0x3F98]  }
0x2a: {  	p0 =	seq.s32 s5, $0x0;
	s5 =	sld [smem:$0x3F99]  }
0x2b: {  	s6 =	sld [smem:$0x3F9A]  }
0x2c: {  	s7 =	sld [smem:$0x3F9B]  }
0x2d: {  	s3 =	simm.s32 $0x108;
	s8 =	sld [smem:$0x3F9C]  }
0x2e: {  	s3 =	simm.s32 @!p0 $0x1082;
	s9 =	sld [smem:$0x3F9D]  }
0x2f: {  	lr =	sadd.s32 s0, s3;
	s0 =	sld [smem:$0x3F94]  }
0x30: {  	s3 =	sld [smem:$0x3F97]  }
0x31: {  	[smem:$0x3FA0] =	sst s10  }
0x32: {  	s10 =	sld [smem:$0x3F9E];
	_ =	sdelay $0x3  }
0x33: {  	p0 =	seq.s32 s10, $0x1;
	s10 =	sld [smem:$0x3FA0];
	_ =	sdelay $0x3  }
0x34: {  	[smem:$0x3FA0] =	sst s10  }
0x35: {  	s10 =	sld [smem:$0x3F9F];
	_ =	sdelay $0x3  }
0x36: {  	p1 =	seq.s32 s10, $0x1;
	s10 =	sld [smem:$0x3FA0];
	_ =	sdelay $0x3  }
0x37: {  	[smem:$0x3FA0] =	sst s10  }
0x38: {  	s10 =	sld [smem:$0x3FA1]  }
0x39: {  	_ = 	snop;
	(pc) =	sbr.ind lr, $3  }
0x3a: {  	_ = 	snop  }
0x3b: {  	_ = 	snop  }
0x3c: {  	p2 =	seq.s32 s10, $0x1;
	s10 =	sld [smem:$0x3FA0]  }
0x3d: {  	_ =	shalt  }
0x3e: {  	_ =	shalt  }
0x3f: {  	_ =	shalt  }
0x40: {  	_ =	shalt  }
0x41: {  	_ =	shalt  }
0x42: {  	_ =	shalt  }
0x43: {  	_ =	shalt  }
0x44: {  	_ =	shalt  }
0x45: {  	_ =	shalt  }
0x46: {  	_ =	shalt  }
0x47: {  	_ =	shalt  }
0x48: {  	_ =	shalt  }
0x49: {  	_ =	shalt  }
0x4a: {  	_ =	shalt  }
0x4b: {  	_ =	shalt  }
0x4c: {  	_ =	shalt  }
0x4d: {  	_ =	shalt  }
0x4e: {  	_ =	shalt  }
0x4f: {  	_ =	shalt  }
0x50: {  	_ =	shalt  }
0x51: {  	_ =	shalt  }
0x52: {  	_ =	shalt  }
0x53: {  	_ =	shalt  }
0x54: {  	_ =	shalt  }
0x55: {  	_ =	shalt  }
0x56: {  	_ =	shalt  }
0x57: {  	_ =	shalt  }
0x58: {  	_ =	shalt  }
0x59: {  	_ =	shalt  }
0x5a: {  	_ =	shalt  }
0x5b: {  	_ =	shalt  }
0x5c: {  	_ =	shalt  }
0x5d: {  	_ =	shalt  }
0x5e: {  	_ =	shalt  }
0x5f: {  	_ =	shalt  }
0x60: {  	_ =	shalt  }
0x61: {  	_ =	shalt  }
0x62: {  	_ =	shalt  }
0x63: {  	_ =	shalt  }
0x64: {  	_ =	shalt  }
0x65: {  	_ =	shalt  }
0x66: {  	_ =	shalt  }
0x67: {  	_ =	shalt  }
0x68: {  	_ =	shalt  }
0x69: {  	_ =	shalt  }
0x6a: {  	_ =	shalt  }
0x6b: {  	_ =	shalt  }
0x6c: {  	_ =	shalt  }
0x6d: {  	_ =	shalt  }
0x6e: {  	_ =	shalt  }
0x6f: {  	_ =	shalt  }
0x70: {  	_ =	shalt  }
0x71: {  	_ =	shalt  }
0x72: {  	_ =	shalt  }
0x73: {  	_ =	shalt  }
0x74: {  	_ =	shalt  }
0x75: {  	_ =	shalt  }
0x76: {  	_ =	shalt  }
0x77: {  	_ =	shalt  }
0x78: {  	_ =	shalt  }
0x79: {  	_ =	shalt  }
0x7a: {  	_ =	shalt  }
0x7b: {  	_ =	shalt  }
0x7c: {  	_ =	shalt  }
0x7d: {  	_ =	shalt  }
0x7e: {  	_ =	shalt  }
0x7f: {  	_ =	shalt  }
0x80: {  	_ =	shalt  }
0x81: {  	_ =	shalt  }
0x82: {  	_ =	shalt  }
0x83: {  	_ =	shalt  }
0x84: {  	_ =	shalt  }
0x85: {  	_ =	shalt  }
0x86: {  	_ =	shalt  }
0x87: {  	_ =	shalt  }
.Lfunc_end0:
.L_simem_size_0:
called_computation.6_lowered:
.L_overlay_start_0:
0x88: {  	s2 =	sld [smem:$0x3FD9]  }
0x89: {  	s3 =	sld [smem:$0x3FFE];
	_ =	sdelay $0x1  }
0x8a: {  	s1 =	srdreg.scid  }
0x8b: {  	s0 =	sand.u32 $0x1, s1  }
0x8c: {  	s16 =	sshll.u32 s0, $0xA;
	s2 =	sadd.s32 s3, s2  }
0x8d: {  	s2 =	sadd.s32 s2, s16  }
0x8e: {  	[smem:$0x3FAC] =	sst s2  }
0x8f: {  	_ = 	snop  }
0x90: {  	(tm) =	ssettm $0x1  }
0x91: {  	s17 =	sld [smem:$0x3FFB];
	_ =	sdelay $0x3  }
0x92: {  	_ =	strace s17  }
0x93: {  	s2 =	sld [smem:$0x3FFC];
	_ =	sdelay $0x3  }
0x94: {  	_ =	strace s2  }
0x95: {  	s2 =	sld [smem:$0x3FFD];
	_ =	sdelay $0x3  }
0x96: {  	_ =	strace s2  }
0x97: {  	_ =	strace $0x8FFFFFFF  }
0x98: {  	s18 =	sld [smem:$0x3FDB];
	_ =	sdelay $0x1  }
0x99: {  	s19 =	simm.s32 $_scs_section_size  }
0x9a: {  	s4 =	simm.s32 $_size__tile_overlayer_lowered;
	s5 =	simm.s32 $_tile_overlayer_lowered  }
0x9b: {  	s22 =	simm.s32 $0x1BFF;
	s21 =	sshll.u32 s5, $0x1;
	s2 =	sadd.s32 s19, s18  }
0x9c: {  	s6 =	simm.s32 $0x0;
	s20 =	sshll.u32 s4, $0x1;
	s4 =	sadd.s32 s21, s2  }
0x9d: {  	[timem:s6], [sflag:s22] =	dma.local [hbm:s4], s20  }
0x9e: {  	_ =	swait.ge [sflag:s22], s20  }
0x9f: {  	s3 =	ssub.s32 $0x0, s20;
	[sflag:s22] =	ssyncset.done $0x0  }
0xa0: {  	[sflag:s22] =	ssyncadd.s32 s3;
	_ =	sdelay $0x1  }
0xa1: {  	s23 =	simm.s32 $0x1B8B  }
0xa2: {  	_ =	swait.ge [sflag:s23], $0x1  }
0xa3: {  	[sflag:s23] =	ssyncset.done $0x0  }
0xa4: {  	s25 =	simm.s32 $0x1B8E;
	s24 =	sld [smem:$0x3FFE];
	[sflag:s23] =	ssyncadd.s32 $0xFFFFFFFF  }
0xa5: {  	s26 =	simm.s32 $execute0_lowered;
	[smem:$0x3FD2] =	sst s25  }
0xa6: {  	s4 =	sshll.u32 s26, $0x1;
	_ =	strace $0x80000058;
	[dreg:$0x1] =	wrdreg $0xFFFFFFFF  }
0xa7: {  	s28 =	simm.s32 $_size_execute0_lowered;
	s2 =	sadd.s32 s2, s4;
	[dreg:$0x0] =	wrdreg $0x0  }
0xa8: {  	s4 =	sshll.u32 s28, $0x1;
	[dreg:$0x2] =	wrdreg s2  }
0xa9: {  	[dreg:$0x3] =	wrdreg s4  }
0xaa: {  	[dreg:$0x4] =	wrdreg $0xC0  }
0xab: {  	_ =	task [dreg:s6], $0x5FFFF  }
0xac: {  	[dreg:$0x1] =	wrdreg $0xFFFFFFFF  }
0xad: {  	[dreg:$0x0] =	wrdreg $0x60  }
0xae: {  	[dreg:$0x2] =	wrdreg s24  }
0xaf: {  	[dreg:$0x3] =	wrdreg $0x9  }
0xb0: {  	_ =	task.clear_ibuf [dreg:s6], $0x4FFFF;
	_ =	strace $0x90000058  }
0xb1: {  	s29 =	simm.s32 $0x9;
	_ =	strace $0x8000005A  }
0xb2: {  	_ =	swait.ge [sflag:s29], $0x1  }
0xb3: {  	[sflag:s29] =	ssyncadd.s32 $0xFFFFFFFF  }
0xb4: {  	_ =	strace $0x9000005A  }
0xb5: {  	_ =	sfence  }
0xb6: {  	s30 =	sld [smem:$0x0];
	_ =	sdelay $0x2  }
0xb7: {  	s31 =	sshll.u32 s1, $0xD;
	s1 =	sshrl.u32 s1, $0x2  }
0xb8: {  	s3 =	sand.u32 $0x4000, s31;
	s1 =	sadd.s32 s1, s30  }
0xb9: {  	s0 =	sor.u32 s3, s0;
	s1 =	sshll.u32 s1, $0x11  }
0xba: {  	s0 =	sor.u32 s1, s0  }
0xbb: {  	s0 =	sadd.s32 $0x8F2B, s0  }
0xbc: {  	[sflag:s0] =	ssyncadd.remote.s32 $0x1  }
0xbd: {  	_ =	sfence.sel $0xFFFF  }
0xbe: {  	[dreg:$0x0] =	wrdreg $0xFFFFFFFF;
	(pc) =	sbr.abs _section_cstart, $3  }
0xbf: {  	[dreg:$0x1] =	wrdreg $0xFFFFFFFF  }
0xc0: {  	_ =	task.clear_ibuf [dreg:s6], $0x2FFFF;
	_ =	strace $0x9FFFFFFF  }
0xc1: {  	(tm) =	ssettm $0x7FFFFFFF  }
tec
execute0_lowered:
.L_overlay_start_1:
0x0: {  	(tag) =	ssettag $0x1  }
0x1: {  	s0 =	srdreg.scid;
	s6 =	rddreg [dreg:$0x0]  }
0x2: {  	s2 =	simm.s32 $0x0;
	s11 =	simm.s32 $0x2800;
	s12 =	simm.s32 $0x5000  }
0x3: {  	s13 =	simm.s32 $0x7880;
	s14 =	simm.s32 $0xC980;
	s15 =	simm.s32 $0xA100  }
0x4: {  	s16 =	simm.s32 $0x80;
	s17 =	simm.s32 $0x400;
	s5 =	sand.u32 $0x1, s0  }
0x5: {  	s18 =	simm.s32 $0x0;
	s0 =	stileid.u32;
	s1 =	sshll.u32 s5, $0x4  }
0x6: {  	[smem:$0x7FF] =	sst s2;
	s28 =	sshll.u32 s0, $0x7;
	s4 =	sor.u32 s0, s1  }
0x7: {  	s5 =	ssub.s32 $0x2, s5;
	s1 =	rddreg [dreg:$0x1];
	s3 =	sshrl.u32 s4, $0x3  }
0x8: {  	_ =	strace $0x80000059;
	s8 =	sand.u32 $0x380, s28;
	s7 =	smul.u32 $0x14000, s3  }
0x9: {  	s31 =	sshrl.u32 s5, $0x1;
	s9 =	smul.u32 $0x50A, s4;
	s4 =	sadd.s32 $0xA00, s6  }
0xa: {  	s10 =	ssub.s32 s5, s31;
	s3 =	sadd.s32 $0x400, s6;
	s7 =	sor.u32 s8, s7  }
0xb: {  	s29 =	sadd.s32 s9, s6;
	s9 =	smax.u32 s10, $0x1;
	s7 =	sshrl.u32 s7, $0x3  }
0xc: {  	s10 =	simm.s32 $0x1;
	s5 =	sadd.s32 $0xB200, s29;
	s30 =	sadd.s32 s7, s6  }
0xd: {  	v0 =	vimm.s32 $0xFFFFFFFE;
	v1 =	vimm.s32 $0xFFFFFFFD;
	v2 =	vimm.f32 $0.0e+00;
	s6 =	sadd.s32 $0x1000, s29;
	s7 =	sadd.s32 $0x15400, s29;
	s8 =	sadd.s32 $0x3DA00, s30  }
.LBB2_1:
0xe: {  	[tilespmem:s2], [sflag:$0x1] =	stream.linear.gather [hbm4b:s3+s2], $0x2800, $0x38;
	[tilespmem:$0xF280] =	vst v63  }
0xf: {  	_ =	swait.ge [sflag:s10], $0x2800  }
0x10: {  	[sflag:s10] =	ssyncset.done $0x0  }
0x11: {  	[sflag:s10] =	ssyncadd.s32 $0xFFFFD800  }
0x12: {  	[tilespmem:s11], [sflag:$0x1] =	stream.linear.gather [hbm4b:s4+s2], $0x2800, $0x38;
	[tilespmem:$0xF280] =	vst v63  }
0x13: {  	_ =	swait.ge [sflag:s10], $0x2800  }
0x14: {  	[sflag:s10] =	ssyncset.done $0x0  }
0x15: {  	[sflag:s10] =	ssyncadd.s32 $0xFFFFD800  }
0x16: {  	[tilespmem:s12], [sflag:$0x1] =	stream.linear.gather [hbm4b:s5+s2], $0x2850, $0x38;
	[tilespmem:$0xF280] =	vst v63  }
0x17: {  	_ =	swait.ge [sflag:s10], $0x2850  }
0x18: {  	[sflag:s10] =	ssyncset.done $0x0  }
0x19: {  	[sflag:s10] =	ssyncadd.s32 $0xFFFFD7B0  }
0x1a: {  	[tilespmem:s13], [sflag:$0x1] =	stream.linear.gather [hbm4b:s6+s2], $0x2850, $0x38;
	[tilespmem:$0xF280] =	vst v63  }
0x1b: {  	_ =	swait.ge [sflag:s10], $0x2850  }
0x1c: {  	[sflag:s10] =	ssyncset.done $0x0  }
0x1d: {  	[sflag:s10] =	ssyncadd.s32 $0xFFFFD7B0  }
0x1e: {  	[tilespmem:$0xF180] =	vst v0  }
0x1f: {  	[tilespmem:$0xF1A0] =	vst v1  }
0x20: {  	s19 =	simm.s32 $0x0;
	[tilespmem:$0xF200] =	vst v2  }
.LBB2_2:
0x21: {  	p0 =	sne.s32 s19, $0x9FC0  }
.Ltmp0:
0x22: {  	_ = 	snop;
	(pc) =	sbr.rel @p0 .LBB2_2-.Ltmp0, $3  }
0x23: {  	_ =	sdelay $0x1  }
0x24: {  	s20 =	sshra.s32 s19, $0x2  }
0x25: {  	s19 =	sadd.s32 $0x40, s19;
	[tilespmem:s20+$0xC980] =	vst v2  }
0x26: {  	s19 =	simm.s32 $0x0  }
0x27: {  	v3 =	vld [tilespmem:s19+$0x5000]  }
0x28: {  	v4 =	vld [tilespmem:s19+$0x7880];
	_ =	sdelay $0x6  }
0x29: {  	v3 =	vld.idx.msk [tilespmem:v3+s2+$0x0], $0xffff  }
0x2a: {  	v5 =	vld.idx.msk [tilespmem:v4+s11+$0x0], $0xffff;
	_ =	sdelay $0x4  }
0x2b: {  	v3 =	vadd.f32 v5, v3;
	_ =	sdelay $0x1  }
0x2c: {  	v5 =	vmul.f32 $2.000000030e-01, v3  }
0x2d: {  	vm0 =	vge.f32 v3, $0.0e+00  }
0x2e: {  	v3 =	vsel vm0, v3, v5  }
0x2f: {  	v3 =	vmul.f32 $1.442695020e+00, v3;
	_ =	sdelay $0x1  }
0x30: {  	(erf) = vpow2.f32 v3;
	_ =	sdelay $0x8  }
0x31: {  	v3 =	vxor.u32 $0x80000000, v4;
	v4 =	vpop (erf)  }
0x32: {  	(xrf1) =	vsort.ascd.msk.u32 $0xffff, v3, v4;
	_ =	sdelay $0xd  }
0x33: {  	[tilespmem:s19+$0xA100] =	vst v4;
	v3, v4, _ =	vpop (xrf1)  }
0x34: {  	v3 =	vxor.u32 $0x80000000, v3;
	[tilespmem:$0xF210] =	vst v4  }
0x35: {  	[tilespmem:$0xF190] =	vst v3;
	v5 =	vld [tilespmem:$0xF20F]  }
0x36: {  	v6 =	vld [tilespmem:$0xF18F];
	_ =	sdelay $0x3  }
0x37: {  	v5 =	vadd.f32 v4, v5  }
0x38: {  	vm0 =	veq.s32 v6, v3  }
0x39: {  	v4 =	vsel vm0, v5, v4  }
0x3a: {  	[tilespmem:$0xF210] =	vst v4  }
0x3b: {  	v5 =	vld [tilespmem:$0xF20E]  }
0x3c: {  	v6 =	vld [tilespmem:$0xF18E];
	_ =	sdelay $0x3  }
0x3d: {  	v5 =	vadd.f32 v4, v5  }
0x3e: {  	vm0 =	veq.s32 v6, v3  }
0x3f: {  	v4 =	vsel vm0, v5, v4  }
0x40: {  	[tilespmem:$0xF210] =	vst v4  }
0x41: {  	v5 =	vld [tilespmem:$0xF20C]  }
0x42: {  	v6 =	vld [tilespmem:$0xF18C];
	_ =	sdelay $0x3  }
0x43: {  	v5 =	vadd.f32 v4, v5  }
0x44: {  	vm0 =	veq.s32 v6, v3  }
0x45: {  	v4 =	vsel vm0, v5, v4  }
0x46: {  	[tilespmem:$0xF210] =	vst v4  }
0x47: {  	v5 =	vld [tilespmem:$0xF208]  }
0x48: {  	v6 =	vld [tilespmem:$0xF188]  }
0x49: {  	v7 =	vld [tilespmem:$0xF191];
	_ =	sdelay $0x2  }
0x4a: {  	v5 =	vadd.f32 v5, v4  }
0x4b: {  	vm0 =	veq.s32 v6, v3;
	v8 =	vld.idx.msk [tilespmem:v3+s14+$0x0], $0xffff  }
0x4c: {  	v4 =	vsel vm0, v5, v4;
	vm0 =	vne.s32 v7, v3;
	_ =	sdelay $0x3  }
0x4d: {  	s19 =	simm.s32 $0x40;
	v4 =	vadd.f32 v4, v8  }
.LBB2_4:
0x4e: {  	p0 =	sne.s32 s19, $0xA100;
	s20 =	smov.u32 s19;
	s19 =	sadd.s32 $0x40, s19  }
0x4f: {  	s20 =	sshra.s32 s20, $0x2;
	[tilespmem:v3+s14+$0x0] =	vst.idx.msk vm0, v4  }
0x50: {  	v3 =	vld [tilespmem:s20+$0x5000]  }
0x51: {  	v4 =	vld [tilespmem:s20+$0x7880];
	_ =	sdelay $0x6  }
0x52: {  	v3 =	vld.idx.msk [tilespmem:v3+s2+$0x0], $0xffff  }
0x53: {  	v5 =	vld.idx.msk [tilespmem:v4+s11+$0x0], $0xffff;
	_ =	sdelay $0x5  }
0x54: {  	v3 =	vadd.f32 v5, v3;
	_ =	sdelay $0x1  }
0x55: {  	vm0 =	vge.f32 v3, $0.0e+00;
	v5 =	vmul.f32 $2.000000030e-01, v3;
	_ =	sdelay $0x1  }
0x56: {  	v3 =	vsel vm0, v3, v5  }
0x57: {  	v3 =	vmul.f32 $1.442695020e+00, v3;
	_ =	sdelay $0x1  }
0x58: {  	(erf) = vpow2.f32 v3;
	_ =	sdelay $0x7  }
0x59: {  	v3 =	vxor.u32 $0x80000000, v4  }
0x5a: {  	v4 =	vpop (erf)  }
0x5b: {  	(xrf1) =	vsort.ascd.msk.u32 $0xffff, v3, v4;
	_ =	sdelay $0xc  }
0x5c: {  	[tilespmem:s20+$0xA100] =	vst v4  }
0x5d: {  	v3, v4, _ =	vpop (xrf1)  }
0x5e: {  	v3 =	vxor.u32 $0x80000000, v3;
	[tilespmem:$0xF210] =	vst v4  }
0x5f: {  	[tilespmem:$0xF190] =	vst v3;
	v5 =	vld [tilespmem:$0xF20F]  }
0x60: {  	v6 =	vld [tilespmem:$0xF18F]  }
0x61: {  	v7 =	vld [tilespmem:$0xF18C]  }
0x62: {  	v8 =	vld [tilespmem:$0xF191]  }
0x63: {  	v9 =	vld [tilespmem:$0xF188]  }
0x64: {  	v5 =	vadd.f32 v4, v5  }
0x65: {  	vm0 =	veq.s32 v6, v3  }
0x66: {  	v4 =	vsel vm0, v5, v4;
	vm2 =	veq.s32 v7, v3  }
0x67: {  	[tilespmem:$0xF210] =	vst v4;
	v5 =	vld [tilespmem:$0xF18E];
	vm0 =	vne.s32 v8, v3  }
0x68: {  	v6 =	vld [tilespmem:$0xF20E];
	vm1 =	veq.s32 v9, v3;
	_ =	sdelay $0x3  }
0x69: {  	vm3 =	veq.s32 v5, v3  }
0x6a: {  	v5 =	vadd.f32 v4, v6;
	_ =	sdelay $0x1  }
0x6b: {  	v4 =	vsel vm3, v5, v4  }
0x6c: {  	[tilespmem:$0xF210] =	vst v4  }
0x6d: {  	v5 =	vld [tilespmem:$0xF20C];
	_ =	sdelay $0x4  }
0x6e: {  	v5 =	vadd.f32 v4, v5;
	_ =	sdelay $0x1  }
0x6f: {  	v4 =	vsel vm2, v5, v4  }
0x70: {  	[tilespmem:$0xF210] =	vst v4  }
0x71: {  	v5 =	vld [tilespmem:$0xF208]  }
0x72: {  	v6 =	vld.idx.msk [tilespmem:v3+s14+$0x0], $0xffff;
	_ =	sdelay $0x2  }
.Ltmp1:
0x73: {  	(pc) =	sbr.rel @p0 .LBB2_4-.Ltmp1, $3  }
0x74: {  	v5 =	vadd.f32 v5, v4;
	_ =	sdelay $0x1  }
0x75: {  	v4 =	vsel vm1, v5, v4  }
0x76: {  	v4 =	vadd.f32 v4, v6  }
0x77: {  	_ =	sdelay $0x4  }
0x78: {  	[tilespmem:v3+s14+$0x0] =	vst.idx.msk vm0, v4  }
0x79: {  	[hbm4b:s7+s2] =	stream.linear.scatter [tilespmem:s15], [sflag:$0x1], $0x2850, $0x38;
	[tilespmem:$0xF280] =	vst v63  }
0x7a: {  	s18 =	sadd.s32 $0x1, s18;
	_ =	swait.ge [sflag:s10], $0x2850  }
0x7b: {  	p0 =	sne.s32 s18, s9;
	[sflag:s10] =	ssyncset.done $0x0  }
.Ltmp2:
0x7c: {  	[sflag:s10] =	ssyncadd.s32 $0xFFFFD7B0;
	(pc) =	sbr.rel @p0 .LBB2_1-.Ltmp2, $4  }
0x7d: {  	[hbm4b:s8+s16] =	stream.strided.scatter [tilespmem:s14], [sflag:$0x1], $0x2800, s17, s16, $0x38;
	[tilespmem:$0xF280] =	vst v63  }
0x7e: {  	_ =	swait.ge [sflag:s10], $0x2800  }
0x7f: {  	[sflag:s10] =	ssyncset.done $0x0  }
0x80: {  	[sflag:s10] =	ssyncadd.s32 $0xFFFFD800  }
0x81: {  	_ =	sfence.sel $0x180000  }
0x82: {  	[bflag:$0x0] =	sbarrier.arrive $0xFFFF  }
0x83: {  	p0 =	sne.s32 s0, $0x0;
	_ =	strace $0x90000059  }
0x84: {  	s0 =	sadd.s32 @!p0 $0x100000, s1;
	[bflag:$0x2] =	sbarrier.arrive $0xFFFF  }
0x85: {  	[sflag:s0] =	ssyncadd.tile.s32 @!p0 $0x1;
	_ =	shalt  }
.Lfunc_end2:
_tile_overlayer_lowered:
.L_overlay_start_2:
0x86: {  	(tag) =	ssettag $0x2  }
0x87: {  	s0 =	rddreg [dreg:$0x0];
	s2 =	stileid.u32  }
0x88: {  	s1 =	rddreg [dreg:$0x1];
	p0 =	sne.s32 s2, $0x0  }
0x89: {  	s3 =	rddreg [dreg:$0x2];
	[bflag:$0x3] =	sbarrier.arrive $0xFFFF;
	s2 =	simm.s32 @!p0 $0x1C01  }
0x8a: {  	[timem:s3], [sflag:s2] =	dma.local @!p0 [hbm:s0], s1  }
0x8b: {  	s0 =	simm.s32 @!p0 $0x1  }
0x8c: {  	_ =	swait.ge @!p0 [sflag:s0], s1  }
0x8d: {  	s1 =	ssub.s32 @!p0 $0x0, s1;
	[sflag:s0] =	ssyncset.done @!p0 $0x0  }
0x8e: {  	[sflag:s0] =	ssyncadd.s32 @!p0 s1  }
0x8f: {  	[bflag:$0x3] =	sbarrier.arrive $0xFFFF  }
0x90: {  	_ =	shalt  }

// kernel: scatter_offload_async_start.1
scs
__scs_entry_jumppad:
0x0: {  	(pc) =	sbr.rel $0x88, $3  }
0x1: {  	(tag) =	ssettag $0x0;
	lr =	simm.s32 $0x1  }
0x2: {  	[smem:$0x3F85] =	sst lr;
	_ =	strace $0xD0000000  }
0x3: {  	_ = 	snop  }
0x4: {  	_ = 	snop  }
0x5: {  	_ = 	snop  }
0x6: {  	_ = 	snop  }
0x7: {  	_ = 	snop  }
__scs_overlays_trampoline_lowered:
0x8: {  	[smem:$0x3F94] =	sst s0  }
0x9: {  	[smem:$0x3F95] =	sst s1  }
0xa: {  	[smem:$0x3F96] =	sst s2  }
0xb: {  	[smem:$0x3F97] =	sst s3  }
0xc: {  	[smem:$0x3F98] =	sst s4  }
0xd: {  	[smem:$0x3F99] =	sst s5  }
0xe: {  	[smem:$0x3F9A] =	sst s6  }
0xf: {  	[smem:$0x3F9B] =	sst s7  }
0x10: {  	[smem:$0x3F9C] =	sst s8  }
0x11: {  	[smem:$0x3F9D] =	sst s9;
	s0 =	simm.s32 @!p0 $0x0  }
0x12: {  	s1 =	sld [smem:$0x3F83];
	s0 =	simm.s32 @p0 $0x1  }
0x13: {  	[smem:$0x3F9E] =	sst s0;
	s0 =	simm.s32 @!p1 $0x0  }
0x14: {  	s2 =	sld [smem:$0x3F82];
	s0 =	simm.s32 @p1 $0x1  }
0x15: {  	[smem:$0x3F9F] =	sst s0;
	s0 =	simm.s32 @!p2 $0x0  }
0x16: {  	s3 =	sld [smem:$0x3FDB];
	s0 =	simm.s32 @p2 $0x1  }
0x17: {  	s4 =	simm.s32 $0x1BF5;
	[smem:$0x3FA1] =	sst s0  }
0x18: {  	s0 =	sld [smem:$0x3F84];
	_ =	swait.ge [sflag:s4], $0x0  }
0x19: {  	s7 =	sld [smem:$0x3F85]  }
0x1a: {  	s8 =	sadd.s32 $0xFFFFE003, lr  }
0x1b: {  	s9 =	sadd.s32 $0xFFFFFEF7, lr;
	s5 =	simm.s32 $0xFFFFFFFF;
	p2 =	slt.u32 s8, $0xFFFFF086  }
0x1c: {  	p1 =	slt.u32 s9, $0xF7A;
	s5 =	simm.s32 @!p2 $0x0  }
0x1d: {  	s5 =	simm.s32 @p1 $0x1;
	p0 =	seq.s32 s7, s2  }
0x1e: {  	s7 =	smul.u32 @!p0 $0xF7A, s2;
	p2 =	seq.s32 @!p0 s5, $0x0  }
0x1f: {  	s9 =	smul.u32 $0xF7A, s1;
	s8 =	simm.s32 @!p0 $0x1BF5;
	p2 =	por !p2, p0  }
0x20: {  	[sflag:s8] =	ssyncset.s32 @!p0 $0xFFFFF086;
	s6 =	sadd.s32 @!p0 s3, s7;
	s7 =	simm.s32 @!p0 $0x108  }
0x21: {  	s3 =	sadd.s32 s3, s9;
	s6 =	sadd.s32 @!p0 $0x88, s6;
	s7 =	simm.s32 @p2 $0x1082  }
0x22: {  	[simem:s7], [sflag:s8] =	dma.local @!p0 [hbm:s6], $0xF7A  }
0x23: {  	s9 =	sor.u32 $0xD0000000, s2;
	s6 =	simm.s32 $0x108;
	_ =	swait.ge @!p0 [sflag:s8], $0x0  }
0x24: {  	s3 =	sadd.s32 $0x88, s3;
	s6 =	simm.s32 @!p1 $0x1082;
	[sflag:s4] =	ssyncset.s32 $0xFFFFF086  }
0x25: {  	[simem:s6], [sflag:s4] =	dma.local [hbm:s3], $0xF7A  }
0x26: {  	[smem:$0x3F85] =	sst s1;
	(tag) =	ssettag s2;
	_ =	strace s9  }
0x27: {  	s1 =	sld [smem:$0x3F95]  }
0x28: {  	s2 =	sld [smem:$0x3F96]  }
0x29: {  	s4 =	sld [smem:$0x3F98]  }
0x2a: {  	p0 =	seq.s32 s5, $0x0;
	s5 =	sld [smem:$0x3F99]  }
0x2b: {  	s6 =	sld [smem:$0x3F9A]  }
0x2c: {  	s7 =	sld [smem:$0x3F9B]  }
0x2d: {  	s3 =	simm.s32 $0x108;
	s8 =	sld [smem:$0x3F9C]  }
0x2e: {  	s3 =	simm.s32 @!p0 $0x1082;
	s9 =	sld [smem:$0x3F9D]  }
0x2f: {  	lr =	sadd.s32 s0, s3;
	s0 =	sld [smem:$0x3F94]  }
0x30: {  	s3 =	sld [smem:$0x3F97]  }
0x31: {  	[smem:$0x3FA0] =	sst s10  }
0x32: {  	s10 =	sld [smem:$0x3F9E];
	_ =	sdelay $0x3  }
0x33: {  	p0 =	seq.s32 s10, $0x1;
	s10 =	sld [smem:$0x3FA0];
	_ =	sdelay $0x3  }
0x34: {  	[smem:$0x3FA0] =	sst s10  }
0x35: {  	s10 =	sld [smem:$0x3F9F];
	_ =	sdelay $0x3  }
0x36: {  	p1 =	seq.s32 s10, $0x1;
	s10 =	sld [smem:$0x3FA0];
	_ =	sdelay $0x3  }
0x37: {  	[smem:$0x3FA0] =	sst s10  }
0x38: {  	s10 =	sld [smem:$0x3FA1]  }
0x39: {  	_ = 	snop;
	(pc) =	sbr.ind lr, $3  }
0x3a: {  	_ = 	snop  }
0x3b: {  	_ = 	snop  }
0x3c: {  	p2 =	seq.s32 s10, $0x1;
	s10 =	sld [smem:$0x3FA0]  }
0x3d: {  	_ =	shalt  }
0x3e: {  	_ =	shalt  }
0x3f: {  	_ =	shalt  }
0x40: {  	_ =	shalt  }
0x41: {  	_ =	shalt  }
0x42: {  	_ =	shalt  }
0x43: {  	_ =	shalt  }
0x44: {  	_ =	shalt  }
0x45: {  	_ =	shalt  }
0x46: {  	_ =	shalt  }
0x47: {  	_ =	shalt  }
0x48: {  	_ =	shalt  }
0x49: {  	_ =	shalt  }
0x4a: {  	_ =	shalt  }
0x4b: {  	_ =	shalt  }
0x4c: {  	_ =	shalt  }
0x4d: {  	_ =	shalt  }
0x4e: {  	_ =	shalt  }
0x4f: {  	_ =	shalt  }
0x50: {  	_ =	shalt  }
0x51: {  	_ =	shalt  }
0x52: {  	_ =	shalt  }
0x53: {  	_ =	shalt  }
0x54: {  	_ =	shalt  }
0x55: {  	_ =	shalt  }
0x56: {  	_ =	shalt  }
0x57: {  	_ =	shalt  }
0x58: {  	_ =	shalt  }
0x59: {  	_ =	shalt  }
0x5a: {  	_ =	shalt  }
0x5b: {  	_ =	shalt  }
0x5c: {  	_ =	shalt  }
0x5d: {  	_ =	shalt  }
0x5e: {  	_ =	shalt  }
0x5f: {  	_ =	shalt  }
0x60: {  	_ =	shalt  }
0x61: {  	_ =	shalt  }
0x62: {  	_ =	shalt  }
0x63: {  	_ =	shalt  }
0x64: {  	_ =	shalt  }
0x65: {  	_ =	shalt  }
0x66: {  	_ =	shalt  }
0x67: {  	_ =	shalt  }
0x68: {  	_ =	shalt  }
0x69: {  	_ =	shalt  }
0x6a: {  	_ =	shalt  }
0x6b: {  	_ =	shalt  }
0x6c: {  	_ =	shalt  }
0x6d: {  	_ =	shalt  }
0x6e: {  	_ =	shalt  }
0x6f: {  	_ =	shalt  }
0x70: {  	_ =	shalt  }
0x71: {  	_ =	shalt  }
0x72: {  	_ =	shalt  }
0x73: {  	_ =	shalt  }
0x74: {  	_ =	shalt  }
0x75: {  	_ =	shalt  }
0x76: {  	_ =	shalt  }
0x77: {  	_ =	shalt  }
0x78: {  	_ =	shalt  }
0x79: {  	_ =	shalt  }
0x7a: {  	_ =	shalt  }
0x7b: {  	_ =	shalt  }
0x7c: {  	_ =	shalt  }
0x7d: {  	_ =	shalt  }
0x7e: {  	_ =	shalt  }
0x7f: {  	_ =	shalt  }
0x80: {  	_ =	shalt  }
0x81: {  	_ =	shalt  }
0x82: {  	_ =	shalt  }
0x83: {  	_ =	shalt  }
0x84: {  	_ =	shalt  }
0x85: {  	_ =	shalt  }
0x86: {  	_ =	shalt  }
0x87: {  	_ =	shalt  }
.Lfunc_end0:
.L_simem_size_0:
called_computation.1_lowered:
.L_overlay_start_0:
0x88: {  	s2 =	sld [smem:$0x3FD9]  }
0x89: {  	s3 =	sld [smem:$0x3FFE];
	_ =	sdelay $0x1  }
0x8a: {  	s1 =	srdreg.scid  }
0x8b: {  	s0 =	sand.u32 $0x1, s1  }
0x8c: {  	s15 =	sshll.u32 s0, $0xA;
	s2 =	sadd.s32 s3, s2  }
0x8d: {  	s2 =	sadd.s32 s2, s15  }
0x8e: {  	[smem:$0x3FAC] =	sst s2  }
0x8f: {  	_ = 	snop  }
0x90: {  	(tm) =	ssettm $0x1  }
0x91: {  	s16 =	sld [smem:$0x3FFB];
	_ =	sdelay $0x3  }
0x92: {  	_ =	strace s16  }
0x93: {  	s2 =	sld [smem:$0x3FFC];
	_ =	sdelay $0x3  }
0x94: {  	_ =	strace s2  }
0x95: {  	s2 =	sld [smem:$0x3FFD];
	_ =	sdelay $0x3  }
0x96: {  	_ =	strace s2  }
0x97: {  	_ =	strace $0x8FFFFFFF  }
0x98: {  	s17 =	sld [smem:$0x3FDB];
	_ =	sdelay $0x1  }
0x99: {  	s18 =	simm.s32 $_scs_section_size  }
0x9a: {  	s4 =	simm.s32 $_size__tile_overlayer_lowered;
	s5 =	simm.s32 $_tile_overlayer_lowered  }
0x9b: {  	s6 =	simm.s32 $0x1BFF;
	s19 =	sshll.u32 s5, $0x1;
	s3 =	sadd.s32 s18, s17  }
0x9c: {  	s20 =	simm.s32 $0x0;
	s4 =	sshll.u32 s4, $0x1;
	s5 =	sadd.s32 s19, s3  }
0x9d: {  	[timem:s20], [sflag:s6] =	dma.local [hbm:s5], s4  }
0x9e: {  	_ =	swait.ge [sflag:s6], s4  }
0x9f: {  	s4 =	ssub.s32 $0x0, s4;
	[sflag:s6] =	ssyncset.done $0x0  }
0xa0: {  	[sflag:s6] =	ssyncadd.s32 s4;
	_ =	sdelay $0x1  }
0xa1: {  	s21 =	simm.s32 $0x1B8B  }
0xa2: {  	_ =	swait.ge [sflag:s21], $0x1  }
0xa3: {  	[sflag:s21] =	ssyncset.done $0x0  }
0xa4: {  	s22 =	sld [smem:$0x3FFE];
	[sflag:s21] =	ssyncadd.s32 $0xFFFFFFFF  }
0xa5: {  	s24 =	simm.s32 $0x1B8E;
	s23 =	sld [smem:$0x0]  }
0xa6: {  	s25 =	simm.s32 $execute0_lowered;
	[smem:$0x3FD2] =	sst s24  }
0xa7: {  	s6 =	sshll.u32 s25, $0x1;
	_ =	strace $0x80000052;
	[dreg:$0x1] =	wrdreg $0xFFFFFFFF  }
0xa8: {  	s7 =	simm.s32 $_size_execute0_lowered;
	s6 =	sadd.s32 s3, s6;
	[dreg:$0x0] =	wrdreg $0x0  }
0xa9: {  	s7 =	sshll.u32 s7, $0x1;
	[dreg:$0x2] =	wrdreg s6  }
0xaa: {  	[dreg:$0x3] =	wrdreg s7  }
0xab: {  	[dreg:$0x4] =	wrdreg $0xC0  }
0xac: {  	s26 =	simm.s32 $execute1_lowered;
	_ =	task [dreg:s20], $0x5FFFF  }
0xad: {  	s6 =	sshll.u32 s26, $0x1;
	[dreg:$0x1] =	wrdreg $0xFFFFFFFF  }
0xae: {  	s3 =	sadd.s32 s3, s6;
	[dreg:$0x0] =	wrdreg $0x60  }
0xaf: {  	[dreg:$0x2] =	wrdreg s3  }
0xb0: {  	[dreg:$0x3] =	wrdreg s22  }
0xb1: {  	[dreg:$0x4] =	wrdreg $0x9  }
0xb2: {  	_ =	task.clear_ibuf [dreg:s20], $0x5FFFF;
	_ =	strace $0x90000052  }
0xb3: {  	s28 =	simm.s32 $0x9;
	_ =	strace $0x80000054  }
0xb4: {  	_ =	swait.ge [sflag:s28], $0x1  }
0xb5: {  	[sflag:s28] =	ssyncadd.s32 $0xFFFFFFFF  }
0xb6: {  	_ =	strace $0x90000054  }
0xb7: {  	s3 =	sld [smem:$0x0]  }
0xb8: {  	s6 =	sand.u32 $0xFFFFFFFE, s1  }
0xb9: {  	p0 =	sne.s32 s1, s6  }
0xba: {  	s6 =	sshll.u32 @p0 s6, $0xE  }
0xbb: {  	s6 =	sadd.s32 @p0 $0x11BF3, s6;
	s7 =	sshll.u32 @p0 s3, $0x11  }
0xbc: {  	s6 =	sor.u32 @p0 s7, s6  }
0xbd: {  	[sflag:s6] =	ssyncadd.remote.s32 @p0 $0x1;
	_ =	sdelay $0x1  }
0xbe: {  	s6 =	simm.s32 @p0 $0x1BF3  }
0xbf: {  	_ =	swait.eq @p0 [sflag:s6], $0x1  }
0xc0: {  	[sflag:s6] =	ssyncadd.s32 @p0 $0xFFFFFFFF  }
0xc1: {  	s7 =	sshll.u32 @!p0 s1, $0xE  }
0xc2: {  	s7 =	sor.u32 @!p0 $0x4000, s7;
	s6 =	simm.s32 @!p0 $0x1BF3  }
0xc3: {  	s3 =	sshll.u32 @!p0 s3, $0x11;
	s7 =	sadd.s32 @!p0 $0x11BF3, s7;
	_ =	swait.eq @!p0 [sflag:s6], $0x1  }
0xc4: {  	s3 =	sor.u32 @!p0 s3, s7;
	[sflag:s6] =	ssyncadd.s32 @!p0 $0xFFFFFFFF  }
0xc5: {  	[sflag:s3] =	ssyncadd.remote.s32 @!p0 $0x1  }
0xc6: {  	_ =	strace $0x80000055;
	[dreg:$0x1] =	wrdreg $0xFFFFFFFF  }
0xc7: {  	[dreg:$0x0] =	wrdreg $0x2030  }
0xc8: {  	[dreg:$0x2] =	wrdreg s22  }
0xc9: {  	[dreg:$0x3] =	wrdreg s1  }
0xca: {  	[dreg:$0x4] =	wrdreg s23  }
0xcb: {  	[dreg:$0x5] =	wrdreg $0xA  }
0xcc: {  	_ =	task.clear_ibuf [dreg:s20], $0x6FFFF;
	_ =	strace $0x90000055  }
0xcd: {  	s29 =	simm.s32 $0xA;
	_ =	strace $0x80000057  }
0xce: {  	_ =	swait.ge [sflag:s29], $0x1  }
0xcf: {  	[sflag:s29] =	ssyncadd.s32 $0xFFFFFFFF  }
0xd0: {  	_ =	strace $0x90000057  }
0xd1: {  	_ =	sfence  }
0xd2: {  	s30 =	sld [smem:$0x0];
	_ =	sdelay $0x2  }
0xd3: {  	s31 =	sshll.u32 s1, $0xD;
	s1 =	sshrl.u32 s1, $0x2  }
0xd4: {  	s4 =	sand.u32 $0x4000, s31;
	s1 =	sadd.s32 s1, s30  }
0xd5: {  	s0 =	sor.u32 s4, s0;
	s1 =	sshll.u32 s1, $0x11  }
0xd6: {  	s0 =	sor.u32 s1, s0  }
0xd7: {  	s0 =	sadd.s32 $0x8F2B, s0  }
0xd8: {  	[sflag:s0] =	ssyncadd.remote.s32 $0x1  }
0xd9: {  	_ =	sfence.sel $0xFFFF  }
0xda: {  	[dreg:$0x0] =	wrdreg $0xFFFFFFFF;
	(pc) =	sbr.abs _section_cstart, $3  }
0xdb: {  	[dreg:$0x1] =	wrdreg $0xFFFFFFFF  }
0xdc: {  	_ =	task.clear_ibuf [dreg:s20], $0x2FFFF;
	_ =	strace $0x9FFFFFFF  }
0xdd: {  	(tm) =	ssettm $0x7FFFFFFF  }
tec
execute0_lowered:
.L_overlay_start_1:
0x0: {  	(tag) =	ssettag $0x1  }
0x1: {  	s2 =	rddreg [dreg:$0x0]  }
0x2: {  	s4 =	rddreg [dreg:$0x1]  }
0x3: {  	s0 =	rddreg [dreg:$0x2];
	s3 =	stileid.u32;
	[bflag:$0x3] =	sbarrier.arrive $0xFFFF  }
0x4: {  	s1 =	simm.s32 $_size_execute1_lowered;
	s29 =	srdreg.scid;
	p0 =	sne.s32 s3, $0x0  }
0x5: {  	s1 =	sshll.u32 s1, $0x1;
	s5 =	simm.s32 @!p0 $0x1C3F;
	s6 =	simm.s32 @!p0 $0x4060  }
0x6: {  	[timem:s6], [sflag:s5] =	dma.local @!p0 [hbm:s2], s1  }
0x7: {  	s2 =	sshll.u32 s29, $0x7  }
0x8: {  	s7 =	simm.s32 $0x1;
	s3 =	sshll.u32 s3, $0x8;
	s2 =	sand.u32 $0x80, s2  }
0x9: {  	s8 =	simm.s32 $0x2;
	s9 =	simm.s32 $0x0;
	s2 =	sor.u32 s3, s2  }
0xa: {  	s12 =	simm.s32 $0x0;
	s11 =	simm.s32 $0x0;
	s30 =	ssub.s32 $0x2800, s2  }
.Ltmp0:
0xb: {  	s5 =	simm.s32 $0x1;
	s31 =	sand.u32 $0xF80, s30;
	(pc) =	sbr.rel .LBB2_1-.Ltmp0, $4  }
0xc: {  	_ =	strace $0x80000053;
	s3 =	sadd.s32 $0x566000, s4;
	p1 =	sne.s32 s31, $0x0  }
0xd: {  	[sflag:s5] =	ssyncpa.u1 $0x0;
	s6 =	sshrl.u32 s30, $0xC;
	s7 =	simm.s32 @!p1 $0x0  }
0xe: {  	s4 =	sadd.s32 $0x79000, s4;
	[sflag:s8] =	ssyncpa.u1 $0x0;
	s6 =	sadd.s32 s7, s6  }
0xf: {  	s8 =	simm.s32 $0x0;
	s10 =	smov.u32 s2;
	s7 =	sadd.s32 $0x1, s6  }
.LBB2_4:
0x10: {  	_ =	sdelay $0x3  }
0x11: {  	[tilespmem:v0+s14+$0xFFFFFFA0 ss:$0x1] =	vst.idx.msk $0xffff, v6  }
0x12: {  	v56 =	vld.idx.msk [tilespmem:v1+s15+$0x30 ss:$0x1], $0xffff;
	[tilespmem:v0+s14+$0xFFFFFFB0 ss:$0x1] =	vst.idx.msk $0xffff, v4  }
0x13: {  	v57 =	vld.idx.msk [tilespmem:v1+s15+$0xFFFFFFC0 ss:$0x1], $0xffff;
	[tilespmem:v0+s14+$0xFFFFFFC0 ss:$0x1] =	vst.idx.msk $0xffff, v2  }
0x14: {  	v58 =	vld.idx.msk [tilespmem:v1+s15+$0xFFFFFFD0 ss:$0x1], $0xffff;
	[tilespmem:v0+s14+$0xFFFFFFD0 ss:$0x1] =	vst.idx.msk $0xffff, v3  }
0x15: {  	v59 =	vld.idx.msk [tilespmem:v1+s15+$0xFFFFFFE0 ss:$0x1], $0xffff;
	[tilespmem:v0+s14+$0xFFFFFFE0 ss:$0x1] =	vst.idx.msk $0xffff, v5  }
0x16: {  	v60 =	vld.idx.msk [tilespmem:v1+s15+$0xFFFFFFF0 ss:$0x1], $0xffff;
	[tilespmem:v0+s14+$0xFFFFFFF0 ss:$0x1] =	vst.idx.msk $0xffff, v7;
	s12 =	sand.u32 $0x1FFFFFF, s12  }
0x17: {  	v61 =	vld.idx.msk [tilespmem:v1+s15+$0x0 ss:$0x1], $0xffff;
	s31 =	smulhi.u32 $0xCCCCCD, s12;
	[tilespmem:v0+s15+$0x0 ss:$0x1] =	vst.idx.msk $0xffff, v56  }
0x18: {  	v62 =	vld.idx.msk [tilespmem:v1+s15+$0x10 ss:$0x1], $0xffff;
	[tilespmem:v0+s15+$0xFFFFFF90 ss:$0x1] =	vst.idx.msk $0xffff, v57  }
0x19: {  	v63 =	vld.idx.msk [tilespmem:v1+s15+$0x20 ss:$0x1], $0xffff;
	s14 =	sshrl.u32 s31, $0x5;
	[tilespmem:v0+s15+$0xFFFFFFA0 ss:$0x1] =	vst.idx.msk $0xffff, v58  }
0x1a: {  	s14 =	smul.u32 $0x2800, s14;
	[tilespmem:v0+s15+$0xFFFFFFB0 ss:$0x1] =	vst.idx.msk $0xffff, v59  }
0x1b: {  	[tilespmem:v0+s15+$0xFFFFFFC0 ss:$0x1] =	vst.idx.msk $0xffff, v60  }
0x1c: {  	[tilespmem:v0+s15+$0xFFFFFFD0 ss:$0x1] =	vst.idx.msk $0xffff, v61;
	s12 =	ssub.s32 s12, s14  }
0x1d: {  	[tilespmem:v0+s15+$0xFFFFFFE0 ss:$0x1] =	vst.idx.msk $0xffff, v62;
	s12 =	sshll.u32 s12, $0x4  }
0x1e: {  	[tilespmem:v0+s15+$0xFFFFFFF0 ss:$0x1] =	vst.idx.msk $0xffff, v63;
	s12 =	sadd.s32 s4, s12  }
0x1f: {  	[hbm4b:s12+s8] =	stream.linear.scatter [tilespmem:s13], [sflag:$0x2], $0x4000, $0x38;
	[tilespmem:$0x10000] =	vst v63  }
.LBB2_5:
0x20: {  	s14 =	sadd.s32 $0x1000, s10  }
0x21: {  	p2 =	sgt.s32 s14, $0x27FF  }
0x22: {  	s14 =	smov.u32 @p2 s2;
	p2 =	sne.s32 s11, s7  }
.Ltmp1:
0x23: {  	p1 =	slt.u32 s11, $0x2;
	(pc) =	sbr.rel @!p2 .LBB2_6-.Ltmp1, $4  }
0x24: {  	s13 =	simm.s32 @!p1 $0x2  }
0x25: {  	s15 =	sadd.s32 $0x1, s11;
	_ =	swait.ge @!p1 [sflag:s13], $0x4000  }
0x26: {  	s12 =	smov.u32 s10;
	s9 =	sadd.s32 $0x4000, s9;
	[sflag:s13] =	ssyncset.done @!p1 $0x0  }
0x27: {  	s11 =	smov.u32 s15;
	s10 =	smov.u32 s14;
	[sflag:s13] =	ssyncadd.s32 @!p1 $0xFFFFC000  }
.LBB2_1:
0x28: {  	p1 =	sge.u32 s11, s6  }
0x29: {  	s13 =	sand.u32 @!p1 $0x1FFFFFF, s10  }
0x2a: {  	s14 =	smulhi.u32 @!p1 $0xCCCCCD, s13;
	_ =	sdelay $0x1  }
0x2b: {  	s14 =	sshrl.u32 @!p1 s14, $0x5  }
0x2c: {  	s14 =	smul.u32 @!p1 $0x2800, s14;
	_ =	sdelay $0x1  }
0x2d: {  	s15 =	sxor.u32 @!p1 $0xFFFFFFFF, s11;
	s13 =	ssub.s32 @!p1 s13, s14  }
0x2e: {  	s31 =	sadd.s32 $0xFFFFFFFF, s11;
	s14 =	sshll.u32 @!p1 s15, $0xE;
	s13 =	sshll.u32 @!p1 s13, $0x4  }
0x2f: {  	s15 =	simm.s32 @!p1 $0x0;
	s14 =	sand.u32 @!p1 $0x4000, s14;
	s13 =	sadd.s32 @!p1 s3, s13  }
0x30: {  	[tilespmem:s14], [sflag:$0x1] =	stream.linear.gather @!p1 [hbm4b:s13+s15], $0x4000, $0x38;
	[tilespmem:$0x10000] =	vst v63  }
0x31: {  	p1 =	sge.u32 s31, s6  }
.Ltmp2:
0x32: {  	_ = 	snop;
	(pc) =	sbr.rel @p1 .LBB2_5-.Ltmp2, $1  }
0x33: {  	_ =	sdelay $0x3  }
0x34: {  	s13 =	sand.u32 $0x4000, s9  }
0x35: {  	s14 =	sor.u32 $0x40, s13  }
0x36: {  	v1 =	vmov s14;
	_ =	sdelay $0x1  }
0x37: {  	_ =	swait.ge [sflag:s5], $0x4000  }
0x38: {  	[sflag:s5] =	ssyncset.done $0x0  }
0x39: {  	[sflag:s5] =	ssyncadd.s32 $0xFFFFC000;
	s14 =	simm.s32 $0x0  }
0x3a: {  	s13 =	sor.u32 $0x8070, s13;
	v7 =	vld.idx.msk [tilespmem:v1+s14+$0x30 ss:$0x1], $0xffff  }
0x3b: {  	v0 =	vmov s13;
	v8 =	vld.idx.msk [tilespmem:v1+s14+$0xFFFFFFC0 ss:$0x1], $0xffff  }
0x3c: {  	v6 =	vld.idx.msk [tilespmem:v1+s14+$0xFFFFFFD0 ss:$0x1], $0xffff  }
0x3d: {  	v4 =	vld.idx.msk [tilespmem:v1+s14+$0xFFFFFFE0 ss:$0x1], $0xffff  }
0x3e: {  	v2 =	vld.idx.msk [tilespmem:v1+s14+$0xFFFFFFF0 ss:$0x1], $0xffff  }
0x3f: {  	s31 =	sshll.u32 s11, $0xE;
	v3 =	vld.idx.msk [tilespmem:v1+s14+$0x0 ss:$0x1], $0xffff  }
0x40: {  	s13 =	sand.u32 $0x4000, s31;
	v5 =	vld.idx.msk [tilespmem:v1+s14+$0x10 ss:$0x1], $0xffff;
	[tilespmem:v0+s14+$0x0 ss:$0x1] =	vst.idx.msk $0xffff, v7  }
0x41: {  	s15 =	simm.s32 $0x80;
	s16 =	simm.s32 $0x400;
	s13 =	sor.u32 $0x8000, s13;
	[tilespmem:v0+s14+$0xFFFFFF90 ss:$0x1] =	vst.idx.msk $0xffff, v8;
	v7 =	vld.idx.msk [tilespmem:v1+s14+$0x20 ss:$0x1], $0xffff  }
.LBB2_3:
0x42: {  	p1 =	sne.s32 s16, $0xFE00;
	v8 =	vld.idx.msk [tilespmem:v1+s15+$0x30 ss:$0x1], $0xffff;
	[tilespmem:v0+s14+$0xFFFFFFA0 ss:$0x1] =	vst.idx.msk $0xffff, v6  }
0x43: {  	v9 =	vld.idx.msk [tilespmem:v1+s15+$0xFFFFFFC0 ss:$0x1], $0xffff;
	[tilespmem:v0+s14+$0xFFFFFFB0 ss:$0x1] =	vst.idx.msk $0xffff, v4  }
0x44: {  	v6 =	vld.idx.msk [tilespmem:v1+s15+$0xFFFFFFD0 ss:$0x1], $0xffff;
	[tilespmem:v0+s14+$0xFFFFFFC0 ss:$0x1] =	vst.idx.msk $0xffff, v2  }
.Ltmp3:
0x45: {  	v4 =	vld.idx.msk [tilespmem:v1+s15+$0xFFFFFFE0 ss:$0x1], $0xffff;
	[tilespmem:v0+s14+$0xFFFFFFD0 ss:$0x1] =	vst.idx.msk $0xffff, v3;
	(pc) =	sbr.rel @p1 .LBB2_3-.Ltmp3, $4  }
0x46: {  	v2 =	vld.idx.msk [tilespmem:v1+s15+$0xFFFFFFF0 ss:$0x1], $0xffff;
	[tilespmem:v0+s14+$0xFFFFFFE0 ss:$0x1] =	vst.idx.msk $0xffff, v5  }
0x47: {  	v3 =	vld.idx.msk [tilespmem:v1+s15+$0x0 ss:$0x1], $0xffff;
	[tilespmem:v0+s14+$0xFFFFFFF0 ss:$0x1] =	vst.idx.msk $0xffff, v7;
	s14 =	smov.u32 s15  }
0x48: {  	v5 =	vld.idx.msk [tilespmem:v1+s14+$0x10 ss:$0x1], $0xffff;
	[tilespmem:v0+s14+$0x0 ss:$0x1] =	vst.idx.msk $0xffff, v8  }
0x49: {  	s15 =	sshra.s32 s16, $0x2;
	s16 =	sadd.s32 $0x200, s16;
	[tilespmem:v0+s14+$0xFFFFFF90 ss:$0x1] =	vst.idx.msk $0xffff, v9;
	v7 =	vld.idx.msk [tilespmem:v1+s14+$0x20 ss:$0x1], $0xffff  }
.Ltmp4:
0x4a: {  	_ = 	snop;
	(pc) =	sbr.rel .LBB2_4-.Ltmp4, $1  }
0x4b: {  	_ =	sdelay $0x3  }
.LBB2_6:
0x4c: {  	_ =	sfence.sel $0x180000  }
0x4d: {  	s2 =	simm.s32 $0x1;
	[bflag:$0x0] =	sbarrier.arrive $0xFFFF  }
0x4e: {  	s31 =	simm.s32 $0x2;
	[sflag:s2] =	ssyncpa.u1 $0x1  }
0x4f: {  	[sflag:s31] =	ssyncpa.u1 $0x1  }
0x50: {  	_ =	strace $0x90000053  }
0x51: {  	s0 =	sadd.s32 @!p0 $0x100000, s0;
	[bflag:$0x2] =	sbarrier.arrive $0xFFFF  }
0x52: {  	[sflag:s0] =	ssyncadd.tile.s32 @!p0 $0x1;
	s0 =	simm.s32 @!p0 $0x3F  }
0x53: {  	_ =	swait.ge @!p0 [sflag:s0], s1  }
0x54: {  	s1 =	ssub.s32 @!p0 $0x0, s1;
	[sflag:s0] =	ssyncset.done @!p0 $0x0  }
0x55: {  	[sflag:s0] =	ssyncadd.s32 @!p0 s1  }
0x56: {  	[bflag:$0x3] =	sbarrier.arrive $0xFFFF  }
0x57: {  	_ =	shalt  }
.Lfunc_end2:
execute1_lowered:
.L_overlay_start_2:
0x58: {  	(tag) =	ssettag $0x2  }
0x59: {  	s0 =	rddreg [dreg:$0x0]  }
0x5a: {  	s2 =	rddreg [dreg:$0x1];
	_ =	strace $0x80000056;
	s1 =	simm.s32 $0x1  }
0x5b: {  	s3 =	simm.s32 $0x108;
	v0 =	vimm.s32 $0x0;
	[sflag:s1] =	ssyncpa.u1 $0x0  }
0x5c: {  	[tilespmem:s3+$0x70] =	vst v0  }
0x5d: {  	[tilespmem:s3+$0x60] =	vst v0  }
0x5e: {  	[tilespmem:s3+$0x50] =	vst v0  }
0x5f: {  	[tilespmem:s3+$0x40] =	vst v0  }
0x60: {  	[tilespmem:s3+$0x30] =	vst v0  }
0x61: {  	s1 =	sadd.s32 $0x79000, s0;
	s13 =	sadd.s32 $0x29600, s0;
	s6 =	sadd.s32 $0x58E000, s0;
	[tilespmem:s3+$0x20] =	vst v0  }
0x62: {  	s12 =	sadd.s32 $0x33800, s0;
	s2 =	sand.u32 $0x1, s2;
	s0 =	simm.s32 $0x40;
	[tilespmem:s3+$0x10] =	vst v0  }
.LBB3_1:
0x63: {  	s0 =	sadd.s32 $0x40, s0;
	[tilespmem:s3+$0x0] =	vst v0;
	s3 =	sadd.s32 $0x80, s3  }
0x64: {  	p0 =	slt.u32 s0, $0x3C40;
	[tilespmem:s3+$0x70] =	vst v0  }
0x65: {  	[tilespmem:s3+$0x60] =	vst v0  }
.Ltmp5:
0x66: {  	[tilespmem:s3+$0x50] =	vst v0;
	(pc) =	sbr.rel @p0 .LBB3_1-.Ltmp5, $4  }
0x67: {  	[tilespmem:s3+$0x40] =	vst v0  }
0x68: {  	[tilespmem:s3+$0x30] =	vst v0  }
0x69: {  	[tilespmem:s3+$0x20] =	vst v0  }
0x6a: {  	[tilespmem:s3+$0x10] =	vst v0  }
0x6b: {  	s7 =	simm.s32 $0x2;
	s30 =	stileid.u32  }
0x6c: {  	s8 =	simm.s32 $0x9;
	s0 =	simm.s32 $0xA;
	s10 =	simm.s32 $0xB  }
0x6d: {  	s31 =	smul.u32 $0x50A0, s2;
	s20 =	simm.s32 $0x0;
	p0 =	por $0x0, $0x0  }
.Ltmp6:
0x6e: {  	s15 =	simm.s32 $0x1;
	s16 =	simm.s32 $0xC;
	(pc) =	sbr.rel .LBB3_3-.Ltmp6, $4  }
0x6f: {  	[tilespmem:s3+$0x0] =	vst v0;
	v0 =	vimm.s32 $0xFFFFFFFF;
	s18 =	simm.s32 $0x0;
	s17 =	simm.s32 $0x0;
	[sflag:s7] =	ssyncpa.u1 $0x0  }
0x70: {  	s9 =	smul.u32 $0x2850, s30;
	s14 =	sshll.u32 s30, $0x8;
	[tilespmem:$0xF208] =	vst v0;
	[sflag:s8] =	ssyncpa.u1 $0x0  }
0x71: {  	s12 =	sadd.s32 s31, s12;
	s13 =	sadd.s32 s31, s13;
	[sflag:s0] =	ssyncpa.u1 $0x0  }
0x72: {  	v0 =	vlaneseq.u32;
	s11 =	sadd.s32 $0x2850, s9;
	s19 =	smov.u32 s9;
	[sflag:s10] =	ssyncpa.u1 $0x0  }
.LBB3_18:
0x73: {  	s0 =	sshrl.u32 s29, $0x2  }
.LBB3_20:
0x74: {  	_ =	swait.ge [sflag:s16], s0  }
0x75: {  	s31 =	ssub.s32 $0x0, s0;
	v1 =	vmov s23;
	vm0 =	veq.s32 v0, $0x0;
	[sflag:s16] =	ssyncset.done $0x0  }
0x76: {  	vm15 =	veq.s32 v0, $0x2;
	v1 =	vsel vm0, s28, v1;
	[sflag:s16] =	ssyncadd.s32 s31  }
0x77: {  	v1 =	vsel vm15, s20, v1;
	[sflag:s16] =	ssyncpa.u1 $0x1  }
0x78: {  	[tilespmem:$0xF208] =	vst v1  }
.LBB3_21:
0x79: {  	s0 =	sadd.s32 $0xF0, s19  }
0x7a: {  	s3 =	smov.u32 s9;
	s17 =	sadd.s32 $0x1, s17;
	p1 =	slt.s32 s0, s11  }
0x7b: {  	s3 =	smov.u32 @p1 s0;
	p1 =	sne.s32 s17, $0x2D  }
.Ltmp7:
0x7c: {  	_ = 	snop;
	(pc) =	sbr.rel @!p1 .LBB3_22-.Ltmp7, $3  }
0x7d: {  	_ =	sdelay $0x1  }
0x7e: {  	s20 =	smov.u32 s18  }
0x7f: {  	s18 =	smov.u32 s19;
	p0 =	por !p0, !p0;
	s19 =	smov.u32 s3  }
.LBB3_3:
0x80: {  	p1 =	sgt.u32 s17, $0x2A  }
0x81: {  	s0 =	smul.u32 @!p1 $0xAB, s17;
	_ =	sdelay $0x1  }
0x82: {  	s0 =	sshrl.u32 @!p1 s0, $0x9  }
0x83: {  	s4 =	smov.u32 s19;
	p2 =	sgt.s32 @!p1 s19, $0x28410;
	s0 =	sand.u32 @!p1 $0x7F, s0  }
0x84: {  	s5 =	sshra.s32 @!p1 s19, $0x1F;
	p2 =	por !p2, p1;
	s0 =	smul.u32 @!p1 $0x3, s0  }
0x85: {  	s5 =	sand.u32 @!p1 s5, s19;
	s4 =	simm.s32 @p2 $0x28410  }
0x86: {  	s4 =	ssub.s32 @!p1 s4, s5;
	s0 =	ssub.s32 @!p1 s17, s0  }
0x87: {  	s4 =	sadd.s32 @!p1 $0xFFFD7BF0, s4;
	s0 =	sand.u32 @!p1 $0xFF, s0  }
0x88: {  	s5 =	sshll.u32 @!p1 s4, $0x2;
	p2 =	sgt.s32 @!p1 s4, $0xEF;
	s0 =	smul.u32 @!p1 $0x3C0, s0  }
0x89: {  	s21 =	sand.u32 @!p1 $0x7, s19;
	s4 =	ssub.s32 @!p1 $0x3C0, s5;
	p2 =	por !p2, p1  }
0x8a: {  	s5 =	sshrl.u32 @!p1 s19, $0x3;
	s4 =	sshrl.u32 @!p1 s4, $0x2;
	s0 =	sshrl.u32 @!p1 s0, $0x2  }
0x8b: {  	s5 =	sadd.s32 @!p1 s5, s12;
	s4 =	simm.s32 @!p2 $0x0;
	s0 =	sadd.s32 @!p1 $0x10248, s0  }
0x8c: {  	[tilespmem:s0], [sflag:$0xA] =	stream.linear.gather @!p1 [hbm4b:s5+s21], s4, $0x38;
	[tilespmem:$0x1F6F8] =	vst v63  }
0x8d: {  	s0 =	sadd.s32 $0xFFFFFFFF, s17  }
0x8e: {  	p1 =	sgt.u32 s0, $0x2A  }
0x8f: {  	p2 =	sgt.s32 @!p1 s18, $0x28410  }
0x90: {  	s4 =	smov.u32 s18;
	s5 =	sshra.s32 @!p1 s18, $0x1F;
	p2 =	por !p2, p1  }
0x91: {  	s21 =	smul.u32 @!p1 $0xAB, s0;
	s5 =	sand.u32 @!p1 s5, s18;
	s4 =	simm.s32 @p2 $0x28410  }
0x92: {  	s4 =	ssub.s32 @!p1 s4, s5  }
0x93: {  	s5 =	sshrl.u32 @!p1 s21, $0x9;
	s4 =	sadd.s32 @!p1 $0xFFFD7BF0, s4  }
0x94: {  	s22 =	sand.u32 @!p1 $0x1, s0;
	s5 =	sand.u32 @!p1 $0x7F, s5;
	s21 =	sshll.u32 @!p1 s4, $0x2  }
0x95: {  	p2 =	sgt.s32 @!p1 s4, $0xEF;
	s5 =	smul.u32 @!p1 $0x3, s5;
	s4 =	ssub.s32 @!p1 $0x3C0, s21  }
0x96: {  	s23 =	smul.u32 @!p1 $0x3C0, s22;
	p2 =	por !p2, p1;
	s4 =	sshrl.u32 @!p1 s4, $0x2  }
0x97: {  	s21 =	simm.s32 @!p1 $0xA;
	s0 =	ssub.s32 @!p1 s0, s5;
	s4 =	simm.s32 @!p2 $0x0  }
0x98: {  	s22 =	smul.u32 @!p1 $0x1E000, s22;
	s0 =	sand.u32 @!p1 $0xFF, s0;
	_ =	swait.ge @!p1 [sflag:s21], s4  }
0x99: {  	s5 =	ssub.s32 @!p1 $0x0, s4;
	s0 =	smul.u32 @!p1 $0x3C0, s0;
	[sflag:s21] =	ssyncset.done @!p1 $0x0  }
0x9a: {  	[sflag:s21] =	ssyncadd.s32 @!p1 s5;
	s5 =	sshrl.u32 @!p1 s18, $0x3;
	s21 =	sshrl.u32 @!p1 s23, $0x2  }
0x9b: {  	s23 =	sand.u32 @!p1 $0x7, s18;
	s5 =	sadd.s32 @!p1 s5, s13;
	s21 =	sadd.s32 @!p1 $0x10518, s21  }
0x9c: {  	[tilespmem:s21], [sflag:$0xB] =	stream.linear.gather @!p1 [hbm4b:s5+s23], s4, $0x38;
	[tilespmem:$0x1F6F8] =	vst v63  }
0x9d: {  	s0 =	sshrl.u32 @!p1 s0, $0x2;
	s4 =	sshrl.u32 @!p1 s22, $0x2  }
0x9e: {  	s0 =	sadd.s32 @!p1 $0x10248, s0;
	s5 =	simm.s32 @!p1 $0xF0;
	s4 =	sor.u32 @!p1 $0x106F8, s4  }
0x9f: {  	[tilespmem:s4], [sflag:$0x9] =	stream.indirect.gather @!p1 [hbm4b:s6+s5], $0x80, s0, s5, $0xb8;
	[tilespmem:$0x1F6F8] =	vst v63  }
0xa0: {  	p1 =	slt.u32 s17, $0x2  }
.Ltmp8:
0xa1: {  	_ = 	snop;
	(pc) =	sbr.rel @p1 .LBB3_21-.Ltmp8, $1  }
0xa2: {  	_ =	sdelay $0x3  }
0xa3: {  	p1 =	sgt.s32 s20, $0x28410;
	s0 =	smov.u32 s20;
	s4 =	sshra.s32 s20, $0x1F  }
0xa4: {  	s0 =	simm.s32 @!p1 $0x28410;
	s4 =	sand.u32 s4, s20  }
0xa5: {  	s0 =	ssub.s32 s0, s4  }
0xa6: {  	s0 =	sadd.s32 $0xFFFD7BF0, s0  }
0xa7: {  	s30 =	sshll.u32 s0, $0x2  }
0xa8: {  	_ =	swait.ge [sflag:s8], $0x7800;
	s4 =	ssub.s32 $0x3C0, s30  }
0xa9: {  	[sflag:s8] =	ssyncset.done $0x0;
	p1 =	sgt.s32 s0, $0xEF;
	s0 =	sshrl.u32 s4, $0x2  }
0xaa: {  	[sflag:s8] =	ssyncadd.s32 $0xFFFF8800;
	s0 =	simm.s32 @p1 $0x0  }
0xab: {  	_ =	swait.ge [sflag:s10], s0  }
0xac: {  	s0 =	ssub.s32 $0x0, s0;
	[sflag:s10] =	ssyncset.done $0x0  }
0xad: {  	[sflag:s10] =	ssyncadd.s32 s0  }
0xae: {  	v1 =	vld [tilespmem:$0xF208];
	_ =	sdelay $0x4  }
0xaf: {  	(v2sf) =	vpush v1, $0x0  }
0xb0: {  	(v2sf) =	vpush v1, $0x1  }
0xb1: {  	(v2sf) =	vpush v1, $0x2;
	_ =	sdelay $0x3  }
0xb2: {  	s0 =	sadd.s32 $0xF0, s20  }
0xb3: {  	s4 =	ssub.s32 $0x50A00, s20;
	p1 =	slt.s32 s11, s0  }
0xb4: {  	s0 =	smov.u32 @p1 s11;
	p1 =	sgt.s32 s4, $0x0  }
0xb5: {  	s21 =	ssub.s32 s0, s20;
	s4 =	simm.s32 @!p1 $0x0  }
0xb6: {  	p1 =	slt.s32 s4, s21  }
0xb7: {  	s21 =	smov.u32 @p1 s4  }
0xb8: {  	s24 =	simm.s32 $0x1;
	p1 =	slt.s32 s21, $0x1  }
.Ltmp9:
0xb9: {  	s24 =	simm.s32 @!p0 $0x0;
	(pc) =	sbr.rel @p1 .LBB3_8-.Ltmp9, $4  }
0xba: {  	s31 =	smul.u32 $0x3C0, s24  }
0xbb: {  	s25 =	spop (v2sf)  }
0xbc: {  	s0 =	sshrl.u32 s31, $0x2;
	s28 =	spop (v2sf)  }
0xbd: {  	s22 =	sadd.s32 $0x10518, s0;
	s20 =	spop (v2sf)  }
0xbe: {  	s0 =	smin.u32 s21, $0x10  }
0xbf: {  	v1 =	vmov s0  }
0xc0: {  	p2 =	sgt.s32 s21, $0x10;
	vm1 =	vgt.u32 v1, v0  }
.Ltmp10:
0xc1: {  	_ = 	snop;
	(pc) =	sbr.rel @!p2 .LBB3_7-.Ltmp10, $2  }
0xc2: {  	_ =	sdelay $0x2  }
0xc3: {  	s26 =	simm.s32 $0x10;
	s29 =	sadd.s32 $0xFFFFFFF0, s21;
	s23 =	smov.u32 s22;
	vm0 =	vmmov vm1  }
.LBB3_6:
0xc4: {  	s0 =	smin.u32 s29, $0x10;
	s26 =	sadd.s32 $0x10, s26;
	v1 =	vld.msk [tilespmem:s23+$0x0 ss:$0x1], vm1  }
0xc5: {  	v2 =	vmov s0;
	p2 =	slt.s32 s26, s21  }
0xc6: {  	vm1 =	vgt.u32 v2, v0  }
.Ltmp11:
0xc7: {  	(pc) =	sbr.rel @p2 .LBB3_6-.Ltmp11, $3  }
0xc8: {  	_ =	sdelay $0x1  }
0xc9: {  	v1 =	vshll.u32 v1, $0x4  }
0xca: {  	s29 =	sadd.s32 $0xFFFFFFF0, s29;
	[tilespmem:s23+$0x0] =	vst.msk vm0, v1;
	s23 =	sadd.s32 $0x10, s23;
	vm0 =	vmmov vm1  }
.LBB3_7:
0xcb: {  	_ =	sdelay $0x4  }
0xcc: {  	v1 =	vld.msk [tilespmem:s23+$0x0 ss:$0x1], vm1;
	_ =	sdelay $0x4  }
0xcd: {  	v1 =	vshll.u32 v1, $0x4  }
0xce: {  	[tilespmem:s23+$0x0] =	vst.msk vm0, v1  }
.LBB3_8:
0xcf: {  	s0 =	sand.u32 $0x1, s17  }
0xd0: {  	s0 =	smul.u32 $0xF0, s0  }
0xd1: {  	p2 =	sne.s32 s28, $0xFFFFFFFF  }
0xd2: {  	v1 =	vld.msk @!p2 [tilespmem:s0+$0x10518], $0x1;
	_ =	sdelay $0x4  }
0xd3: {  	(v2sf) =	vpush @!p2 v1, $0x0;
	_ =	sdelay $0xc  }
.Ltmp12:
0xd4: {  	_ = 	snop;
	(pc) =	sbr.rel @p1 .LBB3_19-.Ltmp12, $4  }
0xd5: {  	_ = 	snop  }
0xd6: {  	s26 =	spop @!p2 (v2sf)  }
0xd7: {  	s20 =	simm.s32 @!p2 $0x0;
	s23 =	smov.u32 s26  }
0xd8: {  	[sflag:s16] =	ssyncpa.u1 $0x0;
	s26 =	smov.u32 @p2 s25;
	s23 =	smov.u32 @p2 s28  }
0xd9: {  	v1 =	vld.msk [tilespmem:s22+$0x0], $0x1;
	_ =	sdelay $0x4  }
0xda: {  	(v2sf) =	vpush v1, $0x0;
	_ =	sdelay $0xe  }
0xdb: {  	s0 =	smul.u32 $0x1E000, s24;
	s30 =	spop (v2sf)  }
0xdc: {  	p1 =	seq.s32 s26, s30  }
0xdd: {  	s28 =	sadd.s32 $0xFFFFFFFF, s21;
	s0 =	sshrl.u32 s0, $0x2;
	p2 =	sgt.s32 @!p1 s26, $0x0  }
0xde: {  	s24 =	sor.u32 $0x10738, s0;
	s0 =	smov.u32 s26;
	p2 =	por !p2, p1  }
0xdf: {  	s0 =	simm.s32 @p2 $0x0;
	p2 =	sne.s32 s28, $0x0  }
.Ltmp13:
0xe0: {  	_ = 	snop;
	(pc) =	sbr.rel @!p2 .LBB3_11-.Ltmp13, $4  }
0xe1: {  	_ = 	snop  }
0xe2: {  	s25 =	simm.s32 $0x0;
	s31 =	simm.s32 @!p1 $0x1;
	s4 =	smin.u32 @!p1 s0, $0x27FF0  }
0xe3: {  	s29 =	sadd.s32 $0x1, s22;
	s31 =	smov.u32 @p1 s25;
	s5 =	sand.u32 @!p1 $0x3FFF8, s4  }
0xe4: {  	s0 =	simm.s32 @!p1 $0x7988;
	s4 =	sand.u32 @!p1 $0x7, s4;
	s5 =	sadd.s32 @!p1 s1, s5  }
.LBB3_10:
0xe5: {  	s3 =	smov.u32 s31  }
0xe6: {  	[tilespmem:s0], [sflag:$0x2] =	stream.linear.gather @!p1 [hbm4b:s5+s4], $0x80, $0x38;
	[tilespmem:$0x1F6F8] =	vst v63  }
0xe7: {  	s28 =	sadd.s32 $0xFFFFFFFF, s28;
	s4 =	smov.u32 s30;
	v1 =	vld.msk [tilespmem:s29+$0x0], $0x1  }
0xe8: {  	p2 =	sne.s32 s28, $0x0;
	_ =	sdelay $0x3  }
0xe9: {  	(v2sf) =	vpush v1, $0x0;
	_ =	sdelay $0xe  }
0xea: {  	s30 =	spop (v2sf)  }
0xeb: {  	p1 =	seq.s32 s4, s30  }
0xec: {  	p3 =	sgt.s32 @!p1 s4, $0x0;
	s0 =	sshll.u32 @!p1 s31, $0x9;
	s31 =	sadd.s32 @!p1 $0x1, s31  }
.Ltmp14:
0xed: {  	p3 =	por !p3, p1;
	s0 =	sshra.s32 @!p1 s0, $0x2;
	(pc) =	sbr.rel @p2 .LBB3_10-.Ltmp14, $4  }
0xee: {  	s31 =	smov.u32 @p1 s3;
	s4 =	simm.s32 @p3 $0x0;
	s0 =	sadd.s32 @!p1 $0x7988, s0  }
0xef: {  	s3 =	smin.u32 @!p1 s4, $0x27FF0  }
0xf0: {  	s5 =	sand.u32 @!p1 $0x3FFF8, s3;
	s4 =	sand.u32 @!p1 $0x7, s3  }
0xf1: {  	s29 =	sadd.s32 $0x1, s29;
	s5 =	sadd.s32 @!p1 s1, s5  }
.LBB3_11:
0xf2: {  	[tilespmem:s0], [sflag:$0x2] =	stream.linear.gather @!p1 [hbm4b:s5+s4], $0x80, $0x38;
	[tilespmem:$0x1F6F8] =	vst v63  }
.Ltmp15:
0xf3: {  	s31 =	sshll.u32 s31, $0x7;
	(pc) =	sbr.rel .LBB3_12-.Ltmp15, $4  }
0xf4: {  	s0 =	sand.u32 $0x3FFFFF80, s31  }
0xf5: {  	_ =	swait.ge [sflag:s7], s0  }
0xf6: {  	s0 =	ssub.s32 $0x0, s0;
	[sflag:s7] =	ssyncset.done $0x0  }
0xf7: {  	s29 =	simm.s32 $0x0;
	[sflag:s7] =	ssyncadd.s32 s0  }
.LBB3_13:
0xf8: {  	v1 =	vld [tilespmem:s24+$0xFFFFFFC0];
	_ =	sdelay $0x3  }
0xf9: {  	s0 =	sshra.s32 s0, $0x2  }
0xfa: {  	[tilespmem:s0+$0x108] =	vst.add.f32.msk $0xffff, v1  }
0xfb: {  	v1 =	vld [tilespmem:s24+$0xFFFFFFD0];
	_ =	sdelay $0x4  }
0xfc: {  	[tilespmem:s0+$0x118] =	vst.add.f32.msk $0xffff, v1  }
0xfd: {  	v1 =	vld [tilespmem:s24+$0xFFFFFFE0];
	_ =	sdelay $0x4  }
0xfe: {  	[tilespmem:s0+$0x128] =	vst.add.f32.msk $0xffff, v1  }
0xff: {  	v1 =	vld [tilespmem:s24+$0xFFFFFFF0];
	_ =	sdelay $0x4  }
0x100: {  	[tilespmem:s0+$0x138] =	vst.add.f32.msk $0xffff, v1  }
0x101: {  	v1 =	vld [tilespmem:s24+$0x0];
	_ =	sdelay $0x4  }
0x102: {  	[tilespmem:s0+$0x148] =	vst.add.f32.msk $0xffff, v1  }
0x103: {  	v1 =	vld [tilespmem:s24+$0x10];
	_ =	sdelay $0x4  }
0x104: {  	[tilespmem:s0+$0x158] =	vst.add.f32.msk $0xffff, v1  }
0x105: {  	v1 =	vld [tilespmem:s24+$0x20];
	_ =	sdelay $0x4  }
0x106: {  	[tilespmem:s0+$0x168] =	vst.add.f32.msk $0xffff, v1  }
0x107: {  	v1 =	vld [tilespmem:s24+$0x30];
	_ =	sdelay $0x4  }
0x108: {  	[tilespmem:s0+$0x178] =	vst.add.f32.msk $0xffff, v1  }
.LBB3_17:
0x109: {  	s21 =	sadd.s32 $0xFFFFFFFF, s21  }
0x10a: {  	p1 =	sne.s32 s21, $0x0  }
.Ltmp16:
0x10b: {  	_ = 	snop;
	(pc) =	sbr.rel @!p1 .LBB3_18-.Ltmp16, $2  }
0x10c: {  	_ =	sdelay $0x2  }
0x10d: {  	s22 =	sadd.s32 $0x1, s22;
	s24 =	sadd.s32 $0x80, s24;
	s26 =	smov.u32 s28  }
.LBB3_12:
0x10e: {  	v1 =	vld.msk [tilespmem:s22+$0x0], $0x1;
	_ =	sdelay $0x4  }
0x10f: {  	(v2sf) =	vpush v1, $0x0;
	_ =	sdelay $0xe  }
0x110: {  	s28 =	spop (v2sf)  }
0x111: {  	p1 =	sne.s32 s26, s28  }
.Ltmp17:
0x112: {  	_ = 	snop;
	(pc) =	sbr.rel @!p1 .LBB3_13-.Ltmp17, $2  }
0x113: {  	_ =	sdelay $0x2  }
0x114: {  	s0 =	sshll.u32 s20, $0x9  }
0x115: {  	p1 =	seq.s32 s26, s23  }
.Ltmp18:
0x116: {  	_ = 	snop;
	(pc) =	sbr.rel @!p1 .LBB3_15-.Ltmp18, $1  }
0x117: {  	_ =	sdelay $0x3  }
0x118: {  	s0 =	sshra.s32 s0, $0x2  }
.Ltmp19:
0x119: {  	s0 =	sadd.s32 $0x108, s0;
	(pc) =	sbr.rel .LBB3_16-.Ltmp19, $4  }
0x11a: {  	[spmem:s14] =	stream.linear.scatter [tilespmem:s0], [sflag:$0x1], $0x80, $0x38;
	[tilespmem:$0x1F6F8] =	vst v63  }
0x11b: {  	_ =	swait.ge [sflag:s15], $0x80  }
0x11c: {  	[sflag:s15] =	ssyncset.done $0x0  }
0x11d: {  	[sflag:s15] =	ssyncadd.s32 $0xFFFFFF80  }
.LBB3_15:
0x11e: {  	s3 =	sshll.u32 s25, $0x9  }
0x11f: {  	s3 =	sshra.s32 s3, $0x2  }
0x120: {  	v1 =	vld [tilespmem:s3+$0x7988];
	_ =	sdelay $0x3  }
0x121: {  	s0 =	sshra.s32 s0, $0x2  }
0x122: {  	[tilespmem:s0+$0x108] =	vst.add.f32.msk $0xffff, v1  }
0x123: {  	v1 =	vld [tilespmem:s3+$0x7998];
	_ =	sdelay $0x4  }
0x124: {  	[tilespmem:s0+$0x118] =	vst.add.f32.msk $0xffff, v1  }
0x125: {  	v1 =	vld [tilespmem:s3+$0x79A8];
	_ =	sdelay $0x4  }
0x126: {  	[tilespmem:s0+$0x128] =	vst.add.f32.msk $0xffff, v1  }
0x127: {  	v1 =	vld [tilespmem:s3+$0x79B8];
	_ =	sdelay $0x4  }
0x128: {  	[tilespmem:s0+$0x138] =	vst.add.f32.msk $0xffff, v1  }
0x129: {  	v1 =	vld [tilespmem:s3+$0x79C8];
	_ =	sdelay $0x4  }
0x12a: {  	[tilespmem:s0+$0x148] =	vst.add.f32.msk $0xffff, v1  }
0x12b: {  	v1 =	vld [tilespmem:s3+$0x79D8];
	_ =	sdelay $0x4  }
0x12c: {  	[tilespmem:s0+$0x158] =	vst.add.f32.msk $0xffff, v1  }
0x12d: {  	v1 =	vld [tilespmem:s3+$0x79E8];
	_ =	sdelay $0x4  }
0x12e: {  	[tilespmem:s0+$0x168] =	vst.add.f32.msk $0xffff, v1  }
0x12f: {  	v1 =	vld [tilespmem:s3+$0x79F8];
	_ =	sdelay $0x2  }
0x130: {  	p1 =	sgt.u32 s26, $0x27FF0  }
0x131: {  	s3 =	sand.u32 @!p1 $0x3FFF8, s26  }
0x132: {  	s4 =	sadd.s32 $0x108, s0;
	[tilespmem:s0+$0x178] =	vst.add.f32.msk $0xffff, v1;
	s0 =	sadd.s32 @!p1 s1, s3;
	s3 =	sand.u32 @!p1 $0x7, s26  }
0x133: {  	[hbm4b:s0+s3] =	stream.linear.scatter @!p1 [tilespmem:s4], [sflag:$0xC], $0x80, $0x38;
	[tilespmem:$0x1F6F8] =	vst v63  }
0x134: {  	s0 =	simm.s32 $0x0  }
0x135: {  	s0 =	simm.s32 @!p1 $0x200  }
0x136: {  	s29 =	sadd.s32 s0, s29  }
.LBB3_16:
0x137: {  	s0 =	sadd.s32 $0x1, s20  }
0x138: {  	s3 =	smulhi.u32 $0x88888889, s0;
	_ =	sdelay $0x1  }
0x139: {  	v1 =	vld [tilespmem:s24+$0xFFFFFFC0];
	s3 =	sshrl.u32 s3, $0x7  }
0x13a: {  	s3 =	smul.u32 $0xF0, s3;
	_ =	sdelay $0x1  }
0x13b: {  	s20 =	ssub.s32 s0, s3  }
0x13c: {  	s0 =	sshll.u32 s20, $0x7  }
0x13d: {  	[tilespmem:s0+$0x108] =	vst v1  }
0x13e: {  	v1 =	vld [tilespmem:s24+$0xFFFFFFD0];
	_ =	sdelay $0x4  }
0x13f: {  	[tilespmem:s0+$0x118] =	vst v1  }
0x140: {  	v1 =	vld [tilespmem:s24+$0xFFFFFFE0];
	_ =	sdelay $0x4  }
0x141: {  	[tilespmem:s0+$0x128] =	vst v1  }
0x142: {  	v1 =	vld [tilespmem:s24+$0xFFFFFFF0];
	_ =	sdelay $0x4  }
0x143: {  	[tilespmem:s0+$0x138] =	vst v1  }
0x144: {  	v1 =	vld [tilespmem:s24+$0x0];
	_ =	sdelay $0x4  }
0x145: {  	[tilespmem:s0+$0x148] =	vst v1  }
0x146: {  	v1 =	vld [tilespmem:s24+$0x10];
	_ =	sdelay $0x4  }
0x147: {  	[tilespmem:s0+$0x158] =	vst v1  }
0x148: {  	v1 =	vld [tilespmem:s24+$0x20];
	_ =	sdelay $0x4  }
0x149: {  	[tilespmem:s0+$0x168] =	vst v1  }
0x14a: {  	v1 =	vld [tilespmem:s24+$0x30]  }
.Ltmp20:
0x14b: {  	_ = 	snop;
	(pc) =	sbr.rel .LBB3_17-.Ltmp20, $2  }
0x14c: {  	_ =	sdelay $0x2  }
0x14d: {  	s25 =	sadd.s32 $0x1, s25;
	[tilespmem:s0+$0x178] =	vst v1  }
.LBB3_19:
.Ltmp21:
0x14e: {  	(pc) =	sbr.rel .LBB3_20-.Ltmp21, $3  }
0x14f: {  	_ =	sdelay $0x1  }
0x150: {  	_ =	swait.ge [sflag:s7], $0x0  }
0x151: {  	s0 =	simm.s32 $0x0;
	s28 =	smov.u32 s26;
	[sflag:s7] =	ssyncset.done $0x0  }
.LBB3_22:
0x152: {  	_ =	sfence.sel $0x180000  }
0x153: {  	s0 =	simm.s32 $0x9;
	[bflag:$0x0] =	sbarrier.arrive $0xFFFF  }
0x154: {  	s24 =	simm.s32 $0xA;
	[sflag:s0] =	ssyncpa.u1 $0x1  }
0x155: {  	s25 =	simm.s32 $0xB;
	[sflag:s24] =	ssyncpa.u1 $0x1  }
0x156: {  	s26 =	simm.s32 $0x2;
	[sflag:s25] =	ssyncpa.u1 $0x1  }
0x157: {  	[sflag:s26] =	ssyncpa.u1 $0x1  }
0x158: {  	v0 =	vld [tilespmem:$0xF208];
	_ =	sdelay $0x4  }
0x159: {  	(v2sf) =	vpush v0, $0x0  }
0x15a: {  	(v2sf) =	vpush v0, $0x1;
	_ =	sdelay $0x1  }
0x15b: {  	(v2sf) =	vpush v0, $0x2;
	_ =	sdelay $0xb  }
0x15c: {  	s0 =	spop (v2sf)  }
0x15d: {  	s3 =	spop (v2sf)  }
0x15e: {  	s4 =	smov.u32 s0;
	p0 =	sne.s32 s0, s3  }
0x15f: {  	s5 =	spop (v2sf);
	s4 =	simm.s32 @!p0 $0xFFFFFFFF  }
0x160: {  	v2 =	vimm.s32 $0x1;
	v3 =	vlaneseq.u32;
	p0 =	seq.s32 s5, $0xFFFFFFFF;
	v1 =	vmov s4  }
0x161: {  	s16 =	stileid.u32;
	v0 =	vperm.xlane v0, v2;
	p1 =	sne.s32 @!p0 s0, s3;
	v1 =	vperm.xlane v1, v3  }
0x162: {  	vm0 =	vcmask $0x3F04;
	s7 =	simm.s32 $0xF208;
	s0 =	simm.s32 @!p0 $0x1;
	p1 =	por !p1, p0  }
0x163: {  	s4 =	sshll.u32 s16, $0x1;
	s3 =	sshll.u32 @!p0 s5, $0x9;
	s0 =	simm.s32 @p1 $0x0;
	v0 =	vsel vm0, v1, v0  }
0x164: {  	s6 =	sor.u32 $0x1000, s4;
	s3 =	sshra.s32 @!p0 s3, $0x2;
	s0 =	sor.u32 @!p0 s0, s4;
	[tilespmem:$0xF208] =	vst v0  }
0x165: {  	[spmem:s6] =	stream.linear.scatter [tilespmem:s7], [sflag:$0x1], $0x2, $0x38;
	[tilespmem:$0x1F6F8] =	vst v63  }
0x166: {  	s3 =	sadd.s32 @!p0 $0x108, s3;
	s0 =	sshll.u32 @!p0 s0, $0x7  }
0x167: {  	[spmem:s0] =	stream.linear.scatter @!p0 [tilespmem:s3], [sflag:$0x1], $0x80, $0x38;
	[tilespmem:$0x1F6F8] =	vst v63  }
0x168: {  	s0 =	simm.s32 @!p0 $0x82  }
0x169: {  	s28 =	simm.s32 $0x1;
	s0 =	simm.s32 @p0 $0x2  }
0x16a: {  	_ =	swait.ge [sflag:s28], s0  }
0x16b: {  	s0 =	ssub.s32 $0x0, s0;
	[sflag:s28] =	ssyncset.done $0x0  }
0x16c: {  	p0 =	sne.s32 s16, $0x0;
	[sflag:s28] =	ssyncadd.s32 s0  }
.Ltmp22:
0x16d: {  	_ =	sfence.stream.spmem;
	(pc) =	sbr.rel @p0 .LBB3_39-.Ltmp22, $4  }
0x16e: {  	s29 =	simm.s32 $0x3;
	[bflag:$0x0] =	sbarrier.arrive $0xFFFF  }
0x16f: {  	s30 =	simm.s32 $0x4;
	[sflag:s29] =	ssyncpa.u1 $0x1  }
0x170: {  	s31 =	simm.s32 $0x3C;
	[sflag:s30] =	ssyncpa.u1 $0x1  }
0x171: {  	[sflag:s31] =	ssyncpa.u1 $0x1  }
0x172: {  	_ =	sfence.stream.spmem;
	s0 =	simm.s32 $0x5  }
0x173: {  	s3 =	simm.s32 $0x1000;
	s4 =	simm.s32 $0xF218;
	[sflag:s0] =	ssyncpa.u1 $0x0  }
0x174: {  	[tilespmem:s4], [sflag:$0x5] =	stream.linear.gather [spmem:s3], $0x20, $0x38;
	[tilespmem:$0x1F6F8] =	vst v63  }
0x175: {  	s26 =	simm.s32 $0x0;
	s28 =	simm.s32 $0xF238  }
0x176: {  	[tilespmem:s28], [sflag:$0x5] =	stream.linear.gather [spmem:s26], $0x1000, $0x38;
	[tilespmem:$0x1F6F8] =	vst v63  }
0x177: {  	_ =	swait.ge [sflag:s0], $0x1020  }
0x178: {  	[sflag:s0] =	ssyncset.done $0x0  }
0x179: {  	s29 =	simm.s32 $0x0;
	[sflag:s0] =	ssyncadd.s32 $0xFFFFEFE0  }
0x17a: {  	v0 =	vld.msk [tilespmem:s29+$0xF218], $0x1;
	_ =	sdelay $0x1  }
0x17b: {  	s30 =	simm.s32 $0x1  }
0x17c: {  	v1 =	vld.msk [tilespmem:s30+$0xF218], $0x1;
	_ =	sdelay $0x1  }
0x17d: {  	(v2sf) =	vpush v0, $0x0;
	_ =	sdelay $0x2  }
0x17e: {  	(v2sf) =	vpush v1, $0x0;
	_ =	sdelay $0x2  }
0x17f: {  	s31 =	simm.s32 $0x2  }
0x180: {  	v0 =	vld.msk [tilespmem:s31+$0xF218], $0x1;
	_ =	sdelay $0x2  }
0x181: {  	s6 =	simm.s32 $0xC;
	s7 =	simm.s32 $0xFFFFFFFF;
	s0 =	simm.s32 $0xFFFFFFFF  }
.LBB3_24:
0x182: {  	s3 =	smov.u32 s7;
	s4 =	smov.u32 s0  }
0x183: {  	s0 =	sshra.s32 s6, $0x2;
	p1 =	sne.s32 s6, $0x7C;
	s6 =	sadd.s32 $0x4, s6;
	(v2sf) =	vpush v0, $0x0  }
0x184: {  	v0 =	vld.msk [tilespmem:s0+$0xF218], $0x1  }
.Ltmp23:
0x185: {  	(pc) =	sbr.rel @p1 .LBB3_24-.Ltmp23, $4  }
0x186: {  	s7 =	spop (v2sf)  }
0x187: {  	p2 =	sne.s32 s4, $0xFFFFFFFF;
	s0 =	smov.u32 s7  }
0x188: {  	p3 =	seq.s32 s7, $0xFFFFFFFF;
	s0 =	smov.u32 @p2 s4  }
0x189: {  	s7 =	smov.u32 @p3 s3;
	s0 =	smov.u32 @p3 s4  }
0x18a: {  	(v2sf) =	vpush v0, $0x0;
	_ =	sdelay $0x8  }
0x18b: {  	s3 =	spop (v2sf)  }
0x18c: {  	p1 =	sne.s32 s0, $0xFFFFFFFF;
	s4 =	smov.u32 s3  }
0x18d: {  	s9 =	simm.s32 $0x6;
	p2 =	seq.s32 s3, $0xFFFFFFFF;
	s4 =	smov.u32 @p1 s0  }
0x18e: {  	s6 =	simm.s32 $0x0;
	s4 =	smov.u32 @p2 s0;
	s0 =	spop (v2sf)  }
0x18f: {  	s3 =	smov.u32 @p2 s7;
	p1 =	sne.s32 s4, $0xFFFFFFFF;
	s5 =	smov.u32 s0  }
.Ltmp24:
0x190: {  	p2 =	seq.s32 s0, $0xFFFFFFFF;
	s5 =	smov.u32 @p1 s4;
	(pc) =	sbr.rel .LBB3_26-.Ltmp24, $4  }
0x191: {  	s10 =	simm.s32 $0xF188;
	s5 =	smov.u32 @p2 s4;
	s7 =	spop (v2sf)  }
0x192: {  	s11 =	simm.s32 $0x0;
	p1 =	sne.s32 s5, $0xFFFFFFFF;
	s8 =	smov.u32 s7  }
0x193: {  	s0 =	smov.u32 @p2 s3;
	p2 =	seq.s32 s7, $0xFFFFFFFF;
	s8 =	smov.u32 @p1 s5  }
0x194: {  	[sflag:s9] =	ssyncpa.u1 $0x0;
	s7 =	smov.u32 @p2 s0;
	s8 =	smov.u32 @p2 s5  }
.LBB3_32:
0x195: {  	p1 =	sgt.u32 s12, $0x27FF0  }
0x196: {  	p2 =	seq.s32 @!p1 s12, s8  }
0x197: {  	p1 =	por p1, p2  }
0x198: {  	p2 =	sne.s32 @!p1 s12, s7  }
0x199: {  	p1 =	por p1, !p2  }
0x19a: {  	s0 =	sshll.u32 @p1 s11, $0x9  }
0x19b: {  	s0 =	sand.u32 @!p1 $0x3FFF8, s12  }
0x19c: {  	s3 =	sand.u32 @!p1 $0x7, s12;
	s0 =	sadd.s32 @!p1 s1, s0  }
0x19d: {  	[tilespmem:s10], [sflag:$0x6] =	stream.linear.gather @!p1 [hbm4b:s0+s3], $0x80, $0x38;
	[tilespmem:$0x1F6F8] =	vst v63  }
0x19e: {  	_ =	swait.ge @!p1 [sflag:s9], $0x80  }
0x19f: {  	[sflag:s9] =	ssyncset.done @!p1 $0x0  }
0x1a0: {  	[sflag:s9] =	ssyncadd.s32 @!p1 $0xFFFFFF80  }
0x1a1: {  	v1 =	vld @!p1 [tilespmem:$0xF188];
	_ =	sdelay $0x2  }
0x1a2: {  	s0 =	sshll.u32 @!p1 s11, $0x9  }
0x1a3: {  	s3 =	sshrl.u32 @!p1 s0, $0x2  }
0x1a4: {  	[tilespmem:s3+$0xF238] =	vst.add.f32.msk @!p1 $0xffff, v1  }
0x1a5: {  	v1 =	vld @!p1 [tilespmem:$0xF198];
	_ =	sdelay $0x4  }
0x1a6: {  	[tilespmem:s3+$0xF248] =	vst.add.f32.msk @!p1 $0xffff, v1  }
0x1a7: {  	v1 =	vld @!p1 [tilespmem:$0xF1A8];
	_ =	sdelay $0x4  }
0x1a8: {  	[tilespmem:s3+$0xF258] =	vst.add.f32.msk @!p1 $0xffff, v1  }
0x1a9: {  	v1 =	vld @!p1 [tilespmem:$0xF1B8];
	_ =	sdelay $0x4  }
0x1aa: {  	[tilespmem:s3+$0xF268] =	vst.add.f32.msk @!p1 $0xffff, v1  }
0x1ab: {  	v1 =	vld @!p1 [tilespmem:$0xF1C8];
	_ =	sdelay $0x4  }
0x1ac: {  	[tilespmem:s3+$0xF278] =	vst.add.f32.msk @!p1 $0xffff, v1  }
0x1ad: {  	v1 =	vld @!p1 [tilespmem:$0xF1D8];
	_ =	sdelay $0x4  }
0x1ae: {  	[tilespmem:s3+$0xF288] =	vst.add.f32.msk @!p1 $0xffff, v1  }
0x1af: {  	v1 =	vld @!p1 [tilespmem:$0xF1E8];
	_ =	sdelay $0x4  }
0x1b0: {  	[tilespmem:s3+$0xF298] =	vst.add.f32.msk @!p1 $0xffff, v1  }
0x1b1: {  	v1 =	vld @!p1 [tilespmem:$0xF1F8];
	_ =	sdelay $0x4  }
0x1b2: {  	[tilespmem:s3+$0xF2A8] =	vst.add.f32.msk @!p1 $0xffff, v1  }
0x1b3: {  	s0 =	sshrl.u32 s0, $0x2;
	[tilespmem:s6+$0xF218] =	vst.msk $0x1, v0  }
0x1b4: {  	v0 =	vld [tilespmem:s0+$0xF238];
	_ =	sdelay $0x2  }
0x1b5: {  	s31 =	sshll.u32 s6, $0x9  }
0x1b6: {  	s3 =	sshra.s32 s31, $0x2  }
0x1b7: {  	[tilespmem:s3+$0xF238] =	vst v0  }
0x1b8: {  	v0 =	vld [tilespmem:s0+$0xF248];
	_ =	sdelay $0x4  }
0x1b9: {  	[tilespmem:s3+$0xF248] =	vst v0  }
0x1ba: {  	v0 =	vld [tilespmem:s0+$0xF258];
	_ =	sdelay $0x4  }
0x1bb: {  	[tilespmem:s3+$0xF258] =	vst v0  }
0x1bc: {  	v0 =	vld [tilespmem:s0+$0xF268];
	_ =	sdelay $0x4  }
0x1bd: {  	[tilespmem:s3+$0xF268] =	vst v0  }
0x1be: {  	v0 =	vld [tilespmem:s0+$0xF278];
	_ =	sdelay $0x4  }
0x1bf: {  	[tilespmem:s3+$0xF278] =	vst v0  }
0x1c0: {  	v0 =	vld [tilespmem:s0+$0xF288];
	_ =	sdelay $0x4  }
0x1c1: {  	[tilespmem:s3+$0xF288] =	vst v0  }
0x1c2: {  	v0 =	vld [tilespmem:s0+$0xF298];
	_ =	sdelay $0x4  }
0x1c3: {  	[tilespmem:s3+$0xF298] =	vst v0  }
0x1c4: {  	v0 =	vld [tilespmem:s0+$0xF2A8];
	_ =	sdelay $0x4  }
0x1c5: {  	s6 =	sadd.s32 $0x1, s6;
	[tilespmem:s3+$0xF2A8] =	vst v0  }
.LBB3_33:
0x1c6: {  	s11 =	sadd.s32 $0x1, s11  }
0x1c7: {  	p1 =	sne.s32 s11, $0x20  }
.Ltmp25:
0x1c8: {  	_ = 	snop;
	(pc) =	sbr.rel @!p1 .LBB3_34-.Ltmp25, $1  }
0x1c9: {  	_ =	sdelay $0x3  }
.LBB3_26:
0x1ca: {  	v0 =	vld.msk [tilespmem:s11+$0xF218], $0x1;
	_ =	sdelay $0x4  }
0x1cb: {  	(v2sf) =	vpush v0, $0x0;
	_ =	sdelay $0xe  }
0x1cc: {  	s12 =	spop (v2sf)  }
0x1cd: {  	p1 =	seq.s32 s12, $0xFFFFFFFF  }
.Ltmp26:
0x1ce: {  	_ = 	snop;
	(pc) =	sbr.rel @p1 .LBB3_33-.Ltmp26, $1  }
0x1cf: {  	_ =	sdelay $0x3  }
0x1d0: {  	p1 =	slt.s32 s6, $0x1  }
.Ltmp27:
0x1d1: {  	_ = 	snop;
	(pc) =	sbr.rel @p1 .LBB3_32-.Ltmp27, $1  }
0x1d2: {  	_ =	sdelay $0x3  }
0x1d3: {  	s13 =	simm.s32 $0xF218;
	p1 =	por $0x0, $0x0  }
0x1d4: {  	v1 =	vld.msk @!p1 [tilespmem:s13+$0x0], $0x1;
	_ =	sdelay $0x4  }
0x1d5: {  	(v2sf) =	vpush @!p1 v1, $0x0;
	_ =	sdelay $0xd  }
0x1d6: {  	p3 =	sne.s32 s6, $0x1  }
.Ltmp28:
0x1d7: {  	s0 =	spop @!p1 (v2sf);
	(pc) =	sbr.rel @!p3 .LBB3_30-.Ltmp28, $4  }
0x1d8: {  	p2 =	seq.s32 @!p1 s12, s0  }
0x1d9: {  	s14 =	simm.s32 $0x0;
	p2 =	por !p2, p1  }
0x1da: {  	s0 =	simm.s32 $0xFFFFFFFF;
	s14 =	simm.s32 @p2 $0xFFFFFFFF  }
0x1db: {  	s15 =	simm.s32 $0x1;
	s14 =	smov.u32 @p1 s0  }
.LBB3_29:
0x1dc: {  	s0 =	smov.u32 s14;
	p1 =	sne.s32 s14, $0xFFFFFFFF  }
0x1dd: {  	s13 =	sadd.s32 $0x1, s13;
	s14 =	smov.u32 s15;
	s15 =	sadd.s32 $0x1, s15  }
0x1de: {  	p2 =	sne.s32 s6, s15;
	v1 =	vld.msk @!p1 [tilespmem:s13+$0x0], $0x1;
	_ =	sdelay $0x4  }
0x1df: {  	(v2sf) =	vpush @!p1 v1, $0x0;
	_ =	sdelay $0xe  }
.Ltmp29:
0x1e0: {  	s3 =	spop @!p1 (v2sf);
	(pc) =	sbr.rel @p2 .LBB3_29-.Ltmp29, $4  }
0x1e1: {  	p3 =	seq.s32 @!p1 s12, s3  }
0x1e2: {  	p3 =	por !p3, p1  }
0x1e3: {  	s14 =	simm.s32 @p3 $0xFFFFFFFF  }
0x1e4: {  	s14 =	smov.u32 @p1 s0  }
.LBB3_30:
0x1e5: {  	p1 =	seq.s32 s14, $0xFFFFFFFF  }
.Ltmp30:
0x1e6: {  	_ = 	snop;
	(pc) =	sbr.rel @p1 .LBB3_32-.Ltmp30, $1  }
0x1e7: {  	_ =	sdelay $0x3  }
0x1e8: {  	s0 =	sshll.u32 s11, $0x7  }
0x1e9: {  	s0 =	sand.u32 $0x3FFFFF80, s0  }
0x1ea: {  	v0 =	vld [tilespmem:s0+$0xF238];
	_ =	sdelay $0x2  }
0x1eb: {  	s3 =	sshll.u32 s14, $0x9  }
0x1ec: {  	s3 =	sshra.s32 s3, $0x2  }
0x1ed: {  	[tilespmem:s3+$0xF238] =	vst.add.f32.msk $0xffff, v0  }
0x1ee: {  	v0 =	vld [tilespmem:s0+$0xF248];
	_ =	sdelay $0x4  }
0x1ef: {  	[tilespmem:s3+$0xF248] =	vst.add.f32.msk $0xffff, v0  }
0x1f0: {  	v0 =	vld [tilespmem:s0+$0xF258];
	_ =	sdelay $0x4  }
0x1f1: {  	[tilespmem:s3+$0xF258] =	vst.add.f32.msk $0xffff, v0  }
0x1f2: {  	v0 =	vld [tilespmem:s0+$0xF268];
	_ =	sdelay $0x4  }
0x1f3: {  	[tilespmem:s3+$0xF268] =	vst.add.f32.msk $0xffff, v0  }
0x1f4: {  	v0 =	vld [tilespmem:s0+$0xF278];
	_ =	sdelay $0x4  }
0x1f5: {  	[tilespmem:s3+$0xF278] =	vst.add.f32.msk $0xffff, v0  }
0x1f6: {  	v0 =	vld [tilespmem:s0+$0xF288];
	_ =	sdelay $0x4  }
0x1f7: {  	[tilespmem:s3+$0xF288] =	vst.add.f32.msk $0xffff, v0  }
0x1f8: {  	v0 =	vld [tilespmem:s0+$0xF298];
	_ =	sdelay $0x4  }
0x1f9: {  	[tilespmem:s3+$0xF298] =	vst.add.f32.msk $0xffff, v0  }
0x1fa: {  	v0 =	vld [tilespmem:s0+$0xF2A8]  }
.Ltmp31:
0x1fb: {  	_ = 	snop;
	(pc) =	sbr.rel .LBB3_33-.Ltmp31, $2  }
0x1fc: {  	_ =	sdelay $0x2  }
0x1fd: {  	[tilespmem:s3+$0xF2A8] =	vst.add.f32.msk $0xffff, v0  }
.LBB3_34:
0x1fe: {  	s0 =	simm.s32 $0x6;
	p1 =	seq.s32 s6, $0x0  }
0x1ff: {  	[sflag:s0] =	ssyncpa.u1 $0x1;
	v0 =	vimm.s32 @p1 $0xFFFFFFFF  }
0x200: {  	s9 =	sadd.s32 $0xFFFFFFFF, s6;
	[tilespmem:$0x10238] =	vst @p1 v0  }
0x201: {  	v0 =	vld.msk @!p1 [tilespmem:s9+$0xF218], $0x1;
	_ =	sdelay $0x1  }
0x202: {  	v1 =	vld.msk @!p1 [tilespmem:$0xF218], $0x1;
	_ =	sdelay $0x2  }
0x203: {  	p2 =	seq.s32 @!p1 s9, $0x0;
	v0 =	vbroadcast @!p1 v0, $0x0  }
0x204: {  	vm0 =	vmmov @!p1 $0x1;
	p2 =	por !p2, p1  }
0x205: {  	v1 =	vnsel @!p1 vm0, $0xFFFFFFFF, v1;
	vm0 =	vcmask @!p1 $0x308;
	v0 =	vpsel !p2, $0xFFFFFFFF, v0  }
0x206: {  	p2 =	sne.s32 @!p1 s8, s7;
	v0 =	vsel @!p1 vm0, v1, v0  }
0x207: {  	s0 =	simm.s32 @!p1 $0xF238;
	s3 =	simm.s32 @!p1 $0x0;
	p3 =	por !p2, p1;
	[tilespmem:$0x10238] =	vst @!p1 v0  }
0x208: {  	[spmem:s3] =	stream.linear.scatter @!p1 [tilespmem:s0], [sflag:$0x1], $0x80, $0x38;
	[tilespmem:$0x1F6F8] =	vst v63  }
0x209: {  	s0 =	sshll.u32 @!p3 s9, $0x9  }
0x20a: {  	s0 =	sshra.s32 @!p3 s0, $0x2  }
0x20b: {  	s3 =	simm.s32 @!p3 $0x80;
	s0 =	sadd.s32 @!p3 $0xF238, s0  }
0x20c: {  	[spmem:s3] =	stream.linear.scatter @!p3 [tilespmem:s0], [sflag:$0x1], $0x80, $0x38;
	[tilespmem:$0x1F6F8] =	vst v63  }
0x20d: {  	s0 =	simm.s32 @!p3 $0x1  }
0x20e: {  	_ =	swait.ge @!p3 [sflag:s0], $0x100  }
0x20f: {  	p1 =	por p2, p1;
	[sflag:s0] =	ssyncset.done @!p3 $0x0  }
0x210: {  	[sflag:s0] =	ssyncadd.s32 @!p3 $0xFFFFFF00;
	s0 =	simm.s32 @!p1 $0x1  }
0x211: {  	_ =	swait.ge @!p1 [sflag:s0], $0x80  }
0x212: {  	s29 =	simm.s32 $0x10238;
	[sflag:s0] =	ssyncset.done @!p1 $0x0  }
0x213: {  	s30 =	simm.s32 $0x1000;
	s31 =	simm.s32 $0x1;
	[sflag:s0] =	ssyncadd.s32 @!p1 $0xFFFFFF80  }
0x214: {  	[spmem:s30] =	stream.linear.scatter [tilespmem:s29], [sflag:$0x1], $0x10, $0x38;
	[tilespmem:$0x1F6F8] =	vst v63  }
0x215: {  	_ =	swait.ge [sflag:s31], $0x10  }
0x216: {  	[sflag:s31] =	ssyncset.done $0x0  }
0x217: {  	p1 =	seq.s32 s2, $0x0;
	s10 =	rddreg [dreg:$0x1];
	[sflag:s31] =	ssyncadd.s32 $0xFFFFFFF0  }
0x218: {  	s3 =	sshll.u32 @p1 s10, $0xE;
	s8 =	rddreg [dreg:$0x2]  }
0x219: {  	s0 =	sadd.s32 @p1 $0x15C3C, s3;
	s3 =	sshll.u32 @p1 s8, $0x11  }
0x21a: {  	_ =	sfence.stream.spmem;
	s0 =	sor.u32 @p1 s3, s0  }
0x21b: {  	[sflag:s0] =	ssyncadd.remote.s32 @p1 $0x1;
	s0 =	simm.s32 @p1 $0x4  }
0x21c: {  	s4 =	simm.s32 @!p1 $0x3C;
	s3 =	sand.u32 $0xFFFFFFFE, s10;
	_ =	swait.ge @p1 [sflag:s0], $0x22  }
0x21d: {  	s5 =	simm.s32 @!p1 $0x0;
	s3 =	sadd.s32 @!p1 $0x4, s3;
	[sflag:s0] =	ssyncset.done @p1 $0x0  }
0x21e: {  	s7 =	simm.s32 @!p1 $0x100;
	[sflag:s0] =	ssyncadd.s32 @p1 $0xFFFFFFDE;
	s0 =	sshll.u32 @!p1 s3, $0x1A  }
0x21f: {  	s3 =	sshll.u32 @!p1 s3, $0xD;
	s0 =	sor.u32 @!p1 s0, s8;
	_ =	swait.eq @!p1 [sflag:s4], $0x1  }
0x220: {  	s3 =	sor.u32 @!p1 $0x1C04, s3;
	s4 =	simm.s32 @!p1 $0x1C03;
	s0 =	sor.u32 @!p1 $0x80004000, s0  }
0x221: {  	[spmem:s7], [sflag:s3] =	dma.general @!p1 [spmem:s5], [sflag:s4], length:$0x20, [dreg:$0x0], stride_count:$0x0, ici_dest:s0, dma_misc:DstOpCode:WRITE  }
0x222: {  	p2 =	slt.s32 s9, $0x2;
	s5 =	simm.s32 @!p1 $0x200;
	s7 =	simm.s32 @!p1 $0x202  }
0x223: {  	[spmem:s7], [sflag:s3] =	dma.general @!p1 [spmem:s5], [sflag:s4], length:$0x2, [dreg:$0x0], stride_count:$0x0, ici_dest:s0, dma_misc:DstOpCode:WRITE  }
.Ltmp32:
0x224: {  	s0 =	simm.s32 @!p1 $0x3;
	(pc) =	sbr.rel @p2 .LBB3_38-.Ltmp32, $4  }
0x225: {  	s3 =	sshll.u32 @!p1 s10, $0xE;
	_ =	swait.ge @!p1 [sflag:s0], $0x22  }
0x226: {  	s4 =	sshll.u32 @!p1 s8, $0x11;
	s3 =	sadd.s32 @!p1 $0x11C3C, s3;
	[sflag:s0] =	ssyncset.done @!p1 $0x0  }
0x227: {  	[sflag:s0] =	ssyncadd.s32 @!p1 $0xFFFFFFDE;
	s0 =	sor.u32 @!p1 s4, s3  }
0x228: {  	[sflag:s0] =	ssyncadd.remote.s32 @!p1 $0xFFFFFFFF;
	s0 =	simm.s32 $0x0  }
0x229: {  	s0 =	simm.s32 $0xF219  }
0x22a: {  	v0 =	vld.msk [tilespmem:s0+$0x0], $0x1;
	_ =	sdelay $0x4  }
0x22b: {  	(v2sf) =	vpush v0, $0x0;
	_ =	sdelay $0xd  }
0x22c: {  	s3 =	sadd.s32 $0xFFFFFFFE, s6  }
0x22d: {  	s5 =	sadd.s32 $0xFFFFFFFF, s3;
	s0 =	spop (v2sf)  }
0x22e: {  	p2 =	sne.s32 s5, $0x0;
	p1 =	sgt.u32 s0, $0x27FF0  }
.Ltmp33:
0x22f: {  	s6 =	sand.u32 @!p1 $0x3FFF8, s0;
	(pc) =	sbr.rel @!p2 .LBB3_37-.Ltmp33, $4  }
0x230: {  	s4 =	simm.s32 $0xF2B8;
	s0 =	sand.u32 @!p1 $0x7, s0;
	s3 =	sadd.s32 @!p1 s1, s6  }
0x231: {  	[hbm4b:s3+s0] =	stream.linear.scatter @!p1 [tilespmem:s4], [sflag:$0x5], $0x80, $0x38;
	[tilespmem:$0x1F6F8] =	vst v63  }
0x232: {  	s0 =	simm.s32 $0x0  }
0x233: {  	s7 =	simm.s32 $0xF21A;
	s6 =	simm.s32 $0x0;
	s0 =	simm.s32 @!p1 $0x200  }
.LBB3_36:
0x234: {  	v0 =	vld.msk [tilespmem:s7+$0x0], $0x1;
	s5 =	sadd.s32 $0xFFFFFFFF, s5;
	s6 =	sadd.s32 s6, s0  }
0x235: {  	p1 =	sne.s32 s5, $0x0;
	_ =	sdelay $0x3  }
0x236: {  	(v2sf) =	vpush v0, $0x0;
	_ =	sdelay $0xe  }
.Ltmp34:
0x237: {  	s3 =	spop (v2sf);
	(pc) =	sbr.rel @p1 .LBB3_36-.Ltmp34, $4  }
0x238: {  	s0 =	simm.s32 $0x0;
	p2 =	sgt.u32 s3, $0x27FF0  }
0x239: {  	s4 =	sadd.s32 $0x80, s4;
	s0 =	simm.s32 @!p2 $0x200;
	s8 =	sand.u32 @!p2 $0x3FFF8, s3  }
0x23a: {  	s7 =	sadd.s32 $0x1, s7;
	s3 =	sand.u32 @!p2 $0x7, s3;
	s8 =	sadd.s32 @!p2 s1, s8  }
0x23b: {  	[hbm4b:s8+s3] =	stream.linear.scatter @!p2 [tilespmem:s4], [sflag:$0x5], $0x80, $0x38;
	[tilespmem:$0x1F6F8] =	vst v63  }
.LBB3_37:
0x23c: {  	s0 =	sadd.s32 s6, s0  }
0x23d: {  	s0 =	sshrl.u32 s0, $0x2  }
.LBB3_38:
0x23e: {  	s3 =	simm.s32 $0x5  }
0x23f: {  	_ =	swait.ge [sflag:s3], s0  }
0x240: {  	s31 =	ssub.s32 $0x0, s0;
	[sflag:s3] =	ssyncset.done $0x0  }
0x241: {  	[sflag:s3] =	ssyncadd.s32 s31  }
0x242: {  	[sflag:s3] =	ssyncpa.u1 $0x1  }
.LBB3_39:
0x243: {  	s0 =	sor.u32 s2, s16  }
0x244: {  	p1 =	sne.s32 s0, $0x0  }
.Ltmp35:
0x245: {  	_ = 	snop;
	(pc) =	sbr.rel @p1 .LBB3_54-.Ltmp35, $3  }
0x246: {  	_ =	sdelay $0x1  }
0x247: {  	[bflag:$0x0] =	sbarrier.arrive $0xFFFF  }
0x248: {  	_ =	sfence  }
0x249: {  	s0 =	simm.s32 $0x7  }
0x24a: {  	s2 =	simm.s32 $0x1000;
	s3 =	simm.s32 $0xF218;
	[sflag:s0] =	ssyncpa.u1 $0x0  }
0x24b: {  	[tilespmem:s3], [sflag:$0x7] =	stream.linear.gather [spmem:s2], $0x20, $0x38;
	[tilespmem:$0x1F6F8] =	vst v63  }
0x24c: {  	s30 =	simm.s32 $0xF238;
	s2 =	simm.s32 $0x0  }
0x24d: {  	[tilespmem:s30], [sflag:$0x7] =	stream.linear.gather [spmem:s2], $0x1000, $0x38;
	[tilespmem:$0x1F6F8] =	vst v63  }
.Ltmp36:
0x24e: {  	_ = 	snop;
	(pc) =	sbr.rel .LBB3_41-.Ltmp36, $4  }
0x24f: {  	_ =	swait.ge [sflag:s0], $0x1020  }
0x250: {  	[sflag:s0] =	ssyncset.done $0x0  }
0x251: {  	s31 =	simm.s32 $0x8;
	[sflag:s0] =	ssyncadd.s32 $0xFFFFEFE0  }
0x252: {  	s3 =	simm.s32 $0x0;
	[sflag:s31] =	ssyncpa.u1 $0x0  }
.LBB3_47:
0x253: {  	p1 =	slt.u32 s4, $0x27FF1  }
0x254: {  	s0 =	sand.u32 @p1 $0x3FFF8, s4  }
0x255: {  	s4 =	sand.u32 @p1 $0x7, s4;
	s5 =	simm.s32 @p1 $0xF188;
	s0 =	sadd.s32 @p1 s1, s0  }
0x256: {  	[tilespmem:s5], [sflag:$0x8] =	stream.linear.gather @p1 [hbm4b:s0+s4], $0x80, $0x38;
	[tilespmem:$0x1F6F8] =	vst v63  }
0x257: {  	s0 =	simm.s32 @p1 $0x8  }
0x258: {  	_ =	swait.ge @p1 [sflag:s0], $0x80  }
0x259: {  	[sflag:s0] =	ssyncset.done @p1 $0x0  }
0x25a: {  	[sflag:s0] =	ssyncadd.s32 @p1 $0xFFFFFF80  }
0x25b: {  	v1 =	vld @p1 [tilespmem:$0xF188];
	_ =	sdelay $0x2  }
0x25c: {  	s0 =	sshll.u32 @p1 s3, $0x9  }
0x25d: {  	s4 =	sshrl.u32 @p1 s0, $0x2  }
0x25e: {  	[tilespmem:s4+$0xF238] =	vst.add.f32.msk @p1 $0xffff, v1  }
0x25f: {  	v1 =	vld @p1 [tilespmem:$0xF198];
	_ =	sdelay $0x4  }
0x260: {  	[tilespmem:s4+$0xF248] =	vst.add.f32.msk @p1 $0xffff, v1  }
0x261: {  	v1 =	vld @p1 [tilespmem:$0xF1A8];
	_ =	sdelay $0x4  }
0x262: {  	[tilespmem:s4+$0xF258] =	vst.add.f32.msk @p1 $0xffff, v1  }
0x263: {  	v1 =	vld @p1 [tilespmem:$0xF1B8];
	_ =	sdelay $0x4  }
0x264: {  	[tilespmem:s4+$0xF268] =	vst.add.f32.msk @p1 $0xffff, v1  }
0x265: {  	v1 =	vld @p1 [tilespmem:$0xF1C8];
	_ =	sdelay $0x4  }
0x266: {  	[tilespmem:s4+$0xF278] =	vst.add.f32.msk @p1 $0xffff, v1  }
0x267: {  	v1 =	vld @p1 [tilespmem:$0xF1D8];
	_ =	sdelay $0x4  }
0x268: {  	[tilespmem:s4+$0xF288] =	vst.add.f32.msk @p1 $0xffff, v1  }
0x269: {  	v1 =	vld @p1 [tilespmem:$0xF1E8];
	_ =	sdelay $0x4  }
0x26a: {  	[tilespmem:s4+$0xF298] =	vst.add.f32.msk @p1 $0xffff, v1  }
0x26b: {  	v1 =	vld @p1 [tilespmem:$0xF1F8];
	_ =	sdelay $0x3  }
0x26c: {  	s5 =	sshll.u32 @!p1 s3, $0x9  }
0x26d: {  	s5 =	smov.u32 @p1 s0;
	[tilespmem:s4+$0xF2A8] =	vst.add.f32.msk @p1 $0xffff, v1  }
0x26e: {  	s0 =	sshrl.u32 s5, $0x2;
	[tilespmem:s2+$0xF218] =	vst.msk $0x1, v0  }
0x26f: {  	v0 =	vld [tilespmem:s0+$0xF238];
	_ =	sdelay $0x2  }
0x270: {  	s31 =	sshll.u32 s2, $0x9  }
0x271: {  	s4 =	sshra.s32 s31, $0x2  }
0x272: {  	[tilespmem:s4+$0xF238] =	vst v0  }
0x273: {  	v0 =	vld [tilespmem:s0+$0xF248];
	_ =	sdelay $0x4  }
0x274: {  	[tilespmem:s4+$0xF248] =	vst v0  }
0x275: {  	v0 =	vld [tilespmem:s0+$0xF258];
	_ =	sdelay $0x4  }
0x276: {  	[tilespmem:s4+$0xF258] =	vst v0  }
0x277: {  	v0 =	vld [tilespmem:s0+$0xF268];
	_ =	sdelay $0x4  }
0x278: {  	[tilespmem:s4+$0xF268] =	vst v0  }
0x279: {  	v0 =	vld [tilespmem:s0+$0xF278];
	_ =	sdelay $0x4  }
0x27a: {  	[tilespmem:s4+$0xF278] =	vst v0  }
0x27b: {  	v0 =	vld [tilespmem:s0+$0xF288];
	_ =	sdelay $0x4  }
0x27c: {  	[tilespmem:s4+$0xF288] =	vst v0  }
0x27d: {  	v0 =	vld [tilespmem:s0+$0xF298];
	_ =	sdelay $0x4  }
0x27e: {  	[tilespmem:s4+$0xF298] =	vst v0  }
0x27f: {  	v0 =	vld [tilespmem:s0+$0xF2A8];
	_ =	sdelay $0x4  }
0x280: {  	s2 =	sadd.s32 $0x1, s2;
	[tilespmem:s4+$0xF2A8] =	vst v0  }
.LBB3_48:
0x281: {  	s3 =	sadd.s32 $0x1, s3  }
0x282: {  	p1 =	sne.s32 s3, $0x20  }
.Ltmp37:
0x283: {  	_ = 	snop;
	(pc) =	sbr.rel @!p1 .LBB3_49-.Ltmp37, $1  }
0x284: {  	_ =	sdelay $0x3  }
.LBB3_41:
0x285: {  	v0 =	vld.msk [tilespmem:s3+$0xF218], $0x1;
	_ =	sdelay $0x4  }
0x286: {  	(v2sf) =	vpush v0, $0x0;
	_ =	sdelay $0xe  }
0x287: {  	s4 =	spop (v2sf)  }
0x288: {  	p1 =	seq.s32 s4, $0xFFFFFFFF  }
.Ltmp38:
0x289: {  	_ = 	snop;
	(pc) =	sbr.rel @p1 .LBB3_48-.Ltmp38, $1  }
0x28a: {  	_ =	sdelay $0x3  }
0x28b: {  	p1 =	slt.s32 s2, $0x1  }
.Ltmp39:
0x28c: {  	_ = 	snop;
	(pc) =	sbr.rel @p1 .LBB3_47-.Ltmp39, $1  }
0x28d: {  	_ =	sdelay $0x3  }
0x28e: {  	s5 =	simm.s32 $0xF218;
	p1 =	por $0x0, $0x0  }
0x28f: {  	v1 =	vld.msk @!p1 [tilespmem:s5+$0x0], $0x1;
	_ =	sdelay $0x4  }
0x290: {  	(v2sf) =	vpush @!p1 v1, $0x0;
	_ =	sdelay $0xd  }
0x291: {  	p3 =	sne.s32 s2, $0x1  }
.Ltmp40:
0x292: {  	s0 =	spop @!p1 (v2sf);
	(pc) =	sbr.rel @!p3 .LBB3_45-.Ltmp40, $4  }
0x293: {  	p2 =	seq.s32 @!p1 s4, s0  }
0x294: {  	s6 =	simm.s32 $0x0;
	p2 =	por !p2, p1  }
0x295: {  	s0 =	simm.s32 $0xFFFFFFFF;
	s6 =	simm.s32 @p2 $0xFFFFFFFF  }
0x296: {  	s7 =	simm.s32 $0x1;
	s6 =	smov.u32 @p1 s0  }
.LBB3_44:
0x297: {  	s0 =	smov.u32 s6;
	p1 =	sne.s32 s6, $0xFFFFFFFF  }
0x298: {  	s5 =	sadd.s32 $0x1, s5;
	s6 =	smov.u32 s7;
	s7 =	sadd.s32 $0x1, s7  }
0x299: {  	p2 =	sne.s32 s2, s7;
	v1 =	vld.msk @!p1 [tilespmem:s5+$0x0], $0x1;
	_ =	sdelay $0x4  }
0x29a: {  	(v2sf) =	vpush @!p1 v1, $0x0;
	_ =	sdelay $0xe  }
.Ltmp41:
0x29b: {  	s8 =	spop @!p1 (v2sf);
	(pc) =	sbr.rel @p2 .LBB3_44-.Ltmp41, $4  }
0x29c: {  	p3 =	seq.s32 @!p1 s4, s8  }
0x29d: {  	p3 =	por !p3, p1  }
0x29e: {  	s6 =	simm.s32 @p3 $0xFFFFFFFF  }
0x29f: {  	s6 =	smov.u32 @p1 s0  }
.LBB3_45:
0x2a0: {  	p1 =	seq.s32 s6, $0xFFFFFFFF  }
.Ltmp42:
0x2a1: {  	_ = 	snop;
	(pc) =	sbr.rel @p1 .LBB3_47-.Ltmp42, $1  }
0x2a2: {  	_ =	sdelay $0x3  }
0x2a3: {  	s0 =	sshll.u32 s3, $0x7  }
0x2a4: {  	s0 =	sand.u32 $0x3FFFFF80, s0  }
0x2a5: {  	v0 =	vld [tilespmem:s0+$0xF238];
	_ =	sdelay $0x2  }
0x2a6: {  	s4 =	sshll.u32 s6, $0x9  }
0x2a7: {  	s4 =	sshra.s32 s4, $0x2  }
0x2a8: {  	[tilespmem:s4+$0xF238] =	vst.add.f32.msk $0xffff, v0  }
0x2a9: {  	v0 =	vld [tilespmem:s0+$0xF248];
	_ =	sdelay $0x4  }
0x2aa: {  	[tilespmem:s4+$0xF248] =	vst.add.f32.msk $0xffff, v0  }
0x2ab: {  	v0 =	vld [tilespmem:s0+$0xF258];
	_ =	sdelay $0x4  }
0x2ac: {  	[tilespmem:s4+$0xF258] =	vst.add.f32.msk $0xffff, v0  }
0x2ad: {  	v0 =	vld [tilespmem:s0+$0xF268];
	_ =	sdelay $0x4  }
0x2ae: {  	[tilespmem:s4+$0xF268] =	vst.add.f32.msk $0xffff, v0  }
0x2af: {  	v0 =	vld [tilespmem:s0+$0xF278];
	_ =	sdelay $0x4  }
0x2b0: {  	[tilespmem:s4+$0xF278] =	vst.add.f32.msk $0xffff, v0  }
0x2b1: {  	v0 =	vld [tilespmem:s0+$0xF288];
	_ =	sdelay $0x4  }
0x2b2: {  	[tilespmem:s4+$0xF288] =	vst.add.f32.msk $0xffff, v0  }
0x2b3: {  	v0 =	vld [tilespmem:s0+$0xF298];
	_ =	sdelay $0x4  }
0x2b4: {  	[tilespmem:s4+$0xF298] =	vst.add.f32.msk $0xffff, v0  }
0x2b5: {  	v0 =	vld [tilespmem:s0+$0xF2A8]  }
.Ltmp43:
0x2b6: {  	_ = 	snop;
	(pc) =	sbr.rel .LBB3_48-.Ltmp43, $2  }
0x2b7: {  	_ =	sdelay $0x2  }
0x2b8: {  	[tilespmem:s4+$0xF2A8] =	vst.add.f32.msk $0xffff, v0  }
.LBB3_49:
0x2b9: {  	p1 =	slt.s32 s2, $0x1  }
.Ltmp44:
0x2ba: {  	_ = 	snop;
	(pc) =	sbr.rel @p1 .LBB3_53-.Ltmp44, $3  }
0x2bb: {  	_ =	sdelay $0x1  }
0x2bc: {  	s0 =	simm.s32 $0x8  }
0x2bd: {  	s3 =	simm.s32 $0x0;
	[sflag:s0] =	ssyncpa.u1 $0x1  }
0x2be: {  	s0 =	simm.s32 $0xF218  }
0x2bf: {  	v0 =	vld.msk [tilespmem:s0+$0x0], $0x1;
	_ =	sdelay $0x4  }
0x2c0: {  	(v2sf) =	vpush v0, $0x0;
	_ =	sdelay $0xe  }
0x2c1: {  	s2 =	sadd.s32 $0xFFFFFFFF, s2;
	s0 =	spop (v2sf)  }
0x2c2: {  	p2 =	sne.s32 s2, $0x0;
	p1 =	sgt.u32 s0, $0x27FF0  }
.Ltmp45:
0x2c3: {  	s5 =	sand.u32 @!p1 $0x3FFF8, s0;
	(pc) =	sbr.rel @!p2 .LBB3_52-.Ltmp45, $4  }
0x2c4: {  	s4 =	simm.s32 $0xF238;
	s0 =	sand.u32 @!p1 $0x7, s0;
	s5 =	sadd.s32 @!p1 s1, s5  }
0x2c5: {  	[hbm4b:s5+s0] =	stream.linear.scatter @!p1 [tilespmem:s4], [sflag:$0x7], $0x80, $0x38;
	[tilespmem:$0x1F6F8] =	vst v63  }
0x2c6: {  	s0 =	simm.s32 $0x0  }
0x2c7: {  	s5 =	simm.s32 $0xF219;
	s0 =	simm.s32 @!p1 $0x200  }
.LBB3_51:
0x2c8: {  	v0 =	vld.msk [tilespmem:s5+$0x0], $0x1;
	s2 =	sadd.s32 $0xFFFFFFFF, s2;
	s3 =	sadd.s32 s3, s0  }
0x2c9: {  	p1 =	sne.s32 s2, $0x0;
	_ =	sdelay $0x3  }
0x2ca: {  	(v2sf) =	vpush v0, $0x0;
	_ =	sdelay $0xe  }
.Ltmp46:
0x2cb: {  	s6 =	spop (v2sf);
	(pc) =	sbr.rel @p1 .LBB3_51-.Ltmp46, $4  }
0x2cc: {  	s0 =	simm.s32 $0x0;
	p2 =	sgt.u32 s6, $0x27FF0  }
0x2cd: {  	s4 =	sadd.s32 $0x80, s4;
	s0 =	simm.s32 @!p2 $0x200;
	s7 =	sand.u32 @!p2 $0x3FFF8, s6  }
0x2ce: {  	s5 =	sadd.s32 $0x1, s5;
	s6 =	sand.u32 @!p2 $0x7, s6;
	s7 =	sadd.s32 @!p2 s1, s7  }
0x2cf: {  	[hbm4b:s7+s6] =	stream.linear.scatter @!p2 [tilespmem:s4], [sflag:$0x7], $0x80, $0x38;
	[tilespmem:$0x1F6F8] =	vst v63  }
.LBB3_52:
0x2d0: {  	s0 =	sadd.s32 s3, s0  }
0x2d1: {  	s3 =	sshrl.u32 s0, $0x2  }
.LBB3_53:
0x2d2: {  	s0 =	simm.s32 $0x7  }
0x2d3: {  	_ =	swait.ge [sflag:s0], s3  }
0x2d4: {  	s1 =	ssub.s32 $0x0, s3;
	[sflag:s0] =	ssyncset.done $0x0  }
0x2d5: {  	[sflag:s0] =	ssyncadd.s32 s1  }
0x2d6: {  	[sflag:s0] =	ssyncpa.u1 $0x1  }
.LBB3_54:
0x2d7: {  	_ =	sfence;
	s0 =	simm.s32 $0x1  }
0x2d8: {  	[sflag:s0] =	ssyncpa.u1 $0x1  }
0x2d9: {  	_ =	strace $0x90000056  }
0x2da: {  	[bflag:$0x2] =	sbarrier.arrive $0xFFFF  }
0x2db: {  	s0 =	rddreg [dreg:$0x3]  }
0x2dc: {  	s0 =	sadd.s32 @!p0 $0x100000, s0  }
0x2dd: {  	[sflag:s0] =	ssyncadd.tile.s32 @!p0 $0x1;
	_ =	shalt  }
.Lfunc_end3:
_tile_overlayer_lowered:
.L_overlay_start_3:
0x2de: {  	(tag) =	ssettag $0x3  }
0x2df: {  	s0 =	rddreg [dreg:$0x0];
	s2 =	stileid.u32  }
0x2e0: {  	s1 =	rddreg [dreg:$0x1];
	p0 =	sne.s32 s2, $0x0  }
0x2e1: {  	s3 =	rddreg [dreg:$0x2];
	[bflag:$0x3] =	sbarrier.arrive $0xFFFF;
	s2 =	simm.s32 @!p0 $0x1C01  }
0x2e2: {  	[timem:s3], [sflag:s2] =	dma.local @!p0 [hbm:s0], s1  }
0x2e3: {  	s0 =	simm.s32 @!p0 $0x1  }
0x2e4: {  	_ =	swait.ge @!p0 [sflag:s0], s1  }
0x2e5: {  	s1 =	ssub.s32 @!p0 $0x0, s1;
	[sflag:s0] =	ssyncset.done @!p0 $0x0  }
0x2e6: {  	[sflag:s0] =	ssyncadd.s32 @!p0 s1  }
0x2e7: {  	[bflag:$0x3] =	sbarrier.arrive $0xFFFF  }
0x2e8: {  	_ =	shalt  }

// kernel: scatter_offload_async_start.2
scs
__scs_entry_jumppad:
0x0: {  	(pc) =	sbr.rel $0x88, $3  }
0x1: {  	(tag) =	ssettag $0x0;
	lr =	simm.s32 $0x1  }
0x2: {  	[smem:$0x3F85] =	sst lr;
	_ =	strace $0xD0000000  }
0x3: {  	_ = 	snop  }
0x4: {  	_ = 	snop  }
0x5: {  	_ = 	snop  }
0x6: {  	_ = 	snop  }
0x7: {  	_ = 	snop  }
__scs_overlays_trampoline_lowered:
0x8: {  	[smem:$0x3F94] =	sst s0  }
0x9: {  	[smem:$0x3F95] =	sst s1  }
0xa: {  	[smem:$0x3F96] =	sst s2  }
0xb: {  	[smem:$0x3F97] =	sst s3  }
0xc: {  	[smem:$0x3F98] =	sst s4  }
0xd: {  	[smem:$0x3F99] =	sst s5  }
0xe: {  	[smem:$0x3F9A] =	sst s6  }
0xf: {  	[smem:$0x3F9B] =	sst s7  }
0x10: {  	[smem:$0x3F9C] =	sst s8  }
0x11: {  	[smem:$0x3F9D] =	sst s9;
	s0 =	simm.s32 @!p0 $0x0  }
0x12: {  	s1 =	sld [smem:$0x3F83];
	s0 =	simm.s32 @p0 $0x1  }
0x13: {  	[smem:$0x3F9E] =	sst s0;
	s0 =	simm.s32 @!p1 $0x0  }
0x14: {  	s2 =	sld [smem:$0x3F82];
	s0 =	simm.s32 @p1 $0x1  }
0x15: {  	[smem:$0x3F9F] =	sst s0;
	s0 =	simm.s32 @!p2 $0x0  }
0x16: {  	s3 =	sld [smem:$0x3FDB];
	s0 =	simm.s32 @p2 $0x1  }
0x17: {  	s4 =	simm.s32 $0x1BF5;
	[smem:$0x3FA1] =	sst s0  }
0x18: {  	s0 =	sld [smem:$0x3F84];
	_ =	swait.ge [sflag:s4], $0x0  }
0x19: {  	s7 =	sld [smem:$0x3F85]  }
0x1a: {  	s8 =	sadd.s32 $0xFFFFE003, lr  }
0x1b: {  	s9 =	sadd.s32 $0xFFFFFEF7, lr;
	s5 =	simm.s32 $0xFFFFFFFF;
	p2 =	slt.u32 s8, $0xFFFFF086  }
0x1c: {  	p1 =	slt.u32 s9, $0xF7A;
	s5 =	simm.s32 @!p2 $0x0  }
0x1d: {  	s5 =	simm.s32 @p1 $0x1;
	p0 =	seq.s32 s7, s2  }
0x1e: {  	s7 =	smul.u32 @!p0 $0xF7A, s2;
	p2 =	seq.s32 @!p0 s5, $0x0  }
0x1f: {  	s9 =	smul.u32 $0xF7A, s1;
	s8 =	simm.s32 @!p0 $0x1BF5;
	p2 =	por !p2, p0  }
0x20: {  	[sflag:s8] =	ssyncset.s32 @!p0 $0xFFFFF086;
	s6 =	sadd.s32 @!p0 s3, s7;
	s7 =	simm.s32 @!p0 $0x108  }
0x21: {  	s3 =	sadd.s32 s3, s9;
	s6 =	sadd.s32 @!p0 $0x88, s6;
	s7 =	simm.s32 @p2 $0x1082  }
0x22: {  	[simem:s7], [sflag:s8] =	dma.local @!p0 [hbm:s6], $0xF7A  }
0x23: {  	s9 =	sor.u32 $0xD0000000, s2;
	s6 =	simm.s32 $0x108;
	_ =	swait.ge @!p0 [sflag:s8], $0x0  }
0x24: {  	s3 =	sadd.s32 $0x88, s3;
	s6 =	simm.s32 @!p1 $0x1082;
	[sflag:s4] =	ssyncset.s32 $0xFFFFF086  }
0x25: {  	[simem:s6], [sflag:s4] =	dma.local [hbm:s3], $0xF7A  }
0x26: {  	[smem:$0x3F85] =	sst s1;
	(tag) =	ssettag s2;
	_ =	strace s9  }
0x27: {  	s1 =	sld [smem:$0x3F95]  }
0x28: {  	s2 =	sld [smem:$0x3F96]  }
0x29: {  	s4 =	sld [smem:$0x3F98]  }
0x2a: {  	p0 =	seq.s32 s5, $0x0;
	s5 =	sld [smem:$0x3F99]  }
0x2b: {  	s6 =	sld [smem:$0x3F9A]  }
0x2c: {  	s7 =	sld [smem:$0x3F9B]  }
0x2d: {  	s3 =	simm.s32 $0x108;
	s8 =	sld [smem:$0x3F9C]  }
0x2e: {  	s3 =	simm.s32 @!p0 $0x1082;
	s9 =	sld [smem:$0x3F9D]  }
0x2f: {  	lr =	sadd.s32 s0, s3;
	s0 =	sld [smem:$0x3F94]  }
0x30: {  	s3 =	sld [smem:$0x3F97]  }
0x31: {  	[smem:$0x3FA0] =	sst s10  }
0x32: {  	s10 =	sld [smem:$0x3F9E];
	_ =	sdelay $0x3  }
0x33: {  	p0 =	seq.s32 s10, $0x1;
	s10 =	sld [smem:$0x3FA0];
	_ =	sdelay $0x3  }
0x34: {  	[smem:$0x3FA0] =	sst s10  }
0x35: {  	s10 =	sld [smem:$0x3F9F];
	_ =	sdelay $0x3  }
0x36: {  	p1 =	seq.s32 s10, $0x1;
	s10 =	sld [smem:$0x3FA0];
	_ =	sdelay $0x3  }
0x37: {  	[smem:$0x3FA0] =	sst s10  }
0x38: {  	s10 =	sld [smem:$0x3FA1]  }
0x39: {  	_ = 	snop;
	(pc) =	sbr.ind lr, $3  }
0x3a: {  	_ = 	snop  }
0x3b: {  	_ = 	snop  }
0x3c: {  	p2 =	seq.s32 s10, $0x1;
	s10 =	sld [smem:$0x3FA0]  }
0x3d: {  	_ =	shalt  }
0x3e: {  	_ =	shalt  }
0x3f: {  	_ =	shalt  }
0x40: {  	_ =	shalt  }
0x41: {  	_ =	shalt  }
0x42: {  	_ =	shalt  }
0x43: {  	_ =	shalt  }
0x44: {  	_ =	shalt  }
0x45: {  	_ =	shalt  }
0x46: {  	_ =	shalt  }
0x47: {  	_ =	shalt  }
0x48: {  	_ =	shalt  }
0x49: {  	_ =	shalt  }
0x4a: {  	_ =	shalt  }
0x4b: {  	_ =	shalt  }
0x4c: {  	_ =	shalt  }
0x4d: {  	_ =	shalt  }
0x4e: {  	_ =	shalt  }
0x4f: {  	_ =	shalt  }
0x50: {  	_ =	shalt  }
0x51: {  	_ =	shalt  }
0x52: {  	_ =	shalt  }
0x53: {  	_ =	shalt  }
0x54: {  	_ =	shalt  }
0x55: {  	_ =	shalt  }
0x56: {  	_ =	shalt  }
0x57: {  	_ =	shalt  }
0x58: {  	_ =	shalt  }
0x59: {  	_ =	shalt  }
0x5a: {  	_ =	shalt  }
0x5b: {  	_ =	shalt  }
0x5c: {  	_ =	shalt  }
0x5d: {  	_ =	shalt  }
0x5e: {  	_ =	shalt  }
0x5f: {  	_ =	shalt  }
0x60: {  	_ =	shalt  }
0x61: {  	_ =	shalt  }
0x62: {  	_ =	shalt  }
0x63: {  	_ =	shalt  }
0x64: {  	_ =	shalt  }
0x65: {  	_ =	shalt  }
0x66: {  	_ =	shalt  }
0x67: {  	_ =	shalt  }
0x68: {  	_ =	shalt  }
0x69: {  	_ =	shalt  }
0x6a: {  	_ =	shalt  }
0x6b: {  	_ =	shalt  }
0x6c: {  	_ =	shalt  }
0x6d: {  	_ =	shalt  }
0x6e: {  	_ =	shalt  }
0x6f: {  	_ =	shalt  }
0x70: {  	_ =	shalt  }
0x71: {  	_ =	shalt  }
0x72: {  	_ =	shalt  }
0x73: {  	_ =	shalt  }
0x74: {  	_ =	shalt  }
0x75: {  	_ =	shalt  }
0x76: {  	_ =	shalt  }
0x77: {  	_ =	shalt  }
0x78: {  	_ =	shalt  }
0x79: {  	_ =	shalt  }
0x7a: {  	_ =	shalt  }
0x7b: {  	_ =	shalt  }
0x7c: {  	_ =	shalt  }
0x7d: {  	_ =	shalt  }
0x7e: {  	_ =	shalt  }
0x7f: {  	_ =	shalt  }
0x80: {  	_ =	shalt  }
0x81: {  	_ =	shalt  }
0x82: {  	_ =	shalt  }
0x83: {  	_ =	shalt  }
0x84: {  	_ =	shalt  }
0x85: {  	_ =	shalt  }
0x86: {  	_ =	shalt  }
0x87: {  	_ =	shalt  }
.Lfunc_end0:
.L_simem_size_0:
called_computation.2_lowered:
.L_overlay_start_0:
0x88: {  	s2 =	sld [smem:$0x3FD9]  }
0x89: {  	s3 =	sld [smem:$0x3FFE];
	_ =	sdelay $0x1  }
0x8a: {  	s1 =	srdreg.scid  }
0x8b: {  	s0 =	sand.u32 $0x1, s1  }
0x8c: {  	s15 =	sshll.u32 s0, $0xA;
	s2 =	sadd.s32 s3, s2  }
0x8d: {  	s2 =	sadd.s32 s2, s15  }
0x8e: {  	[smem:$0x3FAC] =	sst s2  }
0x8f: {  	_ = 	snop  }
0x90: {  	(tm) =	ssettm $0x1  }
0x91: {  	s16 =	sld [smem:$0x3FFB];
	_ =	sdelay $0x3  }
0x92: {  	_ =	strace s16  }
0x93: {  	s2 =	sld [smem:$0x3FFC];
	_ =	sdelay $0x3  }
0x94: {  	_ =	strace s2  }
0x95: {  	s2 =	sld [smem:$0x3FFD];
	_ =	sdelay $0x3  }
0x96: {  	_ =	strace s2  }
0x97: {  	_ =	strace $0x8FFFFFFF  }
0x98: {  	s17 =	sld [smem:$0x3FDB];
	_ =	sdelay $0x1  }
0x99: {  	s18 =	simm.s32 $_scs_section_size  }
0x9a: {  	s4 =	simm.s32 $_size__tile_overlayer_lowered;
	s5 =	simm.s32 $_tile_overlayer_lowered  }
0x9b: {  	s21 =	simm.s32 $0x1BFF;
	s20 =	sshll.u32 s5, $0x1;
	s2 =	sadd.s32 s18, s17  }
0x9c: {  	s6 =	simm.s32 $0x0;
	s19 =	sshll.u32 s4, $0x1;
	s4 =	sadd.s32 s20, s2  }
0x9d: {  	[timem:s6], [sflag:s21] =	dma.local [hbm:s4], s19  }
0x9e: {  	_ =	swait.ge [sflag:s21], s19  }
0x9f: {  	s3 =	ssub.s32 $0x0, s19;
	[sflag:s21] =	ssyncset.done $0x0  }
0xa0: {  	[sflag:s21] =	ssyncadd.s32 s3;
	_ =	sdelay $0x1  }
0xa1: {  	s22 =	simm.s32 $0x1B8B  }
0xa2: {  	_ =	swait.ge [sflag:s22], $0x1  }
0xa3: {  	[sflag:s22] =	ssyncset.done $0x0  }
0xa4: {  	s23 =	sld [smem:$0x3FFE];
	[sflag:s22] =	ssyncadd.s32 $0xFFFFFFFF  }
0xa5: {  	s25 =	simm.s32 $0x1B8E;
	s24 =	sld [smem:$0x0]  }
0xa6: {  	s26 =	simm.s32 $execute0_lowered;
	[smem:$0x3FD2] =	sst s25  }
0xa7: {  	s5 =	sshll.u32 s26, $0x1;
	_ =	strace $0x8000005B;
	[dreg:$0x1] =	wrdreg $0xFFFFFFFF  }
0xa8: {  	s28 =	simm.s32 $_size_execute0_lowered;
	s2 =	sadd.s32 s2, s5;
	[dreg:$0x0] =	wrdreg $0x0  }
0xa9: {  	s5 =	sshll.u32 s28, $0x1;
	[dreg:$0x2] =	wrdreg s2  }
0xaa: {  	[dreg:$0x3] =	wrdreg s5  }
0xab: {  	[dreg:$0x4] =	wrdreg $0xC0  }
0xac: {  	_ =	task [dreg:s6], $0x5FFFF  }
0xad: {  	[dreg:$0x1] =	wrdreg $0xFFFFFFFF  }
0xae: {  	[dreg:$0x0] =	wrdreg $0x60  }
0xaf: {  	[dreg:$0x2] =	wrdreg s23  }
0xb0: {  	[dreg:$0x3] =	wrdreg s1  }
0xb1: {  	[dreg:$0x4] =	wrdreg s24  }
0xb2: {  	[dreg:$0x5] =	wrdreg $0x9  }
0xb3: {  	_ =	task.clear_ibuf [dreg:s6], $0x6FFFF;
	_ =	strace $0x9000005B  }
0xb4: {  	s29 =	simm.s32 $0x9;
	_ =	strace $0x8000005D  }
0xb5: {  	_ =	swait.ge [sflag:s29], $0x1  }
0xb6: {  	[sflag:s29] =	ssyncadd.s32 $0xFFFFFFFF  }
0xb7: {  	_ =	strace $0x9000005D  }
0xb8: {  	_ =	sfence  }
0xb9: {  	s30 =	sld [smem:$0x0];
	_ =	sdelay $0x2  }
0xba: {  	s31 =	sshll.u32 s1, $0xD;
	s1 =	sshrl.u32 s1, $0x2  }
0xbb: {  	s3 =	sand.u32 $0x4000, s31;
	s1 =	sadd.s32 s1, s30  }
0xbc: {  	s0 =	sor.u32 s3, s0;
	s1 =	sshll.u32 s1, $0x11  }
0xbd: {  	s0 =	sor.u32 s1, s0  }
0xbe: {  	s0 =	sadd.s32 $0x8F2B, s0  }
0xbf: {  	[sflag:s0] =	ssyncadd.remote.s32 $0x1  }
0xc0: {  	_ =	sfence.sel $0xFFFF  }
0xc1: {  	[dreg:$0x0] =	wrdreg $0xFFFFFFFF;
	(pc) =	sbr.abs _section_cstart, $3  }
0xc2: {  	[dreg:$0x1] =	wrdreg $0xFFFFFFFF  }
0xc3: {  	_ =	task.clear_ibuf [dreg:s6], $0x2FFFF;
	_ =	strace $0x9FFFFFFF  }
0xc4: {  	(tm) =	ssettm $0x7FFFFFFF  }
0xc5: {  	_ =	shalt  }
tec
execute0_lowered:
.L_overlay_start_1:
0x0: {  	(tag) =	ssettag $0x1  }
0x1: {  	s0 =	rddreg [dreg:$0x0]  }
0x2: {  	s2 =	rddreg [dreg:$0x1];
	_ =	strace $0x8000005C;
	s1 =	simm.s32 $0x1  }
0x3: {  	s3 =	simm.s32 $0x108;
	v0 =	vimm.s32 $0x0;
	[sflag:s1] =	ssyncpa.u1 $0x0  }
0x4: {  	[tilespmem:s3+$0x70] =	vst v0  }
0x5: {  	[tilespmem:s3+$0x60] =	vst v0  }
0x6: {  	[tilespmem:s3+$0x50] =	vst v0  }
0x7: {  	[tilespmem:s3+$0x40] =	vst v0  }
0x8: {  	[tilespmem:s3+$0x30] =	vst v0  }
0x9: {  	s1 =	sadd.s32 $0x566000, s0;
	s13 =	sadd.s32 $0x29600, s0;
	s6 =	sadd.s32 $0x58E000, s0;
	[tilespmem:s3+$0x20] =	vst v0  }
0xa: {  	s12 =	sadd.s32 $0x33800, s0;
	s2 =	sand.u32 $0x1, s2;
	s0 =	simm.s32 $0x40;
	[tilespmem:s3+$0x10] =	vst v0  }
.LBB2_1:
0xb: {  	s0 =	sadd.s32 $0x40, s0;
	[tilespmem:s3+$0x0] =	vst v0;
	s3 =	sadd.s32 $0x80, s3  }
0xc: {  	p0 =	slt.u32 s0, $0x3C40;
	[tilespmem:s3+$0x70] =	vst v0  }
0xd: {  	[tilespmem:s3+$0x60] =	vst v0  }
.Ltmp0:
0xe: {  	[tilespmem:s3+$0x50] =	vst v0;
	(pc) =	sbr.rel @p0 .LBB2_1-.Ltmp0, $4  }
0xf: {  	[tilespmem:s3+$0x40] =	vst v0  }
0x10: {  	[tilespmem:s3+$0x30] =	vst v0  }
0x11: {  	[tilespmem:s3+$0x20] =	vst v0  }
0x12: {  	[tilespmem:s3+$0x10] =	vst v0  }
0x13: {  	s7 =	simm.s32 $0x2;
	s30 =	stileid.u32  }
0x14: {  	s8 =	simm.s32 $0x9;
	s0 =	simm.s32 $0xA;
	s10 =	simm.s32 $0xB  }
0x15: {  	s31 =	smul.u32 $0x50A0, s2;
	s20 =	simm.s32 $0x0;
	p0 =	por $0x0, $0x0  }
.Ltmp1:
0x16: {  	s15 =	simm.s32 $0x1;
	s16 =	simm.s32 $0xC;
	(pc) =	sbr.rel .LBB2_3-.Ltmp1, $4  }
0x17: {  	[tilespmem:s3+$0x0] =	vst v0;
	v0 =	vimm.s32 $0xFFFFFFFF;
	s18 =	simm.s32 $0x0;
	s17 =	simm.s32 $0x0;
	[sflag:s7] =	ssyncpa.u1 $0x0  }
0x18: {  	s9 =	smul.u32 $0x2850, s30;
	s14 =	sshll.u32 s30, $0x8;
	[tilespmem:$0xF208] =	vst v0;
	[sflag:s8] =	ssyncpa.u1 $0x0  }
0x19: {  	s12 =	sadd.s32 s31, s12;
	s13 =	sadd.s32 s31, s13;
	[sflag:s0] =	ssyncpa.u1 $0x0  }
0x1a: {  	v0 =	vlaneseq.u32;
	s11 =	sadd.s32 $0x2850, s9;
	s19 =	smov.u32 s9;
	[sflag:s10] =	ssyncpa.u1 $0x0  }
.LBB2_18:
0x1b: {  	s0 =	sshrl.u32 s29, $0x2  }
.LBB2_20:
0x1c: {  	_ =	swait.ge [sflag:s16], s0  }
0x1d: {  	s31 =	ssub.s32 $0x0, s0;
	v1 =	vmov s23;
	vm0 =	veq.s32 v0, $0x0;
	[sflag:s16] =	ssyncset.done $0x0  }
0x1e: {  	vm15 =	veq.s32 v0, $0x2;
	v1 =	vsel vm0, s28, v1;
	[sflag:s16] =	ssyncadd.s32 s31  }
0x1f: {  	v1 =	vsel vm15, s20, v1;
	[sflag:s16] =	ssyncpa.u1 $0x1  }
0x20: {  	[tilespmem:$0xF208] =	vst v1  }
.LBB2_21:
0x21: {  	s0 =	sadd.s32 $0xF0, s19  }
0x22: {  	s3 =	smov.u32 s9;
	s17 =	sadd.s32 $0x1, s17;
	p1 =	slt.s32 s0, s11  }
0x23: {  	s3 =	smov.u32 @p1 s0;
	p1 =	sne.s32 s17, $0x2D  }
.Ltmp2:
0x24: {  	_ = 	snop;
	(pc) =	sbr.rel @!p1 .LBB2_22-.Ltmp2, $3  }
0x25: {  	_ =	sdelay $0x1  }
0x26: {  	s20 =	smov.u32 s18  }
0x27: {  	s18 =	smov.u32 s19;
	p0 =	por !p0, !p0;
	s19 =	smov.u32 s3  }
.LBB2_3:
0x28: {  	p1 =	sgt.u32 s17, $0x2A  }
0x29: {  	s0 =	smul.u32 @!p1 $0xAB, s17;
	_ =	sdelay $0x1  }
0x2a: {  	s0 =	sshrl.u32 @!p1 s0, $0x9  }
0x2b: {  	s4 =	smov.u32 s19;
	p2 =	sgt.s32 @!p1 s19, $0x28410;
	s0 =	sand.u32 @!p1 $0x7F, s0  }
0x2c: {  	s5 =	sshra.s32 @!p1 s19, $0x1F;
	p2 =	por !p2, p1;
	s0 =	smul.u32 @!p1 $0x3, s0  }
0x2d: {  	s5 =	sand.u32 @!p1 s5, s19;
	s4 =	simm.s32 @p2 $0x28410  }
0x2e: {  	s4 =	ssub.s32 @!p1 s4, s5;
	s0 =	ssub.s32 @!p1 s17, s0  }
0x2f: {  	s4 =	sadd.s32 @!p1 $0xFFFD7BF0, s4;
	s0 =	sand.u32 @!p1 $0xFF, s0  }
0x30: {  	s5 =	sshll.u32 @!p1 s4, $0x2;
	p2 =	sgt.s32 @!p1 s4, $0xEF;
	s0 =	smul.u32 @!p1 $0x3C0, s0  }
0x31: {  	s21 =	sand.u32 @!p1 $0x7, s19;
	s4 =	ssub.s32 @!p1 $0x3C0, s5;
	p2 =	por !p2, p1  }
0x32: {  	s5 =	sshrl.u32 @!p1 s19, $0x3;
	s4 =	sshrl.u32 @!p1 s4, $0x2;
	s0 =	sshrl.u32 @!p1 s0, $0x2  }
0x33: {  	s5 =	sadd.s32 @!p1 s5, s12;
	s4 =	simm.s32 @!p2 $0x0;
	s0 =	sadd.s32 @!p1 $0x10248, s0  }
0x34: {  	[tilespmem:s0], [sflag:$0xA] =	stream.linear.gather @!p1 [hbm4b:s5+s21], s4, $0x38;
	[tilespmem:$0x1F6F8] =	vst v63  }
0x35: {  	s0 =	sadd.s32 $0xFFFFFFFF, s17  }
0x36: {  	p1 =	sgt.u32 s0, $0x2A  }
0x37: {  	p2 =	sgt.s32 @!p1 s18, $0x28410  }
0x38: {  	s4 =	smov.u32 s18;
	s5 =	sshra.s32 @!p1 s18, $0x1F;
	p2 =	por !p2, p1  }
0x39: {  	s21 =	smul.u32 @!p1 $0xAB, s0;
	s5 =	sand.u32 @!p1 s5, s18;
	s4 =	simm.s32 @p2 $0x28410  }
0x3a: {  	s4 =	ssub.s32 @!p1 s4, s5  }
0x3b: {  	s5 =	sshrl.u32 @!p1 s21, $0x9;
	s4 =	sadd.s32 @!p1 $0xFFFD7BF0, s4  }
0x3c: {  	s22 =	sand.u32 @!p1 $0x1, s0;
	s5 =	sand.u32 @!p1 $0x7F, s5;
	s21 =	sshll.u32 @!p1 s4, $0x2  }
0x3d: {  	p2 =	sgt.s32 @!p1 s4, $0xEF;
	s5 =	smul.u32 @!p1 $0x3, s5;
	s4 =	ssub.s32 @!p1 $0x3C0, s21  }
0x3e: {  	s23 =	smul.u32 @!p1 $0x3C0, s22;
	p2 =	por !p2, p1;
	s4 =	sshrl.u32 @!p1 s4, $0x2  }
0x3f: {  	s21 =	simm.s32 @!p1 $0xA;
	s0 =	ssub.s32 @!p1 s0, s5;
	s4 =	simm.s32 @!p2 $0x0  }
0x40: {  	s22 =	smul.u32 @!p1 $0x1E000, s22;
	s0 =	sand.u32 @!p1 $0xFF, s0;
	_ =	swait.ge @!p1 [sflag:s21], s4  }
0x41: {  	s5 =	ssub.s32 @!p1 $0x0, s4;
	s0 =	smul.u32 @!p1 $0x3C0, s0;
	[sflag:s21] =	ssyncset.done @!p1 $0x0  }
0x42: {  	[sflag:s21] =	ssyncadd.s32 @!p1 s5;
	s5 =	sshrl.u32 @!p1 s18, $0x3;
	s21 =	sshrl.u32 @!p1 s23, $0x2  }
0x43: {  	s23 =	sand.u32 @!p1 $0x7, s18;
	s5 =	sadd.s32 @!p1 s5, s13;
	s21 =	sadd.s32 @!p1 $0x10518, s21  }
0x44: {  	[tilespmem:s21], [sflag:$0xB] =	stream.linear.gather @!p1 [hbm4b:s5+s23], s4, $0x38;
	[tilespmem:$0x1F6F8] =	vst v63  }
0x45: {  	s0 =	sshrl.u32 @!p1 s0, $0x2;
	s4 =	sshrl.u32 @!p1 s22, $0x2  }
0x46: {  	s0 =	sadd.s32 @!p1 $0x10248, s0;
	s5 =	simm.s32 @!p1 $0xF0;
	s4 =	sor.u32 @!p1 $0x106F8, s4  }
0x47: {  	[tilespmem:s4], [sflag:$0x9] =	stream.indirect.gather @!p1 [hbm4b:s6+s5], $0x80, s0, s5, $0xb8;
	[tilespmem:$0x1F6F8] =	vst v63  }
0x48: {  	p1 =	slt.u32 s17, $0x2  }
.Ltmp3:
0x49: {  	_ = 	snop;
	(pc) =	sbr.rel @p1 .LBB2_21-.Ltmp3, $1  }
0x4a: {  	_ =	sdelay $0x3  }
0x4b: {  	p1 =	sgt.s32 s20, $0x28410;
	s0 =	smov.u32 s20;
	s4 =	sshra.s32 s20, $0x1F  }
0x4c: {  	s0 =	simm.s32 @!p1 $0x28410;
	s4 =	sand.u32 s4, s20  }
0x4d: {  	s0 =	ssub.s32 s0, s4  }
0x4e: {  	s0 =	sadd.s32 $0xFFFD7BF0, s0  }
0x4f: {  	s30 =	sshll.u32 s0, $0x2  }
0x50: {  	_ =	swait.ge [sflag:s8], $0x7800;
	s4 =	ssub.s32 $0x3C0, s30  }
0x51: {  	[sflag:s8] =	ssyncset.done $0x0;
	p1 =	sgt.s32 s0, $0xEF;
	s0 =	sshrl.u32 s4, $0x2  }
0x52: {  	[sflag:s8] =	ssyncadd.s32 $0xFFFF8800;
	s0 =	simm.s32 @p1 $0x0  }
0x53: {  	_ =	swait.ge [sflag:s10], s0  }
0x54: {  	s0 =	ssub.s32 $0x0, s0;
	[sflag:s10] =	ssyncset.done $0x0  }
0x55: {  	[sflag:s10] =	ssyncadd.s32 s0  }
0x56: {  	v1 =	vld [tilespmem:$0xF208];
	_ =	sdelay $0x4  }
0x57: {  	(v2sf) =	vpush v1, $0x0  }
0x58: {  	(v2sf) =	vpush v1, $0x1  }
0x59: {  	(v2sf) =	vpush v1, $0x2;
	_ =	sdelay $0x3  }
0x5a: {  	s0 =	sadd.s32 $0xF0, s20  }
0x5b: {  	s4 =	ssub.s32 $0x50A00, s20;
	p1 =	slt.s32 s11, s0  }
0x5c: {  	s0 =	smov.u32 @p1 s11;
	p1 =	sgt.s32 s4, $0x0  }
0x5d: {  	s21 =	ssub.s32 s0, s20;
	s4 =	simm.s32 @!p1 $0x0  }
0x5e: {  	p1 =	slt.s32 s4, s21  }
0x5f: {  	s21 =	smov.u32 @p1 s4  }
0x60: {  	s24 =	simm.s32 $0x1;
	p1 =	slt.s32 s21, $0x1  }
.Ltmp4:
0x61: {  	s24 =	simm.s32 @!p0 $0x0;
	(pc) =	sbr.rel @p1 .LBB2_8-.Ltmp4, $4  }
0x62: {  	s31 =	smul.u32 $0x3C0, s24  }
0x63: {  	s25 =	spop (v2sf)  }
0x64: {  	s0 =	sshrl.u32 s31, $0x2;
	s28 =	spop (v2sf)  }
0x65: {  	s22 =	sadd.s32 $0x10518, s0;
	s20 =	spop (v2sf)  }
0x66: {  	s0 =	smin.u32 s21, $0x10  }
0x67: {  	v1 =	vmov s0  }
0x68: {  	p2 =	sgt.s32 s21, $0x10;
	vm1 =	vgt.u32 v1, v0  }
.Ltmp5:
0x69: {  	_ = 	snop;
	(pc) =	sbr.rel @!p2 .LBB2_7-.Ltmp5, $2  }
0x6a: {  	_ =	sdelay $0x2  }
0x6b: {  	s26 =	simm.s32 $0x10;
	s29 =	sadd.s32 $0xFFFFFFF0, s21;
	s23 =	smov.u32 s22;
	vm0 =	vmmov vm1  }
.LBB2_6:
0x6c: {  	s0 =	smin.u32 s29, $0x10;
	s26 =	sadd.s32 $0x10, s26;
	v1 =	vld.msk [tilespmem:s23+$0x0 ss:$0x1], vm1  }
0x6d: {  	v2 =	vmov s0;
	p2 =	slt.s32 s26, s21  }
0x6e: {  	vm1 =	vgt.u32 v2, v0  }
.Ltmp6:
0x6f: {  	(pc) =	sbr.rel @p2 .LBB2_6-.Ltmp6, $3  }
0x70: {  	_ =	sdelay $0x1  }
0x71: {  	v1 =	vshll.u32 v1, $0x4  }
0x72: {  	s29 =	sadd.s32 $0xFFFFFFF0, s29;
	[tilespmem:s23+$0x0] =	vst.msk vm0, v1;
	s23 =	sadd.s32 $0x10, s23;
	vm0 =	vmmov vm1  }
.LBB2_7:
0x73: {  	_ =	sdelay $0x4  }
0x74: {  	v1 =	vld.msk [tilespmem:s23+$0x0 ss:$0x1], vm1;
	_ =	sdelay $0x4  }
0x75: {  	v1 =	vshll.u32 v1, $0x4  }
0x76: {  	[tilespmem:s23+$0x0] =	vst.msk vm0, v1  }
.LBB2_8:
0x77: {  	s0 =	sand.u32 $0x1, s17  }
0x78: {  	s0 =	smul.u32 $0xF0, s0  }
0x79: {  	p2 =	sne.s32 s28, $0xFFFFFFFF  }
0x7a: {  	v1 =	vld.msk @!p2 [tilespmem:s0+$0x10518], $0x1;
	_ =	sdelay $0x4  }
0x7b: {  	(v2sf) =	vpush @!p2 v1, $0x0;
	_ =	sdelay $0xc  }
.Ltmp7:
0x7c: {  	_ = 	snop;
	(pc) =	sbr.rel @p1 .LBB2_19-.Ltmp7, $4  }
0x7d: {  	_ = 	snop  }
0x7e: {  	s26 =	spop @!p2 (v2sf)  }
0x7f: {  	s20 =	simm.s32 @!p2 $0x0;
	s23 =	smov.u32 s26  }
0x80: {  	[sflag:s16] =	ssyncpa.u1 $0x0;
	s26 =	smov.u32 @p2 s25;
	s23 =	smov.u32 @p2 s28  }
0x81: {  	v1 =	vld.msk [tilespmem:s22+$0x0], $0x1;
	_ =	sdelay $0x4  }
0x82: {  	(v2sf) =	vpush v1, $0x0;
	_ =	sdelay $0xe  }
0x83: {  	s0 =	smul.u32 $0x1E000, s24;
	s30 =	spop (v2sf)  }
0x84: {  	p1 =	seq.s32 s26, s30  }
0x85: {  	s28 =	sadd.s32 $0xFFFFFFFF, s21;
	s0 =	sshrl.u32 s0, $0x2;
	p2 =	sgt.s32 @!p1 s26, $0x0  }
0x86: {  	s24 =	sor.u32 $0x10738, s0;
	s0 =	smov.u32 s26;
	p2 =	por !p2, p1  }
0x87: {  	s0 =	simm.s32 @p2 $0x0;
	p2 =	sne.s32 s28, $0x0  }
.Ltmp8:
0x88: {  	_ = 	snop;
	(pc) =	sbr.rel @!p2 .LBB2_11-.Ltmp8, $4  }
0x89: {  	_ = 	snop  }
0x8a: {  	s25 =	simm.s32 $0x0;
	s31 =	simm.s32 @!p1 $0x1;
	s4 =	smin.u32 @!p1 s0, $0x27FF0  }
0x8b: {  	s29 =	sadd.s32 $0x1, s22;
	s31 =	smov.u32 @p1 s25;
	s5 =	sand.u32 @!p1 $0x3FFF8, s4  }
0x8c: {  	s0 =	simm.s32 @!p1 $0x7988;
	s4 =	sand.u32 @!p1 $0x7, s4;
	s5 =	sadd.s32 @!p1 s1, s5  }
.LBB2_10:
0x8d: {  	s3 =	smov.u32 s31  }
0x8e: {  	[tilespmem:s0], [sflag:$0x2] =	stream.linear.gather @!p1 [hbm4b:s5+s4], $0x80, $0x38;
	[tilespmem:$0x1F6F8] =	vst v63  }
0x8f: {  	s28 =	sadd.s32 $0xFFFFFFFF, s28;
	s4 =	smov.u32 s30;
	v1 =	vld.msk [tilespmem:s29+$0x0], $0x1  }
0x90: {  	p2 =	sne.s32 s28, $0x0;
	_ =	sdelay $0x3  }
0x91: {  	(v2sf) =	vpush v1, $0x0;
	_ =	sdelay $0xe  }
0x92: {  	s30 =	spop (v2sf)  }
0x93: {  	p1 =	seq.s32 s4, s30  }
0x94: {  	p3 =	sgt.s32 @!p1 s4, $0x0;
	s0 =	sshll.u32 @!p1 s31, $0x9;
	s31 =	sadd.s32 @!p1 $0x1, s31  }
.Ltmp9:
0x95: {  	p3 =	por !p3, p1;
	s0 =	sshra.s32 @!p1 s0, $0x2;
	(pc) =	sbr.rel @p2 .LBB2_10-.Ltmp9, $4  }
0x96: {  	s31 =	smov.u32 @p1 s3;
	s4 =	simm.s32 @p3 $0x0;
	s0 =	sadd.s32 @!p1 $0x7988, s0  }
0x97: {  	s3 =	smin.u32 @!p1 s4, $0x27FF0  }
0x98: {  	s5 =	sand.u32 @!p1 $0x3FFF8, s3;
	s4 =	sand.u32 @!p1 $0x7, s3  }
0x99: {  	s29 =	sadd.s32 $0x1, s29;
	s5 =	sadd.s32 @!p1 s1, s5  }
.LBB2_11:
0x9a: {  	[tilespmem:s0], [sflag:$0x2] =	stream.linear.gather @!p1 [hbm4b:s5+s4], $0x80, $0x38;
	[tilespmem:$0x1F6F8] =	vst v63  }
.Ltmp10:
0x9b: {  	s31 =	sshll.u32 s31, $0x7;
	(pc) =	sbr.rel .LBB2_12-.Ltmp10, $4  }
0x9c: {  	s0 =	sand.u32 $0x3FFFFF80, s31  }
0x9d: {  	_ =	swait.ge [sflag:s7], s0  }
0x9e: {  	s0 =	ssub.s32 $0x0, s0;
	[sflag:s7] =	ssyncset.done $0x0  }
0x9f: {  	s29 =	simm.s32 $0x0;
	[sflag:s7] =	ssyncadd.s32 s0  }
.LBB2_13:
0xa0: {  	v1 =	vld [tilespmem:s24+$0xFFFFFFC0];
	_ =	sdelay $0x3  }
0xa1: {  	s0 =	sshra.s32 s0, $0x2  }
0xa2: {  	[tilespmem:s0+$0x108] =	vst.add.f32.msk $0xffff, v1  }
0xa3: {  	v1 =	vld [tilespmem:s24+$0xFFFFFFD0];
	_ =	sdelay $0x4  }
0xa4: {  	[tilespmem:s0+$0x118] =	vst.add.f32.msk $0xffff, v1  }
0xa5: {  	v1 =	vld [tilespmem:s24+$0xFFFFFFE0];
	_ =	sdelay $0x4  }
0xa6: {  	[tilespmem:s0+$0x128] =	vst.add.f32.msk $0xffff, v1  }
0xa7: {  	v1 =	vld [tilespmem:s24+$0xFFFFFFF0];
	_ =	sdelay $0x4  }
0xa8: {  	[tilespmem:s0+$0x138] =	vst.add.f32.msk $0xffff, v1  }
0xa9: {  	v1 =	vld [tilespmem:s24+$0x0];
	_ =	sdelay $0x4  }
0xaa: {  	[tilespmem:s0+$0x148] =	vst.add.f32.msk $0xffff, v1  }
0xab: {  	v1 =	vld [tilespmem:s24+$0x10];
	_ =	sdelay $0x4  }
0xac: {  	[tilespmem:s0+$0x158] =	vst.add.f32.msk $0xffff, v1  }
0xad: {  	v1 =	vld [tilespmem:s24+$0x20];
	_ =	sdelay $0x4  }
0xae: {  	[tilespmem:s0+$0x168] =	vst.add.f32.msk $0xffff, v1  }
0xaf: {  	v1 =	vld [tilespmem:s24+$0x30];
	_ =	sdelay $0x4  }
0xb0: {  	[tilespmem:s0+$0x178] =	vst.add.f32.msk $0xffff, v1  }
.LBB2_17:
0xb1: {  	s21 =	sadd.s32 $0xFFFFFFFF, s21  }
0xb2: {  	p1 =	sne.s32 s21, $0x0  }
.Ltmp11:
0xb3: {  	_ = 	snop;
	(pc) =	sbr.rel @!p1 .LBB2_18-.Ltmp11, $2  }
0xb4: {  	_ =	sdelay $0x2  }
0xb5: {  	s22 =	sadd.s32 $0x1, s22;
	s24 =	sadd.s32 $0x80, s24;
	s26 =	smov.u32 s28  }
.LBB2_12:
0xb6: {  	v1 =	vld.msk [tilespmem:s22+$0x0], $0x1;
	_ =	sdelay $0x4  }
0xb7: {  	(v2sf) =	vpush v1, $0x0;
	_ =	sdelay $0xe  }
0xb8: {  	s28 =	spop (v2sf)  }
0xb9: {  	p1 =	sne.s32 s26, s28  }
.Ltmp12:
0xba: {  	_ = 	snop;
	(pc) =	sbr.rel @!p1 .LBB2_13-.Ltmp12, $2  }
0xbb: {  	_ =	sdelay $0x2  }
0xbc: {  	s0 =	sshll.u32 s20, $0x9  }
0xbd: {  	p1 =	seq.s32 s26, s23  }
.Ltmp13:
0xbe: {  	_ = 	snop;
	(pc) =	sbr.rel @!p1 .LBB2_15-.Ltmp13, $1  }
0xbf: {  	_ =	sdelay $0x3  }
0xc0: {  	s0 =	sshra.s32 s0, $0x2  }
.Ltmp14:
0xc1: {  	s0 =	sadd.s32 $0x108, s0;
	(pc) =	sbr.rel .LBB2_16-.Ltmp14, $4  }
0xc2: {  	[spmem:s14] =	stream.linear.scatter [tilespmem:s0], [sflag:$0x1], $0x80, $0x38;
	[tilespmem:$0x1F6F8] =	vst v63  }
0xc3: {  	_ =	swait.ge [sflag:s15], $0x80  }
0xc4: {  	[sflag:s15] =	ssyncset.done $0x0  }
0xc5: {  	[sflag:s15] =	ssyncadd.s32 $0xFFFFFF80  }
.LBB2_15:
0xc6: {  	s3 =	sshll.u32 s25, $0x9  }
0xc7: {  	s3 =	sshra.s32 s3, $0x2  }
0xc8: {  	v1 =	vld [tilespmem:s3+$0x7988];
	_ =	sdelay $0x3  }
0xc9: {  	s0 =	sshra.s32 s0, $0x2  }
0xca: {  	[tilespmem:s0+$0x108] =	vst.add.f32.msk $0xffff, v1  }
0xcb: {  	v1 =	vld [tilespmem:s3+$0x7998];
	_ =	sdelay $0x4  }
0xcc: {  	[tilespmem:s0+$0x118] =	vst.add.f32.msk $0xffff, v1  }
0xcd: {  	v1 =	vld [tilespmem:s3+$0x79A8];
	_ =	sdelay $0x4  }
0xce: {  	[tilespmem:s0+$0x128] =	vst.add.f32.msk $0xffff, v1  }
0xcf: {  	v1 =	vld [tilespmem:s3+$0x79B8];
	_ =	sdelay $0x4  }
0xd0: {  	[tilespmem:s0+$0x138] =	vst.add.f32.msk $0xffff, v1  }
0xd1: {  	v1 =	vld [tilespmem:s3+$0x79C8];
	_ =	sdelay $0x4  }
0xd2: {  	[tilespmem:s0+$0x148] =	vst.add.f32.msk $0xffff, v1  }
0xd3: {  	v1 =	vld [tilespmem:s3+$0x79D8];
	_ =	sdelay $0x4  }
0xd4: {  	[tilespmem:s0+$0x158] =	vst.add.f32.msk $0xffff, v1  }
0xd5: {  	v1 =	vld [tilespmem:s3+$0x79E8];
	_ =	sdelay $0x4  }
0xd6: {  	[tilespmem:s0+$0x168] =	vst.add.f32.msk $0xffff, v1  }
0xd7: {  	v1 =	vld [tilespmem:s3+$0x79F8];
	_ =	sdelay $0x2  }
0xd8: {  	p1 =	sgt.u32 s26, $0x27FF0  }
0xd9: {  	s3 =	sand.u32 @!p1 $0x3FFF8, s26  }
0xda: {  	s4 =	sadd.s32 $0x108, s0;
	[tilespmem:s0+$0x178] =	vst.add.f32.msk $0xffff, v1;
	s0 =	sadd.s32 @!p1 s1, s3;
	s3 =	sand.u32 @!p1 $0x7, s26  }
0xdb: {  	[hbm4b:s0+s3] =	stream.linear.scatter @!p1 [tilespmem:s4], [sflag:$0xC], $0x80, $0x38;
	[tilespmem:$0x1F6F8] =	vst v63  }
0xdc: {  	s0 =	simm.s32 $0x0  }
0xdd: {  	s0 =	simm.s32 @!p1 $0x200  }
0xde: {  	s29 =	sadd.s32 s0, s29  }
.LBB2_16:
0xdf: {  	s0 =	sadd.s32 $0x1, s20  }
0xe0: {  	s3 =	smulhi.u32 $0x88888889, s0;
	_ =	sdelay $0x1  }
0xe1: {  	v1 =	vld [tilespmem:s24+$0xFFFFFFC0];
	s3 =	sshrl.u32 s3, $0x7  }
0xe2: {  	s3 =	smul.u32 $0xF0, s3;
	_ =	sdelay $0x1  }
0xe3: {  	s20 =	ssub.s32 s0, s3  }
0xe4: {  	s0 =	sshll.u32 s20, $0x7  }
0xe5: {  	[tilespmem:s0+$0x108] =	vst v1  }
0xe6: {  	v1 =	vld [tilespmem:s24+$0xFFFFFFD0];
	_ =	sdelay $0x4  }
0xe7: {  	[tilespmem:s0+$0x118] =	vst v1  }
0xe8: {  	v1 =	vld [tilespmem:s24+$0xFFFFFFE0];
	_ =	sdelay $0x4  }
0xe9: {  	[tilespmem:s0+$0x128] =	vst v1  }
0xea: {  	v1 =	vld [tilespmem:s24+$0xFFFFFFF0];
	_ =	sdelay $0x4  }
0xeb: {  	[tilespmem:s0+$0x138] =	vst v1  }
0xec: {  	v1 =	vld [tilespmem:s24+$0x0];
	_ =	sdelay $0x4  }
0xed: {  	[tilespmem:s0+$0x148] =	vst v1  }
0xee: {  	v1 =	vld [tilespmem:s24+$0x10];
	_ =	sdelay $0x4  }
0xef: {  	[tilespmem:s0+$0x158] =	vst v1  }
0xf0: {  	v1 =	vld [tilespmem:s24+$0x20];
	_ =	sdelay $0x4  }
0xf1: {  	[tilespmem:s0+$0x168] =	vst v1  }
0xf2: {  	v1 =	vld [tilespmem:s24+$0x30]  }
.Ltmp15:
0xf3: {  	_ = 	snop;
	(pc) =	sbr.rel .LBB2_17-.Ltmp15, $2  }
0xf4: {  	_ =	sdelay $0x2  }
0xf5: {  	s25 =	sadd.s32 $0x1, s25;
	[tilespmem:s0+$0x178] =	vst v1  }
.LBB2_19:
.Ltmp16:
0xf6: {  	(pc) =	sbr.rel .LBB2_20-.Ltmp16, $3  }
0xf7: {  	_ =	sdelay $0x1  }
0xf8: {  	_ =	swait.ge [sflag:s7], $0x0  }
0xf9: {  	s0 =	simm.s32 $0x0;
	s28 =	smov.u32 s26;
	[sflag:s7] =	ssyncset.done $0x0  }
.LBB2_22:
0xfa: {  	_ =	sfence.sel $0x180000  }
0xfb: {  	s0 =	simm.s32 $0x9;
	[bflag:$0x0] =	sbarrier.arrive $0xFFFF  }
0xfc: {  	s24 =	simm.s32 $0xA;
	[sflag:s0] =	ssyncpa.u1 $0x1  }
0xfd: {  	s25 =	simm.s32 $0xB;
	[sflag:s24] =	ssyncpa.u1 $0x1  }
0xfe: {  	s26 =	simm.s32 $0x2;
	[sflag:s25] =	ssyncpa.u1 $0x1  }
0xff: {  	[sflag:s26] =	ssyncpa.u1 $0x1  }
0x100: {  	v0 =	vld [tilespmem:$0xF208];
	_ =	sdelay $0x4  }
0x101: {  	(v2sf) =	vpush v0, $0x0  }
0x102: {  	(v2sf) =	vpush v0, $0x1;
	_ =	sdelay $0x1  }
0x103: {  	(v2sf) =	vpush v0, $0x2;
	_ =	sdelay $0xb  }
0x104: {  	s0 =	spop (v2sf)  }
0x105: {  	s3 =	spop (v2sf)  }
0x106: {  	s4 =	smov.u32 s0;
	p0 =	sne.s32 s0, s3  }
0x107: {  	s5 =	spop (v2sf);
	s4 =	simm.s32 @!p0 $0xFFFFFFFF  }
0x108: {  	v2 =	vimm.s32 $0x1;
	v3 =	vlaneseq.u32;
	p0 =	seq.s32 s5, $0xFFFFFFFF;
	v1 =	vmov s4  }
0x109: {  	s16 =	stileid.u32;
	v0 =	vperm.xlane v0, v2;
	p1 =	sne.s32 @!p0 s0, s3;
	v1 =	vperm.xlane v1, v3  }
0x10a: {  	vm0 =	vcmask $0x3F04;
	s7 =	simm.s32 $0xF208;
	s0 =	simm.s32 @!p0 $0x1;
	p1 =	por !p1, p0  }
0x10b: {  	s4 =	sshll.u32 s16, $0x1;
	s3 =	sshll.u32 @!p0 s5, $0x9;
	s0 =	simm.s32 @p1 $0x0;
	v0 =	vsel vm0, v1, v0  }
0x10c: {  	s6 =	sor.u32 $0x1000, s4;
	s3 =	sshra.s32 @!p0 s3, $0x2;
	s0 =	sor.u32 @!p0 s0, s4;
	[tilespmem:$0xF208] =	vst v0  }
0x10d: {  	[spmem:s6] =	stream.linear.scatter [tilespmem:s7], [sflag:$0x1], $0x2, $0x38;
	[tilespmem:$0x1F6F8] =	vst v63  }
0x10e: {  	s3 =	sadd.s32 @!p0 $0x108, s3;
	s0 =	sshll.u32 @!p0 s0, $0x7  }
0x10f: {  	[spmem:s0] =	stream.linear.scatter @!p0 [tilespmem:s3], [sflag:$0x1], $0x80, $0x38;
	[tilespmem:$0x1F6F8] =	vst v63  }
0x110: {  	s0 =	simm.s32 @!p0 $0x82  }
0x111: {  	s28 =	simm.s32 $0x1;
	s0 =	simm.s32 @p0 $0x2  }
0x112: {  	_ =	swait.ge [sflag:s28], s0  }
0x113: {  	s0 =	ssub.s32 $0x0, s0;
	[sflag:s28] =	ssyncset.done $0x0  }
0x114: {  	p0 =	sne.s32 s16, $0x0;
	[sflag:s28] =	ssyncadd.s32 s0  }
.Ltmp17:
0x115: {  	_ =	sfence.stream.spmem;
	(pc) =	sbr.rel @p0 .LBB2_39-.Ltmp17, $4  }
0x116: {  	s29 =	simm.s32 $0x3;
	[bflag:$0x0] =	sbarrier.arrive $0xFFFF  }
0x117: {  	s30 =	simm.s32 $0x4;
	[sflag:s29] =	ssyncpa.u1 $0x1  }
0x118: {  	s31 =	simm.s32 $0x3C;
	[sflag:s30] =	ssyncpa.u1 $0x1  }
0x119: {  	[sflag:s31] =	ssyncpa.u1 $0x1  }
0x11a: {  	_ =	sfence.stream.spmem;
	s0 =	simm.s32 $0x5  }
0x11b: {  	s3 =	simm.s32 $0x1000;
	s4 =	simm.s32 $0xF218;
	[sflag:s0] =	ssyncpa.u1 $0x0  }
0x11c: {  	[tilespmem:s4], [sflag:$0x5] =	stream.linear.gather [spmem:s3], $0x20, $0x38;
	[tilespmem:$0x1F6F8] =	vst v63  }
0x11d: {  	s26 =	simm.s32 $0x0;
	s28 =	simm.s32 $0xF238  }
0x11e: {  	[tilespmem:s28], [sflag:$0x5] =	stream.linear.gather [spmem:s26], $0x1000, $0x38;
	[tilespmem:$0x1F6F8] =	vst v63  }
0x11f: {  	_ =	swait.ge [sflag:s0], $0x1020  }
0x120: {  	[sflag:s0] =	ssyncset.done $0x0  }
0x121: {  	s29 =	simm.s32 $0x0;
	[sflag:s0] =	ssyncadd.s32 $0xFFFFEFE0  }
0x122: {  	v0 =	vld.msk [tilespmem:s29+$0xF218], $0x1;
	_ =	sdelay $0x1  }
0x123: {  	s30 =	simm.s32 $0x1  }
0x124: {  	v1 =	vld.msk [tilespmem:s30+$0xF218], $0x1;
	_ =	sdelay $0x1  }
0x125: {  	(v2sf) =	vpush v0, $0x0;
	_ =	sdelay $0x2  }
0x126: {  	(v2sf) =	vpush v1, $0x0;
	_ =	sdelay $0x2  }
0x127: {  	s31 =	simm.s32 $0x2  }
0x128: {  	v0 =	vld.msk [tilespmem:s31+$0xF218], $0x1;
	_ =	sdelay $0x2  }
0x129: {  	s6 =	simm.s32 $0xC;
	s7 =	simm.s32 $0xFFFFFFFF;
	s0 =	simm.s32 $0xFFFFFFFF  }
.LBB2_24:
0x12a: {  	s3 =	smov.u32 s7;
	s4 =	smov.u32 s0  }
0x12b: {  	s0 =	sshra.s32 s6, $0x2;
	p1 =	sne.s32 s6, $0x7C;
	s6 =	sadd.s32 $0x4, s6;
	(v2sf) =	vpush v0, $0x0  }
0x12c: {  	v0 =	vld.msk [tilespmem:s0+$0xF218], $0x1  }
.Ltmp18:
0x12d: {  	(pc) =	sbr.rel @p1 .LBB2_24-.Ltmp18, $4  }
0x12e: {  	s7 =	spop (v2sf)  }
0x12f: {  	p2 =	sne.s32 s4, $0xFFFFFFFF;
	s0 =	smov.u32 s7  }
0x130: {  	p3 =	seq.s32 s7, $0xFFFFFFFF;
	s0 =	smov.u32 @p2 s4  }
0x131: {  	s7 =	smov.u32 @p3 s3;
	s0 =	smov.u32 @p3 s4  }
0x132: {  	(v2sf) =	vpush v0, $0x0;
	_ =	sdelay $0x8  }
0x133: {  	s3 =	spop (v2sf)  }
0x134: {  	p1 =	sne.s32 s0, $0xFFFFFFFF;
	s4 =	smov.u32 s3  }
0x135: {  	s9 =	simm.s32 $0x6;
	p2 =	seq.s32 s3, $0xFFFFFFFF;
	s4 =	smov.u32 @p1 s0  }
0x136: {  	s6 =	simm.s32 $0x0;
	s4 =	smov.u32 @p2 s0;
	s0 =	spop (v2sf)  }
0x137: {  	s3 =	smov.u32 @p2 s7;
	p1 =	sne.s32 s4, $0xFFFFFFFF;
	s5 =	smov.u32 s0  }
.Ltmp19:
0x138: {  	p2 =	seq.s32 s0, $0xFFFFFFFF;
	s5 =	smov.u32 @p1 s4;
	(pc) =	sbr.rel .LBB2_26-.Ltmp19, $4  }
0x139: {  	s10 =	simm.s32 $0xF188;
	s5 =	smov.u32 @p2 s4;
	s7 =	spop (v2sf)  }
0x13a: {  	s11 =	simm.s32 $0x0;
	p1 =	sne.s32 s5, $0xFFFFFFFF;
	s8 =	smov.u32 s7  }
0x13b: {  	s0 =	smov.u32 @p2 s3;
	p2 =	seq.s32 s7, $0xFFFFFFFF;
	s8 =	smov.u32 @p1 s5  }
0x13c: {  	[sflag:s9] =	ssyncpa.u1 $0x0;
	s7 =	smov.u32 @p2 s0;
	s8 =	smov.u32 @p2 s5  }
.LBB2_32:
0x13d: {  	p1 =	sgt.u32 s12, $0x27FF0  }
0x13e: {  	p2 =	seq.s32 @!p1 s12, s8  }
0x13f: {  	p1 =	por p1, p2  }
0x140: {  	p2 =	sne.s32 @!p1 s12, s7  }
0x141: {  	p1 =	por p1, !p2  }
0x142: {  	s0 =	sshll.u32 @p1 s11, $0x9  }
0x143: {  	s0 =	sand.u32 @!p1 $0x3FFF8, s12  }
0x144: {  	s3 =	sand.u32 @!p1 $0x7, s12;
	s0 =	sadd.s32 @!p1 s1, s0  }
0x145: {  	[tilespmem:s10], [sflag:$0x6] =	stream.linear.gather @!p1 [hbm4b:s0+s3], $0x80, $0x38;
	[tilespmem:$0x1F6F8] =	vst v63  }
0x146: {  	_ =	swait.ge @!p1 [sflag:s9], $0x80  }
0x147: {  	[sflag:s9] =	ssyncset.done @!p1 $0x0  }
0x148: {  	[sflag:s9] =	ssyncadd.s32 @!p1 $0xFFFFFF80  }
0x149: {  	v1 =	vld @!p1 [tilespmem:$0xF188];
	_ =	sdelay $0x2  }
0x14a: {  	s0 =	sshll.u32 @!p1 s11, $0x9  }
0x14b: {  	s3 =	sshrl.u32 @!p1 s0, $0x2  }
0x14c: {  	[tilespmem:s3+$0xF238] =	vst.add.f32.msk @!p1 $0xffff, v1  }
0x14d: {  	v1 =	vld @!p1 [tilespmem:$0xF198];
	_ =	sdelay $0x4  }
0x14e: {  	[tilespmem:s3+$0xF248] =	vst.add.f32.msk @!p1 $0xffff, v1  }
0x14f: {  	v1 =	vld @!p1 [tilespmem:$0xF1A8];
	_ =	sdelay $0x4  }
0x150: {  	[tilespmem:s3+$0xF258] =	vst.add.f32.msk @!p1 $0xffff, v1  }
0x151: {  	v1 =	vld @!p1 [tilespmem:$0xF1B8];
	_ =	sdelay $0x4  }
0x152: {  	[tilespmem:s3+$0xF268] =	vst.add.f32.msk @!p1 $0xffff, v1  }
0x153: {  	v1 =	vld @!p1 [tilespmem:$0xF1C8];
	_ =	sdelay $0x4  }
0x154: {  	[tilespmem:s3+$0xF278] =	vst.add.f32.msk @!p1 $0xffff, v1  }
0x155: {  	v1 =	vld @!p1 [tilespmem:$0xF1D8];
	_ =	sdelay $0x4  }
0x156: {  	[tilespmem:s3+$0xF288] =	vst.add.f32.msk @!p1 $0xffff, v1  }
0x157: {  	v1 =	vld @!p1 [tilespmem:$0xF1E8];
	_ =	sdelay $0x4  }
0x158: {  	[tilespmem:s3+$0xF298] =	vst.add.f32.msk @!p1 $0xffff, v1  }
0x159: {  	v1 =	vld @!p1 [tilespmem:$0xF1F8];
	_ =	sdelay $0x4  }
0x15a: {  	[tilespmem:s3+$0xF2A8] =	vst.add.f32.msk @!p1 $0xffff, v1  }
0x15b: {  	s0 =	sshrl.u32 s0, $0x2;
	[tilespmem:s6+$0xF218] =	vst.msk $0x1, v0  }
0x15c: {  	v0 =	vld [tilespmem:s0+$0xF238];
	_ =	sdelay $0x2  }
0x15d: {  	s31 =	sshll.u32 s6, $0x9  }
0x15e: {  	s3 =	sshra.s32 s31, $0x2  }
0x15f: {  	[tilespmem:s3+$0xF238] =	vst v0  }
0x160: {  	v0 =	vld [tilespmem:s0+$0xF248];
	_ =	sdelay $0x4  }
0x161: {  	[tilespmem:s3+$0xF248] =	vst v0  }
0x162: {  	v0 =	vld [tilespmem:s0+$0xF258];
	_ =	sdelay $0x4  }
0x163: {  	[tilespmem:s3+$0xF258] =	vst v0  }
0x164: {  	v0 =	vld [tilespmem:s0+$0xF268];
	_ =	sdelay $0x4  }
0x165: {  	[tilespmem:s3+$0xF268] =	vst v0  }
0x166: {  	v0 =	vld [tilespmem:s0+$0xF278];
	_ =	sdelay $0x4  }
0x167: {  	[tilespmem:s3+$0xF278] =	vst v0  }
0x168: {  	v0 =	vld [tilespmem:s0+$0xF288];
	_ =	sdelay $0x4  }
0x169: {  	[tilespmem:s3+$0xF288] =	vst v0  }
0x16a: {  	v0 =	vld [tilespmem:s0+$0xF298];
	_ =	sdelay $0x4  }
0x16b: {  	[tilespmem:s3+$0xF298] =	vst v0  }
0x16c: {  	v0 =	vld [tilespmem:s0+$0xF2A8];
	_ =	sdelay $0x4  }
0x16d: {  	s6 =	sadd.s32 $0x1, s6;
	[tilespmem:s3+$0xF2A8] =	vst v0  }
.LBB2_33:
0x16e: {  	s11 =	sadd.s32 $0x1, s11  }
0x16f: {  	p1 =	sne.s32 s11, $0x20  }
.Ltmp20:
0x170: {  	_ = 	snop;
	(pc) =	sbr.rel @!p1 .LBB2_34-.Ltmp20, $1  }
0x171: {  	_ =	sdelay $0x3  }
.LBB2_26:
0x172: {  	v0 =	vld.msk [tilespmem:s11+$0xF218], $0x1;
	_ =	sdelay $0x4  }
0x173: {  	(v2sf) =	vpush v0, $0x0;
	_ =	sdelay $0xe  }
0x174: {  	s12 =	spop (v2sf)  }
0x175: {  	p1 =	seq.s32 s12, $0xFFFFFFFF  }
.Ltmp21:
0x176: {  	_ = 	snop;
	(pc) =	sbr.rel @p1 .LBB2_33-.Ltmp21, $1  }
0x177: {  	_ =	sdelay $0x3  }
0x178: {  	p1 =	slt.s32 s6, $0x1  }
.Ltmp22:
0x179: {  	_ = 	snop;
	(pc) =	sbr.rel @p1 .LBB2_32-.Ltmp22, $1  }
0x17a: {  	_ =	sdelay $0x3  }
0x17b: {  	s13 =	simm.s32 $0xF218;
	p1 =	por $0x0, $0x0  }
0x17c: {  	v1 =	vld.msk @!p1 [tilespmem:s13+$0x0], $0x1;
	_ =	sdelay $0x4  }
0x17d: {  	(v2sf) =	vpush @!p1 v1, $0x0;
	_ =	sdelay $0xd  }
0x17e: {  	p3 =	sne.s32 s6, $0x1  }
.Ltmp23:
0x17f: {  	s0 =	spop @!p1 (v2sf);
	(pc) =	sbr.rel @!p3 .LBB2_30-.Ltmp23, $4  }
0x180: {  	p2 =	seq.s32 @!p1 s12, s0  }
0x181: {  	s14 =	simm.s32 $0x0;
	p2 =	por !p2, p1  }
0x182: {  	s0 =	simm.s32 $0xFFFFFFFF;
	s14 =	simm.s32 @p2 $0xFFFFFFFF  }
0x183: {  	s15 =	simm.s32 $0x1;
	s14 =	smov.u32 @p1 s0  }
.LBB2_29:
0x184: {  	s0 =	smov.u32 s14;
	p1 =	sne.s32 s14, $0xFFFFFFFF  }
0x185: {  	s13 =	sadd.s32 $0x1, s13;
	s14 =	smov.u32 s15;
	s15 =	sadd.s32 $0x1, s15  }
0x186: {  	p2 =	sne.s32 s6, s15;
	v1 =	vld.msk @!p1 [tilespmem:s13+$0x0], $0x1;
	_ =	sdelay $0x4  }
0x187: {  	(v2sf) =	vpush @!p1 v1, $0x0;
	_ =	sdelay $0xe  }
.Ltmp24:
0x188: {  	s3 =	spop @!p1 (v2sf);
	(pc) =	sbr.rel @p2 .LBB2_29-.Ltmp24, $4  }
0x189: {  	p3 =	seq.s32 @!p1 s12, s3  }
0x18a: {  	p3 =	por !p3, p1  }
0x18b: {  	s14 =	simm.s32 @p3 $0xFFFFFFFF  }
0x18c: {  	s14 =	smov.u32 @p1 s0  }
.LBB2_30:
0x18d: {  	p1 =	seq.s32 s14, $0xFFFFFFFF  }
.Ltmp25:
0x18e: {  	_ = 	snop;
	(pc) =	sbr.rel @p1 .LBB2_32-.Ltmp25, $1  }
0x18f: {  	_ =	sdelay $0x3  }
0x190: {  	s0 =	sshll.u32 s11, $0x7  }
0x191: {  	s0 =	sand.u32 $0x3FFFFF80, s0  }
0x192: {  	v0 =	vld [tilespmem:s0+$0xF238];
	_ =	sdelay $0x2  }
0x193: {  	s3 =	sshll.u32 s14, $0x9  }
0x194: {  	s3 =	sshra.s32 s3, $0x2  }
0x195: {  	[tilespmem:s3+$0xF238] =	vst.add.f32.msk $0xffff, v0  }
0x196: {  	v0 =	vld [tilespmem:s0+$0xF248];
	_ =	sdelay $0x4  }
0x197: {  	[tilespmem:s3+$0xF248] =	vst.add.f32.msk $0xffff, v0  }
0x198: {  	v0 =	vld [tilespmem:s0+$0xF258];
	_ =	sdelay $0x4  }
0x199: {  	[tilespmem:s3+$0xF258] =	vst.add.f32.msk $0xffff, v0  }
0x19a: {  	v0 =	vld [tilespmem:s0+$0xF268];
	_ =	sdelay $0x4  }
0x19b: {  	[tilespmem:s3+$0xF268] =	vst.add.f32.msk $0xffff, v0  }
0x19c: {  	v0 =	vld [tilespmem:s0+$0xF278];
	_ =	sdelay $0x4  }
0x19d: {  	[tilespmem:s3+$0xF278] =	vst.add.f32.msk $0xffff, v0  }
0x19e: {  	v0 =	vld [tilespmem:s0+$0xF288];
	_ =	sdelay $0x4  }
0x19f: {  	[tilespmem:s3+$0xF288] =	vst.add.f32.msk $0xffff, v0  }
0x1a0: {  	v0 =	vld [tilespmem:s0+$0xF298];
	_ =	sdelay $0x4  }
0x1a1: {  	[tilespmem:s3+$0xF298] =	vst.add.f32.msk $0xffff, v0  }
0x1a2: {  	v0 =	vld [tilespmem:s0+$0xF2A8]  }
.Ltmp26:
0x1a3: {  	_ = 	snop;
	(pc) =	sbr.rel .LBB2_33-.Ltmp26, $2  }
0x1a4: {  	_ =	sdelay $0x2  }
0x1a5: {  	[tilespmem:s3+$0xF2A8] =	vst.add.f32.msk $0xffff, v0  }
.LBB2_34:
0x1a6: {  	s0 =	simm.s32 $0x6;
	p1 =	seq.s32 s6, $0x0  }
0x1a7: {  	[sflag:s0] =	ssyncpa.u1 $0x1;
	v0 =	vimm.s32 @p1 $0xFFFFFFFF  }
0x1a8: {  	s9 =	sadd.s32 $0xFFFFFFFF, s6;
	[tilespmem:$0x10238] =	vst @p1 v0  }
0x1a9: {  	v0 =	vld.msk @!p1 [tilespmem:s9+$0xF218], $0x1;
	_ =	sdelay $0x1  }
0x1aa: {  	v1 =	vld.msk @!p1 [tilespmem:$0xF218], $0x1;
	_ =	sdelay $0x2  }
0x1ab: {  	p2 =	seq.s32 @!p1 s9, $0x0;
	v0 =	vbroadcast @!p1 v0, $0x0  }
0x1ac: {  	vm0 =	vmmov @!p1 $0x1;
	p2 =	por !p2, p1  }
0x1ad: {  	v1 =	vnsel @!p1 vm0, $0xFFFFFFFF, v1;
	vm0 =	vcmask @!p1 $0x308;
	v0 =	vpsel !p2, $0xFFFFFFFF, v0  }
0x1ae: {  	p2 =	sne.s32 @!p1 s8, s7;
	v0 =	vsel @!p1 vm0, v1, v0  }
0x1af: {  	s0 =	simm.s32 @!p1 $0xF238;
	s3 =	simm.s32 @!p1 $0x0;
	p3 =	por !p2, p1;
	[tilespmem:$0x10238] =	vst @!p1 v0  }
0x1b0: {  	[spmem:s3] =	stream.linear.scatter @!p1 [tilespmem:s0], [sflag:$0x1], $0x80, $0x38;
	[tilespmem:$0x1F6F8] =	vst v63  }
0x1b1: {  	s0 =	sshll.u32 @!p3 s9, $0x9  }
0x1b2: {  	s0 =	sshra.s32 @!p3 s0, $0x2  }
0x1b3: {  	s3 =	simm.s32 @!p3 $0x80;
	s0 =	sadd.s32 @!p3 $0xF238, s0  }
0x1b4: {  	[spmem:s3] =	stream.linear.scatter @!p3 [tilespmem:s0], [sflag:$0x1], $0x80, $0x38;
	[tilespmem:$0x1F6F8] =	vst v63  }
0x1b5: {  	s0 =	simm.s32 @!p3 $0x1  }
0x1b6: {  	_ =	swait.ge @!p3 [sflag:s0], $0x100  }
0x1b7: {  	p1 =	por p2, p1;
	[sflag:s0] =	ssyncset.done @!p3 $0x0  }
0x1b8: {  	[sflag:s0] =	ssyncadd.s32 @!p3 $0xFFFFFF00;
	s0 =	simm.s32 @!p1 $0x1  }
0x1b9: {  	_ =	swait.ge @!p1 [sflag:s0], $0x80  }
0x1ba: {  	s29 =	simm.s32 $0x10238;
	[sflag:s0] =	ssyncset.done @!p1 $0x0  }
0x1bb: {  	s30 =	simm.s32 $0x1000;
	s31 =	simm.s32 $0x1;
	[sflag:s0] =	ssyncadd.s32 @!p1 $0xFFFFFF80  }
0x1bc: {  	[spmem:s30] =	stream.linear.scatter [tilespmem:s29], [sflag:$0x1], $0x10, $0x38;
	[tilespmem:$0x1F6F8] =	vst v63  }
0x1bd: {  	_ =	swait.ge [sflag:s31], $0x10  }
0x1be: {  	[sflag:s31] =	ssyncset.done $0x0  }
0x1bf: {  	p1 =	seq.s32 s2, $0x0;
	s10 =	rddreg [dreg:$0x1];
	[sflag:s31] =	ssyncadd.s32 $0xFFFFFFF0  }
0x1c0: {  	s3 =	sshll.u32 @p1 s10, $0xE;
	s8 =	rddreg [dreg:$0x2]  }
0x1c1: {  	s0 =	sadd.s32 @p1 $0x15C3C, s3;
	s3 =	sshll.u32 @p1 s8, $0x11  }
0x1c2: {  	_ =	sfence.stream.spmem;
	s0 =	sor.u32 @p1 s3, s0  }
0x1c3: {  	[sflag:s0] =	ssyncadd.remote.s32 @p1 $0x1;
	s0 =	simm.s32 @p1 $0x4  }
0x1c4: {  	s4 =	simm.s32 @!p1 $0x3C;
	s3 =	sand.u32 $0xFFFFFFFE, s10;
	_ =	swait.ge @p1 [sflag:s0], $0x22  }
0x1c5: {  	s5 =	simm.s32 @!p1 $0x0;
	s3 =	sadd.s32 @!p1 $0x4, s3;
	[sflag:s0] =	ssyncset.done @p1 $0x0  }
0x1c6: {  	s7 =	simm.s32 @!p1 $0x100;
	[sflag:s0] =	ssyncadd.s32 @p1 $0xFFFFFFDE;
	s0 =	sshll.u32 @!p1 s3, $0x1A  }
0x1c7: {  	s3 =	sshll.u32 @!p1 s3, $0xD;
	s0 =	sor.u32 @!p1 s0, s8;
	_ =	swait.eq @!p1 [sflag:s4], $0x1  }
0x1c8: {  	s3 =	sor.u32 @!p1 $0x1C04, s3;
	s4 =	simm.s32 @!p1 $0x1C03;
	s0 =	sor.u32 @!p1 $0x80004000, s0  }
0x1c9: {  	[spmem:s7], [sflag:s3] =	dma.general @!p1 [spmem:s5], [sflag:s4], length:$0x20, [dreg:$0x0], stride_count:$0x0, ici_dest:s0, dma_misc:DstOpCode:WRITE  }
0x1ca: {  	p2 =	slt.s32 s9, $0x2;
	s5 =	simm.s32 @!p1 $0x200;
	s7 =	simm.s32 @!p1 $0x202  }
0x1cb: {  	[spmem:s7], [sflag:s3] =	dma.general @!p1 [spmem:s5], [sflag:s4], length:$0x2, [dreg:$0x0], stride_count:$0x0, ici_dest:s0, dma_misc:DstOpCode:WRITE  }
.Ltmp27:
0x1cc: {  	s0 =	simm.s32 @!p1 $0x3;
	(pc) =	sbr.rel @p2 .LBB2_38-.Ltmp27, $4  }
0x1cd: {  	s3 =	sshll.u32 @!p1 s10, $0xE;
	_ =	swait.ge @!p1 [sflag:s0], $0x22  }
0x1ce: {  	s4 =	sshll.u32 @!p1 s8, $0x11;
	s3 =	sadd.s32 @!p1 $0x11C3C, s3;
	[sflag:s0] =	ssyncset.done @!p1 $0x0  }
0x1cf: {  	[sflag:s0] =	ssyncadd.s32 @!p1 $0xFFFFFFDE;
	s0 =	sor.u32 @!p1 s4, s3  }
0x1d0: {  	[sflag:s0] =	ssyncadd.remote.s32 @!p1 $0xFFFFFFFF;
	s0 =	simm.s32 $0x0  }
0x1d1: {  	s0 =	simm.s32 $0xF219  }
0x1d2: {  	v0 =	vld.msk [tilespmem:s0+$0x0], $0x1;
	_ =	sdelay $0x4  }
0x1d3: {  	(v2sf) =	vpush v0, $0x0;
	_ =	sdelay $0xd  }
0x1d4: {  	s3 =	sadd.s32 $0xFFFFFFFE, s6  }
0x1d5: {  	s5 =	sadd.s32 $0xFFFFFFFF, s3;
	s0 =	spop (v2sf)  }
0x1d6: {  	p2 =	sne.s32 s5, $0x0;
	p1 =	sgt.u32 s0, $0x27FF0  }
.Ltmp28:
0x1d7: {  	s6 =	sand.u32 @!p1 $0x3FFF8, s0;
	(pc) =	sbr.rel @!p2 .LBB2_37-.Ltmp28, $4  }
0x1d8: {  	s4 =	simm.s32 $0xF2B8;
	s0 =	sand.u32 @!p1 $0x7, s0;
	s3 =	sadd.s32 @!p1 s1, s6  }
0x1d9: {  	[hbm4b:s3+s0] =	stream.linear.scatter @!p1 [tilespmem:s4], [sflag:$0x5], $0x80, $0x38;
	[tilespmem:$0x1F6F8] =	vst v63  }
0x1da: {  	s0 =	simm.s32 $0x0  }
0x1db: {  	s7 =	simm.s32 $0xF21A;
	s6 =	simm.s32 $0x0;
	s0 =	simm.s32 @!p1 $0x200  }
.LBB2_36:
0x1dc: {  	v0 =	vld.msk [tilespmem:s7+$0x0], $0x1;
	s5 =	sadd.s32 $0xFFFFFFFF, s5;
	s6 =	sadd.s32 s6, s0  }
0x1dd: {  	p1 =	sne.s32 s5, $0x0;
	_ =	sdelay $0x3  }
0x1de: {  	(v2sf) =	vpush v0, $0x0;
	_ =	sdelay $0xe  }
.Ltmp29:
0x1df: {  	s3 =	spop (v2sf);
	(pc) =	sbr.rel @p1 .LBB2_36-.Ltmp29, $4  }
0x1e0: {  	s0 =	simm.s32 $0x0;
	p2 =	sgt.u32 s3, $0x27FF0  }
0x1e1: {  	s4 =	sadd.s32 $0x80, s4;
	s0 =	simm.s32 @!p2 $0x200;
	s8 =	sand.u32 @!p2 $0x3FFF8, s3  }
0x1e2: {  	s7 =	sadd.s32 $0x1, s7;
	s3 =	sand.u32 @!p2 $0x7, s3;
	s8 =	sadd.s32 @!p2 s1, s8  }
0x1e3: {  	[hbm4b:s8+s3] =	stream.linear.scatter @!p2 [tilespmem:s4], [sflag:$0x5], $0x80, $0x38;
	[tilespmem:$0x1F6F8] =	vst v63  }
.LBB2_37:
0x1e4: {  	s0 =	sadd.s32 s6, s0  }
0x1e5: {  	s0 =	sshrl.u32 s0, $0x2  }
.LBB2_38:
0x1e6: {  	s3 =	simm.s32 $0x5  }
0x1e7: {  	_ =	swait.ge [sflag:s3], s0  }
0x1e8: {  	s31 =	ssub.s32 $0x0, s0;
	[sflag:s3] =	ssyncset.done $0x0  }
0x1e9: {  	[sflag:s3] =	ssyncadd.s32 s31  }
0x1ea: {  	[sflag:s3] =	ssyncpa.u1 $0x1  }
.LBB2_39:
0x1eb: {  	s0 =	sor.u32 s2, s16  }
0x1ec: {  	p1 =	sne.s32 s0, $0x0  }
.Ltmp30:
0x1ed: {  	_ = 	snop;
	(pc) =	sbr.rel @p1 .LBB2_54-.Ltmp30, $3  }
0x1ee: {  	_ =	sdelay $0x1  }
0x1ef: {  	[bflag:$0x0] =	sbarrier.arrive $0xFFFF  }
0x1f0: {  	_ =	sfence  }
0x1f1: {  	s0 =	simm.s32 $0x7  }
0x1f2: {  	s2 =	simm.s32 $0x1000;
	s3 =	simm.s32 $0xF218;
	[sflag:s0] =	ssyncpa.u1 $0x0  }
0x1f3: {  	[tilespmem:s3], [sflag:$0x7] =	stream.linear.gather [spmem:s2], $0x20, $0x38;
	[tilespmem:$0x1F6F8] =	vst v63  }
0x1f4: {  	s30 =	simm.s32 $0xF238;
	s2 =	simm.s32 $0x0  }
0x1f5: {  	[tilespmem:s30], [sflag:$0x7] =	stream.linear.gather [spmem:s2], $0x1000, $0x38;
	[tilespmem:$0x1F6F8] =	vst v63  }
.Ltmp31:
0x1f6: {  	_ = 	snop;
	(pc) =	sbr.rel .LBB2_41-.Ltmp31, $4  }
0x1f7: {  	_ =	swait.ge [sflag:s0], $0x1020  }
0x1f8: {  	[sflag:s0] =	ssyncset.done $0x0  }
0x1f9: {  	s31 =	simm.s32 $0x8;
	[sflag:s0] =	ssyncadd.s32 $0xFFFFEFE0  }
0x1fa: {  	s3 =	simm.s32 $0x0;
	[sflag:s31] =	ssyncpa.u1 $0x0  }
.LBB2_47:
0x1fb: {  	p1 =	slt.u32 s4, $0x27FF1  }
0x1fc: {  	s0 =	sand.u32 @p1 $0x3FFF8, s4  }
0x1fd: {  	s4 =	sand.u32 @p1 $0x7, s4;
	s5 =	simm.s32 @p1 $0xF188;
	s0 =	sadd.s32 @p1 s1, s0  }
0x1fe: {  	[tilespmem:s5], [sflag:$0x8] =	stream.linear.gather @p1 [hbm4b:s0+s4], $0x80, $0x38;
	[tilespmem:$0x1F6F8] =	vst v63  }
0x1ff: {  	s0 =	simm.s32 @p1 $0x8  }
0x200: {  	_ =	swait.ge @p1 [sflag:s0], $0x80  }
0x201: {  	[sflag:s0] =	ssyncset.done @p1 $0x0  }
0x202: {  	[sflag:s0] =	ssyncadd.s32 @p1 $0xFFFFFF80  }
0x203: {  	v1 =	vld @p1 [tilespmem:$0xF188];
	_ =	sdelay $0x2  }
0x204: {  	s0 =	sshll.u32 @p1 s3, $0x9  }
0x205: {  	s4 =	sshrl.u32 @p1 s0, $0x2  }
0x206: {  	[tilespmem:s4+$0xF238] =	vst.add.f32.msk @p1 $0xffff, v1  }
0x207: {  	v1 =	vld @p1 [tilespmem:$0xF198];
	_ =	sdelay $0x4  }
0x208: {  	[tilespmem:s4+$0xF248] =	vst.add.f32.msk @p1 $0xffff, v1  }
0x209: {  	v1 =	vld @p1 [tilespmem:$0xF1A8];
	_ =	sdelay $0x4  }
0x20a: {  	[tilespmem:s4+$0xF258] =	vst.add.f32.msk @p1 $0xffff, v1  }
0x20b: {  	v1 =	vld @p1 [tilespmem:$0xF1B8];
	_ =	sdelay $0x4  }
0x20c: {  	[tilespmem:s4+$0xF268] =	vst.add.f32.msk @p1 $0xffff, v1  }
0x20d: {  	v1 =	vld @p1 [tilespmem:$0xF1C8];
	_ =	sdelay $0x4  }
0x20e: {  	[tilespmem:s4+$0xF278] =	vst.add.f32.msk @p1 $0xffff, v1  }
0x20f: {  	v1 =	vld @p1 [tilespmem:$0xF1D8];
	_ =	sdelay $0x4  }
0x210: {  	[tilespmem:s4+$0xF288] =	vst.add.f32.msk @p1 $0xffff, v1  }
0x211: {  	v1 =	vld @p1 [tilespmem:$0xF1E8];
	_ =	sdelay $0x4  }
0x212: {  	[tilespmem:s4+$0xF298] =	vst.add.f32.msk @p1 $0xffff, v1  }
0x213: {  	v1 =	vld @p1 [tilespmem:$0xF1F8];
	_ =	sdelay $0x3  }
0x214: {  	s5 =	sshll.u32 @!p1 s3, $0x9  }
0x215: {  	s5 =	smov.u32 @p1 s0;
	[tilespmem:s4+$0xF2A8] =	vst.add.f32.msk @p1 $0xffff, v1  }
0x216: {  	s0 =	sshrl.u32 s5, $0x2;
	[tilespmem:s2+$0xF218] =	vst.msk $0x1, v0  }
0x217: {  	v0 =	vld [tilespmem:s0+$0xF238];
	_ =	sdelay $0x2  }
0x218: {  	s31 =	sshll.u32 s2, $0x9  }
0x219: {  	s4 =	sshra.s32 s31, $0x2  }
0x21a: {  	[tilespmem:s4+$0xF238] =	vst v0  }
0x21b: {  	v0 =	vld [tilespmem:s0+$0xF248];
	_ =	sdelay $0x4  }
0x21c: {  	[tilespmem:s4+$0xF248] =	vst v0  }
0x21d: {  	v0 =	vld [tilespmem:s0+$0xF258];
	_ =	sdelay $0x4  }
0x21e: {  	[tilespmem:s4+$0xF258] =	vst v0  }
0x21f: {  	v0 =	vld [tilespmem:s0+$0xF268];
	_ =	sdelay $0x4  }
0x220: {  	[tilespmem:s4+$0xF268] =	vst v0  }
0x221: {  	v0 =	vld [tilespmem:s0+$0xF278];
	_ =	sdelay $0x4  }
0x222: {  	[tilespmem:s4+$0xF278] =	vst v0  }
0x223: {  	v0 =	vld [tilespmem:s0+$0xF288];
	_ =	sdelay $0x4  }
0x224: {  	[tilespmem:s4+$0xF288] =	vst v0  }
0x225: {  	v0 =	vld [tilespmem:s0+$0xF298];
	_ =	sdelay $0x4  }
0x226: {  	[tilespmem:s4+$0xF298] =	vst v0  }
0x227: {  	v0 =	vld [tilespmem:s0+$0xF2A8];
	_ =	sdelay $0x4  }
0x228: {  	s2 =	sadd.s32 $0x1, s2;
	[tilespmem:s4+$0xF2A8] =	vst v0  }
.LBB2_48:
0x229: {  	s3 =	sadd.s32 $0x1, s3  }
0x22a: {  	p1 =	sne.s32 s3, $0x20  }
.Ltmp32:
0x22b: {  	_ = 	snop;
	(pc) =	sbr.rel @!p1 .LBB2_49-.Ltmp32, $1  }
0x22c: {  	_ =	sdelay $0x3  }
.LBB2_41:
0x22d: {  	v0 =	vld.msk [tilespmem:s3+$0xF218], $0x1;
	_ =	sdelay $0x4  }
0x22e: {  	(v2sf) =	vpush v0, $0x0;
	_ =	sdelay $0xe  }
0x22f: {  	s4 =	spop (v2sf)  }
0x230: {  	p1 =	seq.s32 s4, $0xFFFFFFFF  }
.Ltmp33:
0x231: {  	_ = 	snop;
	(pc) =	sbr.rel @p1 .LBB2_48-.Ltmp33, $1  }
0x232: {  	_ =	sdelay $0x3  }
0x233: {  	p1 =	slt.s32 s2, $0x1  }
.Ltmp34:
0x234: {  	_ = 	snop;
	(pc) =	sbr.rel @p1 .LBB2_47-.Ltmp34, $1  }
0x235: {  	_ =	sdelay $0x3  }
0x236: {  	s5 =	simm.s32 $0xF218;
	p1 =	por $0x0, $0x0  }
0x237: {  	v1 =	vld.msk @!p1 [tilespmem:s5+$0x0], $0x1;
	_ =	sdelay $0x4  }
0x238: {  	(v2sf) =	vpush @!p1 v1, $0x0;
	_ =	sdelay $0xd  }
0x239: {  	p3 =	sne.s32 s2, $0x1  }
.Ltmp35:
0x23a: {  	s0 =	spop @!p1 (v2sf);
	(pc) =	sbr.rel @!p3 .LBB2_45-.Ltmp35, $4  }
0x23b: {  	p2 =	seq.s32 @!p1 s4, s0  }
0x23c: {  	s6 =	simm.s32 $0x0;
	p2 =	por !p2, p1  }
0x23d: {  	s0 =	simm.s32 $0xFFFFFFFF;
	s6 =	simm.s32 @p2 $0xFFFFFFFF  }
0x23e: {  	s7 =	simm.s32 $0x1;
	s6 =	smov.u32 @p1 s0  }
.LBB2_44:
0x23f: {  	s0 =	smov.u32 s6;
	p1 =	sne.s32 s6, $0xFFFFFFFF  }
0x240: {  	s5 =	sadd.s32 $0x1, s5;
	s6 =	smov.u32 s7;
	s7 =	sadd.s32 $0x1, s7  }
0x241: {  	p2 =	sne.s32 s2, s7;
	v1 =	vld.msk @!p1 [tilespmem:s5+$0x0], $0x1;
	_ =	sdelay $0x4  }
0x242: {  	(v2sf) =	vpush @!p1 v1, $0x0;
	_ =	sdelay $0xe  }
.Ltmp36:
0x243: {  	s8 =	spop @!p1 (v2sf);
	(pc) =	sbr.rel @p2 .LBB2_44-.Ltmp36, $4  }
0x244: {  	p3 =	seq.s32 @!p1 s4, s8  }
0x245: {  	p3 =	por !p3, p1  }
0x246: {  	s6 =	simm.s32 @p3 $0xFFFFFFFF  }
0x247: {  	s6 =	smov.u32 @p1 s0  }
.LBB2_45:
0x248: {  	p1 =	seq.s32 s6, $0xFFFFFFFF  }
.Ltmp37:
0x249: {  	_ = 	snop;
	(pc) =	sbr.rel @p1 .LBB2_47-.Ltmp37, $1  }
0x24a: {  	_ =	sdelay $0x3  }
0x24b: {  	s0 =	sshll.u32 s3, $0x7  }
0x24c: {  	s0 =	sand.u32 $0x3FFFFF80, s0  }
0x24d: {  	v0 =	vld [tilespmem:s0+$0xF238];
	_ =	sdelay $0x2  }
0x24e: {  	s4 =	sshll.u32 s6, $0x9  }
0x24f: {  	s4 =	sshra.s32 s4, $0x2  }
0x250: {  	[tilespmem:s4+$0xF238] =	vst.add.f32.msk $0xffff, v0  }
0x251: {  	v0 =	vld [tilespmem:s0+$0xF248];
	_ =	sdelay $0x4  }
0x252: {  	[tilespmem:s4+$0xF248] =	vst.add.f32.msk $0xffff, v0  }
0x253: {  	v0 =	vld [tilespmem:s0+$0xF258];
	_ =	sdelay $0x4  }
0x254: {  	[tilespmem:s4+$0xF258] =	vst.add.f32.msk $0xffff, v0  }
0x255: {  	v0 =	vld [tilespmem:s0+$0xF268];
	_ =	sdelay $0x4  }
0x256: {  	[tilespmem:s4+$0xF268] =	vst.add.f32.msk $0xffff, v0  }
0x257: {  	v0 =	vld [tilespmem:s0+$0xF278];
	_ =	sdelay $0x4  }
0x258: {  	[tilespmem:s4+$0xF278] =	vst.add.f32.msk $0xffff, v0  }
0x259: {  	v0 =	vld [tilespmem:s0+$0xF288];
	_ =	sdelay $0x4  }
0x25a: {  	[tilespmem:s4+$0xF288] =	vst.add.f32.msk $0xffff, v0  }
0x25b: {  	v0 =	vld [tilespmem:s0+$0xF298];
	_ =	sdelay $0x4  }
0x25c: {  	[tilespmem:s4+$0xF298] =	vst.add.f32.msk $0xffff, v0  }
0x25d: {  	v0 =	vld [tilespmem:s0+$0xF2A8]  }
.Ltmp38:
0x25e: {  	_ = 	snop;
	(pc) =	sbr.rel .LBB2_48-.Ltmp38, $2  }
0x25f: {  	_ =	sdelay $0x2  }
0x260: {  	[tilespmem:s4+$0xF2A8] =	vst.add.f32.msk $0xffff, v0  }
.LBB2_49:
0x261: {  	p1 =	slt.s32 s2, $0x1  }
.Ltmp39:
0x262: {  	_ = 	snop;
	(pc) =	sbr.rel @p1 .LBB2_53-.Ltmp39, $3  }
0x263: {  	_ =	sdelay $0x1  }
0x264: {  	s0 =	simm.s32 $0x8  }
0x265: {  	s3 =	simm.s32 $0x0;
	[sflag:s0] =	ssyncpa.u1 $0x1  }
0x266: {  	s0 =	simm.s32 $0xF218  }
0x267: {  	v0 =	vld.msk [tilespmem:s0+$0x0], $0x1;
	_ =	sdelay $0x4  }
0x268: {  	(v2sf) =	vpush v0, $0x0;
	_ =	sdelay $0xe  }
0x269: {  	s2 =	sadd.s32 $0xFFFFFFFF, s2;
	s0 =	spop (v2sf)  }
0x26a: {  	p2 =	sne.s32 s2, $0x0;
	p1 =	sgt.u32 s0, $0x27FF0  }
.Ltmp40:
0x26b: {  	s5 =	sand.u32 @!p1 $0x3FFF8, s0;
	(pc) =	sbr.rel @!p2 .LBB2_52-.Ltmp40, $4  }
0x26c: {  	s4 =	simm.s32 $0xF238;
	s0 =	sand.u32 @!p1 $0x7, s0;
	s5 =	sadd.s32 @!p1 s1, s5  }
0x26d: {  	[hbm4b:s5+s0] =	stream.linear.scatter @!p1 [tilespmem:s4], [sflag:$0x7], $0x80, $0x38;
	[tilespmem:$0x1F6F8] =	vst v63  }
0x26e: {  	s0 =	simm.s32 $0x0  }
0x26f: {  	s5 =	simm.s32 $0xF219;
	s0 =	simm.s32 @!p1 $0x200  }
.LBB2_51:
0x270: {  	v0 =	vld.msk [tilespmem:s5+$0x0], $0x1;
	s2 =	sadd.s32 $0xFFFFFFFF, s2;
	s3 =	sadd.s32 s3, s0  }
0x271: {  	p1 =	sne.s32 s2, $0x0;
	_ =	sdelay $0x3  }
0x272: {  	(v2sf) =	vpush v0, $0x0;
	_ =	sdelay $0xe  }
.Ltmp41:
0x273: {  	s6 =	spop (v2sf);
	(pc) =	sbr.rel @p1 .LBB2_51-.Ltmp41, $4  }
0x274: {  	s0 =	simm.s32 $0x0;
	p2 =	sgt.u32 s6, $0x27FF0  }
0x275: {  	s4 =	sadd.s32 $0x80, s4;
	s0 =	simm.s32 @!p2 $0x200;
	s7 =	sand.u32 @!p2 $0x3FFF8, s6  }
0x276: {  	s5 =	sadd.s32 $0x1, s5;
	s6 =	sand.u32 @!p2 $0x7, s6;
	s7 =	sadd.s32 @!p2 s1, s7  }
0x277: {  	[hbm4b:s7+s6] =	stream.linear.scatter @!p2 [tilespmem:s4], [sflag:$0x7], $0x80, $0x38;
	[tilespmem:$0x1F6F8] =	vst v63  }
.LBB2_52:
0x278: {  	s0 =	sadd.s32 s3, s0  }
0x279: {  	s3 =	sshrl.u32 s0, $0x2  }
.LBB2_53:
0x27a: {  	s0 =	simm.s32 $0x7  }
0x27b: {  	_ =	swait.ge [sflag:s0], s3  }
0x27c: {  	s1 =	ssub.s32 $0x0, s3;
	[sflag:s0] =	ssyncset.done $0x0  }
0x27d: {  	[sflag:s0] =	ssyncadd.s32 s1  }
0x27e: {  	[sflag:s0] =	ssyncpa.u1 $0x1  }
.LBB2_54:
0x27f: {  	_ =	sfence;
	s0 =	simm.s32 $0x1  }
0x280: {  	[sflag:s0] =	ssyncpa.u1 $0x1  }
0x281: {  	_ =	strace $0x9000005C  }
0x282: {  	[bflag:$0x2] =	sbarrier.arrive $0xFFFF  }
0x283: {  	s0 =	rddreg [dreg:$0x3]  }
0x284: {  	s0 =	sadd.s32 @!p0 $0x100000, s0  }
0x285: {  	[sflag:s0] =	ssyncadd.tile.s32 @!p0 $0x1;
	_ =	shalt  }
.Lfunc_end2:
_tile_overlayer_lowered:
.L_overlay_start_2:
0x286: {  	(tag) =	ssettag $0x2  }
0x287: {  	s0 =	rddreg [dreg:$0x0];
	s2 =	stileid.u32  }
0x288: {  	s1 =	rddreg [dreg:$0x1];
	p0 =	sne.s32 s2, $0x0  }
0x289: {  	s3 =	rddreg [dreg:$0x2];
	[bflag:$0x3] =	sbarrier.arrive $0xFFFF;
	s2 =	simm.s32 @!p0 $0x1C01  }
0x28a: {  	[timem:s3], [sflag:s2] =	dma.local @!p0 [hbm:s0], s1  }
0x28b: {  	s0 =	simm.s32 @!p0 $0x1  }
0x28c: {  	_ =	swait.ge @!p0 [sflag:s0], s1  }
0x28d: {  	s1 =	ssub.s32 @!p0 $0x0, s1;
	[sflag:s0] =	ssyncset.done @!p0 $0x0  }
0x28e: {  	[sflag:s0] =	ssyncadd.s32 @!p0 s1  }
0x28f: {  	[bflag:$0x3] =	sbarrier.arrive $0xFFFF  }
0x290: {  	_ =	shalt  }

// kernel: scatter_offload_async_start.3
scs
__scs_entry_jumppad:
0x0: {  	(pc) =	sbr.rel $0x88, $3  }
0x1: {  	(tag) =	ssettag $0x0;
	lr =	simm.s32 $0x1  }
0x2: {  	[smem:$0x3F85] =	sst lr;
	_ =	strace $0xD0000000  }
0x3: {  	_ = 	snop  }
0x4: {  	_ = 	snop  }
0x5: {  	_ = 	snop  }
0x6: {  	_ = 	snop  }
0x7: {  	_ = 	snop  }
__scs_overlays_trampoline_lowered:
0x8: {  	[smem:$0x3F94] =	sst s0  }
0x9: {  	[smem:$0x3F95] =	sst s1  }
0xa: {  	[smem:$0x3F96] =	sst s2  }
0xb: {  	[smem:$0x3F97] =	sst s3  }
0xc: {  	[smem:$0x3F98] =	sst s4  }
0xd: {  	[smem:$0x3F99] =	sst s5  }
0xe: {  	[smem:$0x3F9A] =	sst s6  }
0xf: {  	[smem:$0x3F9B] =	sst s7  }
0x10: {  	[smem:$0x3F9C] =	sst s8  }
0x11: {  	[smem:$0x3F9D] =	sst s9;
	s0 =	simm.s32 @!p0 $0x0  }
0x12: {  	s1 =	sld [smem:$0x3F83];
	s0 =	simm.s32 @p0 $0x1  }
0x13: {  	[smem:$0x3F9E] =	sst s0;
	s0 =	simm.s32 @!p1 $0x0  }
0x14: {  	s2 =	sld [smem:$0x3F82];
	s0 =	simm.s32 @p1 $0x1  }
0x15: {  	[smem:$0x3F9F] =	sst s0;
	s0 =	simm.s32 @!p2 $0x0  }
0x16: {  	s3 =	sld [smem:$0x3FDB];
	s0 =	simm.s32 @p2 $0x1  }
0x17: {  	s4 =	simm.s32 $0x1BF5;
	[smem:$0x3FA1] =	sst s0  }
0x18: {  	s0 =	sld [smem:$0x3F84];
	_ =	swait.ge [sflag:s4], $0x0  }
0x19: {  	s7 =	sld [smem:$0x3F85]  }
0x1a: {  	s8 =	sadd.s32 $0xFFFFE003, lr  }
0x1b: {  	s9 =	sadd.s32 $0xFFFFFEF7, lr;
	s5 =	simm.s32 $0xFFFFFFFF;
	p2 =	slt.u32 s8, $0xFFFFF086  }
0x1c: {  	p1 =	slt.u32 s9, $0xF7A;
	s5 =	simm.s32 @!p2 $0x0  }
0x1d: {  	s5 =	simm.s32 @p1 $0x1;
	p0 =	seq.s32 s7, s2  }
0x1e: {  	s7 =	smul.u32 @!p0 $0xF7A, s2;
	p2 =	seq.s32 @!p0 s5, $0x0  }
0x1f: {  	s9 =	smul.u32 $0xF7A, s1;
	s8 =	simm.s32 @!p0 $0x1BF5;
	p2 =	por !p2, p0  }
0x20: {  	[sflag:s8] =	ssyncset.s32 @!p0 $0xFFFFF086;
	s6 =	sadd.s32 @!p0 s3, s7;
	s7 =	simm.s32 @!p0 $0x108  }
0x21: {  	s3 =	sadd.s32 s3, s9;
	s6 =	sadd.s32 @!p0 $0x88, s6;
	s7 =	simm.s32 @p2 $0x1082  }
0x22: {  	[simem:s7], [sflag:s8] =	dma.local @!p0 [hbm:s6], $0xF7A  }
0x23: {  	s9 =	sor.u32 $0xD0000000, s2;
	s6 =	simm.s32 $0x108;
	_ =	swait.ge @!p0 [sflag:s8], $0x0  }
0x24: {  	s3 =	sadd.s32 $0x88, s3;
	s6 =	simm.s32 @!p1 $0x1082;
	[sflag:s4] =	ssyncset.s32 $0xFFFFF086  }
0x25: {  	[simem:s6], [sflag:s4] =	dma.local [hbm:s3], $0xF7A  }
0x26: {  	[smem:$0x3F85] =	sst s1;
	(tag) =	ssettag s2;
	_ =	strace s9  }
0x27: {  	s1 =	sld [smem:$0x3F95]  }
0x28: {  	s2 =	sld [smem:$0x3F96]  }
0x29: {  	s4 =	sld [smem:$0x3F98]  }
0x2a: {  	p0 =	seq.s32 s5, $0x0;
	s5 =	sld [smem:$0x3F99]  }
0x2b: {  	s6 =	sld [smem:$0x3F9A]  }
0x2c: {  	s7 =	sld [smem:$0x3F9B]  }
0x2d: {  	s3 =	simm.s32 $0x108;
	s8 =	sld [smem:$0x3F9C]  }
0x2e: {  	s3 =	simm.s32 @!p0 $0x1082;
	s9 =	sld [smem:$0x3F9D]  }
0x2f: {  	lr =	sadd.s32 s0, s3;
	s0 =	sld [smem:$0x3F94]  }
0x30: {  	s3 =	sld [smem:$0x3F97]  }
0x31: {  	[smem:$0x3FA0] =	sst s10  }
0x32: {  	s10 =	sld [smem:$0x3F9E];
	_ =	sdelay $0x3  }
0x33: {  	p0 =	seq.s32 s10, $0x1;
	s10 =	sld [smem:$0x3FA0];
	_ =	sdelay $0x3  }
0x34: {  	[smem:$0x3FA0] =	sst s10  }
0x35: {  	s10 =	sld [smem:$0x3F9F];
	_ =	sdelay $0x3  }
0x36: {  	p1 =	seq.s32 s10, $0x1;
	s10 =	sld [smem:$0x3FA0];
	_ =	sdelay $0x3  }
0x37: {  	[smem:$0x3FA0] =	sst s10  }
0x38: {  	s10 =	sld [smem:$0x3FA1]  }
0x39: {  	_ = 	snop;
	(pc) =	sbr.ind lr, $3  }
0x3a: {  	_ = 	snop  }
0x3b: {  	_ = 	snop  }
0x3c: {  	p2 =	seq.s32 s10, $0x1;
	s10 =	sld [smem:$0x3FA0]  }
0x3d: {  	_ =	shalt  }
0x3e: {  	_ =	shalt  }
0x3f: {  	_ =	shalt  }
0x40: {  	_ =	shalt  }
0x41: {  	_ =	shalt  }
0x42: {  	_ =	shalt  }
0x43: {  	_ =	shalt  }
0x44: {  	_ =	shalt  }
0x45: {  	_ =	shalt  }
0x46: {  	_ =	shalt  }
0x47: {  	_ =	shalt  }
0x48: {  	_ =	shalt  }
0x49: {  	_ =	shalt  }
0x4a: {  	_ =	shalt  }
0x4b: {  	_ =	shalt  }
0x4c: {  	_ =	shalt  }
0x4d: {  	_ =	shalt  }
0x4e: {  	_ =	shalt  }
0x4f: {  	_ =	shalt  }
0x50: {  	_ =	shalt  }
0x51: {  	_ =	shalt  }
0x52: {  	_ =	shalt  }
0x53: {  	_ =	shalt  }
0x54: {  	_ =	shalt  }
0x55: {  	_ =	shalt  }
0x56: {  	_ =	shalt  }
0x57: {  	_ =	shalt  }
0x58: {  	_ =	shalt  }
0x59: {  	_ =	shalt  }
0x5a: {  	_ =	shalt  }
0x5b: {  	_ =	shalt  }
0x5c: {  	_ =	shalt  }
0x5d: {  	_ =	shalt  }
0x5e: {  	_ =	shalt  }
0x5f: {  	_ =	shalt  }
0x60: {  	_ =	shalt  }
0x61: {  	_ =	shalt  }
0x62: {  	_ =	shalt  }
0x63: {  	_ =	shalt  }
0x64: {  	_ =	shalt  }
0x65: {  	_ =	shalt  }
0x66: {  	_ =	shalt  }
0x67: {  	_ =	shalt  }
0x68: {  	_ =	shalt  }
0x69: {  	_ =	shalt  }
0x6a: {  	_ =	shalt  }
0x6b: {  	_ =	shalt  }
0x6c: {  	_ =	shalt  }
0x6d: {  	_ =	shalt  }
0x6e: {  	_ =	shalt  }
0x6f: {  	_ =	shalt  }
0x70: {  	_ =	shalt  }
0x71: {  	_ =	shalt  }
0x72: {  	_ =	shalt  }
0x73: {  	_ =	shalt  }
0x74: {  	_ =	shalt  }
0x75: {  	_ =	shalt  }
0x76: {  	_ =	shalt  }
0x77: {  	_ =	shalt  }
0x78: {  	_ =	shalt  }
0x79: {  	_ =	shalt  }
0x7a: {  	_ =	shalt  }
0x7b: {  	_ =	shalt  }
0x7c: {  	_ =	shalt  }
0x7d: {  	_ =	shalt  }
0x7e: {  	_ =	shalt  }
0x7f: {  	_ =	shalt  }
0x80: {  	_ =	shalt  }
0x81: {  	_ =	shalt  }
0x82: {  	_ =	shalt  }
0x83: {  	_ =	shalt  }
0x84: {  	_ =	shalt  }
0x85: {  	_ =	shalt  }
0x86: {  	_ =	shalt  }
0x87: {  	_ =	shalt  }
.Lfunc_end0:
.L_simem_size_0:
called_computation.3_lowered:
.L_overlay_start_0:
0x88: {  	s0 =	sld [smem:$0x3FD9]  }
0x89: {  	s1 =	sld [smem:$0x3FFE];
	_ =	sdelay $0x3  }
0x8a: {  	s0 =	sadd.s32 s1, s0  }
0x8b: {  	[smem:$0x3FAC] =	sst s0  }
0x8c: {  	_ = 	snop  }
0x8d: {  	(tm) =	ssettm $0x1  }
0x8e: {  	s15 =	sld [smem:$0x3FFB];
	_ =	sdelay $0x3  }
0x8f: {  	_ =	strace s15  }
0x90: {  	s0 =	sld [smem:$0x3FFC];
	_ =	sdelay $0x3  }
0x91: {  	_ =	strace s0  }
0x92: {  	s0 =	sld [smem:$0x3FFD];
	_ =	sdelay $0x3  }
0x93: {  	_ =	strace s0  }
0x94: {  	_ =	strace $0x8FFFFFFF  }
0x95: {  	s16 =	sld [smem:$0x3FDB];
	_ =	sdelay $0x1  }
0x96: {  	s17 =	simm.s32 $_scs_section_size  }
0x97: {  	s2 =	simm.s32 $_size__tile_overlayer_lowered;
	s3 =	simm.s32 $_tile_overlayer_lowered  }
0x98: {  	s20 =	simm.s32 $0x1BFF;
	s19 =	sshll.u32 s3, $0x1;
	s0 =	sadd.s32 s17, s16  }
0x99: {  	s4 =	simm.s32 $0x0;
	s18 =	sshll.u32 s2, $0x1;
	s2 =	sadd.s32 s19, s0  }
0x9a: {  	[timem:s4], [sflag:s20] =	dma.local [hbm:s2], s18  }
0x9b: {  	_ =	swait.ge [sflag:s20], s18  }
0x9c: {  	s1 =	ssub.s32 $0x0, s18;
	[sflag:s20] =	ssyncset.done $0x0  }
0x9d: {  	[sflag:s20] =	ssyncadd.s32 s1;
	_ =	sdelay $0x1  }
0x9e: {  	s21 =	simm.s32 $0x1B8B  }
0x9f: {  	_ =	swait.ge [sflag:s21], $0x1  }
0xa0: {  	[sflag:s21] =	ssyncset.done $0x0  }
0xa1: {  	s23 =	simm.s32 $0x1B8E;
	s22 =	sld [smem:$0x3FFE];
	[sflag:s21] =	ssyncadd.s32 $0xFFFFFFFF  }
0xa2: {  	s24 =	simm.s32 $execute0_lowered;
	[smem:$0x3FD2] =	sst s23  }
0xa3: {  	s2 =	sshll.u32 s24, $0x1;
	_ =	strace $0x8000005E;
	[dreg:$0x1] =	wrdreg $0xFFFFFFFF  }
0xa4: {  	s25 =	simm.s32 $_size_execute0_lowered;
	s0 =	sadd.s32 s0, s2;
	[dreg:$0x0] =	wrdreg $0x0  }
0xa5: {  	s2 =	sshll.u32 s25, $0x1;
	[dreg:$0x2] =	wrdreg s0  }
0xa6: {  	[dreg:$0x3] =	wrdreg s2  }
0xa7: {  	[dreg:$0x4] =	wrdreg $0xC0  }
0xa8: {  	_ =	task [dreg:s4], $0x5FFFF  }
0xa9: {  	[dreg:$0x1] =	wrdreg $0xFFFFFFFF  }
0xaa: {  	[dreg:$0x0] =	wrdreg $0x60  }
0xab: {  	[dreg:$0x2] =	wrdreg s22  }
0xac: {  	[dreg:$0x3] =	wrdreg $0x9  }
0xad: {  	_ =	task.clear_ibuf [dreg:s4], $0x4FFFF;
	_ =	strace $0x9000005E  }
0xae: {  	s26 =	simm.s32 $0x9;
	_ =	strace $0x80000060  }
0xaf: {  	_ =	swait.ge [sflag:s26], $0x1  }
0xb0: {  	[sflag:s26] =	ssyncadd.s32 $0xFFFFFFFF  }
0xb1: {  	_ =	strace $0x90000060  }
0xb2: {  	_ =	sfence  }
0xb3: {  	s28 =	sld [smem:$0x0];
	_ =	sdelay $0x1  }
0xb4: {  	s29 =	srdreg.scid  }
0xb5: {  	s30 =	sshll.u32 s29, $0xD;
	s31 =	sshrl.u32 s29, $0x2  }
0xb6: {  	s1 =	sand.u32 $0x1, s29;
	s2 =	sand.u32 $0x4000, s30;
	s0 =	sadd.s32 s31, s28  }
0xb7: {  	s1 =	sor.u32 s2, s1;
	s0 =	sshll.u32 s0, $0x11  }
0xb8: {  	s0 =	sor.u32 s0, s1  }
0xb9: {  	s0 =	sadd.s32 $0x8F2B, s0  }
0xba: {  	[sflag:s0] =	ssyncadd.remote.s32 $0x1  }
0xbb: {  	_ =	sfence.sel $0xFFFF  }
0xbc: {  	[dreg:$0x0] =	wrdreg $0xFFFFFFFF;
	(pc) =	sbr.abs _section_cstart, $3  }
0xbd: {  	[dreg:$0x1] =	wrdreg $0xFFFFFFFF  }
0xbe: {  	_ =	task.clear_ibuf [dreg:s4], $0x2FFFF;
	_ =	strace $0x9FFFFFFF  }
0xbf: {  	(tm) =	ssettm $0x7FFFFFFF  }
tec
execute0_lowered:
.L_overlay_start_1:
0x0: {  	(tag) =	ssettag $0x1  }
0x1: {  	s0 =	rddreg [dreg:$0x0];
	_ =	strace $0x8000005F;
	s1 =	simm.s32 $0x1  }
0x2: {  	s9 =	simm.s32 $0x108;
	v0 =	vimm.s32 $0x0;
	[sflag:s1] =	ssyncpa.u1 $0x0  }
0x3: {  	[tilespmem:s9+$0x70] =	vst v0  }
0x4: {  	[tilespmem:s9+$0x60] =	vst v0  }
0x5: {  	[tilespmem:s9+$0x50] =	vst v0  }
0x6: {  	[tilespmem:s9+$0x40] =	vst v0  }
0x7: {  	[tilespmem:s9+$0x30] =	vst v0  }
0x8: {  	s1 =	sadd.s32 $0x27600, s0;
	s4 =	sadd.s32 $0x3DA00, s0;
	[tilespmem:s9+$0x20] =	vst v0  }
0x9: {  	s5 =	sadd.s32 $0x400, s0;
	s6 =	sadd.s32 $0x3E000, s0;
	s0 =	simm.s32 $0x40;
	[tilespmem:s9+$0x10] =	vst v0  }
.LBB2_1:
0xa: {  	s0 =	sadd.s32 $0x40, s0;
	[tilespmem:s9+$0x0] =	vst v0;
	s9 =	sadd.s32 $0x80, s9  }
0xb: {  	p0 =	slt.u32 s0, $0x3C40;
	[tilespmem:s9+$0x70] =	vst v0  }
0xc: {  	[tilespmem:s9+$0x60] =	vst v0  }
.Ltmp0:
0xd: {  	[tilespmem:s9+$0x50] =	vst v0;
	(pc) =	sbr.rel @p0 .LBB2_1-.Ltmp0, $4  }
0xe: {  	[tilespmem:s9+$0x40] =	vst v0  }
0xf: {  	[tilespmem:s9+$0x30] =	vst v0  }
0x10: {  	[tilespmem:s9+$0x20] =	vst v0  }
0x11: {  	[tilespmem:s9+$0x10] =	vst v0  }
0x12: {  	s14 =	stileid.u32  }
0x13: {  	s2 =	sshll.u32 s14, $0x1;
	s0 =	smin.u32 s14, $0xA  }
0x14: {  	s0 =	sadd.s32 s0, s2  }
0x15: {  	p0 =	slt.u32 s14, $0xA;
	s7 =	smul.u32 $0xF0, s0;
	s0 =	simm.s32 $0x2D0  }
0x16: {  	s0 =	simm.s32 @!p0 $0x1E0  }
0x17: {  	s0 =	sadd.s32 s0, s7  }
0x18: {  	s8 =	smin.u32 s0, $0x2710  }
0x19: {  	s0 =	ssub.s32 s8, s7  }
0x1a: {  	p0 =	sgt.s32 s0, $0x0  }
0x1b: {  	s0 =	simm.s32 @!p0 $0x0  }
0x1c: {  	s3 =	simm.s32 $0x2;
	s30 =	smul.u32 $0x8889, s0  }
0x1d: {  	s10 =	simm.s32 $0x7;
	s31 =	simm.s32 $0x8;
	s11 =	simm.s32 $0x9  }
0x1e: {  	s20 =	simm.s32 $0x0;
	[dreg:$0x2] =	wrdreg s2;
	s2 =	sshrl.u32 s30, $0x17  }
0x1f: {  	s16 =	simm.s32 $0xA;
	s18 =	simm.s32 $0x0;
	s12 =	smul.u32 $0xF0, s2  }
.Ltmp1:
0x20: {  	[tilespmem:s9+$0x0] =	vst v0;
	v0 =	vimm.s32 $0xFFFFFFFF;
	s19 =	simm.s32 $0x0;
	[sflag:s3] =	ssyncpa.u1 $0x0;
	(pc) =	sbr.rel .LBB2_3-.Ltmp1, $4  }
0x21: {  	[tilespmem:$0xF208] =	vst v0;
	[sflag:s10] =	ssyncpa.u1 $0x0;
	p0 =	sne.s32 s0, s12;
	s0 =	simm.s32 $0x1  }
0x22: {  	s14 =	sshll.u32 s14, $0x8;
	[sflag:s31] =	ssyncpa.u1 $0x0;
	s0 =	simm.s32 @!p0 $0x0  }
0x23: {  	[sflag:s11] =	ssyncpa.u1 $0x0;
	s17 =	smov.u32 s7;
	s13 =	sadd.s32 s2, s0  }
0x24: {  	v0 =	vlaneseq.u32;
	s12 =	simm.s32 $0x1;
	p0 =	por $0x0, $0x0;
	s15 =	sadd.s32 $0x1, s13  }
.LBB2_18:
0x25: {  	s0 =	sshrl.u32 s29, $0x2  }
.LBB2_20:
0x26: {  	_ =	swait.ge [sflag:s16], s0  }
0x27: {  	s31 =	ssub.s32 $0x0, s0;
	v1 =	vmov s22;
	vm0 =	veq.s32 v0, $0x0;
	[sflag:s16] =	ssyncset.done $0x0  }
0x28: {  	vm15 =	veq.s32 v0, $0x2;
	v1 =	vsel vm0, s28, v1;
	[sflag:s16] =	ssyncadd.s32 s31  }
0x29: {  	v1 =	vsel vm15, s20, v1;
	[sflag:s16] =	ssyncpa.u1 $0x1  }
0x2a: {  	[tilespmem:$0xF208] =	vst v1  }
.LBB2_21:
0x2b: {  	s0 =	sadd.s32 $0xF0, s17  }
0x2c: {  	s2 =	smov.u32 s7;
	p1 =	slt.s32 s0, s8  }
0x2d: {  	s2 =	smov.u32 @p1 s0;
	p1 =	sne.s32 s19, s15  }
.Ltmp2:
0x2e: {  	_ = 	snop;
	(pc) =	sbr.rel @!p1 .LBB2_22-.Ltmp2, $3  }
0x2f: {  	_ =	sdelay $0x1  }
0x30: {  	s20 =	smov.u32 s18;
	s31 =	sadd.s32 $0x1, s19;
	s18 =	smov.u32 s17  }
0x31: {  	p0 =	por !p0, !p0;
	s19 =	smov.u32 s31;
	s17 =	smov.u32 s2  }
.LBB2_3:
0x32: {  	p1 =	sge.u32 s19, s13  }
0x33: {  	s0 =	smulhi.u32 @!p1 $0xAAAAAAAB, s19  }
0x34: {  	s2 =	smov.u32 s17;
	p2 =	sgt.s32 @!p1 s17, $0x2620  }
0x35: {  	s3 =	sshra.s32 @!p1 s17, $0x1F;
	p2 =	por !p2, p1;
	s0 =	sshrl.u32 @!p1 s0, $0x1  }
0x36: {  	s3 =	sand.u32 @!p1 s3, s17;
	s2 =	simm.s32 @p2 $0x2620;
	s0 =	smul.u32 @!p1 $0x3, s0  }
0x37: {  	s2 =	ssub.s32 @!p1 s2, s3  }
0x38: {  	s2 =	sadd.s32 @!p1 $0xFFFFD9E0, s2;
	s0 =	ssub.s32 @!p1 s19, s0  }
0x39: {  	s3 =	sshll.u32 @!p1 s2, $0x2;
	p2 =	sgt.s32 @!p1 s2, $0xEF;
	s0 =	smul.u32 @!p1 $0x3C0, s0  }
0x3a: {  	s21 =	sand.u32 @!p1 $0x7, s17;
	s2 =	ssub.s32 @!p1 $0x3C0, s3;
	p2 =	por !p2, p1  }
0x3b: {  	s3 =	sshrl.u32 @!p1 s17, $0x3;
	s2 =	sshrl.u32 @!p1 s2, $0x2;
	s0 =	sshrl.u32 @!p1 s0, $0x2  }
0x3c: {  	s3 =	sadd.s32 @!p1 s6, s3;
	s2 =	simm.s32 @!p2 $0x0;
	s0 =	sadd.s32 @!p1 $0x10238, s0  }
0x3d: {  	[tilespmem:s0], [sflag:$0x8] =	stream.linear.gather @!p1 [hbm4b:s3+s21], s2, $0x38;
	[tilespmem:$0x1F6E8] =	vst v63  }
0x3e: {  	s0 =	sadd.s32 $0xFFFFFFFF, s19  }
0x3f: {  	p1 =	sge.u32 s0, s13  }
0x40: {  	p2 =	sgt.s32 @!p1 s18, $0x2620  }
0x41: {  	s2 =	smov.u32 s18;
	s3 =	sshra.s32 @!p1 s18, $0x1F;
	p2 =	por !p2, p1  }
0x42: {  	s3 =	sand.u32 @!p1 s3, s18;
	s2 =	simm.s32 @p2 $0x2620  }
0x43: {  	s2 =	ssub.s32 @!p1 s2, s3  }
0x44: {  	s2 =	sadd.s32 @!p1 $0xFFFFD9E0, s2  }
0x45: {  	s21 =	sand.u32 @!p1 $0x1, s0;
	s3 =	sshll.u32 @!p1 s2, $0x2  }
0x46: {  	p2 =	sgt.s32 @!p1 s2, $0xEF;
	s2 =	ssub.s32 @!p1 $0x3C0, s3;
	s3 =	smulhi.u32 @!p1 $0xAAAAAAAB, s0  }
0x47: {  	s23 =	smul.u32 @!p1 $0x3C0, s21;
	p2 =	por !p2, p1;
	s2 =	sshrl.u32 @!p1 s2, $0x2  }
0x48: {  	s22 =	simm.s32 @!p1 $0x8;
	s2 =	simm.s32 @!p2 $0x0;
	s3 =	sshrl.u32 @!p1 s3, $0x1  }
0x49: {  	s23 =	sshrl.u32 @!p1 s23, $0x2;
	_ =	swait.ge @!p1 [sflag:s22], s2;
	s3 =	smul.u32 @!p1 $0x3, s3  }
0x4a: {  	s23 =	sor.u32 @!p1 $0x10508, s23;
	s24 =	ssub.s32 @!p1 $0x0, s2;
	[sflag:s22] =	ssyncset.done @!p1 $0x0  }
0x4b: {  	[sflag:s22] =	ssyncadd.s32 @!p1 s24;
	s22 =	sshrl.u32 @!p1 s18, $0x3;
	s0 =	ssub.s32 @!p1 s0, s3  }
0x4c: {  	s24 =	sand.u32 @!p1 $0x7, s18;
	s22 =	sadd.s32 @!p1 s4, s22;
	s0 =	smul.u32 @!p1 $0x3C0, s0  }
0x4d: {  	[tilespmem:s23], [sflag:$0x9] =	stream.linear.gather @!p1 [hbm4b:s22+s24], s2, $0x38;
	[tilespmem:$0x1F6E8] =	vst v63  }
0x4e: {  	s3 =	ssub.s32 @!p1 $0x2710, s18;
	s2 =	smul.u32 @!p1 $0x1E000, s21  }
0x4f: {  	p2 =	slt.s32 @!p1 s3, $0xF0  }
0x50: {  	p2 =	por !p2, p1;
	s0 =	sshrl.u32 @!p1 s0, $0x2;
	s2 =	sshrl.u32 @!p1 s2, $0x2  }
0x51: {  	s3 =	simm.s32 @p2 $0xF0;
	s0 =	sadd.s32 @!p1 $0x10238, s0;
	s2 =	sor.u32 @!p1 $0x106E8, s2  }
0x52: {  	[tilespmem:s2], [sflag:$0x7] =	stream.indirect.gather @!p1 [hbm4b:s5+s3], $0x80, s0, s3, $0xb8;
	[tilespmem:$0x1F6E8] =	vst v63  }
0x53: {  	p1 =	slt.u32 s19, $0x2  }
.Ltmp3:
0x54: {  	_ = 	snop;
	(pc) =	sbr.rel @p1 .LBB2_21-.Ltmp3, $1  }
0x55: {  	_ =	sdelay $0x3  }
0x56: {  	p1 =	sgt.s32 s20, $0x2620;
	s0 =	smov.u32 s20  }
0x57: {  	s2 =	sshra.s32 s20, $0x1F;
	s3 =	ssub.s32 $0x2710, s20;
	s0 =	simm.s32 @!p1 $0x2620  }
0x58: {  	s2 =	sand.u32 s2, s20;
	p1 =	slt.s32 s3, $0xF0;
	s21 =	smov.u32 s3  }
0x59: {  	s0 =	ssub.s32 s0, s2;
	s21 =	simm.s32 @!p1 $0xF0  }
0x5a: {  	s0 =	sadd.s32 $0xFFFFD9E0, s0;
	s26 =	sshll.u32 s21, $0x7  }
0x5b: {  	s29 =	sshll.u32 s0, $0x2;
	s2 =	sand.u32 $0x3FFFFF80, s26  }
0x5c: {  	p1 =	sgt.s32 s0, $0xEF;
	s30 =	ssub.s32 $0x3C0, s29;
	_ =	swait.ge [sflag:s10], s2  }
0x5d: {  	s2 =	ssub.s32 $0x0, s2;
	[sflag:s10] =	ssyncset.done $0x0;
	s0 =	sshrl.u32 s30, $0x2  }
0x5e: {  	[sflag:s10] =	ssyncadd.s32 s2;
	s0 =	simm.s32 @p1 $0x0  }
0x5f: {  	_ =	swait.ge [sflag:s11], s0  }
0x60: {  	s0 =	ssub.s32 $0x0, s0;
	[sflag:s11] =	ssyncset.done $0x0  }
0x61: {  	[sflag:s11] =	ssyncadd.s32 s0  }
0x62: {  	v1 =	vld [tilespmem:$0xF208];
	_ =	sdelay $0x4  }
0x63: {  	(v2sf) =	vpush v1, $0x0  }
0x64: {  	(v2sf) =	vpush v1, $0x1  }
0x65: {  	(v2sf) =	vpush v1, $0x2;
	_ =	sdelay $0x3  }
0x66: {  	s0 =	sadd.s32 $0xF0, s20  }
0x67: {  	p1 =	slt.s32 s8, s0  }
0x68: {  	s0 =	smov.u32 @p1 s8;
	p1 =	sgt.s32 s3, $0x0  }
0x69: {  	s24 =	ssub.s32 s0, s20;
	s3 =	simm.s32 @!p1 $0x0  }
0x6a: {  	p1 =	slt.s32 s3, s24  }
0x6b: {  	s24 =	smov.u32 @p1 s3  }
0x6c: {  	s23 =	simm.s32 $0x1;
	p1 =	slt.s32 s24, $0x1  }
.Ltmp4:
0x6d: {  	s23 =	simm.s32 @!p0 $0x0;
	(pc) =	sbr.rel @p1 .LBB2_8-.Ltmp4, $4  }
0x6e: {  	s31 =	smul.u32 $0x3C0, s23  }
0x6f: {  	s25 =	spop (v2sf)  }
0x70: {  	s0 =	sshrl.u32 s31, $0x2;
	s28 =	spop (v2sf)  }
0x71: {  	s21 =	sor.u32 $0x10508, s0;
	s20 =	spop (v2sf)  }
0x72: {  	s0 =	smin.u32 s24, $0x10  }
0x73: {  	v1 =	vmov s0  }
0x74: {  	p2 =	sgt.s32 s24, $0x10;
	vm1 =	vgt.u32 v1, v0  }
.Ltmp5:
0x75: {  	_ = 	snop;
	(pc) =	sbr.rel @!p2 .LBB2_7-.Ltmp5, $2  }
0x76: {  	_ =	sdelay $0x2  }
0x77: {  	s26 =	simm.s32 $0x10;
	s29 =	sadd.s32 $0xFFFFFFF0, s24;
	s22 =	smov.u32 s21;
	vm0 =	vmmov vm1  }
.LBB2_6:
0x78: {  	s0 =	smin.u32 s29, $0x10;
	s26 =	sadd.s32 $0x10, s26;
	v1 =	vld.msk [tilespmem:s22+$0x0 ss:$0x1], vm1  }
0x79: {  	v2 =	vmov s0;
	p2 =	slt.s32 s26, s24  }
0x7a: {  	vm1 =	vgt.u32 v2, v0  }
.Ltmp6:
0x7b: {  	(pc) =	sbr.rel @p2 .LBB2_6-.Ltmp6, $3  }
0x7c: {  	_ =	sdelay $0x1  }
0x7d: {  	v1 =	vshll.u32 v1, $0x4  }
0x7e: {  	s29 =	sadd.s32 $0xFFFFFFF0, s29;
	[tilespmem:s22+$0x0] =	vst.msk vm0, v1;
	s22 =	sadd.s32 $0x10, s22;
	vm0 =	vmmov vm1  }
.LBB2_7:
0x7f: {  	_ =	sdelay $0x4  }
0x80: {  	v1 =	vld.msk [tilespmem:s22+$0x0 ss:$0x1], vm1;
	_ =	sdelay $0x4  }
0x81: {  	v1 =	vshll.u32 v1, $0x4  }
0x82: {  	[tilespmem:s22+$0x0] =	vst.msk vm0, v1  }
.LBB2_8:
0x83: {  	s0 =	sand.u32 $0x1, s19  }
0x84: {  	s0 =	smul.u32 $0xF0, s0  }
0x85: {  	p2 =	sne.s32 s28, $0xFFFFFFFF  }
0x86: {  	v1 =	vld.msk @!p2 [tilespmem:s0+$0x10508], $0x1;
	_ =	sdelay $0x4  }
0x87: {  	(v2sf) =	vpush @!p2 v1, $0x0;
	_ =	sdelay $0xc  }
.Ltmp7:
0x88: {  	_ = 	snop;
	(pc) =	sbr.rel @p1 .LBB2_19-.Ltmp7, $4  }
0x89: {  	_ = 	snop  }
0x8a: {  	s26 =	spop @!p2 (v2sf)  }
0x8b: {  	s20 =	simm.s32 @!p2 $0x0;
	s22 =	smov.u32 s26  }
0x8c: {  	[sflag:s16] =	ssyncpa.u1 $0x0;
	s26 =	smov.u32 @p2 s25;
	s22 =	smov.u32 @p2 s28  }
0x8d: {  	v1 =	vld.msk [tilespmem:s21+$0x0], $0x1;
	_ =	sdelay $0x4  }
0x8e: {  	(v2sf) =	vpush v1, $0x0;
	_ =	sdelay $0xe  }
0x8f: {  	s0 =	smul.u32 $0x1E000, s23;
	s30 =	spop (v2sf)  }
0x90: {  	s24 =	ssub.s32 $0x0, s24;
	p1 =	seq.s32 s26, s30  }
0x91: {  	s28 =	sadd.s32 $0x1, s24;
	s0 =	sshrl.u32 s0, $0x2;
	p2 =	sgt.s32 @!p1 s26, $0x0  }
0x92: {  	s23 =	sor.u32 $0x10728, s0;
	s0 =	smov.u32 s26;
	p2 =	por !p2, p1  }
0x93: {  	s0 =	simm.s32 @p2 $0x0;
	p2 =	seq.s32 s28, $0x0  }
.Ltmp8:
0x94: {  	_ = 	snop;
	(pc) =	sbr.rel @p2 .LBB2_11-.Ltmp8, $4  }
0x95: {  	_ = 	snop  }
0x96: {  	s25 =	simm.s32 $0x0;
	s31 =	simm.s32 @!p1 $0x1;
	s2 =	smin.u32 @!p1 s0, $0x3F0  }
0x97: {  	s29 =	sadd.s32 $0x1, s21;
	s31 =	smov.u32 @p1 s25;
	s3 =	sand.u32 @!p1 $0x3F8, s2  }
0x98: {  	s0 =	simm.s32 @!p1 $0x7988;
	s2 =	sand.u32 @!p1 $0x7, s2;
	s3 =	sadd.s32 @!p1 s1, s3  }
.LBB2_10:
0x99: {  	s9 =	smov.u32 s31  }
0x9a: {  	[tilespmem:s0], [sflag:$0x2] =	stream.linear.gather @!p1 [hbm4b:s3+s2], $0x80, $0x38;
	[tilespmem:$0x1F6E8] =	vst v63  }
0x9b: {  	s28 =	sadd.s32 $0x1, s28;
	s2 =	smov.u32 s30;
	v1 =	vld.msk [tilespmem:s29+$0x0], $0x1  }
0x9c: {  	p2 =	seq.s32 s28, $0x0;
	_ =	sdelay $0x3  }
0x9d: {  	(v2sf) =	vpush v1, $0x0;
	_ =	sdelay $0xe  }
0x9e: {  	s30 =	spop (v2sf)  }
0x9f: {  	p1 =	seq.s32 s2, s30  }
0xa0: {  	p3 =	sgt.s32 @!p1 s2, $0x0;
	s0 =	sshll.u32 @!p1 s31, $0x9;
	s31 =	sadd.s32 @!p1 $0x1, s31  }
.Ltmp9:
0xa1: {  	p3 =	por !p3, p1;
	s0 =	sshra.s32 @!p1 s0, $0x2;
	(pc) =	sbr.rel @!p2 .LBB2_10-.Ltmp9, $4  }
0xa2: {  	s31 =	smov.u32 @p1 s9;
	s2 =	simm.s32 @p3 $0x0;
	s0 =	sadd.s32 @!p1 $0x7988, s0  }
0xa3: {  	s2 =	smin.u32 @!p1 s2, $0x3F0  }
0xa4: {  	s3 =	sand.u32 @!p1 $0x3F8, s2;
	s2 =	sand.u32 @!p1 $0x7, s2  }
0xa5: {  	s29 =	sadd.s32 $0x1, s29;
	s3 =	sadd.s32 @!p1 s1, s3  }
.LBB2_11:
0xa6: {  	[tilespmem:s0], [sflag:$0x2] =	stream.linear.gather @!p1 [hbm4b:s3+s2], $0x80, $0x38;
	[tilespmem:$0x1F6E8] =	vst v63  }
.Ltmp10:
0xa7: {  	s30 =	sshll.u32 s31, $0x7;
	(pc) =	sbr.rel .LBB2_12-.Ltmp10, $4  }
0xa8: {  	s31 =	simm.s32 $0x2;
	s0 =	sand.u32 $0x3FFFFF80, s30  }
0xa9: {  	_ =	swait.ge [sflag:s31], s0  }
0xaa: {  	s0 =	ssub.s32 $0x0, s0;
	[sflag:s31] =	ssyncset.done $0x0  }
0xab: {  	s29 =	simm.s32 $0x0;
	[sflag:s31] =	ssyncadd.s32 s0  }
.LBB2_13:
0xac: {  	v1 =	vld [tilespmem:s23+$0xFFFFFFC0];
	_ =	sdelay $0x3  }
0xad: {  	s0 =	sshra.s32 s0, $0x2  }
0xae: {  	[tilespmem:s0+$0x108] =	vst.add.f32.msk $0xffff, v1  }
0xaf: {  	v1 =	vld [tilespmem:s23+$0xFFFFFFD0];
	_ =	sdelay $0x4  }
0xb0: {  	[tilespmem:s0+$0x118] =	vst.add.f32.msk $0xffff, v1  }
0xb1: {  	v1 =	vld [tilespmem:s23+$0xFFFFFFE0];
	_ =	sdelay $0x4  }
0xb2: {  	[tilespmem:s0+$0x128] =	vst.add.f32.msk $0xffff, v1  }
0xb3: {  	v1 =	vld [tilespmem:s23+$0xFFFFFFF0];
	_ =	sdelay $0x4  }
0xb4: {  	[tilespmem:s0+$0x138] =	vst.add.f32.msk $0xffff, v1  }
0xb5: {  	v1 =	vld [tilespmem:s23+$0x0];
	_ =	sdelay $0x4  }
0xb6: {  	[tilespmem:s0+$0x148] =	vst.add.f32.msk $0xffff, v1  }
0xb7: {  	v1 =	vld [tilespmem:s23+$0x10];
	_ =	sdelay $0x4  }
0xb8: {  	[tilespmem:s0+$0x158] =	vst.add.f32.msk $0xffff, v1  }
0xb9: {  	v1 =	vld [tilespmem:s23+$0x20];
	_ =	sdelay $0x4  }
0xba: {  	[tilespmem:s0+$0x168] =	vst.add.f32.msk $0xffff, v1  }
0xbb: {  	v1 =	vld [tilespmem:s23+$0x30];
	_ =	sdelay $0x4  }
0xbc: {  	[tilespmem:s0+$0x178] =	vst.add.f32.msk $0xffff, v1  }
.LBB2_17:
0xbd: {  	s24 =	sadd.s32 $0x1, s24  }
0xbe: {  	p1 =	seq.s32 s24, $0x0  }
.Ltmp11:
0xbf: {  	_ = 	snop;
	(pc) =	sbr.rel @p1 .LBB2_18-.Ltmp11, $2  }
0xc0: {  	_ =	sdelay $0x2  }
0xc1: {  	s21 =	sadd.s32 $0x1, s21;
	s23 =	sadd.s32 $0x80, s23;
	s26 =	smov.u32 s28  }
.LBB2_12:
0xc2: {  	v1 =	vld.msk [tilespmem:s21+$0x0], $0x1;
	_ =	sdelay $0x4  }
0xc3: {  	(v2sf) =	vpush v1, $0x0;
	_ =	sdelay $0xe  }
0xc4: {  	s28 =	spop (v2sf)  }
0xc5: {  	p1 =	sne.s32 s26, s28  }
.Ltmp12:
0xc6: {  	_ = 	snop;
	(pc) =	sbr.rel @!p1 .LBB2_13-.Ltmp12, $2  }
0xc7: {  	_ =	sdelay $0x2  }
0xc8: {  	s0 =	sshll.u32 s20, $0x9  }
0xc9: {  	p1 =	seq.s32 s26, s22  }
.Ltmp13:
0xca: {  	_ = 	snop;
	(pc) =	sbr.rel @!p1 .LBB2_15-.Ltmp13, $1  }
0xcb: {  	_ =	sdelay $0x3  }
0xcc: {  	s0 =	sshra.s32 s0, $0x2  }
.Ltmp14:
0xcd: {  	s0 =	sadd.s32 $0x108, s0;
	(pc) =	sbr.rel .LBB2_16-.Ltmp14, $4  }
0xce: {  	[spmem:s14] =	stream.linear.scatter [tilespmem:s0], [sflag:$0x1], $0x80, $0x38;
	[tilespmem:$0x1F6E8] =	vst v63  }
0xcf: {  	_ =	swait.ge [sflag:s12], $0x80  }
0xd0: {  	[sflag:s12] =	ssyncset.done $0x0  }
0xd1: {  	[sflag:s12] =	ssyncadd.s32 $0xFFFFFF80  }
.LBB2_15:
0xd2: {  	s2 =	sshll.u32 s25, $0x9  }
0xd3: {  	s2 =	sshra.s32 s2, $0x2  }
0xd4: {  	v1 =	vld [tilespmem:s2+$0x7988];
	_ =	sdelay $0x3  }
0xd5: {  	s0 =	sshra.s32 s0, $0x2  }
0xd6: {  	[tilespmem:s0+$0x108] =	vst.add.f32.msk $0xffff, v1  }
0xd7: {  	v1 =	vld [tilespmem:s2+$0x7998];
	_ =	sdelay $0x4  }
0xd8: {  	[tilespmem:s0+$0x118] =	vst.add.f32.msk $0xffff, v1  }
0xd9: {  	v1 =	vld [tilespmem:s2+$0x79A8];
	_ =	sdelay $0x4  }
0xda: {  	[tilespmem:s0+$0x128] =	vst.add.f32.msk $0xffff, v1  }
0xdb: {  	v1 =	vld [tilespmem:s2+$0x79B8];
	_ =	sdelay $0x4  }
0xdc: {  	[tilespmem:s0+$0x138] =	vst.add.f32.msk $0xffff, v1  }
0xdd: {  	v1 =	vld [tilespmem:s2+$0x79C8];
	_ =	sdelay $0x4  }
0xde: {  	[tilespmem:s0+$0x148] =	vst.add.f32.msk $0xffff, v1  }
0xdf: {  	v1 =	vld [tilespmem:s2+$0x79D8];
	_ =	sdelay $0x4  }
0xe0: {  	[tilespmem:s0+$0x158] =	vst.add.f32.msk $0xffff, v1  }
0xe1: {  	v1 =	vld [tilespmem:s2+$0x79E8];
	_ =	sdelay $0x4  }
0xe2: {  	[tilespmem:s0+$0x168] =	vst.add.f32.msk $0xffff, v1  }
0xe3: {  	v1 =	vld [tilespmem:s2+$0x79F8];
	_ =	sdelay $0x2  }
0xe4: {  	p1 =	sgt.u32 s26, $0x3F0  }
0xe5: {  	s2 =	sand.u32 @!p1 $0x3F8, s26  }
0xe6: {  	s3 =	sadd.s32 $0x108, s0;
	[tilespmem:s0+$0x178] =	vst.add.f32.msk $0xffff, v1;
	s0 =	sadd.s32 @!p1 s1, s2;
	s2 =	sand.u32 @!p1 $0x7, s26  }
0xe7: {  	[hbm4b:s0+s2] =	stream.linear.scatter @!p1 [tilespmem:s3], [sflag:$0xA], $0x80, $0x38;
	[tilespmem:$0x1F6E8] =	vst v63  }
0xe8: {  	s0 =	simm.s32 $0x0  }
0xe9: {  	s0 =	simm.s32 @!p1 $0x200  }
0xea: {  	s29 =	sadd.s32 s0, s29  }
.LBB2_16:
0xeb: {  	s0 =	sadd.s32 $0x1, s20  }
0xec: {  	s2 =	smulhi.u32 $0x88888889, s0;
	_ =	sdelay $0x1  }
0xed: {  	v1 =	vld [tilespmem:s23+$0xFFFFFFC0];
	s2 =	sshrl.u32 s2, $0x7  }
0xee: {  	s2 =	smul.u32 $0xF0, s2;
	_ =	sdelay $0x1  }
0xef: {  	s20 =	ssub.s32 s0, s2  }
0xf0: {  	s0 =	sshll.u32 s20, $0x7  }
0xf1: {  	[tilespmem:s0+$0x108] =	vst v1  }
0xf2: {  	v1 =	vld [tilespmem:s23+$0xFFFFFFD0];
	_ =	sdelay $0x4  }
0xf3: {  	[tilespmem:s0+$0x118] =	vst v1  }
0xf4: {  	v1 =	vld [tilespmem:s23+$0xFFFFFFE0];
	_ =	sdelay $0x4  }
0xf5: {  	[tilespmem:s0+$0x128] =	vst v1  }
0xf6: {  	v1 =	vld [tilespmem:s23+$0xFFFFFFF0];
	_ =	sdelay $0x4  }
0xf7: {  	[tilespmem:s0+$0x138] =	vst v1  }
0xf8: {  	v1 =	vld [tilespmem:s23+$0x0];
	_ =	sdelay $0x4  }
0xf9: {  	[tilespmem:s0+$0x148] =	vst v1  }
0xfa: {  	v1 =	vld [tilespmem:s23+$0x10];
	_ =	sdelay $0x4  }
0xfb: {  	[tilespmem:s0+$0x158] =	vst v1  }
0xfc: {  	v1 =	vld [tilespmem:s23+$0x20];
	_ =	sdelay $0x4  }
0xfd: {  	[tilespmem:s0+$0x168] =	vst v1  }
0xfe: {  	v1 =	vld [tilespmem:s23+$0x30]  }
.Ltmp15:
0xff: {  	_ = 	snop;
	(pc) =	sbr.rel .LBB2_17-.Ltmp15, $2  }
0x100: {  	_ =	sdelay $0x2  }
0x101: {  	s25 =	sadd.s32 $0x1, s25;
	[tilespmem:s0+$0x178] =	vst v1  }
.LBB2_19:
.Ltmp16:
0x102: {  	(pc) =	sbr.rel .LBB2_20-.Ltmp16, $4  }
0x103: {  	_ = 	snop  }
0x104: {  	s0 =	simm.s32 $0x2  }
0x105: {  	_ =	swait.ge [sflag:s0], $0x0  }
0x106: {  	s28 =	smov.u32 s26;
	[sflag:s0] =	ssyncset.done $0x0;
	s0 =	simm.s32 $0x0  }
.LBB2_22:
0x107: {  	_ =	sfence.sel $0x180000  }
0x108: {  	s0 =	simm.s32 $0x7;
	[bflag:$0x0] =	sbarrier.arrive $0xFFFF  }
0x109: {  	s24 =	simm.s32 $0x8;
	[sflag:s0] =	ssyncpa.u1 $0x1  }
0x10a: {  	s25 =	simm.s32 $0x9;
	[sflag:s24] =	ssyncpa.u1 $0x1  }
0x10b: {  	s26 =	simm.s32 $0x2;
	[sflag:s25] =	ssyncpa.u1 $0x1  }
0x10c: {  	[sflag:s26] =	ssyncpa.u1 $0x1  }
0x10d: {  	v0 =	vld [tilespmem:$0xF208];
	_ =	sdelay $0x4  }
0x10e: {  	(v2sf) =	vpush v0, $0x0  }
0x10f: {  	(v2sf) =	vpush v0, $0x1;
	_ =	sdelay $0x2  }
0x110: {  	(v2sf) =	vpush v0, $0x2;
	_ =	sdelay $0xa  }
0x111: {  	s0 =	spop (v2sf)  }
0x112: {  	s2 =	spop (v2sf)  }
0x113: {  	s3 =	smov.u32 s0;
	p0 =	sne.s32 s0, s2  }
0x114: {  	s3 =	simm.s32 @!p0 $0xFFFFFFFF  }
0x115: {  	v2 =	vimm.s32 $0x1;
	v3 =	vlaneseq.u32;
	v1 =	vmov s3;
	s3 =	spop (v2sf)  }
0x116: {  	v0 =	vperm.xlane v0, v2;
	v1 =	vperm.xlane v1, v3;
	p0 =	seq.s32 s3, $0xFFFFFFFF  }
0x117: {  	vm0 =	vcmask $0x3F04;
	s5 =	simm.s32 $0xF208;
	p1 =	sne.s32 @!p0 s0, s2  }
0x118: {  	s6 =	rddreg [dreg:$0x2];
	s0 =	simm.s32 @!p0 $0x1;
	v0 =	vsel vm0, v1, v0;
	p1 =	por !p1, p0  }
0x119: {  	s4 =	sor.u32 $0x1000, s6;
	s2 =	sshll.u32 @!p0 s3, $0x9;
	[tilespmem:$0xF208] =	vst v0;
	s0 =	simm.s32 @p1 $0x0  }
0x11a: {  	[spmem:s4] =	stream.linear.scatter [tilespmem:s5], [sflag:$0x1], $0x2, $0x38;
	[tilespmem:$0x1F6E8] =	vst v63  }
0x11b: {  	s2 =	sshra.s32 @!p0 s2, $0x2;
	s0 =	sor.u32 @!p0 s0, s6  }
0x11c: {  	s2 =	sadd.s32 @!p0 $0x108, s2;
	s0 =	sshll.u32 @!p0 s0, $0x7  }
0x11d: {  	[spmem:s0] =	stream.linear.scatter @!p0 [tilespmem:s2], [sflag:$0x1], $0x80, $0x38;
	[tilespmem:$0x1F6E8] =	vst v63  }
0x11e: {  	s2 =	simm.s32 @!p0 $0x82  }
0x11f: {  	s0 =	simm.s32 $0x1;
	s2 =	simm.s32 @p0 $0x2  }
0x120: {  	_ =	swait.ge [sflag:s0], s2  }
0x121: {  	s2 =	ssub.s32 $0x0, s2;
	[sflag:s0] =	ssyncset.done $0x0  }
0x122: {  	[sflag:s0] =	ssyncadd.s32 s2  }
0x123: {  	_ =	sfence.stream.spmem  }
0x124: {  	s28 =	simm.s32 $0x3;
	[bflag:$0x0] =	sbarrier.arrive $0xFFFF  }
0x125: {  	s29 =	simm.s32 $0x4;
	[sflag:s28] =	ssyncpa.u1 $0x1  }
0x126: {  	s30 =	simm.s32 $0x3C;
	s31 =	stileid.u32;
	[sflag:s29] =	ssyncpa.u1 $0x1  }
0x127: {  	p0 =	sne.s32 s31, $0x0;
	[sflag:s30] =	ssyncpa.u1 $0x1  }
0x128: {  	_ =	sfence @p0  }
0x129: {  	[sflag:s0] =	ssyncpa.u1 @p0 $0x1  }
0x12a: {  	_ =	strace @p0 $0x9000005F  }
0x12b: {  	[bflag:$0x2] =	sbarrier.arrive @p0 $0xFFFF  }
0x12c: {  	_ =	shalt @p0  }
.LBB2_23:
0x12d: {  	_ =	sfence.stream.spmem;
	s0 =	simm.s32 $0x5  }
0x12e: {  	s2 =	simm.s32 $0x1000;
	s3 =	simm.s32 $0xF218;
	[sflag:s0] =	ssyncpa.u1 $0x0  }
0x12f: {  	[tilespmem:s3], [sflag:$0x5] =	stream.linear.gather [spmem:s2], $0x20, $0x38;
	[tilespmem:$0x1F6E8] =	vst v63  }
0x130: {  	s30 =	simm.s32 $0xF238;
	s2 =	simm.s32 $0x0  }
0x131: {  	[tilespmem:s30], [sflag:$0x5] =	stream.linear.gather [spmem:s2], $0x1000, $0x38;
	[tilespmem:$0x1F6E8] =	vst v63  }
.Ltmp17:
0x132: {  	_ = 	snop;
	(pc) =	sbr.rel .LBB2_24-.Ltmp17, $4  }
0x133: {  	_ =	swait.ge [sflag:s0], $0x1020  }
0x134: {  	[sflag:s0] =	ssyncset.done $0x0  }
0x135: {  	s31 =	simm.s32 $0x6;
	[sflag:s0] =	ssyncadd.s32 $0xFFFFEFE0  }
0x136: {  	s3 =	simm.s32 $0x0;
	[sflag:s31] =	ssyncpa.u1 $0x0  }
.LBB2_30:
0x137: {  	p0 =	slt.u32 s4, $0x3F1  }
0x138: {  	s0 =	sand.u32 @p0 $0x3F8, s4  }
0x139: {  	s4 =	sand.u32 @p0 $0x7, s4;
	s5 =	simm.s32 @p0 $0xF188;
	s0 =	sadd.s32 @p0 s1, s0  }
0x13a: {  	[tilespmem:s5], [sflag:$0x6] =	stream.linear.gather @p0 [hbm4b:s0+s4], $0x80, $0x38;
	[tilespmem:$0x1F6E8] =	vst v63  }
0x13b: {  	s0 =	simm.s32 @p0 $0x6  }
0x13c: {  	_ =	swait.ge @p0 [sflag:s0], $0x80  }
0x13d: {  	[sflag:s0] =	ssyncset.done @p0 $0x0  }
0x13e: {  	[sflag:s0] =	ssyncadd.s32 @p0 $0xFFFFFF80  }
0x13f: {  	v1 =	vld @p0 [tilespmem:$0xF188];
	_ =	sdelay $0x2  }
0x140: {  	s0 =	sshll.u32 @p0 s3, $0x9  }
0x141: {  	s4 =	sshrl.u32 @p0 s0, $0x2  }
0x142: {  	[tilespmem:s4+$0xF238] =	vst.add.f32.msk @p0 $0xffff, v1  }
0x143: {  	v1 =	vld @p0 [tilespmem:$0xF198];
	_ =	sdelay $0x4  }
0x144: {  	[tilespmem:s4+$0xF248] =	vst.add.f32.msk @p0 $0xffff, v1  }
0x145: {  	v1 =	vld @p0 [tilespmem:$0xF1A8];
	_ =	sdelay $0x4  }
0x146: {  	[tilespmem:s4+$0xF258] =	vst.add.f32.msk @p0 $0xffff, v1  }
0x147: {  	v1 =	vld @p0 [tilespmem:$0xF1B8];
	_ =	sdelay $0x4  }
0x148: {  	[tilespmem:s4+$0xF268] =	vst.add.f32.msk @p0 $0xffff, v1  }
0x149: {  	v1 =	vld @p0 [tilespmem:$0xF1C8];
	_ =	sdelay $0x4  }
0x14a: {  	[tilespmem:s4+$0xF278] =	vst.add.f32.msk @p0 $0xffff, v1  }
0x14b: {  	v1 =	vld @p0 [tilespmem:$0xF1D8];
	_ =	sdelay $0x4  }
0x14c: {  	[tilespmem:s4+$0xF288] =	vst.add.f32.msk @p0 $0xffff, v1  }
0x14d: {  	v1 =	vld @p0 [tilespmem:$0xF1E8];
	_ =	sdelay $0x4  }
0x14e: {  	[tilespmem:s4+$0xF298] =	vst.add.f32.msk @p0 $0xffff, v1  }
0x14f: {  	v1 =	vld @p0 [tilespmem:$0xF1F8];
	_ =	sdelay $0x3  }
0x150: {  	s5 =	sshll.u32 @!p0 s3, $0x9  }
0x151: {  	s5 =	smov.u32 @p0 s0;
	[tilespmem:s4+$0xF2A8] =	vst.add.f32.msk @p0 $0xffff, v1  }
0x152: {  	s0 =	sshrl.u32 s5, $0x2;
	[tilespmem:s2+$0xF218] =	vst.msk $0x1, v0  }
0x153: {  	v0 =	vld [tilespmem:s0+$0xF238];
	_ =	sdelay $0x2  }
0x154: {  	s31 =	sshll.u32 s2, $0x9  }
0x155: {  	s4 =	sshra.s32 s31, $0x2  }
0x156: {  	[tilespmem:s4+$0xF238] =	vst v0  }
0x157: {  	v0 =	vld [tilespmem:s0+$0xF248];
	_ =	sdelay $0x4  }
0x158: {  	[tilespmem:s4+$0xF248] =	vst v0  }
0x159: {  	v0 =	vld [tilespmem:s0+$0xF258];
	_ =	sdelay $0x4  }
0x15a: {  	[tilespmem:s4+$0xF258] =	vst v0  }
0x15b: {  	v0 =	vld [tilespmem:s0+$0xF268];
	_ =	sdelay $0x4  }
0x15c: {  	[tilespmem:s4+$0xF268] =	vst v0  }
0x15d: {  	v0 =	vld [tilespmem:s0+$0xF278];
	_ =	sdelay $0x4  }
0x15e: {  	[tilespmem:s4+$0xF278] =	vst v0  }
0x15f: {  	v0 =	vld [tilespmem:s0+$0xF288];
	_ =	sdelay $0x4  }
0x160: {  	[tilespmem:s4+$0xF288] =	vst v0  }
0x161: {  	v0 =	vld [tilespmem:s0+$0xF298];
	_ =	sdelay $0x4  }
0x162: {  	[tilespmem:s4+$0xF298] =	vst v0  }
0x163: {  	v0 =	vld [tilespmem:s0+$0xF2A8];
	_ =	sdelay $0x4  }
0x164: {  	s2 =	sadd.s32 $0x1, s2;
	[tilespmem:s4+$0xF2A8] =	vst v0  }
.LBB2_31:
0x165: {  	s3 =	sadd.s32 $0x1, s3  }
0x166: {  	p0 =	sne.s32 s3, $0x20  }
.Ltmp18:
0x167: {  	_ = 	snop;
	(pc) =	sbr.rel @!p0 .LBB2_32-.Ltmp18, $1  }
0x168: {  	_ =	sdelay $0x3  }
.LBB2_24:
0x169: {  	v0 =	vld.msk [tilespmem:s3+$0xF218], $0x1;
	_ =	sdelay $0x4  }
0x16a: {  	(v2sf) =	vpush v0, $0x0;
	_ =	sdelay $0xe  }
0x16b: {  	s4 =	spop (v2sf)  }
0x16c: {  	p0 =	seq.s32 s4, $0xFFFFFFFF  }
.Ltmp19:
0x16d: {  	_ = 	snop;
	(pc) =	sbr.rel @p0 .LBB2_31-.Ltmp19, $1  }
0x16e: {  	_ =	sdelay $0x3  }
0x16f: {  	p0 =	slt.s32 s2, $0x1  }
.Ltmp20:
0x170: {  	_ = 	snop;
	(pc) =	sbr.rel @p0 .LBB2_30-.Ltmp20, $1  }
0x171: {  	_ =	sdelay $0x3  }
0x172: {  	s5 =	simm.s32 $0xF218;
	p0 =	por $0x0, $0x0  }
0x173: {  	v1 =	vld.msk @!p0 [tilespmem:s5+$0x0], $0x1;
	_ =	sdelay $0x4  }
0x174: {  	(v2sf) =	vpush @!p0 v1, $0x0;
	_ =	sdelay $0xd  }
0x175: {  	p2 =	sne.s32 s2, $0x1  }
.Ltmp21:
0x176: {  	s0 =	spop @!p0 (v2sf);
	(pc) =	sbr.rel @!p2 .LBB2_28-.Ltmp21, $4  }
0x177: {  	p1 =	seq.s32 @!p0 s4, s0  }
0x178: {  	s6 =	simm.s32 $0x0;
	p1 =	por !p1, p0  }
0x179: {  	s0 =	simm.s32 $0xFFFFFFFF;
	s6 =	simm.s32 @p1 $0xFFFFFFFF  }
0x17a: {  	s7 =	simm.s32 $0x1;
	s6 =	smov.u32 @p0 s0  }
.LBB2_27:
0x17b: {  	s0 =	smov.u32 s6;
	p0 =	sne.s32 s6, $0xFFFFFFFF  }
0x17c: {  	s5 =	sadd.s32 $0x1, s5;
	s6 =	smov.u32 s7;
	s7 =	sadd.s32 $0x1, s7  }
0x17d: {  	p1 =	sne.s32 s2, s7;
	v1 =	vld.msk @!p0 [tilespmem:s5+$0x0], $0x1;
	_ =	sdelay $0x4  }
0x17e: {  	(v2sf) =	vpush @!p0 v1, $0x0;
	_ =	sdelay $0xe  }
.Ltmp22:
0x17f: {  	s8 =	spop @!p0 (v2sf);
	(pc) =	sbr.rel @p1 .LBB2_27-.Ltmp22, $4  }
0x180: {  	p2 =	seq.s32 @!p0 s4, s8  }
0x181: {  	p2 =	por !p2, p0  }
0x182: {  	s6 =	simm.s32 @p2 $0xFFFFFFFF  }
0x183: {  	s6 =	smov.u32 @p0 s0  }
.LBB2_28:
0x184: {  	p0 =	seq.s32 s6, $0xFFFFFFFF  }
.Ltmp23:
0x185: {  	_ = 	snop;
	(pc) =	sbr.rel @p0 .LBB2_30-.Ltmp23, $1  }
0x186: {  	_ =	sdelay $0x3  }
0x187: {  	s0 =	sshll.u32 s3, $0x7  }
0x188: {  	s0 =	sand.u32 $0x3FFFFF80, s0  }
0x189: {  	v0 =	vld [tilespmem:s0+$0xF238];
	_ =	sdelay $0x2  }
0x18a: {  	s4 =	sshll.u32 s6, $0x9  }
0x18b: {  	s4 =	sshra.s32 s4, $0x2  }
0x18c: {  	[tilespmem:s4+$0xF238] =	vst.add.f32.msk $0xffff, v0  }
0x18d: {  	v0 =	vld [tilespmem:s0+$0xF248];
	_ =	sdelay $0x4  }
0x18e: {  	[tilespmem:s4+$0xF248] =	vst.add.f32.msk $0xffff, v0  }
0x18f: {  	v0 =	vld [tilespmem:s0+$0xF258];
	_ =	sdelay $0x4  }
0x190: {  	[tilespmem:s4+$0xF258] =	vst.add.f32.msk $0xffff, v0  }
0x191: {  	v0 =	vld [tilespmem:s0+$0xF268];
	_ =	sdelay $0x4  }
0x192: {  	[tilespmem:s4+$0xF268] =	vst.add.f32.msk $0xffff, v0  }
0x193: {  	v0 =	vld [tilespmem:s0+$0xF278];
	_ =	sdelay $0x4  }
0x194: {  	[tilespmem:s4+$0xF278] =	vst.add.f32.msk $0xffff, v0  }
0x195: {  	v0 =	vld [tilespmem:s0+$0xF288];
	_ =	sdelay $0x4  }
0x196: {  	[tilespmem:s4+$0xF288] =	vst.add.f32.msk $0xffff, v0  }
0x197: {  	v0 =	vld [tilespmem:s0+$0xF298];
	_ =	sdelay $0x4  }
0x198: {  	[tilespmem:s4+$0xF298] =	vst.add.f32.msk $0xffff, v0  }
0x199: {  	v0 =	vld [tilespmem:s0+$0xF2A8]  }
.Ltmp24:
0x19a: {  	_ = 	snop;
	(pc) =	sbr.rel .LBB2_31-.Ltmp24, $2  }
0x19b: {  	_ =	sdelay $0x2  }
0x19c: {  	[tilespmem:s4+$0xF2A8] =	vst.add.f32.msk $0xffff, v0  }
.LBB2_32:
0x19d: {  	p0 =	slt.s32 s2, $0x1  }
.Ltmp25:
0x19e: {  	_ = 	snop;
	(pc) =	sbr.rel @p0 .LBB2_36-.Ltmp25, $3  }
0x19f: {  	_ =	sdelay $0x1  }
0x1a0: {  	s0 =	simm.s32 $0x6  }
0x1a1: {  	s3 =	simm.s32 $0x0;
	[sflag:s0] =	ssyncpa.u1 $0x1  }
0x1a2: {  	s0 =	simm.s32 $0xF218  }
0x1a3: {  	v0 =	vld.msk [tilespmem:s0+$0x0], $0x1;
	_ =	sdelay $0x4  }
0x1a4: {  	(v2sf) =	vpush v0, $0x0;
	_ =	sdelay $0xe  }
0x1a5: {  	s2 =	sadd.s32 $0xFFFFFFFF, s2;
	s0 =	spop (v2sf)  }
0x1a6: {  	p1 =	sne.s32 s2, $0x0;
	p0 =	sgt.u32 s0, $0x3F0  }
.Ltmp26:
0x1a7: {  	s5 =	sand.u32 @!p0 $0x3F8, s0;
	(pc) =	sbr.rel @!p1 .LBB2_35-.Ltmp26, $4  }
0x1a8: {  	s4 =	simm.s32 $0xF238;
	s0 =	sand.u32 @!p0 $0x7, s0;
	s5 =	sadd.s32 @!p0 s1, s5  }
0x1a9: {  	[hbm4b:s5+s0] =	stream.linear.scatter @!p0 [tilespmem:s4], [sflag:$0x5], $0x80, $0x38;
	[tilespmem:$0x1F6E8] =	vst v63  }
0x1aa: {  	s0 =	simm.s32 $0x0  }
0x1ab: {  	s5 =	simm.s32 $0xF219;
	s0 =	simm.s32 @!p0 $0x200  }
.LBB2_34:
0x1ac: {  	v0 =	vld.msk [tilespmem:s5+$0x0], $0x1;
	s2 =	sadd.s32 $0xFFFFFFFF, s2;
	s3 =	sadd.s32 s3, s0  }
0x1ad: {  	p0 =	sne.s32 s2, $0x0;
	_ =	sdelay $0x3  }
0x1ae: {  	(v2sf) =	vpush v0, $0x0;
	_ =	sdelay $0xe  }
.Ltmp27:
0x1af: {  	s6 =	spop (v2sf);
	(pc) =	sbr.rel @p0 .LBB2_34-.Ltmp27, $4  }
0x1b0: {  	s0 =	simm.s32 $0x0;
	p1 =	sgt.u32 s6, $0x3F0  }
0x1b1: {  	s4 =	sadd.s32 $0x80, s4;
	s0 =	simm.s32 @!p1 $0x200;
	s7 =	sand.u32 @!p1 $0x3F8, s6  }
0x1b2: {  	s5 =	sadd.s32 $0x1, s5;
	s6 =	sand.u32 @!p1 $0x7, s6;
	s7 =	sadd.s32 @!p1 s1, s7  }
0x1b3: {  	[hbm4b:s7+s6] =	stream.linear.scatter @!p1 [tilespmem:s4], [sflag:$0x5], $0x80, $0x38;
	[tilespmem:$0x1F6E8] =	vst v63  }
.LBB2_35:
0x1b4: {  	s0 =	sadd.s32 s3, s0  }
0x1b5: {  	s3 =	sshrl.u32 s0, $0x2  }
.LBB2_36:
0x1b6: {  	s0 =	simm.s32 $0x5  }
0x1b7: {  	_ =	swait.ge [sflag:s0], s3  }
0x1b8: {  	s1 =	ssub.s32 $0x0, s3;
	[sflag:s0] =	ssyncset.done $0x0  }
0x1b9: {  	[sflag:s0] =	ssyncadd.s32 s1  }
0x1ba: {  	[sflag:s0] =	ssyncpa.u1 $0x1  }
0x1bb: {  	s30 =	simm.s32 $0x1;
	_ =	sfence  }
0x1bc: {  	[sflag:s30] =	ssyncpa.u1 $0x1  }
0x1bd: {  	_ =	strace $0x9000005F  }
0x1be: {  	[bflag:$0x2] =	sbarrier.arrive $0xFFFF  }
0x1bf: {  	s31 =	rddreg [dreg:$0x1]  }
0x1c0: {  	s0 =	sadd.s32 $0x100000, s31  }
0x1c1: {  	[sflag:s0] =	ssyncadd.tile.s32 $0x1;
	_ =	shalt  }
.Lfunc_end2:
_tile_overlayer_lowered:
.L_overlay_start_2:
0x1c2: {  	(tag) =	ssettag $0x2  }
0x1c3: {  	s0 =	rddreg [dreg:$0x0];
	s2 =	stileid.u32  }
0x1c4: {  	s1 =	rddreg [dreg:$0x1];
	p0 =	sne.s32 s2, $0x0  }
0x1c5: {  	s3 =	rddreg [dreg:$0x2];
	[bflag:$0x3] =	sbarrier.arrive $0xFFFF;
	s2 =	simm.s32 @!p0 $0x1C01  }
0x1c6: {  	[timem:s3], [sflag:s2] =	dma.local @!p0 [hbm:s0], s1  }
0x1c7: {  	s0 =	simm.s32 @!p0 $0x1  }
0x1c8: {  	_ =	swait.ge @!p0 [sflag:s0], s1  }
0x1c9: {  	s1 =	ssub.s32 @!p0 $0x0, s1;
	[sflag:s0] =	ssyncset.done @!p0 $0x0  }
0x1ca: {  	[sflag:s0] =	ssyncadd.s32 @!p0 s1  }
0x1cb: {  	[bflag:$0x3] =	sbarrier.arrive $0xFFFF  }
0x1cc: {  	_ =	shalt  }

// kernel: scatter_offload_async_start
scs
__scs_entry_jumppad:
0x0: {  	(pc) =	sbr.rel $0x88, $3  }
0x1: {  	(tag) =	ssettag $0x0;
	lr =	simm.s32 $0x1  }
0x2: {  	[smem:$0x3F85] =	sst lr;
	_ =	strace $0xD0000000  }
0x3: {  	_ = 	snop  }
0x4: {  	_ = 	snop  }
0x5: {  	_ = 	snop  }
0x6: {  	_ = 	snop  }
0x7: {  	_ = 	snop  }
__scs_overlays_trampoline_lowered:
0x8: {  	[smem:$0x3F94] =	sst s0  }
0x9: {  	[smem:$0x3F95] =	sst s1  }
0xa: {  	[smem:$0x3F96] =	sst s2  }
0xb: {  	[smem:$0x3F97] =	sst s3  }
0xc: {  	[smem:$0x3F98] =	sst s4  }
0xd: {  	[smem:$0x3F99] =	sst s5  }
0xe: {  	[smem:$0x3F9A] =	sst s6  }
0xf: {  	[smem:$0x3F9B] =	sst s7  }
0x10: {  	[smem:$0x3F9C] =	sst s8  }
0x11: {  	[smem:$0x3F9D] =	sst s9;
	s0 =	simm.s32 @!p0 $0x0  }
0x12: {  	s1 =	sld [smem:$0x3F83];
	s0 =	simm.s32 @p0 $0x1  }
0x13: {  	[smem:$0x3F9E] =	sst s0;
	s0 =	simm.s32 @!p1 $0x0  }
0x14: {  	s2 =	sld [smem:$0x3F82];
	s0 =	simm.s32 @p1 $0x1  }
0x15: {  	[smem:$0x3F9F] =	sst s0;
	s0 =	simm.s32 @!p2 $0x0  }
0x16: {  	s3 =	sld [smem:$0x3FDB];
	s0 =	simm.s32 @p2 $0x1  }
0x17: {  	s4 =	simm.s32 $0x1BF5;
	[smem:$0x3FA1] =	sst s0  }
0x18: {  	s0 =	sld [smem:$0x3F84];
	_ =	swait.ge [sflag:s4], $0x0  }
0x19: {  	s7 =	sld [smem:$0x3F85]  }
0x1a: {  	s8 =	sadd.s32 $0xFFFFE003, lr  }
0x1b: {  	s9 =	sadd.s32 $0xFFFFFEF7, lr;
	s5 =	simm.s32 $0xFFFFFFFF;
	p2 =	slt.u32 s8, $0xFFFFF086  }
0x1c: {  	p1 =	slt.u32 s9, $0xF7A;
	s5 =	simm.s32 @!p2 $0x0  }
0x1d: {  	s5 =	simm.s32 @p1 $0x1;
	p0 =	seq.s32 s7, s2  }
0x1e: {  	s7 =	smul.u32 @!p0 $0xF7A, s2;
	p2 =	seq.s32 @!p0 s5, $0x0  }
0x1f: {  	s9 =	smul.u32 $0xF7A, s1;
	s8 =	simm.s32 @!p0 $0x1BF5;
	p2 =	por !p2, p0  }
0x20: {  	[sflag:s8] =	ssyncset.s32 @!p0 $0xFFFFF086;
	s6 =	sadd.s32 @!p0 s3, s7;
	s7 =	simm.s32 @!p0 $0x108  }
0x21: {  	s3 =	sadd.s32 s3, s9;
	s6 =	sadd.s32 @!p0 $0x88, s6;
	s7 =	simm.s32 @p2 $0x1082  }
0x22: {  	[simem:s7], [sflag:s8] =	dma.local @!p0 [hbm:s6], $0xF7A  }
0x23: {  	s9 =	sor.u32 $0xD0000000, s2;
	s6 =	simm.s32 $0x108;
	_ =	swait.ge @!p0 [sflag:s8], $0x0  }
0x24: {  	s3 =	sadd.s32 $0x88, s3;
	s6 =	simm.s32 @!p1 $0x1082;
	[sflag:s4] =	ssyncset.s32 $0xFFFFF086  }
0x25: {  	[simem:s6], [sflag:s4] =	dma.local [hbm:s3], $0xF7A  }
0x26: {  	[smem:$0x3F85] =	sst s1;
	(tag) =	ssettag s2;
	_ =	strace s9  }
0x27: {  	s1 =	sld [smem:$0x3F95]  }
0x28: {  	s2 =	sld [smem:$0x3F96]  }
0x29: {  	s4 =	sld [smem:$0x3F98]  }
0x2a: {  	p0 =	seq.s32 s5, $0x0;
	s5 =	sld [smem:$0x3F99]  }
0x2b: {  	s6 =	sld [smem:$0x3F9A]  }
0x2c: {  	s7 =	sld [smem:$0x3F9B]  }
0x2d: {  	s3 =	simm.s32 $0x108;
	s8 =	sld [smem:$0x3F9C]  }
0x2e: {  	s3 =	simm.s32 @!p0 $0x1082;
	s9 =	sld [smem:$0x3F9D]  }
0x2f: {  	lr =	sadd.s32 s0, s3;
	s0 =	sld [smem:$0x3F94]  }
0x30: {  	s3 =	sld [smem:$0x3F97]  }
0x31: {  	[smem:$0x3FA0] =	sst s10  }
0x32: {  	s10 =	sld [smem:$0x3F9E];
	_ =	sdelay $0x3  }
0x33: {  	p0 =	seq.s32 s10, $0x1;
	s10 =	sld [smem:$0x3FA0];
	_ =	sdelay $0x3  }
0x34: {  	[smem:$0x3FA0] =	sst s10  }
0x35: {  	s10 =	sld [smem:$0x3F9F];
	_ =	sdelay $0x3  }
0x36: {  	p1 =	seq.s32 s10, $0x1;
	s10 =	sld [smem:$0x3FA0];
	_ =	sdelay $0x3  }
0x37: {  	[smem:$0x3FA0] =	sst s10  }
0x38: {  	s10 =	sld [smem:$0x3FA1]  }
0x39: {  	_ = 	snop;
	(pc) =	sbr.ind lr, $3  }
0x3a: {  	_ = 	snop  }
0x3b: {  	_ = 	snop  }
0x3c: {  	p2 =	seq.s32 s10, $0x1;
	s10 =	sld [smem:$0x3FA0]  }
0x3d: {  	_ =	shalt  }
0x3e: {  	_ =	shalt  }
0x3f: {  	_ =	shalt  }
0x40: {  	_ =	shalt  }
0x41: {  	_ =	shalt  }
0x42: {  	_ =	shalt  }
0x43: {  	_ =	shalt  }
0x44: {  	_ =	shalt  }
0x45: {  	_ =	shalt  }
0x46: {  	_ =	shalt  }
0x47: {  	_ =	shalt  }
0x48: {  	_ =	shalt  }
0x49: {  	_ =	shalt  }
0x4a: {  	_ =	shalt  }
0x4b: {  	_ =	shalt  }
0x4c: {  	_ =	shalt  }
0x4d: {  	_ =	shalt  }
0x4e: {  	_ =	shalt  }
0x4f: {  	_ =	shalt  }
0x50: {  	_ =	shalt  }
0x51: {  	_ =	shalt  }
0x52: {  	_ =	shalt  }
0x53: {  	_ =	shalt  }
0x54: {  	_ =	shalt  }
0x55: {  	_ =	shalt  }
0x56: {  	_ =	shalt  }
0x57: {  	_ =	shalt  }
0x58: {  	_ =	shalt  }
0x59: {  	_ =	shalt  }
0x5a: {  	_ =	shalt  }
0x5b: {  	_ =	shalt  }
0x5c: {  	_ =	shalt  }
0x5d: {  	_ =	shalt  }
0x5e: {  	_ =	shalt  }
0x5f: {  	_ =	shalt  }
0x60: {  	_ =	shalt  }
0x61: {  	_ =	shalt  }
0x62: {  	_ =	shalt  }
0x63: {  	_ =	shalt  }
0x64: {  	_ =	shalt  }
0x65: {  	_ =	shalt  }
0x66: {  	_ =	shalt  }
0x67: {  	_ =	shalt  }
0x68: {  	_ =	shalt  }
0x69: {  	_ =	shalt  }
0x6a: {  	_ =	shalt  }
0x6b: {  	_ =	shalt  }
0x6c: {  	_ =	shalt  }
0x6d: {  	_ =	shalt  }
0x6e: {  	_ =	shalt  }
0x6f: {  	_ =	shalt  }
0x70: {  	_ =	shalt  }
0x71: {  	_ =	shalt  }
0x72: {  	_ =	shalt  }
0x73: {  	_ =	shalt  }
0x74: {  	_ =	shalt  }
0x75: {  	_ =	shalt  }
0x76: {  	_ =	shalt  }
0x77: {  	_ =	shalt  }
0x78: {  	_ =	shalt  }
0x79: {  	_ =	shalt  }
0x7a: {  	_ =	shalt  }
0x7b: {  	_ =	shalt  }
0x7c: {  	_ =	shalt  }
0x7d: {  	_ =	shalt  }
0x7e: {  	_ =	shalt  }
0x7f: {  	_ =	shalt  }
0x80: {  	_ =	shalt  }
0x81: {  	_ =	shalt  }
0x82: {  	_ =	shalt  }
0x83: {  	_ =	shalt  }
0x84: {  	_ =	shalt  }
0x85: {  	_ =	shalt  }
0x86: {  	_ =	shalt  }
0x87: {  	_ =	shalt  }
.Lfunc_end0:
.L_simem_size_0:
called_computation_lowered:
.L_overlay_start_0:
0x88: {  	s2 =	sld [smem:$0x3FD9]  }
0x89: {  	s3 =	sld [smem:$0x3FFE];
	_ =	sdelay $0x1  }
0x8a: {  	s1 =	srdreg.scid  }
0x8b: {  	s0 =	sand.u32 $0x1, s1  }
0x8c: {  	s15 =	sshll.u32 s0, $0xA;
	s2 =	sadd.s32 s3, s2  }
0x8d: {  	s2 =	sadd.s32 s2, s15  }
0x8e: {  	[smem:$0x3FAC] =	sst s2  }
0x8f: {  	_ = 	snop  }
0x90: {  	(tm) =	ssettm $0x1  }
0x91: {  	s16 =	sld [smem:$0x3FFB];
	_ =	sdelay $0x3  }
0x92: {  	_ =	strace s16  }
0x93: {  	s2 =	sld [smem:$0x3FFC];
	_ =	sdelay $0x3  }
0x94: {  	_ =	strace s2  }
0x95: {  	s2 =	sld [smem:$0x3FFD];
	_ =	sdelay $0x3  }
0x96: {  	_ =	strace s2  }
0x97: {  	_ =	strace $0x8FFFFFFF  }
0x98: {  	s17 =	sld [smem:$0x3FDB];
	_ =	sdelay $0x1  }
0x99: {  	s18 =	simm.s32 $_scs_section_size  }
0x9a: {  	s4 =	simm.s32 $_size__tile_overlayer_lowered;
	s5 =	simm.s32 $_tile_overlayer_lowered  }
0x9b: {  	s6 =	simm.s32 $0x1BFF;
	s19 =	sshll.u32 s5, $0x1;
	s3 =	sadd.s32 s18, s17  }
0x9c: {  	s20 =	simm.s32 $0x0;
	s4 =	sshll.u32 s4, $0x1;
	s5 =	sadd.s32 s19, s3  }
0x9d: {  	[timem:s20], [sflag:s6] =	dma.local [hbm:s5], s4  }
0x9e: {  	_ =	swait.ge [sflag:s6], s4  }
0x9f: {  	s4 =	ssub.s32 $0x0, s4;
	[sflag:s6] =	ssyncset.done $0x0  }
0xa0: {  	[sflag:s6] =	ssyncadd.s32 s4;
	_ =	sdelay $0x1  }
0xa1: {  	s21 =	simm.s32 $0x1B8B  }
0xa2: {  	_ =	swait.ge [sflag:s21], $0x1  }
0xa3: {  	[sflag:s21] =	ssyncset.done $0x0  }
0xa4: {  	s22 =	sld [smem:$0x3FFE];
	[sflag:s21] =	ssyncadd.s32 $0xFFFFFFFF  }
0xa5: {  	s24 =	simm.s32 $0x1B8E;
	s23 =	sld [smem:$0x0]  }
0xa6: {  	s25 =	simm.s32 $execute0_lowered;
	[smem:$0x3FD2] =	sst s24  }
0xa7: {  	s6 =	sshll.u32 s25, $0x1;
	_ =	strace $0x80000049;
	[dreg:$0x1] =	wrdreg $0xFFFFFFFF  }
0xa8: {  	s7 =	simm.s32 $_size_execute0_lowered;
	s6 =	sadd.s32 s3, s6;
	[dreg:$0x0] =	wrdreg $0x0  }
0xa9: {  	s7 =	sshll.u32 s7, $0x1;
	[dreg:$0x2] =	wrdreg s6  }
0xaa: {  	[dreg:$0x3] =	wrdreg s7  }
0xab: {  	[dreg:$0x4] =	wrdreg $0xC0  }
0xac: {  	s26 =	simm.s32 $execute1_lowered;
	_ =	task [dreg:s20], $0x5FFFF  }
0xad: {  	s6 =	sshll.u32 s26, $0x1;
	[dreg:$0x1] =	wrdreg $0xFFFFFFFF  }
0xae: {  	s3 =	sadd.s32 s3, s6;
	[dreg:$0x0] =	wrdreg $0x60  }
0xaf: {  	[dreg:$0x2] =	wrdreg s3  }
0xb0: {  	[dreg:$0x3] =	wrdreg s22  }
0xb1: {  	[dreg:$0x4] =	wrdreg $0x9  }
0xb2: {  	_ =	task.clear_ibuf [dreg:s20], $0x5FFFF;
	_ =	strace $0x90000049  }
0xb3: {  	s28 =	simm.s32 $0x9;
	_ =	strace $0x8000004B  }
0xb4: {  	_ =	swait.ge [sflag:s28], $0x1  }
0xb5: {  	[sflag:s28] =	ssyncadd.s32 $0xFFFFFFFF  }
0xb6: {  	_ =	strace $0x9000004B  }
0xb7: {  	s3 =	sld [smem:$0x0]  }
0xb8: {  	s6 =	sand.u32 $0xFFFFFFFE, s1  }
0xb9: {  	p0 =	sne.s32 s1, s6  }
0xba: {  	s6 =	sshll.u32 @p0 s6, $0xE  }
0xbb: {  	s6 =	sadd.s32 @p0 $0x11BF3, s6;
	s7 =	sshll.u32 @p0 s3, $0x11  }
0xbc: {  	s6 =	sor.u32 @p0 s7, s6  }
0xbd: {  	[sflag:s6] =	ssyncadd.remote.s32 @p0 $0x1;
	_ =	sdelay $0x1  }
0xbe: {  	s6 =	simm.s32 @p0 $0x1BF3  }
0xbf: {  	_ =	swait.eq @p0 [sflag:s6], $0x1  }
0xc0: {  	[sflag:s6] =	ssyncadd.s32 @p0 $0xFFFFFFFF  }
0xc1: {  	s7 =	sshll.u32 @!p0 s1, $0xE  }
0xc2: {  	s7 =	sor.u32 @!p0 $0x4000, s7;
	s6 =	simm.s32 @!p0 $0x1BF3  }
0xc3: {  	s3 =	sshll.u32 @!p0 s3, $0x11;
	s7 =	sadd.s32 @!p0 $0x11BF3, s7;
	_ =	swait.eq @!p0 [sflag:s6], $0x1  }
0xc4: {  	s3 =	sor.u32 @!p0 s3, s7;
	[sflag:s6] =	ssyncadd.s32 @!p0 $0xFFFFFFFF  }
0xc5: {  	[sflag:s3] =	ssyncadd.remote.s32 @!p0 $0x1  }
0xc6: {  	_ =	strace $0x8000004C;
	[dreg:$0x1] =	wrdreg $0xFFFFFFFF  }
0xc7: {  	[dreg:$0x0] =	wrdreg $0x2030  }
0xc8: {  	[dreg:$0x2] =	wrdreg s22  }
0xc9: {  	[dreg:$0x3] =	wrdreg s1  }
0xca: {  	[dreg:$0x4] =	wrdreg s23  }
0xcb: {  	[dreg:$0x5] =	wrdreg $0xA  }
0xcc: {  	_ =	task.clear_ibuf [dreg:s20], $0x6FFFF;
	_ =	strace $0x9000004C  }
0xcd: {  	s29 =	simm.s32 $0xA;
	_ =	strace $0x8000004E  }
0xce: {  	_ =	swait.ge [sflag:s29], $0x1  }
0xcf: {  	[sflag:s29] =	ssyncadd.s32 $0xFFFFFFFF  }
0xd0: {  	_ =	strace $0x9000004E  }
0xd1: {  	_ =	sfence  }
0xd2: {  	s30 =	sld [smem:$0x0];
	_ =	sdelay $0x2  }
0xd3: {  	s31 =	sshll.u32 s1, $0xD;
	s1 =	sshrl.u32 s1, $0x2  }
0xd4: {  	s4 =	sand.u32 $0x4000, s31;
	s1 =	sadd.s32 s1, s30  }
0xd5: {  	s0 =	sor.u32 s4, s0;
	s1 =	sshll.u32 s1, $0x11  }
0xd6: {  	s0 =	sor.u32 s1, s0  }
0xd7: {  	s0 =	sadd.s32 $0x8F2B, s0  }
0xd8: {  	[sflag:s0] =	ssyncadd.remote.s32 $0x1  }
0xd9: {  	_ =	sfence.sel $0xFFFF  }
0xda: {  	[dreg:$0x0] =	wrdreg $0xFFFFFFFF;
	(pc) =	sbr.abs _section_cstart, $3  }
0xdb: {  	[dreg:$0x1] =	wrdreg $0xFFFFFFFF  }
0xdc: {  	_ =	task.clear_ibuf [dreg:s20], $0x2FFFF;
	_ =	strace $0x9FFFFFFF  }
0xdd: {  	(tm) =	ssettm $0x7FFFFFFF  }
tec
execute0_lowered:
.L_overlay_start_1:
0x0: {  	(tag) =	ssettag $0x1  }
0x1: {  	s2 =	rddreg [dreg:$0x0]  }
0x2: {  	s4 =	rddreg [dreg:$0x1]  }
0x3: {  	s0 =	rddreg [dreg:$0x2];
	s3 =	stileid.u32;
	[bflag:$0x3] =	sbarrier.arrive $0xFFFF  }
0x4: {  	s1 =	simm.s32 $_size_execute1_lowered;
	s29 =	srdreg.scid;
	p0 =	sne.s32 s3, $0x0  }
0x5: {  	s1 =	sshll.u32 s1, $0x1;
	s5 =	simm.s32 @!p0 $0x1C3F;
	s6 =	simm.s32 @!p0 $0x4060  }
0x6: {  	[timem:s6], [sflag:s5] =	dma.local @!p0 [hbm:s2], s1  }
0x7: {  	s2 =	sshll.u32 s29, $0x7  }
0x8: {  	s7 =	simm.s32 $0x1;
	s3 =	sshll.u32 s3, $0x8;
	s2 =	sand.u32 $0x80, s2  }
0x9: {  	s8 =	simm.s32 $0x2;
	s9 =	simm.s32 $0x0;
	s2 =	sor.u32 s3, s2  }
0xa: {  	s12 =	simm.s32 $0x0;
	s11 =	simm.s32 $0x0;
	s30 =	ssub.s32 $0x2800, s2  }
.Ltmp0:
0xb: {  	s5 =	simm.s32 $0x1;
	s31 =	sand.u32 $0xF80, s30;
	(pc) =	sbr.rel .LBB2_1-.Ltmp0, $4  }
0xc: {  	_ =	strace $0x8000004A;
	s3 =	sadd.s32 $0x566000, s4;
	p1 =	sne.s32 s31, $0x0  }
0xd: {  	[sflag:s5] =	ssyncpa.u1 $0x0;
	s6 =	sshrl.u32 s30, $0xC;
	s7 =	simm.s32 @!p1 $0x0  }
0xe: {  	s4 =	sadd.s32 $0x58E000, s4;
	[sflag:s8] =	ssyncpa.u1 $0x0;
	s6 =	sadd.s32 s7, s6  }
0xf: {  	s8 =	simm.s32 $0x0;
	s10 =	smov.u32 s2;
	s7 =	sadd.s32 $0x1, s6  }
.LBB2_4:
0x10: {  	_ =	sdelay $0x3  }
0x11: {  	[tilespmem:v0+s14+$0xFFFFFFA0 ss:$0x1] =	vst.idx.msk $0xffff, v6  }
0x12: {  	v56 =	vld.idx.msk [tilespmem:v1+s15+$0x30 ss:$0x1], $0xffff;
	[tilespmem:v0+s14+$0xFFFFFFB0 ss:$0x1] =	vst.idx.msk $0xffff, v4  }
0x13: {  	v57 =	vld.idx.msk [tilespmem:v1+s15+$0xFFFFFFC0 ss:$0x1], $0xffff;
	[tilespmem:v0+s14+$0xFFFFFFC0 ss:$0x1] =	vst.idx.msk $0xffff, v2  }
0x14: {  	v58 =	vld.idx.msk [tilespmem:v1+s15+$0xFFFFFFD0 ss:$0x1], $0xffff;
	[tilespmem:v0+s14+$0xFFFFFFD0 ss:$0x1] =	vst.idx.msk $0xffff, v3  }
0x15: {  	v59 =	vld.idx.msk [tilespmem:v1+s15+$0xFFFFFFE0 ss:$0x1], $0xffff;
	[tilespmem:v0+s14+$0xFFFFFFE0 ss:$0x1] =	vst.idx.msk $0xffff, v5  }
0x16: {  	v60 =	vld.idx.msk [tilespmem:v1+s15+$0xFFFFFFF0 ss:$0x1], $0xffff;
	[tilespmem:v0+s14+$0xFFFFFFF0 ss:$0x1] =	vst.idx.msk $0xffff, v7;
	s12 =	sand.u32 $0x1FFFFFF, s12  }
0x17: {  	v61 =	vld.idx.msk [tilespmem:v1+s15+$0x0 ss:$0x1], $0xffff;
	s31 =	smulhi.u32 $0xCCCCCD, s12;
	[tilespmem:v0+s15+$0x0 ss:$0x1] =	vst.idx.msk $0xffff, v56  }
0x18: {  	v62 =	vld.idx.msk [tilespmem:v1+s15+$0x10 ss:$0x1], $0xffff;
	[tilespmem:v0+s15+$0xFFFFFF90 ss:$0x1] =	vst.idx.msk $0xffff, v57  }
0x19: {  	v63 =	vld.idx.msk [tilespmem:v1+s15+$0x20 ss:$0x1], $0xffff;
	s14 =	sshrl.u32 s31, $0x5;
	[tilespmem:v0+s15+$0xFFFFFFA0 ss:$0x1] =	vst.idx.msk $0xffff, v58  }
0x1a: {  	s14 =	smul.u32 $0x2800, s14;
	[tilespmem:v0+s15+$0xFFFFFFB0 ss:$0x1] =	vst.idx.msk $0xffff, v59  }
0x1b: {  	[tilespmem:v0+s15+$0xFFFFFFC0 ss:$0x1] =	vst.idx.msk $0xffff, v60  }
0x1c: {  	[tilespmem:v0+s15+$0xFFFFFFD0 ss:$0x1] =	vst.idx.msk $0xffff, v61;
	s12 =	ssub.s32 s12, s14  }
0x1d: {  	[tilespmem:v0+s15+$0xFFFFFFE0 ss:$0x1] =	vst.idx.msk $0xffff, v62;
	s12 =	sshll.u32 s12, $0x4  }
0x1e: {  	[tilespmem:v0+s15+$0xFFFFFFF0 ss:$0x1] =	vst.idx.msk $0xffff, v63;
	s12 =	sadd.s32 s4, s12  }
0x1f: {  	[hbm4b:s12+s8] =	stream.linear.scatter [tilespmem:s13], [sflag:$0x2], $0x4000, $0x38;
	[tilespmem:$0x10000] =	vst v63  }
.LBB2_5:
0x20: {  	s14 =	sadd.s32 $0x1000, s10  }
0x21: {  	p2 =	sgt.s32 s14, $0x27FF  }
0x22: {  	s14 =	smov.u32 @p2 s2;
	p2 =	sne.s32 s11, s7  }
.Ltmp1:
0x23: {  	p1 =	slt.u32 s11, $0x2;
	(pc) =	sbr.rel @!p2 .LBB2_6-.Ltmp1, $4  }
0x24: {  	s13 =	simm.s32 @!p1 $0x2  }
0x25: {  	s15 =	sadd.s32 $0x1, s11;
	_ =	swait.ge @!p1 [sflag:s13], $0x4000  }
0x26: {  	s12 =	smov.u32 s10;
	s9 =	sadd.s32 $0x4000, s9;
	[sflag:s13] =	ssyncset.done @!p1 $0x0  }
0x27: {  	s11 =	smov.u32 s15;
	s10 =	smov.u32 s14;
	[sflag:s13] =	ssyncadd.s32 @!p1 $0xFFFFC000  }
.LBB2_1:
0x28: {  	p1 =	sge.u32 s11, s6  }
0x29: {  	s13 =	sand.u32 @!p1 $0x1FFFFFF, s10  }
0x2a: {  	s14 =	smulhi.u32 @!p1 $0xCCCCCD, s13;
	_ =	sdelay $0x1  }
0x2b: {  	s14 =	sshrl.u32 @!p1 s14, $0x5  }
0x2c: {  	s14 =	smul.u32 @!p1 $0x2800, s14;
	_ =	sdelay $0x1  }
0x2d: {  	s15 =	sxor.u32 @!p1 $0xFFFFFFFF, s11;
	s13 =	ssub.s32 @!p1 s13, s14  }
0x2e: {  	s31 =	sadd.s32 $0xFFFFFFFF, s11;
	s14 =	sshll.u32 @!p1 s15, $0xE;
	s13 =	sshll.u32 @!p1 s13, $0x4  }
0x2f: {  	s15 =	simm.s32 @!p1 $0x0;
	s14 =	sand.u32 @!p1 $0x4000, s14;
	s13 =	sadd.s32 @!p1 s3, s13  }
0x30: {  	[tilespmem:s14], [sflag:$0x1] =	stream.linear.gather @!p1 [hbm4b:s13+s15], $0x4000, $0x38;
	[tilespmem:$0x10000] =	vst v63  }
0x31: {  	p1 =	sge.u32 s31, s6  }
.Ltmp2:
0x32: {  	_ = 	snop;
	(pc) =	sbr.rel @p1 .LBB2_5-.Ltmp2, $1  }
0x33: {  	_ =	sdelay $0x3  }
0x34: {  	s13 =	sand.u32 $0x4000, s9  }
0x35: {  	s14 =	sor.u32 $0x40, s13  }
0x36: {  	v1 =	vmov s14;
	_ =	sdelay $0x1  }
0x37: {  	_ =	swait.ge [sflag:s5], $0x4000  }
0x38: {  	[sflag:s5] =	ssyncset.done $0x0  }
0x39: {  	[sflag:s5] =	ssyncadd.s32 $0xFFFFC000;
	s14 =	simm.s32 $0x0  }
0x3a: {  	s13 =	sor.u32 $0x8070, s13;
	v7 =	vld.idx.msk [tilespmem:v1+s14+$0x30 ss:$0x1], $0xffff  }
0x3b: {  	v0 =	vmov s13;
	v8 =	vld.idx.msk [tilespmem:v1+s14+$0xFFFFFFC0 ss:$0x1], $0xffff  }
0x3c: {  	v6 =	vld.idx.msk [tilespmem:v1+s14+$0xFFFFFFD0 ss:$0x1], $0xffff  }
0x3d: {  	v4 =	vld.idx.msk [tilespmem:v1+s14+$0xFFFFFFE0 ss:$0x1], $0xffff  }
0x3e: {  	v2 =	vld.idx.msk [tilespmem:v1+s14+$0xFFFFFFF0 ss:$0x1], $0xffff  }
0x3f: {  	s31 =	sshll.u32 s11, $0xE;
	v3 =	vld.idx.msk [tilespmem:v1+s14+$0x0 ss:$0x1], $0xffff  }
0x40: {  	s13 =	sand.u32 $0x4000, s31;
	v5 =	vld.idx.msk [tilespmem:v1+s14+$0x10 ss:$0x1], $0xffff;
	[tilespmem:v0+s14+$0x0 ss:$0x1] =	vst.idx.msk $0xffff, v7  }
0x41: {  	s15 =	simm.s32 $0x80;
	s16 =	simm.s32 $0x400;
	s13 =	sor.u32 $0x8000, s13;
	[tilespmem:v0+s14+$0xFFFFFF90 ss:$0x1] =	vst.idx.msk $0xffff, v8;
	v7 =	vld.idx.msk [tilespmem:v1+s14+$0x20 ss:$0x1], $0xffff  }
.LBB2_3:
0x42: {  	p1 =	sne.s32 s16, $0xFE00;
	v8 =	vld.idx.msk [tilespmem:v1+s15+$0x30 ss:$0x1], $0xffff;
	[tilespmem:v0+s14+$0xFFFFFFA0 ss:$0x1] =	vst.idx.msk $0xffff, v6  }
0x43: {  	v9 =	vld.idx.msk [tilespmem:v1+s15+$0xFFFFFFC0 ss:$0x1], $0xffff;
	[tilespmem:v0+s14+$0xFFFFFFB0 ss:$0x1] =	vst.idx.msk $0xffff, v4  }
0x44: {  	v6 =	vld.idx.msk [tilespmem:v1+s15+$0xFFFFFFD0 ss:$0x1], $0xffff;
	[tilespmem:v0+s14+$0xFFFFFFC0 ss:$0x1] =	vst.idx.msk $0xffff, v2  }
.Ltmp3:
0x45: {  	v4 =	vld.idx.msk [tilespmem:v1+s15+$0xFFFFFFE0 ss:$0x1], $0xffff;
	[tilespmem:v0+s14+$0xFFFFFFD0 ss:$0x1] =	vst.idx.msk $0xffff, v3;
	(pc) =	sbr.rel @p1 .LBB2_3-.Ltmp3, $4  }
0x46: {  	v2 =	vld.idx.msk [tilespmem:v1+s15+$0xFFFFFFF0 ss:$0x1], $0xffff;
	[tilespmem:v0+s14+$0xFFFFFFE0 ss:$0x1] =	vst.idx.msk $0xffff, v5  }
0x47: {  	v3 =	vld.idx.msk [tilespmem:v1+s15+$0x0 ss:$0x1], $0xffff;
	[tilespmem:v0+s14+$0xFFFFFFF0 ss:$0x1] =	vst.idx.msk $0xffff, v7;
	s14 =	smov.u32 s15  }
0x48: {  	v5 =	vld.idx.msk [tilespmem:v1+s14+$0x10 ss:$0x1], $0xffff;
	[tilespmem:v0+s14+$0x0 ss:$0x1] =	vst.idx.msk $0xffff, v8  }
0x49: {  	s15 =	sshra.s32 s16, $0x2;
	s16 =	sadd.s32 $0x200, s16;
	[tilespmem:v0+s14+$0xFFFFFF90 ss:$0x1] =	vst.idx.msk $0xffff, v9;
	v7 =	vld.idx.msk [tilespmem:v1+s14+$0x20 ss:$0x1], $0xffff  }
.Ltmp4:
0x4a: {  	_ = 	snop;
	(pc) =	sbr.rel .LBB2_4-.Ltmp4, $1  }
0x4b: {  	_ =	sdelay $0x3  }
.LBB2_6:
0x4c: {  	_ =	sfence.sel $0x180000  }
0x4d: {  	s2 =	simm.s32 $0x1;
	[bflag:$0x0] =	sbarrier.arrive $0xFFFF  }
0x4e: {  	s31 =	simm.s32 $0x2;
	[sflag:s2] =	ssyncpa.u1 $0x1  }
0x4f: {  	[sflag:s31] =	ssyncpa.u1 $0x1  }
0x50: {  	_ =	strace $0x9000004A  }
0x51: {  	s0 =	sadd.s32 @!p0 $0x100000, s0;
	[bflag:$0x2] =	sbarrier.arrive $0xFFFF  }
0x52: {  	[sflag:s0] =	ssyncadd.tile.s32 @!p0 $0x1;
	s0 =	simm.s32 @!p0 $0x3F  }
0x53: {  	_ =	swait.ge @!p0 [sflag:s0], s1  }
0x54: {  	s1 =	ssub.s32 @!p0 $0x0, s1;
	[sflag:s0] =	ssyncset.done @!p0 $0x0  }
0x55: {  	[sflag:s0] =	ssyncadd.s32 @!p0 s1  }
0x56: {  	[bflag:$0x3] =	sbarrier.arrive $0xFFFF  }
0x57: {  	_ =	shalt  }
.Lfunc_end2:
execute1_lowered:
.L_overlay_start_2:
0x58: {  	(tag) =	ssettag $0x2  }
0x59: {  	s0 =	rddreg [dreg:$0x0]  }
0x5a: {  	s2 =	rddreg [dreg:$0x1];
	_ =	strace $0x8000004D;
	s1 =	simm.s32 $0x1  }
0x5b: {  	s3 =	simm.s32 $0x108;
	v0 =	vimm.s32 $0x0;
	[sflag:s1] =	ssyncpa.u1 $0x0  }
0x5c: {  	[tilespmem:s3+$0x70] =	vst v0  }
0x5d: {  	[tilespmem:s3+$0x60] =	vst v0  }
0x5e: {  	[tilespmem:s3+$0x50] =	vst v0  }
0x5f: {  	[tilespmem:s3+$0x40] =	vst v0  }
0x60: {  	[tilespmem:s3+$0x30] =	vst v0  }
0x61: {  	s1 =	sadd.s32 $0x58E000, s0;
	s13 =	sadd.s32 $0x29600, s0;
	s6 =	sadd.s32 $0x51E00, s0;
	[tilespmem:s3+$0x20] =	vst v0  }
0x62: {  	s12 =	sadd.s32 $0x33800, s0;
	s2 =	sand.u32 $0x1, s2;
	s0 =	simm.s32 $0x40;
	[tilespmem:s3+$0x10] =	vst v0  }
.LBB3_1:
0x63: {  	s0 =	sadd.s32 $0x40, s0;
	[tilespmem:s3+$0x0] =	vst v0;
	s3 =	sadd.s32 $0x80, s3  }
0x64: {  	p0 =	slt.u32 s0, $0x3C40;
	[tilespmem:s3+$0x70] =	vst v0  }
0x65: {  	[tilespmem:s3+$0x60] =	vst v0  }
.Ltmp5:
0x66: {  	[tilespmem:s3+$0x50] =	vst v0;
	(pc) =	sbr.rel @p0 .LBB3_1-.Ltmp5, $4  }
0x67: {  	[tilespmem:s3+$0x40] =	vst v0  }
0x68: {  	[tilespmem:s3+$0x30] =	vst v0  }
0x69: {  	[tilespmem:s3+$0x20] =	vst v0  }
0x6a: {  	[tilespmem:s3+$0x10] =	vst v0  }
0x6b: {  	s7 =	simm.s32 $0x2;
	s30 =	stileid.u32  }
0x6c: {  	s8 =	simm.s32 $0x9;
	s0 =	simm.s32 $0xA;
	s10 =	simm.s32 $0xB  }
0x6d: {  	s31 =	smul.u32 $0x50A0, s2;
	s20 =	simm.s32 $0x0;
	p0 =	por $0x0, $0x0  }
.Ltmp6:
0x6e: {  	s15 =	simm.s32 $0x1;
	s16 =	simm.s32 $0xC;
	(pc) =	sbr.rel .LBB3_3-.Ltmp6, $4  }
0x6f: {  	[tilespmem:s3+$0x0] =	vst v0;
	v0 =	vimm.s32 $0xFFFFFFFF;
	s18 =	simm.s32 $0x0;
	s17 =	simm.s32 $0x0;
	[sflag:s7] =	ssyncpa.u1 $0x0  }
0x70: {  	s9 =	smul.u32 $0x2850, s30;
	s14 =	sshll.u32 s30, $0x8;
	[tilespmem:$0xF208] =	vst v0;
	[sflag:s8] =	ssyncpa.u1 $0x0  }
0x71: {  	s12 =	sadd.s32 s31, s12;
	s13 =	sadd.s32 s31, s13;
	[sflag:s0] =	ssyncpa.u1 $0x0  }
0x72: {  	v0 =	vlaneseq.u32;
	s11 =	sadd.s32 $0x2850, s9;
	s19 =	smov.u32 s9;
	[sflag:s10] =	ssyncpa.u1 $0x0  }
.LBB3_18:
0x73: {  	s0 =	sshrl.u32 s29, $0x2  }
.LBB3_20:
0x74: {  	_ =	swait.ge [sflag:s16], s0  }
0x75: {  	s31 =	ssub.s32 $0x0, s0;
	v1 =	vmov s23;
	vm0 =	veq.s32 v0, $0x0;
	[sflag:s16] =	ssyncset.done $0x0  }
0x76: {  	vm15 =	veq.s32 v0, $0x2;
	v1 =	vsel vm0, s28, v1;
	[sflag:s16] =	ssyncadd.s32 s31  }
0x77: {  	v1 =	vsel vm15, s20, v1;
	[sflag:s16] =	ssyncpa.u1 $0x1  }
0x78: {  	[tilespmem:$0xF208] =	vst v1  }
.LBB3_21:
0x79: {  	s0 =	sadd.s32 $0xF0, s19  }
0x7a: {  	s3 =	smov.u32 s9;
	s17 =	sadd.s32 $0x1, s17;
	p1 =	slt.s32 s0, s11  }
0x7b: {  	s3 =	smov.u32 @p1 s0;
	p1 =	sne.s32 s17, $0x2D  }
.Ltmp7:
0x7c: {  	_ = 	snop;
	(pc) =	sbr.rel @!p1 .LBB3_22-.Ltmp7, $3  }
0x7d: {  	_ =	sdelay $0x1  }
0x7e: {  	s20 =	smov.u32 s18  }
0x7f: {  	s18 =	smov.u32 s19;
	p0 =	por !p0, !p0;
	s19 =	smov.u32 s3  }
.LBB3_3:
0x80: {  	p1 =	sgt.u32 s17, $0x2A  }
0x81: {  	s0 =	smul.u32 @!p1 $0xAB, s17;
	_ =	sdelay $0x1  }
0x82: {  	s0 =	sshrl.u32 @!p1 s0, $0x9  }
0x83: {  	s4 =	smov.u32 s19;
	p2 =	sgt.s32 @!p1 s19, $0x28410;
	s0 =	sand.u32 @!p1 $0x7F, s0  }
0x84: {  	s5 =	sshra.s32 @!p1 s19, $0x1F;
	p2 =	por !p2, p1;
	s0 =	smul.u32 @!p1 $0x3, s0  }
0x85: {  	s5 =	sand.u32 @!p1 s5, s19;
	s4 =	simm.s32 @p2 $0x28410  }
0x86: {  	s4 =	ssub.s32 @!p1 s4, s5;
	s0 =	ssub.s32 @!p1 s17, s0  }
0x87: {  	s4 =	sadd.s32 @!p1 $0xFFFD7BF0, s4;
	s0 =	sand.u32 @!p1 $0xFF, s0  }
0x88: {  	s5 =	sshll.u32 @!p1 s4, $0x2;
	p2 =	sgt.s32 @!p1 s4, $0xEF;
	s0 =	smul.u32 @!p1 $0x3C0, s0  }
0x89: {  	s21 =	sand.u32 @!p1 $0x7, s19;
	s4 =	ssub.s32 @!p1 $0x3C0, s5;
	p2 =	por !p2, p1  }
0x8a: {  	s5 =	sshrl.u32 @!p1 s19, $0x3;
	s4 =	sshrl.u32 @!p1 s4, $0x2;
	s0 =	sshrl.u32 @!p1 s0, $0x2  }
0x8b: {  	s5 =	sadd.s32 @!p1 s5, s12;
	s4 =	simm.s32 @!p2 $0x0;
	s0 =	sadd.s32 @!p1 $0x10248, s0  }
0x8c: {  	[tilespmem:s0], [sflag:$0xA] =	stream.linear.gather @!p1 [hbm4b:s5+s21], s4, $0x38;
	[tilespmem:$0x1F6F8] =	vst v63  }
0x8d: {  	s0 =	sadd.s32 $0xFFFFFFFF, s17  }
0x8e: {  	p1 =	sgt.u32 s0, $0x2A  }
0x8f: {  	p2 =	sgt.s32 @!p1 s18, $0x28410  }
0x90: {  	s4 =	smov.u32 s18;
	s5 =	sshra.s32 @!p1 s18, $0x1F;
	p2 =	por !p2, p1  }
0x91: {  	s21 =	smul.u32 @!p1 $0xAB, s0;
	s5 =	sand.u32 @!p1 s5, s18;
	s4 =	simm.s32 @p2 $0x28410  }
0x92: {  	s4 =	ssub.s32 @!p1 s4, s5  }
0x93: {  	s5 =	sshrl.u32 @!p1 s21, $0x9;
	s4 =	sadd.s32 @!p1 $0xFFFD7BF0, s4  }
0x94: {  	s22 =	sand.u32 @!p1 $0x1, s0;
	s5 =	sand.u32 @!p1 $0x7F, s5;
	s21 =	sshll.u32 @!p1 s4, $0x2  }
0x95: {  	p2 =	sgt.s32 @!p1 s4, $0xEF;
	s5 =	smul.u32 @!p1 $0x3, s5;
	s4 =	ssub.s32 @!p1 $0x3C0, s21  }
0x96: {  	s23 =	smul.u32 @!p1 $0x3C0, s22;
	p2 =	por !p2, p1;
	s4 =	sshrl.u32 @!p1 s4, $0x2  }
0x97: {  	s21 =	simm.s32 @!p1 $0xA;
	s0 =	ssub.s32 @!p1 s0, s5;
	s4 =	simm.s32 @!p2 $0x0  }
0x98: {  	s22 =	smul.u32 @!p1 $0x1E000, s22;
	s0 =	sand.u32 @!p1 $0xFF, s0;
	_ =	swait.ge @!p1 [sflag:s21], s4  }
0x99: {  	s5 =	ssub.s32 @!p1 $0x0, s4;
	s0 =	smul.u32 @!p1 $0x3C0, s0;
	[sflag:s21] =	ssyncset.done @!p1 $0x0  }
0x9a: {  	[sflag:s21] =	ssyncadd.s32 @!p1 s5;
	s5 =	sshrl.u32 @!p1 s18, $0x3;
	s21 =	sshrl.u32 @!p1 s23, $0x2  }
0x9b: {  	s23 =	sand.u32 @!p1 $0x7, s18;
	s5 =	sadd.s32 @!p1 s5, s13;
	s21 =	sadd.s32 @!p1 $0x10518, s21  }
0x9c: {  	[tilespmem:s21], [sflag:$0xB] =	stream.linear.gather @!p1 [hbm4b:s5+s23], s4, $0x38;
	[tilespmem:$0x1F6F8] =	vst v63  }
0x9d: {  	s0 =	sshrl.u32 @!p1 s0, $0x2;
	s4 =	sshrl.u32 @!p1 s22, $0x2  }
0x9e: {  	s0 =	sadd.s32 @!p1 $0x10248, s0;
	s5 =	simm.s32 @!p1 $0xF0;
	s4 =	sor.u32 @!p1 $0x106F8, s4  }
0x9f: {  	[tilespmem:s4], [sflag:$0x9] =	stream.indirect.gather @!p1 [hbm4b:s6+s5], $0x80, s0, s5, $0xb8;
	[tilespmem:$0x1F6F8] =	vst v63  }
0xa0: {  	p1 =	slt.u32 s17, $0x2  }
.Ltmp8:
0xa1: {  	_ = 	snop;
	(pc) =	sbr.rel @p1 .LBB3_21-.Ltmp8, $1  }
0xa2: {  	_ =	sdelay $0x3  }
0xa3: {  	p1 =	sgt.s32 s20, $0x28410;
	s0 =	smov.u32 s20;
	s4 =	sshra.s32 s20, $0x1F  }
0xa4: {  	s0 =	simm.s32 @!p1 $0x28410;
	s4 =	sand.u32 s4, s20  }
0xa5: {  	s0 =	ssub.s32 s0, s4  }
0xa6: {  	s0 =	sadd.s32 $0xFFFD7BF0, s0  }
0xa7: {  	s30 =	sshll.u32 s0, $0x2  }
0xa8: {  	_ =	swait.ge [sflag:s8], $0x7800;
	s4 =	ssub.s32 $0x3C0, s30  }
0xa9: {  	[sflag:s8] =	ssyncset.done $0x0;
	p1 =	sgt.s32 s0, $0xEF;
	s0 =	sshrl.u32 s4, $0x2  }
0xaa: {  	[sflag:s8] =	ssyncadd.s32 $0xFFFF8800;
	s0 =	simm.s32 @p1 $0x0  }
0xab: {  	_ =	swait.ge [sflag:s10], s0  }
0xac: {  	s0 =	ssub.s32 $0x0, s0;
	[sflag:s10] =	ssyncset.done $0x0  }
0xad: {  	[sflag:s10] =	ssyncadd.s32 s0  }
0xae: {  	v1 =	vld [tilespmem:$0xF208];
	_ =	sdelay $0x4  }
0xaf: {  	(v2sf) =	vpush v1, $0x0  }
0xb0: {  	(v2sf) =	vpush v1, $0x1  }
0xb1: {  	(v2sf) =	vpush v1, $0x2;
	_ =	sdelay $0x3  }
0xb2: {  	s0 =	sadd.s32 $0xF0, s20  }
0xb3: {  	s4 =	ssub.s32 $0x50A00, s20;
	p1 =	slt.s32 s11, s0  }
0xb4: {  	s0 =	smov.u32 @p1 s11;
	p1 =	sgt.s32 s4, $0x0  }
0xb5: {  	s21 =	ssub.s32 s0, s20;
	s4 =	simm.s32 @!p1 $0x0  }
0xb6: {  	p1 =	slt.s32 s4, s21  }
0xb7: {  	s21 =	smov.u32 @p1 s4  }
0xb8: {  	s24 =	simm.s32 $0x1;
	p1 =	slt.s32 s21, $0x1  }
.Ltmp9:
0xb9: {  	s24 =	simm.s32 @!p0 $0x0;
	(pc) =	sbr.rel @p1 .LBB3_8-.Ltmp9, $4  }
0xba: {  	s31 =	smul.u32 $0x3C0, s24  }
0xbb: {  	s25 =	spop (v2sf)  }
0xbc: {  	s0 =	sshrl.u32 s31, $0x2;
	s28 =	spop (v2sf)  }
0xbd: {  	s22 =	sadd.s32 $0x10518, s0;
	s20 =	spop (v2sf)  }
0xbe: {  	s0 =	smin.u32 s21, $0x10  }
0xbf: {  	v1 =	vmov s0  }
0xc0: {  	p2 =	sgt.s32 s21, $0x10;
	vm1 =	vgt.u32 v1, v0  }
.Ltmp10:
0xc1: {  	_ = 	snop;
	(pc) =	sbr.rel @!p2 .LBB3_7-.Ltmp10, $2  }
0xc2: {  	_ =	sdelay $0x2  }
0xc3: {  	s26 =	simm.s32 $0x10;
	s29 =	sadd.s32 $0xFFFFFFF0, s21;
	s23 =	smov.u32 s22;
	vm0 =	vmmov vm1  }
.LBB3_6:
0xc4: {  	s0 =	smin.u32 s29, $0x10;
	s26 =	sadd.s32 $0x10, s26;
	v1 =	vld.msk [tilespmem:s23+$0x0 ss:$0x1], vm1  }
0xc5: {  	v2 =	vmov s0;
	p2 =	slt.s32 s26, s21  }
0xc6: {  	vm1 =	vgt.u32 v2, v0  }
.Ltmp11:
0xc7: {  	(pc) =	sbr.rel @p2 .LBB3_6-.Ltmp11, $3  }
0xc8: {  	_ =	sdelay $0x1  }
0xc9: {  	v1 =	vshll.u32 v1, $0x4  }
0xca: {  	s29 =	sadd.s32 $0xFFFFFFF0, s29;
	[tilespmem:s23+$0x0] =	vst.msk vm0, v1;
	s23 =	sadd.s32 $0x10, s23;
	vm0 =	vmmov vm1  }
.LBB3_7:
0xcb: {  	_ =	sdelay $0x4  }
0xcc: {  	v1 =	vld.msk [tilespmem:s23+$0x0 ss:$0x1], vm1;
	_ =	sdelay $0x4  }
0xcd: {  	v1 =	vshll.u32 v1, $0x4  }
0xce: {  	[tilespmem:s23+$0x0] =	vst.msk vm0, v1  }
.LBB3_8:
0xcf: {  	s0 =	sand.u32 $0x1, s17  }
0xd0: {  	s0 =	smul.u32 $0xF0, s0  }
0xd1: {  	p2 =	sne.s32 s28, $0xFFFFFFFF  }
0xd2: {  	v1 =	vld.msk @!p2 [tilespmem:s0+$0x10518], $0x1;
	_ =	sdelay $0x4  }
0xd3: {  	(v2sf) =	vpush @!p2 v1, $0x0;
	_ =	sdelay $0xc  }
.Ltmp12:
0xd4: {  	_ = 	snop;
	(pc) =	sbr.rel @p1 .LBB3_19-.Ltmp12, $4  }
0xd5: {  	_ = 	snop  }
0xd6: {  	s26 =	spop @!p2 (v2sf)  }
0xd7: {  	s20 =	simm.s32 @!p2 $0x0;
	s23 =	smov.u32 s26  }
0xd8: {  	[sflag:s16] =	ssyncpa.u1 $0x0;
	s26 =	smov.u32 @p2 s25;
	s23 =	smov.u32 @p2 s28  }
0xd9: {  	v1 =	vld.msk [tilespmem:s22+$0x0], $0x1;
	_ =	sdelay $0x4  }
0xda: {  	(v2sf) =	vpush v1, $0x0;
	_ =	sdelay $0xe  }
0xdb: {  	s0 =	smul.u32 $0x1E000, s24;
	s30 =	spop (v2sf)  }
0xdc: {  	p1 =	seq.s32 s26, s30  }
0xdd: {  	s28 =	sadd.s32 $0xFFFFFFFF, s21;
	s0 =	sshrl.u32 s0, $0x2;
	p2 =	sgt.s32 @!p1 s26, $0x0  }
0xde: {  	s24 =	sor.u32 $0x10738, s0;
	s0 =	smov.u32 s26;
	p2 =	por !p2, p1  }
0xdf: {  	s0 =	simm.s32 @p2 $0x0;
	p2 =	sne.s32 s28, $0x0  }
.Ltmp13:
0xe0: {  	_ = 	snop;
	(pc) =	sbr.rel @!p2 .LBB3_11-.Ltmp13, $4  }
0xe1: {  	_ = 	snop  }
0xe2: {  	s25 =	simm.s32 $0x0;
	s31 =	simm.s32 @!p1 $0x1;
	s4 =	smin.u32 @!p1 s0, $0x27FF0  }
0xe3: {  	s29 =	sadd.s32 $0x1, s22;
	s31 =	smov.u32 @p1 s25;
	s5 =	sand.u32 @!p1 $0x3FFF8, s4  }
0xe4: {  	s0 =	simm.s32 @!p1 $0x7988;
	s4 =	sand.u32 @!p1 $0x7, s4;
	s5 =	sadd.s32 @!p1 s1, s5  }
.LBB3_10:
0xe5: {  	s3 =	smov.u32 s31  }
0xe6: {  	[tilespmem:s0], [sflag:$0x2] =	stream.linear.gather @!p1 [hbm4b:s5+s4], $0x80, $0x38;
	[tilespmem:$0x1F6F8] =	vst v63  }
0xe7: {  	s28 =	sadd.s32 $0xFFFFFFFF, s28;
	s4 =	smov.u32 s30;
	v1 =	vld.msk [tilespmem:s29+$0x0], $0x1  }
0xe8: {  	p2 =	sne.s32 s28, $0x0;
	_ =	sdelay $0x3  }
0xe9: {  	(v2sf) =	vpush v1, $0x0;
	_ =	sdelay $0xe  }
0xea: {  	s30 =	spop (v2sf)  }
0xeb: {  	p1 =	seq.s32 s4, s30  }
0xec: {  	p3 =	sgt.s32 @!p1 s4, $0x0;
	s0 =	sshll.u32 @!p1 s31, $0x9;
	s31 =	sadd.s32 @!p1 $0x1, s31  }
.Ltmp14:
0xed: {  	p3 =	por !p3, p1;
	s0 =	sshra.s32 @!p1 s0, $0x2;
	(pc) =	sbr.rel @p2 .LBB3_10-.Ltmp14, $4  }
0xee: {  	s31 =	smov.u32 @p1 s3;
	s4 =	simm.s32 @p3 $0x0;
	s0 =	sadd.s32 @!p1 $0x7988, s0  }
0xef: {  	s3 =	smin.u32 @!p1 s4, $0x27FF0  }
0xf0: {  	s5 =	sand.u32 @!p1 $0x3FFF8, s3;
	s4 =	sand.u32 @!p1 $0x7, s3  }
0xf1: {  	s29 =	sadd.s32 $0x1, s29;
	s5 =	sadd.s32 @!p1 s1, s5  }
.LBB3_11:
0xf2: {  	[tilespmem:s0], [sflag:$0x2] =	stream.linear.gather @!p1 [hbm4b:s5+s4], $0x80, $0x38;
	[tilespmem:$0x1F6F8] =	vst v63  }
.Ltmp15:
0xf3: {  	s31 =	sshll.u32 s31, $0x7;
	(pc) =	sbr.rel .LBB3_12-.Ltmp15, $4  }
0xf4: {  	s0 =	sand.u32 $0x3FFFFF80, s31  }
0xf5: {  	_ =	swait.ge [sflag:s7], s0  }
0xf6: {  	s0 =	ssub.s32 $0x0, s0;
	[sflag:s7] =	ssyncset.done $0x0  }
0xf7: {  	s29 =	simm.s32 $0x0;
	[sflag:s7] =	ssyncadd.s32 s0  }
.LBB3_13:
0xf8: {  	v1 =	vld [tilespmem:s24+$0xFFFFFFC0];
	_ =	sdelay $0x3  }
0xf9: {  	s0 =	sshra.s32 s0, $0x2  }
0xfa: {  	[tilespmem:s0+$0x108] =	vst.add.f32.msk $0xffff, v1  }
0xfb: {  	v1 =	vld [tilespmem:s24+$0xFFFFFFD0];
	_ =	sdelay $0x4  }
0xfc: {  	[tilespmem:s0+$0x118] =	vst.add.f32.msk $0xffff, v1  }
0xfd: {  	v1 =	vld [tilespmem:s24+$0xFFFFFFE0];
	_ =	sdelay $0x4  }
0xfe: {  	[tilespmem:s0+$0x128] =	vst.add.f32.msk $0xffff, v1  }
0xff: {  	v1 =	vld [tilespmem:s24+$0xFFFFFFF0];
	_ =	sdelay $0x4  }
0x100: {  	[tilespmem:s0+$0x138] =	vst.add.f32.msk $0xffff, v1  }
0x101: {  	v1 =	vld [tilespmem:s24+$0x0];
	_ =	sdelay $0x4  }
0x102: {  	[tilespmem:s0+$0x148] =	vst.add.f32.msk $0xffff, v1  }
0x103: {  	v1 =	vld [tilespmem:s24+$0x10];
	_ =	sdelay $0x4  }
0x104: {  	[tilespmem:s0+$0x158] =	vst.add.f32.msk $0xffff, v1  }
0x105: {  	v1 =	vld [tilespmem:s24+$0x20];
	_ =	sdelay $0x4  }
0x106: {  	[tilespmem:s0+$0x168] =	vst.add.f32.msk $0xffff, v1  }
0x107: {  	v1 =	vld [tilespmem:s24+$0x30];
	_ =	sdelay $0x4  }
0x108: {  	[tilespmem:s0+$0x178] =	vst.add.f32.msk $0xffff, v1  }
.LBB3_17:
0x109: {  	s21 =	sadd.s32 $0xFFFFFFFF, s21  }
0x10a: {  	p1 =	sne.s32 s21, $0x0  }
.Ltmp16:
0x10b: {  	_ = 	snop;
	(pc) =	sbr.rel @!p1 .LBB3_18-.Ltmp16, $2  }
0x10c: {  	_ =	sdelay $0x2  }
0x10d: {  	s22 =	sadd.s32 $0x1, s22;
	s24 =	sadd.s32 $0x80, s24;
	s26 =	smov.u32 s28  }
.LBB3_12:
0x10e: {  	v1 =	vld.msk [tilespmem:s22+$0x0], $0x1;
	_ =	sdelay $0x4  }
0x10f: {  	(v2sf) =	vpush v1, $0x0;
	_ =	sdelay $0xe  }
0x110: {  	s28 =	spop (v2sf)  }
0x111: {  	p1 =	sne.s32 s26, s28  }
.Ltmp17:
0x112: {  	_ = 	snop;
	(pc) =	sbr.rel @!p1 .LBB3_13-.Ltmp17, $2  }
0x113: {  	_ =	sdelay $0x2  }
0x114: {  	s0 =	sshll.u32 s20, $0x9  }
0x115: {  	p1 =	seq.s32 s26, s23  }
.Ltmp18:
0x116: {  	_ = 	snop;
	(pc) =	sbr.rel @!p1 .LBB3_15-.Ltmp18, $1  }
0x117: {  	_ =	sdelay $0x3  }
0x118: {  	s0 =	sshra.s32 s0, $0x2  }
.Ltmp19:
0x119: {  	s0 =	sadd.s32 $0x108, s0;
	(pc) =	sbr.rel .LBB3_16-.Ltmp19, $4  }
0x11a: {  	[spmem:s14] =	stream.linear.scatter [tilespmem:s0], [sflag:$0x1], $0x80, $0x38;
	[tilespmem:$0x1F6F8] =	vst v63  }
0x11b: {  	_ =	swait.ge [sflag:s15], $0x80  }
0x11c: {  	[sflag:s15] =	ssyncset.done $0x0  }
0x11d: {  	[sflag:s15] =	ssyncadd.s32 $0xFFFFFF80  }
.LBB3_15:
0x11e: {  	s3 =	sshll.u32 s25, $0x9  }
0x11f: {  	s3 =	sshra.s32 s3, $0x2  }
0x120: {  	v1 =	vld [tilespmem:s3+$0x7988];
	_ =	sdelay $0x3  }
0x121: {  	s0 =	sshra.s32 s0, $0x2  }
0x122: {  	[tilespmem:s0+$0x108] =	vst.add.f32.msk $0xffff, v1  }
0x123: {  	v1 =	vld [tilespmem:s3+$0x7998];
	_ =	sdelay $0x4  }
0x124: {  	[tilespmem:s0+$0x118] =	vst.add.f32.msk $0xffff, v1  }
0x125: {  	v1 =	vld [tilespmem:s3+$0x79A8];
	_ =	sdelay $0x4  }
0x126: {  	[tilespmem:s0+$0x128] =	vst.add.f32.msk $0xffff, v1  }
0x127: {  	v1 =	vld [tilespmem:s3+$0x79B8];
	_ =	sdelay $0x4  }
0x128: {  	[tilespmem:s0+$0x138] =	vst.add.f32.msk $0xffff, v1  }
0x129: {  	v1 =	vld [tilespmem:s3+$0x79C8];
	_ =	sdelay $0x4  }
0x12a: {  	[tilespmem:s0+$0x148] =	vst.add.f32.msk $0xffff, v1  }
0x12b: {  	v1 =	vld [tilespmem:s3+$0x79D8];
	_ =	sdelay $0x4  }
0x12c: {  	[tilespmem:s0+$0x158] =	vst.add.f32.msk $0xffff, v1  }
0x12d: {  	v1 =	vld [tilespmem:s3+$0x79E8];
	_ =	sdelay $0x4  }
0x12e: {  	[tilespmem:s0+$0x168] =	vst.add.f32.msk $0xffff, v1  }
0x12f: {  	v1 =	vld [tilespmem:s3+$0x79F8];
	_ =	sdelay $0x2  }
0x130: {  	p1 =	sgt.u32 s26, $0x27FF0  }
0x131: {  	s3 =	sand.u32 @!p1 $0x3FFF8, s26  }
0x132: {  	s4 =	sadd.s32 $0x108, s0;
	[tilespmem:s0+$0x178] =	vst.add.f32.msk $0xffff, v1;
	s0 =	sadd.s32 @!p1 s1, s3;
	s3 =	sand.u32 @!p1 $0x7, s26  }
0x133: {  	[hbm4b:s0+s3] =	stream.linear.scatter @!p1 [tilespmem:s4], [sflag:$0xC], $0x80, $0x38;
	[tilespmem:$0x1F6F8] =	vst v63  }
0x134: {  	s0 =	simm.s32 $0x0  }
0x135: {  	s0 =	simm.s32 @!p1 $0x200  }
0x136: {  	s29 =	sadd.s32 s0, s29  }
.LBB3_16:
0x137: {  	s0 =	sadd.s32 $0x1, s20  }
0x138: {  	s3 =	smulhi.u32 $0x88888889, s0;
	_ =	sdelay $0x1  }
0x139: {  	v1 =	vld [tilespmem:s24+$0xFFFFFFC0];
	s3 =	sshrl.u32 s3, $0x7  }
0x13a: {  	s3 =	smul.u32 $0xF0, s3;
	_ =	sdelay $0x1  }
0x13b: {  	s20 =	ssub.s32 s0, s3  }
0x13c: {  	s0 =	sshll.u32 s20, $0x7  }
0x13d: {  	[tilespmem:s0+$0x108] =	vst v1  }
0x13e: {  	v1 =	vld [tilespmem:s24+$0xFFFFFFD0];
	_ =	sdelay $0x4  }
0x13f: {  	[tilespmem:s0+$0x118] =	vst v1  }
0x140: {  	v1 =	vld [tilespmem:s24+$0xFFFFFFE0];
	_ =	sdelay $0x4  }
0x141: {  	[tilespmem:s0+$0x128] =	vst v1  }
0x142: {  	v1 =	vld [tilespmem:s24+$0xFFFFFFF0];
	_ =	sdelay $0x4  }
0x143: {  	[tilespmem:s0+$0x138] =	vst v1  }
0x144: {  	v1 =	vld [tilespmem:s24+$0x0];
	_ =	sdelay $0x4  }
0x145: {  	[tilespmem:s0+$0x148] =	vst v1  }
0x146: {  	v1 =	vld [tilespmem:s24+$0x10];
	_ =	sdelay $0x4  }
0x147: {  	[tilespmem:s0+$0x158] =	vst v1  }
0x148: {  	v1 =	vld [tilespmem:s24+$0x20];
	_ =	sdelay $0x4  }
0x149: {  	[tilespmem:s0+$0x168] =	vst v1  }
0x14a: {  	v1 =	vld [tilespmem:s24+$0x30]  }
.Ltmp20:
0x14b: {  	_ = 	snop;
	(pc) =	sbr.rel .LBB3_17-.Ltmp20, $2  }
0x14c: {  	_ =	sdelay $0x2  }
0x14d: {  	s25 =	sadd.s32 $0x1, s25;
	[tilespmem:s0+$0x178] =	vst v1  }
.LBB3_19:
.Ltmp21:
0x14e: {  	(pc) =	sbr.rel .LBB3_20-.Ltmp21, $3  }
0x14f: {  	_ =	sdelay $0x1  }
0x150: {  	_ =	swait.ge [sflag:s7], $0x0  }
0x151: {  	s0 =	simm.s32 $0x0;
	s28 =	smov.u32 s26;
	[sflag:s7] =	ssyncset.done $0x0  }
.LBB3_22:
0x152: {  	_ =	sfence.sel $0x180000  }
0x153: {  	s0 =	simm.s32 $0x9;
	[bflag:$0x0] =	sbarrier.arrive $0xFFFF  }
0x154: {  	s24 =	simm.s32 $0xA;
	[sflag:s0] =	ssyncpa.u1 $0x1  }
0x155: {  	s25 =	simm.s32 $0xB;
	[sflag:s24] =	ssyncpa.u1 $0x1  }
0x156: {  	s26 =	simm.s32 $0x2;
	[sflag:s25] =	ssyncpa.u1 $0x1  }
0x157: {  	[sflag:s26] =	ssyncpa.u1 $0x1  }
0x158: {  	v0 =	vld [tilespmem:$0xF208];
	_ =	sdelay $0x4  }
0x159: {  	(v2sf) =	vpush v0, $0x0  }
0x15a: {  	(v2sf) =	vpush v0, $0x1;
	_ =	sdelay $0x1  }
0x15b: {  	(v2sf) =	vpush v0, $0x2;
	_ =	sdelay $0xb  }
0x15c: {  	s0 =	spop (v2sf)  }
0x15d: {  	s3 =	spop (v2sf)  }
0x15e: {  	s4 =	smov.u32 s0;
	p0 =	sne.s32 s0, s3  }
0x15f: {  	s5 =	spop (v2sf);
	s4 =	simm.s32 @!p0 $0xFFFFFFFF  }
0x160: {  	v2 =	vimm.s32 $0x1;
	v3 =	vlaneseq.u32;
	p0 =	seq.s32 s5, $0xFFFFFFFF;
	v1 =	vmov s4  }
0x161: {  	s16 =	stileid.u32;
	v0 =	vperm.xlane v0, v2;
	p1 =	sne.s32 @!p0 s0, s3;
	v1 =	vperm.xlane v1, v3  }
0x162: {  	vm0 =	vcmask $0x3F04;
	s7 =	simm.s32 $0xF208;
	s0 =	simm.s32 @!p0 $0x1;
	p1 =	por !p1, p0  }
0x163: {  	s4 =	sshll.u32 s16, $0x1;
	s3 =	sshll.u32 @!p0 s5, $0x9;
	s0 =	simm.s32 @p1 $0x0;
	v0 =	vsel vm0, v1, v0  }
0x164: {  	s6 =	sor.u32 $0x1000, s4;
	s3 =	sshra.s32 @!p0 s3, $0x2;
	s0 =	sor.u32 @!p0 s0, s4;
	[tilespmem:$0xF208] =	vst v0  }
0x165: {  	[spmem:s6] =	stream.linear.scatter [tilespmem:s7], [sflag:$0x1], $0x2, $0x38;
	[tilespmem:$0x1F6F8] =	vst v63  }
0x166: {  	s3 =	sadd.s32 @!p0 $0x108, s3;
	s0 =	sshll.u32 @!p0 s0, $0x7  }
0x167: {  	[spmem:s0] =	stream.linear.scatter @!p0 [tilespmem:s3], [sflag:$0x1], $0x80, $0x38;
	[tilespmem:$0x1F6F8] =	vst v63  }
0x168: {  	s0 =	simm.s32 @!p0 $0x82  }
0x169: {  	s28 =	simm.s32 $0x1;
	s0 =	simm.s32 @p0 $0x2  }
0x16a: {  	_ =	swait.ge [sflag:s28], s0  }
0x16b: {  	s0 =	ssub.s32 $0x0, s0;
	[sflag:s28] =	ssyncset.done $0x0  }
0x16c: {  	p0 =	sne.s32 s16, $0x0;
	[sflag:s28] =	ssyncadd.s32 s0  }
.Ltmp22:
0x16d: {  	_ =	sfence.stream.spmem;
	(pc) =	sbr.rel @p0 .LBB3_39-.Ltmp22, $4  }
0x16e: {  	s29 =	simm.s32 $0x3;
	[bflag:$0x0] =	sbarrier.arrive $0xFFFF  }
0x16f: {  	s30 =	simm.s32 $0x4;
	[sflag:s29] =	ssyncpa.u1 $0x1  }
0x170: {  	s31 =	simm.s32 $0x3C;
	[sflag:s30] =	ssyncpa.u1 $0x1  }
0x171: {  	[sflag:s31] =	ssyncpa.u1 $0x1  }
0x172: {  	_ =	sfence.stream.spmem;
	s0 =	simm.s32 $0x5  }
0x173: {  	s3 =	simm.s32 $0x1000;
	s4 =	simm.s32 $0xF218;
	[sflag:s0] =	ssyncpa.u1 $0x0  }
0x174: {  	[tilespmem:s4], [sflag:$0x5] =	stream.linear.gather [spmem:s3], $0x20, $0x38;
	[tilespmem:$0x1F6F8] =	vst v63  }
0x175: {  	s26 =	simm.s32 $0x0;
	s28 =	simm.s32 $0xF238  }
0x176: {  	[tilespmem:s28], [sflag:$0x5] =	stream.linear.gather [spmem:s26], $0x1000, $0x38;
	[tilespmem:$0x1F6F8] =	vst v63  }
0x177: {  	_ =	swait.ge [sflag:s0], $0x1020  }
0x178: {  	[sflag:s0] =	ssyncset.done $0x0  }
0x179: {  	s29 =	simm.s32 $0x0;
	[sflag:s0] =	ssyncadd.s32 $0xFFFFEFE0  }
0x17a: {  	v0 =	vld.msk [tilespmem:s29+$0xF218], $0x1;
	_ =	sdelay $0x1  }
0x17b: {  	s30 =	simm.s32 $0x1  }
0x17c: {  	v1 =	vld.msk [tilespmem:s30+$0xF218], $0x1;
	_ =	sdelay $0x1  }
0x17d: {  	(v2sf) =	vpush v0, $0x0;
	_ =	sdelay $0x2  }
0x17e: {  	(v2sf) =	vpush v1, $0x0;
	_ =	sdelay $0x2  }
0x17f: {  	s31 =	simm.s32 $0x2  }
0x180: {  	v0 =	vld.msk [tilespmem:s31+$0xF218], $0x1;
	_ =	sdelay $0x2  }
0x181: {  	s6 =	simm.s32 $0xC;
	s7 =	simm.s32 $0xFFFFFFFF;
	s0 =	simm.s32 $0xFFFFFFFF  }
.LBB3_24:
0x182: {  	s3 =	smov.u32 s7;
	s4 =	smov.u32 s0  }
0x183: {  	s0 =	sshra.s32 s6, $0x2;
	p1 =	sne.s32 s6, $0x7C;
	s6 =	sadd.s32 $0x4, s6;
	(v2sf) =	vpush v0, $0x0  }
0x184: {  	v0 =	vld.msk [tilespmem:s0+$0xF218], $0x1  }
.Ltmp23:
0x185: {  	(pc) =	sbr.rel @p1 .LBB3_24-.Ltmp23, $4  }
0x186: {  	s7 =	spop (v2sf)  }
0x187: {  	p2 =	sne.s32 s4, $0xFFFFFFFF;
	s0 =	smov.u32 s7  }
0x188: {  	p3 =	seq.s32 s7, $0xFFFFFFFF;
	s0 =	smov.u32 @p2 s4  }
0x189: {  	s7 =	smov.u32 @p3 s3;
	s0 =	smov.u32 @p3 s4  }
0x18a: {  	(v2sf) =	vpush v0, $0x0;
	_ =	sdelay $0x8  }
0x18b: {  	s3 =	spop (v2sf)  }
0x18c: {  	p1 =	sne.s32 s0, $0xFFFFFFFF;
	s4 =	smov.u32 s3  }
0x18d: {  	s9 =	simm.s32 $0x6;
	p2 =	seq.s32 s3, $0xFFFFFFFF;
	s4 =	smov.u32 @p1 s0  }
0x18e: {  	s6 =	simm.s32 $0x0;
	s4 =	smov.u32 @p2 s0;
	s0 =	spop (v2sf)  }
0x18f: {  	s3 =	smov.u32 @p2 s7;
	p1 =	sne.s32 s4, $0xFFFFFFFF;
	s5 =	smov.u32 s0  }
.Ltmp24:
0x190: {  	p2 =	seq.s32 s0, $0xFFFFFFFF;
	s5 =	smov.u32 @p1 s4;
	(pc) =	sbr.rel .LBB3_26-.Ltmp24, $4  }
0x191: {  	s10 =	simm.s32 $0xF188;
	s5 =	smov.u32 @p2 s4;
	s7 =	spop (v2sf)  }
0x192: {  	s11 =	simm.s32 $0x0;
	p1 =	sne.s32 s5, $0xFFFFFFFF;
	s8 =	smov.u32 s7  }
0x193: {  	s0 =	smov.u32 @p2 s3;
	p2 =	seq.s32 s7, $0xFFFFFFFF;
	s8 =	smov.u32 @p1 s5  }
0x194: {  	[sflag:s9] =	ssyncpa.u1 $0x0;
	s7 =	smov.u32 @p2 s0;
	s8 =	smov.u32 @p2 s5  }
.LBB3_32:
0x195: {  	p1 =	sgt.u32 s12, $0x27FF0  }
0x196: {  	p2 =	seq.s32 @!p1 s12, s8  }
0x197: {  	p1 =	por p1, p2  }
0x198: {  	p2 =	sne.s32 @!p1 s12, s7  }
0x199: {  	p1 =	por p1, !p2  }
0x19a: {  	s0 =	sshll.u32 @p1 s11, $0x9  }
0x19b: {  	s0 =	sand.u32 @!p1 $0x3FFF8, s12  }
0x19c: {  	s3 =	sand.u32 @!p1 $0x7, s12;
	s0 =	sadd.s32 @!p1 s1, s0  }
0x19d: {  	[tilespmem:s10], [sflag:$0x6] =	stream.linear.gather @!p1 [hbm4b:s0+s3], $0x80, $0x38;
	[tilespmem:$0x1F6F8] =	vst v63  }
0x19e: {  	_ =	swait.ge @!p1 [sflag:s9], $0x80  }
0x19f: {  	[sflag:s9] =	ssyncset.done @!p1 $0x0  }
0x1a0: {  	[sflag:s9] =	ssyncadd.s32 @!p1 $0xFFFFFF80  }
0x1a1: {  	v1 =	vld @!p1 [tilespmem:$0xF188];
	_ =	sdelay $0x2  }
0x1a2: {  	s0 =	sshll.u32 @!p1 s11, $0x9  }
0x1a3: {  	s3 =	sshrl.u32 @!p1 s0, $0x2  }
0x1a4: {  	[tilespmem:s3+$0xF238] =	vst.add.f32.msk @!p1 $0xffff, v1  }
0x1a5: {  	v1 =	vld @!p1 [tilespmem:$0xF198];
	_ =	sdelay $0x4  }
0x1a6: {  	[tilespmem:s3+$0xF248] =	vst.add.f32.msk @!p1 $0xffff, v1  }
0x1a7: {  	v1 =	vld @!p1 [tilespmem:$0xF1A8];
	_ =	sdelay $0x4  }
0x1a8: {  	[tilespmem:s3+$0xF258] =	vst.add.f32.msk @!p1 $0xffff, v1  }
0x1a9: {  	v1 =	vld @!p1 [tilespmem:$0xF1B8];
	_ =	sdelay $0x4  }
0x1aa: {  	[tilespmem:s3+$0xF268] =	vst.add.f32.msk @!p1 $0xffff, v1  }
0x1ab: {  	v1 =	vld @!p1 [tilespmem:$0xF1C8];
	_ =	sdelay $0x4  }
0x1ac: {  	[tilespmem:s3+$0xF278] =	vst.add.f32.msk @!p1 $0xffff, v1  }
0x1ad: {  	v1 =	vld @!p1 [tilespmem:$0xF1D8];
	_ =	sdelay $0x4  }
0x1ae: {  	[tilespmem:s3+$0xF288] =	vst.add.f32.msk @!p1 $0xffff, v1  }
0x1af: {  	v1 =	vld @!p1 [tilespmem:$0xF1E8];
	_ =	sdelay $0x4  }
0x1b0: {  	[tilespmem:s3+$0xF298] =	vst.add.f32.msk @!p1 $0xffff, v1  }
0x1b1: {  	v1 =	vld @!p1 [tilespmem:$0xF1F8];
	_ =	sdelay $0x4  }
0x1b2: {  	[tilespmem:s3+$0xF2A8] =	vst.add.f32.msk @!p1 $0xffff, v1  }
0x1b3: {  	s0 =	sshrl.u32 s0, $0x2;
	[tilespmem:s6+$0xF218] =	vst.msk $0x1, v0  }
0x1b4: {  	v0 =	vld [tilespmem:s0+$0xF238];
	_ =	sdelay $0x2  }
0x1b5: {  	s31 =	sshll.u32 s6, $0x9  }
0x1b6: {  	s3 =	sshra.s32 s31, $0x2  }
0x1b7: {  	[tilespmem:s3+$0xF238] =	vst v0  }
0x1b8: {  	v0 =	vld [tilespmem:s0+$0xF248];
	_ =	sdelay $0x4  }
0x1b9: {  	[tilespmem:s3+$0xF248] =	vst v0  }
0x1ba: {  	v0 =	vld [tilespmem:s0+$0xF258];
	_ =	sdelay $0x4  }
0x1bb: {  	[tilespmem:s3+$0xF258] =	vst v0  }
0x1bc: {  	v0 =	vld [tilespmem:s0+$0xF268];
	_ =	sdelay $0x4  }
0x1bd: {  	[tilespmem:s3+$0xF268] =	vst v0  }
0x1be: {  	v0 =	vld [tilespmem:s0+$0xF278];
	_ =	sdelay $0x4  }
0x1bf: {  	[tilespmem:s3+$0xF278] =	vst v0  }
0x1c0: {  	v0 =	vld [tilespmem:s0+$0xF288];
	_ =	sdelay $0x4  }
0x1c1: {  	[tilespmem:s3+$0xF288] =	vst v0  }
0x1c2: {  	v0 =	vld [tilespmem:s0+$0xF298];
	_ =	sdelay $0x4  }
0x1c3: {  	[tilespmem:s3+$0xF298] =	vst v0  }
0x1c4: {  	v0 =	vld [tilespmem:s0+$0xF2A8];
	_ =	sdelay $0x4  }
0x1c5: {  	s6 =	sadd.s32 $0x1, s6;
	[tilespmem:s3+$0xF2A8] =	vst v0  }
.LBB3_33:
0x1c6: {  	s11 =	sadd.s32 $0x1, s11  }
0x1c7: {  	p1 =	sne.s32 s11, $0x20  }
.Ltmp25:
0x1c8: {  	_ = 	snop;
	(pc) =	sbr.rel @!p1 .LBB3_34-.Ltmp25, $1  }
0x1c9: {  	_ =	sdelay $0x3  }
.LBB3_26:
0x1ca: {  	v0 =	vld.msk [tilespmem:s11+$0xF218], $0x1;
	_ =	sdelay $0x4  }
0x1cb: {  	(v2sf) =	vpush v0, $0x0;
	_ =	sdelay $0xe  }
0x1cc: {  	s12 =	spop (v2sf)  }
0x1cd: {  	p1 =	seq.s32 s12, $0xFFFFFFFF  }
.Ltmp26:
0x1ce: {  	_ = 	snop;
	(pc) =	sbr.rel @p1 .LBB3_33-.Ltmp26, $1  }
0x1cf: {  	_ =	sdelay $0x3  }
0x1d0: {  	p1 =	slt.s32 s6, $0x1  }
.Ltmp27:
0x1d1: {  	_ = 	snop;
	(pc) =	sbr.rel @p1 .LBB3_32-.Ltmp27, $1  }
0x1d2: {  	_ =	sdelay $0x3  }
0x1d3: {  	s13 =	simm.s32 $0xF218;
	p1 =	por $0x0, $0x0  }
0x1d4: {  	v1 =	vld.msk @!p1 [tilespmem:s13+$0x0], $0x1;
	_ =	sdelay $0x4  }
0x1d5: {  	(v2sf) =	vpush @!p1 v1, $0x0;
	_ =	sdelay $0xd  }
0x1d6: {  	p3 =	sne.s32 s6, $0x1  }
.Ltmp28:
0x1d7: {  	s0 =	spop @!p1 (v2sf);
	(pc) =	sbr.rel @!p3 .LBB3_30-.Ltmp28, $4  }
0x1d8: {  	p2 =	seq.s32 @!p1 s12, s0  }
0x1d9: {  	s14 =	simm.s32 $0x0;
	p2 =	por !p2, p1  }
0x1da: {  	s0 =	simm.s32 $0xFFFFFFFF;
	s14 =	simm.s32 @p2 $0xFFFFFFFF  }
0x1db: {  	s15 =	simm.s32 $0x1;
	s14 =	smov.u32 @p1 s0  }
.LBB3_29:
0x1dc: {  	s0 =	smov.u32 s14;
	p1 =	sne.s32 s14, $0xFFFFFFFF  }
0x1dd: {  	s13 =	sadd.s32 $0x1, s13;
	s14 =	smov.u32 s15;
	s15 =	sadd.s32 $0x1, s15  }
0x1de: {  	p2 =	sne.s32 s6, s15;
	v1 =	vld.msk @!p1 [tilespmem:s13+$0x0], $0x1;
	_ =	sdelay $0x4  }
0x1df: {  	(v2sf) =	vpush @!p1 v1, $0x0;
	_ =	sdelay $0xe  }
.Ltmp29:
0x1e0: {  	s3 =	spop @!p1 (v2sf);
	(pc) =	sbr.rel @p2 .LBB3_29-.Ltmp29, $4  }
0x1e1: {  	p3 =	seq.s32 @!p1 s12, s3  }
0x1e2: {  	p3 =	por !p3, p1  }
0x1e3: {  	s14 =	simm.s32 @p3 $0xFFFFFFFF  }
0x1e4: {  	s14 =	smov.u32 @p1 s0  }
.LBB3_30:
0x1e5: {  	p1 =	seq.s32 s14, $0xFFFFFFFF  }
.Ltmp30:
0x1e6: {  	_ = 	snop;
	(pc) =	sbr.rel @p1 .LBB3_32-.Ltmp30, $1  }
0x1e7: {  	_ =	sdelay $0x3  }
0x1e8: {  	s0 =	sshll.u32 s11, $0x7  }
0x1e9: {  	s0 =	sand.u32 $0x3FFFFF80, s0  }
0x1ea: {  	v0 =	vld [tilespmem:s0+$0xF238];
	_ =	sdelay $0x2  }
0x1eb: {  	s3 =	sshll.u32 s14, $0x9  }
0x1ec: {  	s3 =	sshra.s32 s3, $0x2  }
0x1ed: {  	[tilespmem:s3+$0xF238] =	vst.add.f32.msk $0xffff, v0  }
0x1ee: {  	v0 =	vld [tilespmem:s0+$0xF248];
	_ =	sdelay $0x4  }
0x1ef: {  	[tilespmem:s3+$0xF248] =	vst.add.f32.msk $0xffff, v0  }
0x1f0: {  	v0 =	vld [tilespmem:s0+$0xF258];
	_ =	sdelay $0x4  }
0x1f1: {  	[tilespmem:s3+$0xF258] =	vst.add.f32.msk $0xffff, v0  }
0x1f2: {  	v0 =	vld [tilespmem:s0+$0xF268];
	_ =	sdelay $0x4  }
0x1f3: {  	[tilespmem:s3+$0xF268] =	vst.add.f32.msk $0xffff, v0  }
0x1f4: {  	v0 =	vld [tilespmem:s0+$0xF278];
	_ =	sdelay $0x4  }
0x1f5: {  	[tilespmem:s3+$0xF278] =	vst.add.f32.msk $0xffff, v0  }
0x1f6: {  	v0 =	vld [tilespmem:s0+$0xF288];
	_ =	sdelay $0x4  }
0x1f7: {  	[tilespmem:s3+$0xF288] =	vst.add.f32.msk $0xffff, v0  }
0x1f8: {  	v0 =	vld [tilespmem:s0+$0xF298];
	_ =	sdelay $0x4  }
0x1f9: {  	[tilespmem:s3+$0xF298] =	vst.add.f32.msk $0xffff, v0  }
0x1fa: {  	v0 =	vld [tilespmem:s0+$0xF2A8]  }
.Ltmp31:
0x1fb: {  	_ = 	snop;
	(pc) =	sbr.rel .LBB3_33-.Ltmp31, $2  }
0x1fc: {  	_ =	sdelay $0x2  }
0x1fd: {  	[tilespmem:s3+$0xF2A8] =	vst.add.f32.msk $0xffff, v0  }
.LBB3_34:
0x1fe: {  	s0 =	simm.s32 $0x6;
	p1 =	seq.s32 s6, $0x0  }
0x1ff: {  	[sflag:s0] =	ssyncpa.u1 $0x1;
	v0 =	vimm.s32 @p1 $0xFFFFFFFF  }
0x200: {  	s9 =	sadd.s32 $0xFFFFFFFF, s6;
	[tilespmem:$0x10238] =	vst @p1 v0  }
0x201: {  	v0 =	vld.msk @!p1 [tilespmem:s9+$0xF218], $0x1;
	_ =	sdelay $0x1  }
0x202: {  	v1 =	vld.msk @!p1 [tilespmem:$0xF218], $0x1;
	_ =	sdelay $0x2  }
0x203: {  	p2 =	seq.s32 @!p1 s9, $0x0;
	v0 =	vbroadcast @!p1 v0, $0x0  }
0x204: {  	vm0 =	vmmov @!p1 $0x1;
	p2 =	por !p2, p1  }
0x205: {  	v1 =	vnsel @!p1 vm0, $0xFFFFFFFF, v1;
	vm0 =	vcmask @!p1 $0x308;
	v0 =	vpsel !p2, $0xFFFFFFFF, v0  }
0x206: {  	p2 =	sne.s32 @!p1 s8, s7;
	v0 =	vsel @!p1 vm0, v1, v0  }
0x207: {  	s0 =	simm.s32 @!p1 $0xF238;
	s3 =	simm.s32 @!p1 $0x0;
	p3 =	por !p2, p1;
	[tilespmem:$0x10238] =	vst @!p1 v0  }
0x208: {  	[spmem:s3] =	stream.linear.scatter @!p1 [tilespmem:s0], [sflag:$0x1], $0x80, $0x38;
	[tilespmem:$0x1F6F8] =	vst v63  }
0x209: {  	s0 =	sshll.u32 @!p3 s9, $0x9  }
0x20a: {  	s0 =	sshra.s32 @!p3 s0, $0x2  }
0x20b: {  	s3 =	simm.s32 @!p3 $0x80;
	s0 =	sadd.s32 @!p3 $0xF238, s0  }
0x20c: {  	[spmem:s3] =	stream.linear.scatter @!p3 [tilespmem:s0], [sflag:$0x1], $0x80, $0x38;
	[tilespmem:$0x1F6F8] =	vst v63  }
0x20d: {  	s0 =	simm.s32 @!p3 $0x1  }
0x20e: {  	_ =	swait.ge @!p3 [sflag:s0], $0x100  }
0x20f: {  	p1 =	por p2, p1;
	[sflag:s0] =	ssyncset.done @!p3 $0x0  }
0x210: {  	[sflag:s0] =	ssyncadd.s32 @!p3 $0xFFFFFF00;
	s0 =	simm.s32 @!p1 $0x1  }
0x211: {  	_ =	swait.ge @!p1 [sflag:s0], $0x80  }
0x212: {  	s29 =	simm.s32 $0x10238;
	[sflag:s0] =	ssyncset.done @!p1 $0x0  }
0x213: {  	s30 =	simm.s32 $0x1000;
	s31 =	simm.s32 $0x1;
	[sflag:s0] =	ssyncadd.s32 @!p1 $0xFFFFFF80  }
0x214: {  	[spmem:s30] =	stream.linear.scatter [tilespmem:s29], [sflag:$0x1], $0x10, $0x38;
	[tilespmem:$0x1F6F8] =	vst v63  }
0x215: {  	_ =	swait.ge [sflag:s31], $0x10  }
0x216: {  	[sflag:s31] =	ssyncset.done $0x0  }
0x217: {  	p1 =	seq.s32 s2, $0x0;
	s10 =	rddreg [dreg:$0x1];
	[sflag:s31] =	ssyncadd.s32 $0xFFFFFFF0  }
0x218: {  	s3 =	sshll.u32 @p1 s10, $0xE;
	s8 =	rddreg [dreg:$0x2]  }
0x219: {  	s0 =	sadd.s32 @p1 $0x15C3C, s3;
	s3 =	sshll.u32 @p1 s8, $0x11  }
0x21a: {  	_ =	sfence.stream.spmem;
	s0 =	sor.u32 @p1 s3, s0  }
0x21b: {  	[sflag:s0] =	ssyncadd.remote.s32 @p1 $0x1;
	s0 =	simm.s32 @p1 $0x4  }
0x21c: {  	s4 =	simm.s32 @!p1 $0x3C;
	s3 =	sand.u32 $0xFFFFFFFE, s10;
	_ =	swait.ge @p1 [sflag:s0], $0x22  }
0x21d: {  	s5 =	simm.s32 @!p1 $0x0;
	s3 =	sadd.s32 @!p1 $0x4, s3;
	[sflag:s0] =	ssyncset.done @p1 $0x0  }
0x21e: {  	s7 =	simm.s32 @!p1 $0x100;
	[sflag:s0] =	ssyncadd.s32 @p1 $0xFFFFFFDE;
	s0 =	sshll.u32 @!p1 s3, $0x1A  }
0x21f: {  	s3 =	sshll.u32 @!p1 s3, $0xD;
	s0 =	sor.u32 @!p1 s0, s8;
	_ =	swait.eq @!p1 [sflag:s4], $0x1  }
0x220: {  	s3 =	sor.u32 @!p1 $0x1C04, s3;
	s4 =	simm.s32 @!p1 $0x1C03;
	s0 =	sor.u32 @!p1 $0x80004000, s0  }
0x221: {  	[spmem:s7], [sflag:s3] =	dma.general @!p1 [spmem:s5], [sflag:s4], length:$0x20, [dreg:$0x0], stride_count:$0x0, ici_dest:s0, dma_misc:DstOpCode:WRITE  }
0x222: {  	p2 =	slt.s32 s9, $0x2;
	s5 =	simm.s32 @!p1 $0x200;
	s7 =	simm.s32 @!p1 $0x202  }
0x223: {  	[spmem:s7], [sflag:s3] =	dma.general @!p1 [spmem:s5], [sflag:s4], length:$0x2, [dreg:$0x0], stride_count:$0x0, ici_dest:s0, dma_misc:DstOpCode:WRITE  }
.Ltmp32:
0x224: {  	s0 =	simm.s32 @!p1 $0x3;
	(pc) =	sbr.rel @p2 .LBB3_38-.Ltmp32, $4  }
0x225: {  	s3 =	sshll.u32 @!p1 s10, $0xE;
	_ =	swait.ge @!p1 [sflag:s0], $0x22  }
0x226: {  	s4 =	sshll.u32 @!p1 s8, $0x11;
	s3 =	sadd.s32 @!p1 $0x11C3C, s3;
	[sflag:s0] =	ssyncset.done @!p1 $0x0  }
0x227: {  	[sflag:s0] =	ssyncadd.s32 @!p1 $0xFFFFFFDE;
	s0 =	sor.u32 @!p1 s4, s3  }
0x228: {  	[sflag:s0] =	ssyncadd.remote.s32 @!p1 $0xFFFFFFFF;
	s0 =	simm.s32 $0x0  }
0x229: {  	s0 =	simm.s32 $0xF219  }
0x22a: {  	v0 =	vld.msk [tilespmem:s0+$0x0], $0x1;
	_ =	sdelay $0x4  }
0x22b: {  	(v2sf) =	vpush v0, $0x0;
	_ =	sdelay $0xd  }
0x22c: {  	s3 =	sadd.s32 $0xFFFFFFFE, s6  }
0x22d: {  	s5 =	sadd.s32 $0xFFFFFFFF, s3;
	s0 =	spop (v2sf)  }
0x22e: {  	p2 =	sne.s32 s5, $0x0;
	p1 =	sgt.u32 s0, $0x27FF0  }
.Ltmp33:
0x22f: {  	s6 =	sand.u32 @!p1 $0x3FFF8, s0;
	(pc) =	sbr.rel @!p2 .LBB3_37-.Ltmp33, $4  }
0x230: {  	s4 =	simm.s32 $0xF2B8;
	s0 =	sand.u32 @!p1 $0x7, s0;
	s3 =	sadd.s32 @!p1 s1, s6  }
0x231: {  	[hbm4b:s3+s0] =	stream.linear.scatter @!p1 [tilespmem:s4], [sflag:$0x5], $0x80, $0x38;
	[tilespmem:$0x1F6F8] =	vst v63  }
0x232: {  	s0 =	simm.s32 $0x0  }
0x233: {  	s7 =	simm.s32 $0xF21A;
	s6 =	simm.s32 $0x0;
	s0 =	simm.s32 @!p1 $0x200  }
.LBB3_36:
0x234: {  	v0 =	vld.msk [tilespmem:s7+$0x0], $0x1;
	s5 =	sadd.s32 $0xFFFFFFFF, s5;
	s6 =	sadd.s32 s6, s0  }
0x235: {  	p1 =	sne.s32 s5, $0x0;
	_ =	sdelay $0x3  }
0x236: {  	(v2sf) =	vpush v0, $0x0;
	_ =	sdelay $0xe  }
.Ltmp34:
0x237: {  	s3 =	spop (v2sf);
	(pc) =	sbr.rel @p1 .LBB3_36-.Ltmp34, $4  }
0x238: {  	s0 =	simm.s32 $0x0;
	p2 =	sgt.u32 s3, $0x27FF0  }
0x239: {  	s4 =	sadd.s32 $0x80, s4;
	s0 =	simm.s32 @!p2 $0x200;
	s8 =	sand.u32 @!p2 $0x3FFF8, s3  }
0x23a: {  	s7 =	sadd.s32 $0x1, s7;
	s3 =	sand.u32 @!p2 $0x7, s3;
	s8 =	sadd.s32 @!p2 s1, s8  }
0x23b: {  	[hbm4b:s8+s3] =	stream.linear.scatter @!p2 [tilespmem:s4], [sflag:$0x5], $0x80, $0x38;
	[tilespmem:$0x1F6F8] =	vst v63  }
.LBB3_37:
0x23c: {  	s0 =	sadd.s32 s6, s0  }
0x23d: {  	s0 =	sshrl.u32 s0, $0x2  }
.LBB3_38:
0x23e: {  	s3 =	simm.s32 $0x5  }
0x23f: {  	_ =	swait.ge [sflag:s3], s0  }
0x240: {  	s31 =	ssub.s32 $0x0, s0;
	[sflag:s3] =	ssyncset.done $0x0  }
0x241: {  	[sflag:s3] =	ssyncadd.s32 s31  }
0x242: {  	[sflag:s3] =	ssyncpa.u1 $0x1  }
.LBB3_39:
0x243: {  	s0 =	sor.u32 s2, s16  }
0x244: {  	p1 =	sne.s32 s0, $0x0  }
.Ltmp35:
0x245: {  	_ = 	snop;
	(pc) =	sbr.rel @p1 .LBB3_54-.Ltmp35, $3  }
0x246: {  	_ =	sdelay $0x1  }
0x247: {  	[bflag:$0x0] =	sbarrier.arrive $0xFFFF  }
0x248: {  	_ =	sfence  }
0x249: {  	s0 =	simm.s32 $0x7  }
0x24a: {  	s2 =	simm.s32 $0x1000;
	s3 =	simm.s32 $0xF218;
	[sflag:s0] =	ssyncpa.u1 $0x0  }
0x24b: {  	[tilespmem:s3], [sflag:$0x7] =	stream.linear.gather [spmem:s2], $0x20, $0x38;
	[tilespmem:$0x1F6F8] =	vst v63  }
0x24c: {  	s30 =	simm.s32 $0xF238;
	s2 =	simm.s32 $0x0  }
0x24d: {  	[tilespmem:s30], [sflag:$0x7] =	stream.linear.gather [spmem:s2], $0x1000, $0x38;
	[tilespmem:$0x1F6F8] =	vst v63  }
.Ltmp36:
0x24e: {  	_ = 	snop;
	(pc) =	sbr.rel .LBB3_41-.Ltmp36, $4  }
0x24f: {  	_ =	swait.ge [sflag:s0], $0x1020  }
0x250: {  	[sflag:s0] =	ssyncset.done $0x0  }
0x251: {  	s31 =	simm.s32 $0x8;
	[sflag:s0] =	ssyncadd.s32 $0xFFFFEFE0  }
0x252: {  	s3 =	simm.s32 $0x0;
	[sflag:s31] =	ssyncpa.u1 $0x0  }
.LBB3_47:
0x253: {  	p1 =	slt.u32 s4, $0x27FF1  }
0x254: {  	s0 =	sand.u32 @p1 $0x3FFF8, s4  }
0x255: {  	s4 =	sand.u32 @p1 $0x7, s4;
	s5 =	simm.s32 @p1 $0xF188;
	s0 =	sadd.s32 @p1 s1, s0  }
0x256: {  	[tilespmem:s5], [sflag:$0x8] =	stream.linear.gather @p1 [hbm4b:s0+s4], $0x80, $0x38;
	[tilespmem:$0x1F6F8] =	vst v63  }
0x257: {  	s0 =	simm.s32 @p1 $0x8  }
0x258: {  	_ =	swait.ge @p1 [sflag:s0], $0x80  }
0x259: {  	[sflag:s0] =	ssyncset.done @p1 $0x0  }
0x25a: {  	[sflag:s0] =	ssyncadd.s32 @p1 $0xFFFFFF80  }
0x25b: {  	v1 =	vld @p1 [tilespmem:$0xF188];
	_ =	sdelay $0x2  }
0x25c: {  	s0 =	sshll.u32 @p1 s3, $0x9  }
0x25d: {  	s4 =	sshrl.u32 @p1 s0, $0x2  }
0x25e: {  	[tilespmem:s4+$0xF238] =	vst.add.f32.msk @p1 $0xffff, v1  }
0x25f: {  	v1 =	vld @p1 [tilespmem:$0xF198];
	_ =	sdelay $0x4  }
0x260: {  	[tilespmem:s4+$0xF248] =	vst.add.f32.msk @p1 $0xffff, v1  }
0x261: {  	v1 =	vld @p1 [tilespmem:$0xF1A8];
	_ =	sdelay $0x4  }
0x262: {  	[tilespmem:s4+$0xF258] =	vst.add.f32.msk @p1 $0xffff, v1  }
0x263: {  	v1 =	vld @p1 [tilespmem:$0xF1B8];
	_ =	sdelay $0x4  }
0x264: {  	[tilespmem:s4+$0xF268] =	vst.add.f32.msk @p1 $0xffff, v1  }
0x265: {  	v1 =	vld @p1 [tilespmem:$0xF1C8];
	_ =	sdelay $0x4  }
0x266: {  	[tilespmem:s4+$0xF278] =	vst.add.f32.msk @p1 $0xffff, v1  }
0x267: {  	v1 =	vld @p1 [tilespmem:$0xF1D8];
	_ =	sdelay $0x4  }
0x268: {  	[tilespmem:s4+$0xF288] =	vst.add.f32.msk @p1 $0xffff, v1  }
0x269: {  	v1 =	vld @p1 [tilespmem:$0xF1E8];
	_ =	sdelay $0x4  }
0x26a: {  	[tilespmem:s4+$0xF298] =	vst.add.f32.msk @p1 $0xffff, v1  }
0x26b: {  	v1 =	vld @p1 [tilespmem:$0xF1F8];
	_ =	sdelay $0x3  }
0x26c: {  	s5 =	sshll.u32 @!p1 s3, $0x9  }
0x26d: {  	s5 =	smov.u32 @p1 s0;
	[tilespmem:s4+$0xF2A8] =	vst.add.f32.msk @p1 $0xffff, v1  }
0x26e: {  	s0 =	sshrl.u32 s5, $0x2;
	[tilespmem:s2+$0xF218] =	vst.msk $0x1, v0  }
0x26f: {  	v0 =	vld [tilespmem:s0+$0xF238];
	_ =	sdelay $0x2  }
0x270: {  	s31 =	sshll.u32 s2, $0x9  }
0x271: {  	s4 =	sshra.s32 s31, $0x2  }
0x272: {  	[tilespmem:s4+$0xF238] =	vst v0  }
0x273: {  	v0 =	vld [tilespmem:s0+$0xF248];
	_ =	sdelay $0x4  }
0x274: {  	[tilespmem:s4+$0xF248] =	vst v0  }
0x275: {  	v0 =	vld [tilespmem:s0+$0xF258];
	_ =	sdelay $0x4  }
0x276: {  	[tilespmem:s4+$0xF258] =	vst v0  }
0x277: {  	v0 =	vld [tilespmem:s0+$0xF268];
	_ =	sdelay $0x4  }
0x278: {  	[tilespmem:s4+$0xF268] =	vst v0  }
0x279: {  	v0 =	vld [tilespmem:s0+$0xF278];
	_ =	sdelay $0x4  }
0x27a: {  	[tilespmem:s4+$0xF278] =	vst v0  }
0x27b: {  	v0 =	vld [tilespmem:s0+$0xF288];
	_ =	sdelay $0x4  }
0x27c: {  	[tilespmem:s4+$0xF288] =	vst v0  }
0x27d: {  	v0 =	vld [tilespmem:s0+$0xF298];
	_ =	sdelay $0x4  }
0x27e: {  	[tilespmem:s4+$0xF298] =	vst v0  }
0x27f: {  	v0 =	vld [tilespmem:s0+$0xF2A8];
	_ =	sdelay $0x4  }
0x280: {  	s2 =	sadd.s32 $0x1, s2;
	[tilespmem:s4+$0xF2A8] =	vst v0  }
.LBB3_48:
0x281: {  	s3 =	sadd.s32 $0x1, s3  }
0x282: {  	p1 =	sne.s32 s3, $0x20  }
.Ltmp37:
0x283: {  	_ = 	snop;
	(pc) =	sbr.rel @!p1 .LBB3_49-.Ltmp37, $1  }
0x284: {  	_ =	sdelay $0x3  }
.LBB3_41:
0x285: {  	v0 =	vld.msk [tilespmem:s3+$0xF218], $0x1;
	_ =	sdelay $0x4  }
0x286: {  	(v2sf) =	vpush v0, $0x0;
	_ =	sdelay $0xe  }
0x287: {  	s4 =	spop (v2sf)  }
0x288: {  	p1 =	seq.s32 s4, $0xFFFFFFFF  }
.Ltmp38:
0x289: {  	_ = 	snop;
	(pc) =	sbr.rel @p1 .LBB3_48-.Ltmp38, $1  }
0x28a: {  	_ =	sdelay $0x3  }
0x28b: {  	p1 =	slt.s32 s2, $0x1  }
.Ltmp39:
0x28c: {  	_ = 	snop;
	(pc) =	sbr.rel @p1 .LBB3_47-.Ltmp39, $1  }
0x28d: {  	_ =	sdelay $0x3  }
0x28e: {  	s5 =	simm.s32 $0xF218;
	p1 =	por $0x0, $0x0  }
0x28f: {  	v1 =	vld.msk @!p1 [tilespmem:s5+$0x0], $0x1;
	_ =	sdelay $0x4  }
0x290: {  	(v2sf) =	vpush @!p1 v1, $0x0;
	_ =	sdelay $0xd  }
0x291: {  	p3 =	sne.s32 s2, $0x1  }
.Ltmp40:
0x292: {  	s0 =	spop @!p1 (v2sf);
	(pc) =	sbr.rel @!p3 .LBB3_45-.Ltmp40, $4  }
0x293: {  	p2 =	seq.s32 @!p1 s4, s0  }
0x294: {  	s6 =	simm.s32 $0x0;
	p2 =	por !p2, p1  }
0x295: {  	s0 =	simm.s32 $0xFFFFFFFF;
	s6 =	simm.s32 @p2 $0xFFFFFFFF  }
0x296: {  	s7 =	simm.s32 $0x1;
	s6 =	smov.u32 @p1 s0  }
.LBB3_44:
0x297: {  	s0 =	smov.u32 s6;
	p1 =	sne.s32 s6, $0xFFFFFFFF  }
0x298: {  	s5 =	sadd.s32 $0x1, s5;
	s6 =	smov.u32 s7;
	s7 =	sadd.s32 $0x1, s7  }
0x299: {  	p2 =	sne.s32 s2, s7;
	v1 =	vld.msk @!p1 [tilespmem:s5+$0x0], $0x1;
	_ =	sdelay $0x4  }
0x29a: {  	(v2sf) =	vpush @!p1 v1, $0x0;
	_ =	sdelay $0xe  }
.Ltmp41:
0x29b: {  	s8 =	spop @!p1 (v2sf);
	(pc) =	sbr.rel @p2 .LBB3_44-.Ltmp41, $4  }
0x29c: {  	p3 =	seq.s32 @!p1 s4, s8  }
0x29d: {  	p3 =	por !p3, p1  }
0x29e: {  	s6 =	simm.s32 @p3 $0xFFFFFFFF  }
0x29f: {  	s6 =	smov.u32 @p1 s0  }
.LBB3_45:
0x2a0: {  	p1 =	seq.s32 s6, $0xFFFFFFFF  }
.Ltmp42:
0x2a1: {  	_ = 	snop;
	(pc) =	sbr.rel @p1 .LBB3_47-.Ltmp42, $1  }
0x2a2: {  	_ =	sdelay $0x3  }
0x2a3: {  	s0 =	sshll.u32 s3, $0x7  }
0x2a4: {  	s0 =	sand.u32 $0x3FFFFF80, s0  }
0x2a5: {  	v0 =	vld [tilespmem:s0+$0xF238];
	_ =	sdelay $0x2  }
0x2a6: {  	s4 =	sshll.u32 s6, $0x9  }
0x2a7: {  	s4 =	sshra.s32 s4, $0x2  }
0x2a8: {  	[tilespmem:s4+$0xF238] =	vst.add.f32.msk $0xffff, v0  }
0x2a9: {  	v0 =	vld [tilespmem:s0+$0xF248];
	_ =	sdelay $0x4  }
0x2aa: {  	[tilespmem:s4+$0xF248] =	vst.add.f32.msk $0xffff, v0  }
0x2ab: {  	v0 =	vld [tilespmem:s0+$0xF258];
	_ =	sdelay $0x4  }
0x2ac: {  	[tilespmem:s4+$0xF258] =	vst.add.f32.msk $0xffff, v0  }
0x2ad: {  	v0 =	vld [tilespmem:s0+$0xF268];
	_ =	sdelay $0x4  }
0x2ae: {  	[tilespmem:s4+$0xF268] =	vst.add.f32.msk $0xffff, v0  }
0x2af: {  	v0 =	vld [tilespmem:s0+$0xF278];
	_ =	sdelay $0x4  }
0x2b0: {  	[tilespmem:s4+$0xF278] =	vst.add.f32.msk $0xffff, v0  }
0x2b1: {  	v0 =	vld [tilespmem:s0+$0xF288];
	_ =	sdelay $0x4  }
0x2b2: {  	[tilespmem:s4+$0xF288] =	vst.add.f32.msk $0xffff, v0  }
0x2b3: {  	v0 =	vld [tilespmem:s0+$0xF298];
	_ =	sdelay $0x4  }
0x2b4: {  	[tilespmem:s4+$0xF298] =	vst.add.f32.msk $0xffff, v0  }
0x2b5: {  	v0 =	vld [tilespmem:s0+$0xF2A8]  }
.Ltmp43:
0x2b6: {  	_ = 	snop;
	(pc) =	sbr.rel .LBB3_48-.Ltmp43, $2  }
0x2b7: {  	_ =	sdelay $0x2  }
0x2b8: {  	[tilespmem:s4+$0xF2A8] =	vst.add.f32.msk $0xffff, v0  }
.LBB3_49:
0x2b9: {  	p1 =	slt.s32 s2, $0x1  }
.Ltmp44:
0x2ba: {  	_ = 	snop;
	(pc) =	sbr.rel @p1 .LBB3_53-.Ltmp44, $3  }
0x2bb: {  	_ =	sdelay $0x1  }
0x2bc: {  	s0 =	simm.s32 $0x8  }
0x2bd: {  	s3 =	simm.s32 $0x0;
	[sflag:s0] =	ssyncpa.u1 $0x1  }
0x2be: {  	s0 =	simm.s32 $0xF218  }
0x2bf: {  	v0 =	vld.msk [tilespmem:s0+$0x0], $0x1;
	_ =	sdelay $0x4  }
0x2c0: {  	(v2sf) =	vpush v0, $0x0;
	_ =	sdelay $0xe  }
0x2c1: {  	s2 =	sadd.s32 $0xFFFFFFFF, s2;
	s0 =	spop (v2sf)  }
0x2c2: {  	p2 =	sne.s32 s2, $0x0;
	p1 =	sgt.u32 s0, $0x27FF0  }
.Ltmp45:
0x2c3: {  	s5 =	sand.u32 @!p1 $0x3FFF8, s0;
	(pc) =	sbr.rel @!p2 .LBB3_52-.Ltmp45, $4  }
0x2c4: {  	s4 =	simm.s32 $0xF238;
	s0 =	sand.u32 @!p1 $0x7, s0;
	s5 =	sadd.s32 @!p1 s1, s5  }
0x2c5: {  	[hbm4b:s5+s0] =	stream.linear.scatter @!p1 [tilespmem:s4], [sflag:$0x7], $0x80, $0x38;
	[tilespmem:$0x1F6F8] =	vst v63  }
0x2c6: {  	s0 =	simm.s32 $0x0  }
0x2c7: {  	s5 =	simm.s32 $0xF219;
	s0 =	simm.s32 @!p1 $0x200  }
.LBB3_51:
0x2c8: {  	v0 =	vld.msk [tilespmem:s5+$0x0], $0x1;
	s2 =	sadd.s32 $0xFFFFFFFF, s2;
	s3 =	sadd.s32 s3, s0  }
0x2c9: {  	p1 =	sne.s32 s2, $0x0;
	_ =	sdelay $0x3  }
0x2ca: {  	(v2sf) =	vpush v0, $0x0;
	_ =	sdelay $0xe  }
.Ltmp46:
0x2cb: {  	s6 =	spop (v2sf);
	(pc) =	sbr.rel @p1 .LBB3_51-.Ltmp46, $4  }
0x2cc: {  	s0 =	simm.s32 $0x0;
	p2 =	sgt.u32 s6, $0x27FF0  }
0x2cd: {  	s4 =	sadd.s32 $0x80, s4;
	s0 =	simm.s32 @!p2 $0x200;
	s7 =	sand.u32 @!p2 $0x3FFF8, s6  }
0x2ce: {  	s5 =	sadd.s32 $0x1, s5;
	s6 =	sand.u32 @!p2 $0x7, s6;
	s7 =	sadd.s32 @!p2 s1, s7  }
0x2cf: {  	[hbm4b:s7+s6] =	stream.linear.scatter @!p2 [tilespmem:s4], [sflag:$0x7], $0x80, $0x38;
	[tilespmem:$0x1F6F8] =	vst v63  }
.LBB3_52:
0x2d0: {  	s0 =	sadd.s32 s3, s0  }
0x2d1: {  	s3 =	sshrl.u32 s0, $0x2  }
.LBB3_53:
0x2d2: {  	s0 =	simm.s32 $0x7  }
0x2d3: {  	_ =	swait.ge [sflag:s0], s3  }
0x2d4: {  	s1 =	ssub.s32 $0x0, s3;
	[sflag:s0] =	ssyncset.done $0x0  }
0x2d5: {  	[sflag:s0] =	ssyncadd.s32 s1  }
0x2d6: {  	[sflag:s0] =	ssyncpa.u1 $0x1  }
.LBB3_54:
0x2d7: {  	_ =	sfence;
	s0 =	simm.s32 $0x1  }
0x2d8: {  	[sflag:s0] =	ssyncpa.u1 $0x1  }
0x2d9: {  	_ =	strace $0x9000004D  }
0x2da: {  	[bflag:$0x2] =	sbarrier.arrive $0xFFFF  }
0x2db: {  	s0 =	rddreg [dreg:$0x3]  }
0x2dc: {  	s0 =	sadd.s32 @!p0 $0x100000, s0  }
0x2dd: {  	[sflag:s0] =	ssyncadd.tile.s32 @!p0 $0x1;
	_ =	shalt  }
.Lfunc_end3:
_tile_overlayer_lowered:
.L_overlay_start_3:
0x2de: {  	(tag) =	ssettag $0x3  }
0x2df: {  	s0 =	rddreg [dreg:$0x0];
	s2 =	stileid.u32  }
0x2e0: {  	s1 =	rddreg [dreg:$0x1];
	p0 =	sne.s32 s2, $0x0  }
0x2e1: {  	s3 =	rddreg [dreg:$0x2];
	[bflag:$0x3] =	sbarrier.arrive $0xFFFF;
	s2 =	simm.s32 @!p0 $0x1C01  }
0x2e2: {  	[timem:s3], [sflag:s2] =	dma.local @!p0 [hbm:s0], s1  }
0x2e3: {  	s0 =	simm.s32 @!p0 $0x1  }
0x2e4: {  	_ =	swait.ge @!p0 [sflag:s0], s1  }
0x2e5: {  	s1 =	ssub.s32 @!p0 $0x0, s1;
	[sflag:s0] =	ssyncset.done @!p0 $0x0  }
0x2e6: {  	[sflag:s0] =	ssyncadd.s32 @!p0 s1  }
0x2e7: {  	[bflag:$0x3] =	sbarrier.arrive $0xFFFF  }
0x2e8: {  	_ =	shalt  }

</sc_bundles>
